<compile_context>
chip_gen: v7x
topology: tpu7x:2x2x1
jax: 0.10.2.dev20260603
libtpu: 0.0.44.dev20260713+nightly
codegen_flags: <defaults>
</compile_context>

<pallas_src>
import functools

import jax
import jax.numpy as jnp
from jax import lax
from jax.experimental import pallas as pl
from jax.experimental.pallas import tpu as pltpu
from jax.experimental.pallas import tpu_sc as plsc

B, N, C, R, V = 4, 20000, 81, 5000, 117
TWO_R = 2 * R
IMG_H, IMG_W = 1536.0, 2048.0
PK = 128
NF = 6
RP = 5120
G = B * TWO_R
NW = 32
PER_W = 1280
GP = NW * PER_W
NJ = PER_W // 128
NCH = 313


def _prep_body(lg_ref, bx_ref, out_ref):
    x = lg_ref[0]
    m = jnp.max(x, axis=-1, keepdims=True)
    e = jnp.exp(x - m)
    t = jnp.concatenate(
        [e, jnp.zeros((x.shape[0], 128 - C), jnp.float32)], axis=-1)
    for w in (64, 32, 16, 8, 4, 2, 1):
        t = t[:, :w] + t[:, w:2 * w]
    s = t
    e80 = e[:, : C - 1]
    m80 = jnp.max(e80, axis=-1, keepdims=True)
    score = m80 / s
    io = lax.broadcasted_iota(jnp.int32, e80.shape, 1)
    lbl = jnp.min(jnp.where(e80 == m80, io, C), axis=-1, keepdims=True)
    bx = bx_ref[0]
    cx, cy, w, h = bx[:, 0:1], bx[:, 1:2], bx[:, 2:3], bx[:, 3:4]
    x0 = (cx - 0.5 * w) * IMG_W
    y0 = (cy - 0.5 * h) * IMG_H
    x1 = (cx + 0.5 * w) * IMG_W
    y1 = (cy + 0.5 * h) * IMG_H
    blk = x.shape[0]
    z = jnp.zeros((blk, PK - NF), jnp.float32)
    out_ref[0] = jnp.concatenate(
        [score, lbl.astype(jnp.float32), x0, y0, x1, y1, z], axis=-1)


def _prep(pred_logits, pred_boxes):
    blk = 2000
    return pl.pallas_call(
        _prep_body,
        grid=(B, N // blk),
        in_specs=[
            pl.BlockSpec((1, blk, C), lambda b, i: (b, i, 0)),
            pl.BlockSpec((1, blk, 4), lambda b, i: (b, i, 0)),
        ],
        out_specs=pl.BlockSpec((1, blk, PK), lambda b, i: (b, i, 0)),
        out_shape=jax.ShapeDtypeStruct((B, N, PK), jnp.float32),
    )(pred_logits, pred_boxes)


def _sc_mesh():
    return plsc.VectorSubcoreMesh(core_axis_name="c", subcore_axis_name="s")


def _gather_rows(table, idx3d):

    @functools.partial(
        pl.kernel,
        out_type=jax.ShapeDtypeStruct((16, NW, PER_W), jnp.float32),
        mesh=_sc_mesh(),
        compiler_params=pltpu.CompilerParams(needs_layout_passes=False),
        scratch_types=[
            pltpu.VMEM((NJ, 128), jnp.int32),
            pltpu.VMEM((2, 128, PK), jnp.float32),
            pltpu.VMEM((16 * PER_W,), jnp.float32),
            pltpu.SemaphoreType.DMA,
        ],
    )
    def k(table_hbm, idx_hbm, out_hbm, idx_v, rows_v, stage_v, sem):
        wid = lax.axis_index("s") * 2 + lax.axis_index("c")
        pltpu.sync_copy(idx_hbm.at[wid], idx_v)

        def fire(j):
            return pltpu.async_copy(
                table_hbm.at[idx_v.at[j]], rows_v.at[j % 2], sem)

        fio = lax.iota(jnp.int32, 16) * PER_W
        cps = {0: fire(0)}
        for j in range(NJ):
            if j + 1 < NJ:
                cps[j + 1] = fire(j + 1)
            cps[j].wait()

            def body(g, carry, j=j):
                for u in range(8):
                    p = g * 8 + u
                    vals = rows_v[j % 2, p, pl.ds(0, 16)]
                    plsc.store_scatter(
                        stage_v, [fio + (j * 128 + p)], vals)
                return carry

            lax.fori_loop(0, 16, body, 0)
        for f in range(16):
            pltpu.sync_copy(stage_v.at[pl.ds(f * PER_W, PER_W)],
                            out_hbm.at[f, wid])

    return k(table, idx3d)


def _pair_body(act_ref, scal_ref, vs_ref, trip_ref, tsp_ref):
    a = act_ref[0]
    v = 1.0 / (1.0 + jnp.exp(-a))
    sc = scal_ref[0]
    ssT = jnp.transpose(sc[0:1, :])
    osT = jnp.transpose(sc[1:2, :])
    vs = ((v * v) * osT) * ssT
    vs_ref[0] = vs
    m = jnp.max(v, axis=-1, keepdims=True)
    io = lax.broadcasted_iota(jnp.int32, v.shape, 1)
    vl = jnp.min(jnp.where(v == m, io, V), axis=-1, keepdims=True)
    ts = jnp.sum(jnp.where(io == vl, vs, 0.0), axis=-1, keepdims=True)
    vl_row = jnp.transpose(vl)
    trip = jnp.concatenate(
        [sc[2:3, :].astype(jnp.int32), sc[3:4, :].astype(jnp.int32), vl_row],
        axis=0)
    trip_ref[0] = jnp.concatenate(
        [trip, jnp.zeros((3, RP - R), jnp.int32)], axis=-1)
    ts_row = jnp.transpose(ts)
    tsp_ref[0] = jnp.concatenate(
        [ts_row, jnp.full((1, RP - R), -1.0, jnp.float32)], axis=-1)


def _pair(pred_actions, scal):
    return pl.pallas_call(
        _pair_body,
        grid=(B,),
        in_specs=[
            pl.BlockSpec((1, R, V), lambda b: (b, 0, 0)),
            pl.BlockSpec((1, 4, R), lambda b: (b, 0, 0)),
        ],
        out_specs=[
            pl.BlockSpec((1, R, V), lambda b: (b, 0, 0)),
            pl.BlockSpec((1, 3, RP), lambda b: (b, 0, 0)),
            pl.BlockSpec((1, 1, RP), lambda b: (b, 0, 0)),
        ],
        out_shape=[
            jax.ShapeDtypeStruct((B, R, V), jnp.float32),
            jax.ShapeDtypeStruct((B, 3, RP), jnp.int32),
            jax.ShapeDtypeStruct((B, 1, RP), jnp.float32),
        ],
    )(pred_actions, scal)


def _rank_body(ti_ref, tj_ref, rank_ref):
    it = pl.program_id(1)
    ti = jnp.transpose(ti_ref[0])
    tj = tj_ref[0]
    gt = tj > ti
    eq = tj == ti
    jg = lax.broadcasted_iota(jnp.int32, (128, RP), 1)
    ig = it * 128 + lax.broadcasted_iota(jnp.int32, (128, RP), 0)
    before = jnp.logical_or(gt, jnp.logical_and(eq, jg < ig))
    rank = jnp.sum(before.astype(jnp.float32), axis=-1, keepdims=True)
    rank_ref[0] = jnp.transpose(rank.astype(jnp.int32))


def _rank(tsp):
    return pl.pallas_call(
        _rank_body,
        grid=(B, RP // 128),
        in_specs=[
            pl.BlockSpec((1, 1, 128), lambda b, i: (b, 0, i)),
            pl.BlockSpec((1, 1, RP), lambda b, i: (b, 0, 0)),
        ],
        out_specs=pl.BlockSpec((1, 1, 128), lambda b, i: (b, 0, i)),
        out_shape=jax.ShapeDtypeStruct((B, 1, RP), jnp.int32),
    )(tsp, tsp)


def _rank_scatter(ranks, tsf, trip):

    @functools.partial(
        pl.kernel,
        out_type=[
            jax.ShapeDtypeStruct((B, 3, RP), jnp.int32),
            jax.ShapeDtypeStruct((B, RP), jnp.float32),
        ],
        mesh=_sc_mesh(),
        compiler_params=pltpu.CompilerParams(needs_layout_passes=False),
        scratch_types=[
            pltpu.VMEM((RP,), jnp.int32),
            pltpu.VMEM((RP,), jnp.float32),
            pltpu.VMEM((3, RP), jnp.int32),
            pltpu.VMEM((3, RP), jnp.int32),
            pltpu.VMEM((RP,), jnp.float32),
        ],
    )
    def k(ranks_hbm, ts_hbm, trip_hbm, otrip_hbm, ots_hbm,
          ranks_v, ts_v, trip_v, otrip_v, ots_v):
        wid = lax.axis_index("s") * 2 + lax.axis_index("c")

        @pl.when(wid < B)
        def _():
            pltpu.sync_copy(ranks_hbm.at[wid], ranks_v)
            pltpu.sync_copy(ts_hbm.at[wid], ts_v)
            pltpu.sync_copy(trip_hbm.at[wid], trip_v)

            def body(i, carry):
                base = i * 16
                lanes = base + lax.iota(jnp.int32, 16)
                mask = lanes < R
                rv = jnp.minimum(ranks_v[pl.ds(base, 16)], R - 1)
                tv = ts_v[pl.ds(base, 16)]
                plsc.store_scatter(ots_v, [rv], tv, mask=mask)
                for c in range(3):
                    cvec = jnp.full((16,), c, jnp.int32)
                    col = trip_v[c, pl.ds(base, 16)]
                    plsc.store_scatter(otrip_v, [cvec, rv], col, mask=mask)
                return carry

            lax.fori_loop(0, NCH, body, 0)
            pltpu.sync_copy(ots_v, ots_hbm.at[wid])
            pltpu.sync_copy(otrip_v, otrip_hbm.at[wid])

    return k(ranks, tsf, trip)


def kernel(pred_logits, pred_boxes, pred_rel_pairs, pred_actions):
    packed = _prep(pred_logits, pred_boxes)

    hi = pred_rel_pairs[..., 0]
    oi = pred_rel_pairs[..., 1]
    idx = jnp.concatenate([hi, oi], axis=1) + \
        (jnp.arange(B, dtype=jnp.int32) * N)[:, None]
    idxf = jnp.concatenate(
        [idx.reshape(-1).astype(jnp.int32),
         jnp.arange(GP - G, dtype=jnp.int32) * 8])
    idx3d = idxf.reshape(NW, NJ, 128)

    gout = _gather_rows(packed.reshape(B * N, PK), idx3d)
    f2 = gout.reshape(16, GP)[:, :G].reshape(16, B, TWO_R)

    labels = f2[1].astype(jnp.int32)
    bxs = jnp.stack([f2[2], f2[3], f2[4], f2[5]], axis=-1)
    scal = jnp.stack(
        [f2[0][:, :R], f2[0][:, R:], f2[1][:, :R], f2[1][:, R:]],
        axis=1)

    vs, trip, tsp = _pair(pred_actions, scal)

    ranks = _rank(tsp)

    otrip, ots = _rank_scatter(
        ranks.reshape(B, RP), tsp.reshape(B, RP), trip)

    triplet_ranked = jnp.transpose(otrip, (0, 2, 1))[:, :R, :]
    ranked_scores = ots[:, :R]
    return labels, bxs, vs, triplet_ranked, ranked_scores

# --- scband reference (transcript-rebuilt; emitter-appended) ---
"""Pipeline reference for scband-stippost-process-46265387712713 (READ-ONLY COPY).

The authoritative reference and input builder live on the scoring server;
editing this copy changes nothing except your own understanding.
"""

import jax, jax.numpy as jnp
import numpy as np

B, N, C, R, V = 4, 20000, 81, 5000, 117

def box_cxcywh_to_xyxy(b):
    cx, cy, w, h = jnp.split(b, 4, axis=-1)
    return jnp.concatenate([cx - 0.5 * w, cy - 0.5 * h, cx + 0.5 * w, cy + 0.5 * h], axis=-1)

def setup_inputs(seed: int = 0):
    key = jax.random.key(seed)
    k1, k2, k3, k4 = jax.random.split(key, 4)
    pred_logits = jax.random.normal(k1, (B, N, C), dtype=jnp.float32)
    pred_boxes = jax.random.uniform(k2, (B, N, 4), dtype=jnp.float32)
    pred_rel_pairs = jax.random.randint(k3, (B, R, 2), 0, N)
    pred_actions = jax.random.normal(k4, (B, R, V), dtype=jnp.float32)
    return {"pred_logits": pred_logits, "pred_boxes": pred_boxes, "pred_rel_pairs": pred_rel_pairs, "pred_actions": pred_actions}

def reference(pred_logits, pred_boxes, pred_rel_pairs, pred_actions):
    img_h, img_w = 1536.0, 2048.0
    scale = jnp.array([img_w, img_h, img_w, img_h], dtype=jnp.float32)
    boxes = box_cxcywh_to_xyxy(pred_boxes) * scale
    out_obj_logits = pred_logits[..., :C]
    h_idx = pred_rel_pairs[..., 0]
    o_idx = pred_rel_pairs[..., 1]
    o_lgts = jnp.take_along_axis(out_obj_logits, o_idx[:, :, None], axis=1)
    h_lgts = jnp.take_along_axis(out_obj_logits, h_idx[:, :, None], axis=1)
    sm_o = jax.nn.softmax(o_lgts, axis=-1)[..., :-1]
    sm_h = jax.nn.softmax(h_lgts, axis=-1)[..., :-1]
    obj_scores = jnp.max(sm_o, axis=-1)
    obj_labels = jnp.argmax(sm_o, axis=-1)
    sub_scores = jnp.max(sm_h, axis=-1)
    sub_labels = jnp.argmax(sm_h, axis=-1)
    verb_scores = jax.nn.sigmoid(pred_actions)
    verb_labels = jnp.argmax(verb_scores, axis=-1)
    sb = jnp.take_along_axis(boxes, h_idx[:, :, None], axis=1)
    ob = jnp.take_along_axis(boxes, o_idx[:, :, None], axis=1)
    b = jnp.concatenate([sb, ob], axis=1)
    labels = jnp.concatenate([sub_labels, obj_labels], axis=1)
    vs = verb_scores * verb_scores * obj_scores[..., None] * sub_scores[..., None]
    ts = jnp.take_along_axis(vs, verb_labels[..., None], axis=-1)[..., 0]
    order = jnp.argsort(-ts, axis=1)
    triplet = jnp.stack([sub_labels, obj_labels, verb_labels], axis=-1)
    triplet_ranked = jnp.take_along_axis(triplet, order[..., None], axis=1)
    ranked_scores = jnp.take_along_axis(ts, order, axis=1)
    return labels, b, vs, triplet_ranked, ranked_scores

if __name__ == "__main__":
    import jax
    _d = setup_inputs()
    print(jax.jit(kernel)(*tuple(_d.values())))

</pallas_src>

<mosaic_0001>
#map = affine_map<(d0, d1) -> (0, 0)>
#map1 = affine_map<(d0, d1) -> (0, 0, 0)>
module attributes {stable_mosaic.version = 14 : i64} {
  func.func @k(%arg0: i32, %arg1: i32, %arg2: memref<80000x128xf32, #tpu.memory_space<hbm>>, %arg3: memref<32x10x128xi32, #tpu.memory_space<hbm>>, %arg4: memref<16x32x1280xf32, #tpu.memory_space<hbm>>, %arg5: memref<10x128xi32, #tpu.memory_space<vmem>>, %arg6: memref<2x128x128xf32, #tpu.memory_space<vmem>>, %arg7: memref<20480xf32, #tpu.memory_space<vmem>>, %arg8: memref<!tpu.dma_semaphore, #tpu.memory_space<semaphore_mem>>) attributes {dimension_semantics = [#tpu.dimension_semantics<core_parallel>, #tpu.dimension_semantics<subcore_parallel>], iteration_bounds = array<i64: 2, 16>, scalar_prefetch = 0 : i64, scratch_operands = 4 : i64, tpu.core_type = #tpu.core_type<sc_vector_subcore>, window_params = [{transform_indices = #map}, {transform_indices = #map1}, {transform_indices = #map1}]} {
    %mul3A = arith.constant 2 : i32
    %mul3A_0 = arith.muli %arg1, %mul3A : i32
    %add3A = arith.addi %mul3A_0, %arg0 : i32
    "tpu.region"() ({
      %run_scoped3A_316 = tpu.sem_alloc : memref<!tpu.dma_semaphore, #tpu.memory_space<semaphore_mem>>
      %dma_start3A_317 = arith.constant 0 : i32
      %dma_start3A_318 = arith.constant 0 : i32
      %dma_start3A_319 = tpu.memref_slice %arg3[%add3A, %dma_start3A_317, %dma_start3A_318] : memref<32x10x128xi32, #tpu.memory_space<hbm>> -> memref<1x10x128xi32, #tpu.memory_space<hbm>>
      %dma_start3A_320 = tpu.memref_squeeze %dma_start3A_319 : memref<1x10x128xi32, #tpu.memory_space<hbm>> -> memref<10x128xi32, #tpu.memory_space<hbm>>
      %dma_start3A_321 = arith.constant 0 : i32
      %dma_start3A_322 = arith.constant 0 : i32
      %dma_start3A_323 = tpu.memref_slice %arg3[%add3A, %dma_start3A_321, %dma_start3A_322] : memref<32x10x128xi32, #tpu.memory_space<hbm>> -> memref<1x10x128xi32, #tpu.memory_space<hbm>>
      %dma_start3A_324 = tpu.memref_squeeze %dma_start3A_323 : memref<1x10x128xi32, #tpu.memory_space<hbm>> -> memref<10x128xi32, #tpu.memory_space<hbm>>
      tpu.enqueue_dma source(%dma_start3A_324 : memref<10x128xi32, #tpu.memory_space<hbm>>) target(%arg5 : memref<10x128xi32, #tpu.memory_space<vmem>>) target_semaphore(%run_scoped3A_316 : memref<!tpu.dma_semaphore, #tpu.memory_space<semaphore_mem>>)
      %dma_wait3A_325 = arith.constant 0 : i32
      %dma_wait3A_326 = arith.constant 0 : i32
      %dma_wait3A_327 = tpu.memref_slice %arg3[%add3A, %dma_wait3A_325, %dma_wait3A_326] : memref<32x10x128xi32, #tpu.memory_space<hbm>> -> memref<1x10x128xi32, #tpu.memory_space<hbm>>
      %dma_wait3A_328 = tpu.memref_squeeze %dma_wait3A_327 : memref<1x10x128xi32, #tpu.memory_space<hbm>> -> memref<10x128xi32, #tpu.memory_space<hbm>>
      %dma_wait3A_329 = arith.constant 0 : i32
      %dma_wait3A_330 = arith.constant 0 : i32
      %dma_wait3A_331 = tpu.memref_slice %arg3[%add3A, %dma_wait3A_329, %dma_wait3A_330] : memref<32x10x128xi32, #tpu.memory_space<hbm>> -> memref<1x10x128xi32, #tpu.memory_space<hbm>>
      %dma_wait3A_332 = tpu.memref_squeeze %dma_wait3A_331 : memref<1x10x128xi32, #tpu.memory_space<hbm>> -> memref<10x128xi32, #tpu.memory_space<hbm>>
      tpu.wait_dma2 semaphore(%run_scoped3A_316 : memref<!tpu.dma_semaphore, #tpu.memory_space<semaphore_mem>>) src(%dma_wait3A_332 : memref<10x128xi32, #tpu.memory_space<hbm>>) dst(%arg5 : memref<10x128xi32, #tpu.memory_space<vmem>>)
      tpu.yield
    }) : () -> ()
    %iota3A = tpu.iota {dimensions = array<i32: 0>} : vector<16xi32>
    %mul3A_1 = arith.constant 1280 : i32
    %mul3A_2 = vector.broadcast %mul3A_1 : i32 to vector<16xi32>
    %mul3A_3 = arith.muli %iota3A, %mul3A_2 : vector<16xi32>
    %dma_start3A = arith.constant 0 : i32
    %dma_start3A_4 = arith.constant 0 : i32
    %dma_start3A_5 = arith.constant 0 : i32
    %dma_start3A_6 = arith.constant 0 : i32
    %dma_start3A_7 = tpu.memref_slice %arg6[%dma_start3A_4, %dma_start3A_5, %dma_start3A_6] : memref<2x128x128xf32, #tpu.memory_space<vmem>> -> memref<1x128x128xf32, #tpu.memory_space<vmem>>
    %dma_start3A_8 = tpu.memref_squeeze %dma_start3A_7 : memref<1x128x128xf32, #tpu.memory_space<vmem>> -> memref<128x128xf32, #tpu.memory_space<vmem>>
    %dma_start3A_9 = arith.constant 0 : i32
    %dma_start3A_10 = tpu.memref_slice %arg5[%dma_start3A, %dma_start3A_9] : memref<10x128xi32, #tpu.memory_space<vmem>> -> memref<1x128xi32, #tpu.memory_space<vmem>>
    %dma_start3A_11 = tpu.memref_squeeze %dma_start3A_10 : memref<1x128xi32, #tpu.memory_space<vmem>> -> memref<128xi32, #tpu.memory_space<vmem>>
    %dma_start3A_12 = arith.constant 0 : i32
    %dma_start3A_13 = arith.constant 0 : i32
    %dma_start3A_14 = tpu.memref_slice %arg2[%dma_start3A_12, %dma_start3A_13] : memref<80000x128xf32, #tpu.memory_space<hbm>> -> memref<80000x128xf32, #tpu.memory_space<hbm>>
    tpu.enqueue_indirect_dma source(%dma_start3A_14 : memref<80000x128xf32, #tpu.memory_space<hbm>>) target(%dma_start3A_8 : memref<128x128xf32, #tpu.memory_space<vmem>>) offsets(%dma_start3A_11 : memref<128xi32, #tpu.memory_space<vmem>>) semaphore(%arg8 : memref<!tpu.dma_semaphore, #tpu.memory_space<semaphore_mem>>)
    %dma_start3A_15 = arith.constant 1 : i32
    %dma_start3A_16 = arith.constant 1 : i32
    %dma_start3A_17 = arith.constant 0 : i32
    %dma_start3A_18 = arith.constant 0 : i32
    %dma_start3A_19 = tpu.memref_slice %arg6[%dma_start3A_16, %dma_start3A_17, %dma_start3A_18] : memref<2x128x128xf32, #tpu.memory_space<vmem>> -> memref<1x128x128xf32, #tpu.memory_space<vmem>>
    %dma_start3A_20 = tpu.memref_squeeze %dma_start3A_19 : memref<1x128x128xf32, #tpu.memory_space<vmem>> -> memref<128x128xf32, #tpu.memory_space<vmem>>
    %dma_start3A_21 = arith.constant 0 : i32
    %dma_start3A_22 = tpu.memref_slice %arg5[%dma_start3A_15, %dma_start3A_21] : memref<10x128xi32, #tpu.memory_space<vmem>> -> memref<1x128xi32, #tpu.memory_space<vmem>>
    %dma_start3A_23 = tpu.memref_squeeze %dma_start3A_22 : memref<1x128xi32, #tpu.memory_space<vmem>> -> memref<128xi32, #tpu.memory_space<vmem>>
    %dma_start3A_24 = arith.constant 0 : i32
    %dma_start3A_25 = arith.constant 0 : i32
    %dma_start3A_26 = tpu.memref_slice %arg2[%dma_start3A_24, %dma_start3A_25] : memref<80000x128xf32, #tpu.memory_space<hbm>> -> memref<80000x128xf32, #tpu.memory_space<hbm>>
    tpu.enqueue_indirect_dma source(%dma_start3A_26 : memref<80000x128xf32, #tpu.memory_space<hbm>>) target(%dma_start3A_20 : memref<128x128xf32, #tpu.memory_space<vmem>>) offsets(%dma_start3A_23 : memref<128xi32, #tpu.memory_space<vmem>>) semaphore(%arg8 : memref<!tpu.dma_semaphore, #tpu.memory_space<semaphore_mem>>)
    %dma_wait3A = arith.constant 0 : i32
    %dma_wait3A_27 = arith.constant 0 : i32
    %dma_wait3A_28 = arith.constant 0 : i32
    %dma_wait3A_29 = arith.constant 0 : i32
    %dma_wait3A_30 = tpu.memref_slice %arg6[%dma_wait3A_27, %dma_wait3A_28, %dma_wait3A_29] : memref<2x128x128xf32, #tpu.memory_space<vmem>> -> memref<1x128x128xf32, #tpu.memory_space<vmem>>
    %dma_wait3A_31 = tpu.memref_squeeze %dma_wait3A_30 : memref<1x128x128xf32, #tpu.memory_space<vmem>> -> memref<128x128xf32, #tpu.memory_space<vmem>>
    %dma_wait3A_32 = arith.constant 0 : i32
    %dma_wait3A_33 = tpu.memref_slice %arg5[%dma_wait3A, %dma_wait3A_32] : memref<10x128xi32, #tpu.memory_space<vmem>> -> memref<1x128xi32, #tpu.memory_space<vmem>>
    %dma_wait3A_34 = tpu.memref_squeeze %dma_wait3A_33 : memref<1x128xi32, #tpu.memory_space<vmem>> -> memref<128xi32, #tpu.memory_space<vmem>>
    %dma_wait3A_35 = arith.constant 0 : i32
    %dma_wait3A_36 = arith.constant 0 : i32
    %dma_wait3A_37 = tpu.memref_slice %arg2[%dma_wait3A_35, %dma_wait3A_36] : memref<80000x128xf32, #tpu.memory_space<hbm>> -> memref<80000x128xf32, #tpu.memory_space<hbm>>
    tpu.wait_indirect_dma semaphore(%arg8 : memref<!tpu.dma_semaphore, #tpu.memory_space<semaphore_mem>>) src(%dma_wait3A_37 : memref<80000x128xf32, #tpu.memory_space<hbm>>) dst(%dma_wait3A_31 : memref<128x128xf32, #tpu.memory_space<vmem>>)
    %scan3A = arith.constant 0 : i32
    %scan3A_38 = arith.constant 0 : i32
    %scan3A_39 = arith.constant 16 : i32
    %scan3A_40 = arith.addi %scan3A_38, %scan3A_39 : i32
    %scan3A_41 = arith.constant 1 : i32
    scf.for %scan3A_316 = %scan3A_38 to %scan3A_40 step %scan3A_41  : i32 {
      %mul3A_317 = arith.constant 8 : i32
      %mul3A_318 = arith.muli %scan3A_316, %mul3A_317 : i32
      %add3A_319 = arith.constant 0 : i32
      %add3A_320 = arith.addi %mul3A_318, %add3A_319 : i32
      %get3A = arith.constant 0 : i32
      %get3A_321 = arith.index_cast %get3A : i32 to index
      %get3A_322 = arith.index_cast %add3A_320 : i32 to index
      %get3A_323 = arith.constant 0 : index
      %get3A_324 = tpu.vector_load %arg6[%get3A_321, %get3A_322, %get3A_323] {strides = array<i32>} : memref<2x128x128xf32, #tpu.memory_space<vmem>>, vector<16xf32>,
      %add3A_325 = arith.constant 0 : i32
      %add3A_326 = arith.addi %add3A_325, %add3A_320 : i32
      %add3A_327 = vector.broadcast %add3A_326 : i32 to vector<16xi32>
      %add3A_328 = arith.addi %mul3A_3, %add3A_327 : vector<16xi32>
      tpu.vector_store_idx %arg7[%add3A_328], %get3A_324 : memref<20480xf32, #tpu.memory_space<vmem>>[vector<16xi32>], vector<16xf32>,
      %mul3A_329 = arith.constant 8 : i32
      %mul3A_330 = arith.muli %scan3A_316, %mul3A_329 : i32
      %add3A_331 = arith.constant 1 : i32
      %add3A_332 = arith.addi %mul3A_330, %add3A_331 : i32
      %get3A_333 = arith.constant 0 : i32
      %get3A_334 = arith.index_cast %get3A_333 : i32 to index
      %get3A_335 = arith.index_cast %add3A_332 : i32 to index
      %get3A_336 = arith.constant 0 : index
      %get3A_337 = tpu.vector_load %arg6[%get3A_334, %get3A_335, %get3A_336] {strides = array<i32>} : memref<2x128x128xf32, #tpu.memory_space<vmem>>, vector<16xf32>,
      %add3A_338 = arith.constant 0 : i32
      %add3A_339 = arith.addi %add3A_338, %add3A_332 : i32
      %add3A_340 = vector.broadcast %add3A_339 : i32 to vector<16xi32>
      %add3A_341 = arith.addi %mul3A_3, %add3A_340 : vector<16xi32>
      tpu.vector_store_idx %arg7[%add3A_341], %get3A_337 : memref<20480xf32, #tpu.memory_space<vmem>>[vector<16xi32>], vector<16xf32>,
      %mul3A_342 = arith.constant 8 : i32
      %mul3A_343 = arith.muli %scan3A_316, %mul3A_342 : i32
      %add3A_344 = arith.constant 2 : i32
      %add3A_345 = arith.addi %mul3A_343, %add3A_344 : i32
      %get3A_346 = arith.constant 0 : i32
      %get3A_347 = arith.index_cast %get3A_346 : i32 to index
      %get3A_348 = arith.index_cast %add3A_345 : i32 to index
      %get3A_349 = arith.constant 0 : index
      %get3A_350 = tpu.vector_load %arg6[%get3A_347, %get3A_348, %get3A_349] {strides = array<i32>} : memref<2x128x128xf32, #tpu.memory_space<vmem>>, vector<16xf32>,
      %add3A_351 = arith.constant 0 : i32
      %add3A_352 = arith.addi %add3A_351, %add3A_345 : i32
      %add3A_353 = vector.broadcast %add3A_352 : i32 to vector<16xi32>
      %add3A_354 = arith.addi %mul3A_3, %add3A_353 : vector<16xi32>
      tpu.vector_store_idx %arg7[%add3A_354], %get3A_350 : memref<20480xf32, #tpu.memory_space<vmem>>[vector<16xi32>], vector<16xf32>,
      %mul3A_355 = arith.constant 8 : i32
      %mul3A_356 = arith.muli %scan3A_316, %mul3A_355 : i32
      %add3A_357 = arith.constant 3 : i32
      %add3A_358 = arith.addi %mul3A_356, %add3A_357 : i32
      %get3A_359 = arith.constant 0 : i32
      %get3A_360 = arith.index_cast %get3A_359 : i32 to index
      %get3A_361 = arith.index_cast %add3A_358 : i32 to index
      %get3A_362 = arith.constant 0 : index
      %get3A_363 = tpu.vector_load %arg6[%get3A_360, %get3A_361, %get3A_362] {strides = array<i32>} : memref<2x128x128xf32, #tpu.memory_space<vmem>>, vector<16xf32>,
      %add3A_364 = arith.constant 0 : i32
      %add3A_365 = arith.addi %add3A_364, %add3A_358 : i32
      %add3A_366 = vector.broadcast %add3A_365 : i32 to vector<16xi32>
      %add3A_367 = arith.addi %mul3A_3, %add3A_366 : vector<16xi32>
      tpu.vector_store_idx %arg7[%add3A_367], %get3A_363 : memref<20480xf32, #tpu.memory_space<vmem>>[vector<16xi32>], vector<16xf32>,
      %mul3A_368 = arith.constant 8 : i32
      %mul3A_369 = arith.muli %scan3A_316, %mul3A_368 : i32
      %add3A_370 = arith.constant 4 : i32
      %add3A_371 = arith.addi %mul3A_369, %add3A_370 : i32
      %get3A_372 = arith.constant 0 : i32
      %get3A_373 = arith.index_cast %get3A_372 : i32 to index
      %get3A_374 = arith.index_cast %add3A_371 : i32 to index
      %get3A_375 = arith.constant 0 : index
      %get3A_376 = tpu.vector_load %arg6[%get3A_373, %get3A_374, %get3A_375] {strides = array<i32>} : memref<2x128x128xf32, #tpu.memory_space<vmem>>, vector<16xf32>,
      %add3A_377 = arith.constant 0 : i32
      %add3A_378 = arith.addi %add3A_377, %add3A_371 : i32
      %add3A_379 = vector.broadcast %add3A_378 : i32 to vector<16xi32>
      %add3A_380 = arith.addi %mul3A_3, %add3A_379 : vector<16xi32>
      tpu.vector_store_idx %arg7[%add3A_380], %get3A_376 : memref<20480xf32, #tpu.memory_space<vmem>>[vector<16xi32>], vector<16xf32>,
      %mul3A_381 = arith.constant 8 : i32
      %mul3A_382 = arith.muli %scan3A_316, %mul3A_381 : i32
      %add3A_383 = arith.constant 5 : i32
      %add3A_384 = arith.addi %mul3A_382, %add3A_383 : i32
      %get3A_385 = arith.constant 0 : i32
      %get3A_386 = arith.index_cast %get3A_385 : i32 to index
      %get3A_387 = arith.index_cast %add3A_384 : i32 to index
      %get3A_388 = arith.constant 0 : index
      %get3A_389 = tpu.vector_load %arg6[%get3A_386, %get3A_387, %get3A_388] {strides = array<i32>} : memref<2x128x128xf32, #tpu.memory_space<vmem>>, vector<16xf32>,
      %add3A_390 = arith.constant 0 : i32
      %add3A_391 = arith.addi %add3A_390, %add3A_384 : i32
      %add3A_392 = vector.broadcast %add3A_391 : i32 to vector<16xi32>
      %add3A_393 = arith.addi %mul3A_3, %add3A_392 : vector<16xi32>
      tpu.vector_store_idx %arg7[%add3A_393], %get3A_389 : memref<20480xf32, #tpu.memory_space<vmem>>[vector<16xi32>], vector<16xf32>,
      %mul3A_394 = arith.constant 8 : i32
      %mul3A_395 = arith.muli %scan3A_316, %mul3A_394 : i32
      %add3A_396 = arith.constant 6 : i32
      %add3A_397 = arith.addi %mul3A_395, %add3A_396 : i32
      %get3A_398 = arith.constant 0 : i32
      %get3A_399 = arith.index_cast %get3A_398 : i32 to index
      %get3A_400 = arith.index_cast %add3A_397 : i32 to index
      %get3A_401 = arith.constant 0 : index
      %get3A_402 = tpu.vector_load %arg6[%get3A_399, %get3A_400, %get3A_401] {strides = array<i32>} : memref<2x128x128xf32, #tpu.memory_space<vmem>>, vector<16xf32>,
      %add3A_403 = arith.constant 0 : i32
      %add3A_404 = arith.addi %add3A_403, %add3A_397 : i32
      %add3A_405 = vector.broadcast %add3A_404 : i32 to vector<16xi32>
      %add3A_406 = arith.addi %mul3A_3, %add3A_405 : vector<16xi32>
      tpu.vector_store_idx %arg7[%add3A_406], %get3A_402 : memref<20480xf32, #tpu.memory_space<vmem>>[vector<16xi32>], vector<16xf32>,
      %mul3A_407 = arith.constant 8 : i32
      %mul3A_408 = arith.muli %scan3A_316, %mul3A_407 : i32
      %add3A_409 = arith.constant 7 : i32
      %add3A_410 = arith.addi %mul3A_408, %add3A_409 : i32
      %get3A_411 = arith.constant 0 : i32
      %get3A_412 = arith.index_cast %get3A_411 : i32 to index
      %get3A_413 = arith.index_cast %add3A_410 : i32 to index
      %get3A_414 = arith.constant 0 : index
      %get3A_415 = tpu.vector_load %arg6[%get3A_412, %get3A_413, %get3A_414] {strides = array<i32>} : memref<2x128x128xf32, #tpu.memory_space<vmem>>, vector<16xf32>,
      %add3A_416 = arith.constant 0 : i32
      %add3A_417 = arith.addi %add3A_416, %add3A_410 : i32
      %add3A_418 = vector.broadcast %add3A_417 : i32 to vector<16xi32>
      %add3A_419 = arith.addi %mul3A_3, %add3A_418 : vector<16xi32>
      tpu.vector_store_idx %arg7[%add3A_419], %get3A_415 : memref<20480xf32, #tpu.memory_space<vmem>>[vector<16xi32>], vector<16xf32>,
    }
    %scan3A_42 = arith.constant 16 : i32
    %dma_start3A_43 = arith.constant 2 : i32
    %dma_start3A_44 = arith.constant 0 : i32
    %dma_start3A_45 = arith.constant 0 : i32
    %dma_start3A_46 = arith.constant 0 : i32
    %dma_start3A_47 = tpu.memref_slice %arg6[%dma_start3A_44, %dma_start3A_45, %dma_start3A_46] : memref<2x128x128xf32, #tpu.memory_space<vmem>> -> memref<1x128x128xf32, #tpu.memory_space<vmem>>
    %dma_start3A_48 = tpu.memref_squeeze %dma_start3A_47 : memref<1x128x128xf32, #tpu.memory_space<vmem>> -> memref<128x128xf32, #tpu.memory_space<vmem>>
    %dma_start3A_49 = arith.constant 0 : i32
    %dma_start3A_50 = tpu.memref_slice %arg5[%dma_start3A_43, %dma_start3A_49] : memref<10x128xi32, #tpu.memory_space<vmem>> -> memref<1x128xi32, #tpu.memory_space<vmem>>
    %dma_start3A_51 = tpu.memref_squeeze %dma_start3A_50 : memref<1x128xi32, #tpu.memory_space<vmem>> -> memref<128xi32, #tpu.memory_space<vmem>>
    %dma_start3A_52 = arith.constant 0 : i32
    %dma_start3A_53 = arith.constant 0 : i32
    %dma_start3A_54 = tpu.memref_slice %arg2[%dma_start3A_52, %dma_start3A_53] : memref<80000x128xf32, #tpu.memory_space<hbm>> -> memref<80000x128xf32, #tpu.memory_space<hbm>>
    tpu.enqueue_indirect_dma source(%dma_start3A_54 : memref<80000x128xf32, #tpu.memory_space<hbm>>) target(%dma_start3A_48 : memref<128x128xf32, #tpu.memory_space<vmem>>) offsets(%dma_start3A_51 : memref<128xi32, #tpu.memory_space<vmem>>) semaphore(%arg8 : memref<!tpu.dma_semaphore, #tpu.memory_space<semaphore_mem>>)
    %dma_wait3A_55 = arith.constant 1 : i32
    %dma_wait3A_56 = arith.constant 1 : i32
    %dma_wait3A_57 = arith.constant 0 : i32
    %dma_wait3A_58 = arith.constant 0 : i32
    %dma_wait3A_59 = tpu.memref_slice %arg6[%dma_wait3A_56, %dma_wait3A_57, %dma_wait3A_58] : memref<2x128x128xf32, #tpu.memory_space<vmem>> -> memref<1x128x128xf32, #tpu.memory_space<vmem>>
    %dma_wait3A_60 = tpu.memref_squeeze %dma_wait3A_59 : memref<1x128x128xf32, #tpu.memory_space<vmem>> -> memref<128x128xf32, #tpu.memory_space<vmem>>
    %dma_wait3A_61 = arith.constant 0 : i32
    %dma_wait3A_62 = tpu.memref_slice %arg5[%dma_wait3A_55, %dma_wait3A_61] : memref<10x128xi32, #tpu.memory_space<vmem>> -> memref<1x128xi32, #tpu.memory_space<vmem>>
    %dma_wait3A_63 = tpu.memref_squeeze %dma_wait3A_62 : memref<1x128xi32, #tpu.memory_space<vmem>> -> memref<128xi32, #tpu.memory_space<vmem>>
    %dma_wait3A_64 = arith.constant 0 : i32
    %dma_wait3A_65 = arith.constant 0 : i32
    %dma_wait3A_66 = tpu.memref_slice %arg2[%dma_wait3A_64, %dma_wait3A_65] : memref<80000x128xf32, #tpu.memory_space<hbm>> -> memref<80000x128xf32, #tpu.memory_space<hbm>>
    tpu.wait_indirect_dma semaphore(%arg8 : memref<!tpu.dma_semaphore, #tpu.memory_space<semaphore_mem>>) src(%dma_wait3A_66 : memref<80000x128xf32, #tpu.memory_space<hbm>>) dst(%dma_wait3A_60 : memref<128x128xf32, #tpu.memory_space<vmem>>)
    %scan3A_67 = arith.constant 0 : i32
    %scan3A_68 = arith.constant 0 : i32
    %scan3A_69 = arith.constant 16 : i32
    %scan3A_70 = arith.addi %scan3A_68, %scan3A_69 : i32
    %scan3A_71 = arith.constant 1 : i32
    scf.for %scan3A_316 = %scan3A_68 to %scan3A_70 step %scan3A_71  : i32 {
      %mul3A_317 = arith.constant 8 : i32
      %mul3A_318 = arith.muli %scan3A_316, %mul3A_317 : i32
      %add3A_319 = arith.constant 0 : i32
      %add3A_320 = arith.addi %mul3A_318, %add3A_319 : i32
      %get3A = arith.constant 1 : i32
      %get3A_321 = arith.index_cast %get3A : i32 to index
      %get3A_322 = arith.index_cast %add3A_320 : i32 to index
      %get3A_323 = arith.constant 0 : index
      %get3A_324 = tpu.vector_load %arg6[%get3A_321, %get3A_322, %get3A_323] {strides = array<i32>} : memref<2x128x128xf32, #tpu.memory_space<vmem>>, vector<16xf32>,
      %add3A_325 = arith.constant 128 : i32
      %add3A_326 = arith.addi %add3A_325, %add3A_320 : i32
      %add3A_327 = vector.broadcast %add3A_326 : i32 to vector<16xi32>
      %add3A_328 = arith.addi %mul3A_3, %add3A_327 : vector<16xi32>
      tpu.vector_store_idx %arg7[%add3A_328], %get3A_324 : memref<20480xf32, #tpu.memory_space<vmem>>[vector<16xi32>], vector<16xf32>,
      %mul3A_329 = arith.constant 8 : i32
      %mul3A_330 = arith.muli %scan3A_316, %mul3A_329 : i32
      %add3A_331 = arith.constant 1 : i32
      %add3A_332 = arith.addi %mul3A_330, %add3A_331 : i32
      %get3A_333 = arith.constant 1 : i32
      %get3A_334 = arith.index_cast %get3A_333 : i32 to index
      %get3A_335 = arith.index_cast %add3A_332 : i32 to index
      %get3A_336 = arith.constant 0 : index
      %get3A_337 = tpu.vector_load %arg6[%get3A_334, %get3A_335, %get3A_336] {strides = array<i32>} : memref<2x128x128xf32, #tpu.memory_space<vmem>>, vector<16xf32>,
      %add3A_338 = arith.constant 128 : i32
      %add3A_339 = arith.addi %add3A_338, %add3A_332 : i32
      %add3A_340 = vector.broadcast %add3A_339 : i32 to vector<16xi32>
      %add3A_341 = arith.addi %mul3A_3, %add3A_340 : vector<16xi32>
      tpu.vector_store_idx %arg7[%add3A_341], %get3A_337 : memref<20480xf32, #tpu.memory_space<vmem>>[vector<16xi32>], vector<16xf32>,
      %mul3A_342 = arith.constant 8 : i32
      %mul3A_343 = arith.muli %scan3A_316, %mul3A_342 : i32
      %add3A_344 = arith.constant 2 : i32
      %add3A_345 = arith.addi %mul3A_343, %add3A_344 : i32
      %get3A_346 = arith.constant 1 : i32
      %get3A_347 = arith.index_cast %get3A_346 : i32 to index
      %get3A_348 = arith.index_cast %add3A_345 : i32 to index
      %get3A_349 = arith.constant 0 : index
      %get3A_350 = tpu.vector_load %arg6[%get3A_347, %get3A_348, %get3A_349] {strides = array<i32>} : memref<2x128x128xf32, #tpu.memory_space<vmem>>, vector<16xf32>,
      %add3A_351 = arith.constant 128 : i32
      %add3A_352 = arith.addi %add3A_351, %add3A_345 : i32
      %add3A_353 = vector.broadcast %add3A_352 : i32 to vector<16xi32>
      %add3A_354 = arith.addi %mul3A_3, %add3A_353 : vector<16xi32>
      tpu.vector_store_idx %arg7[%add3A_354], %get3A_350 : memref<20480xf32, #tpu.memory_space<vmem>>[vector<16xi32>], vector<16xf32>,
      %mul3A_355 = arith.constant 8 : i32
      %mul3A_356 = arith.muli %scan3A_316, %mul3A_355 : i32
      %add3A_357 = arith.constant 3 : i32
      %add3A_358 = arith.addi %mul3A_356, %add3A_357 : i32
      %get3A_359 = arith.constant 1 : i32
      %get3A_360 = arith.index_cast %get3A_359 : i32 to index
      %get3A_361 = arith.index_cast %add3A_358 : i32 to index
      %get3A_362 = arith.constant 0 : index
      %get3A_363 = tpu.vector_load %arg6[%get3A_360, %get3A_361, %get3A_362] {strides = array<i32>} : memref<2x128x128xf32, #tpu.memory_space<vmem>>, vector<16xf32>,
      %add3A_364 = arith.constant 128 : i32
      %add3A_365 = arith.addi %add3A_364, %add3A_358 : i32
      %add3A_366 = vector.broadcast %add3A_365 : i32 to vector<16xi32>
      %add3A_367 = arith.addi %mul3A_3, %add3A_366 : vector<16xi32>
      tpu.vector_store_idx %arg7[%add3A_367], %get3A_363 : memref<20480xf32, #tpu.memory_space<vmem>>[vector<16xi32>], vector<16xf32>,
      %mul3A_368 = arith.constant 8 : i32
      %mul3A_369 = arith.muli %scan3A_316, %mul3A_368 : i32
      %add3A_370 = arith.constant 4 : i32
      %add3A_371 = arith.addi %mul3A_369, %add3A_370 : i32
      %get3A_372 = arith.constant 1 : i32
      %get3A_373 = arith.index_cast %get3A_372 : i32 to index
      %get3A_374 = arith.index_cast %add3A_371 : i32 to index
      %get3A_375 = arith.constant 0 : index
      %get3A_376 = tpu.vector_load %arg6[%get3A_373, %get3A_374, %get3A_375] {strides = array<i32>} : memref<2x128x128xf32, #tpu.memory_space<vmem>>, vector<16xf32>,
      %add3A_377 = arith.constant 128 : i32
      %add3A_378 = arith.addi %add3A_377, %add3A_371 : i32
      %add3A_379 = vector.broadcast %add3A_378 : i32 to vector<16xi32>
      %add3A_380 = arith.addi %mul3A_3, %add3A_379 : vector<16xi32>
      tpu.vector_store_idx %arg7[%add3A_380], %get3A_376 : memref<20480xf32, #tpu.memory_space<vmem>>[vector<16xi32>], vector<16xf32>,
      %mul3A_381 = arith.constant 8 : i32
      %mul3A_382 = arith.muli %scan3A_316, %mul3A_381 : i32
      %add3A_383 = arith.constant 5 : i32
      %add3A_384 = arith.addi %mul3A_382, %add3A_383 : i32
      %get3A_385 = arith.constant 1 : i32
      %get3A_386 = arith.index_cast %get3A_385 : i32 to index
      %get3A_387 = arith.index_cast %add3A_384 : i32 to index
      %get3A_388 = arith.constant 0 : index
      %get3A_389 = tpu.vector_load %arg6[%get3A_386, %get3A_387, %get3A_388] {strides = array<i32>} : memref<2x128x128xf32, #tpu.memory_space<vmem>>, vector<16xf32>,
      %add3A_390 = arith.constant 128 : i32
      %add3A_391 = arith.addi %add3A_390, %add3A_384 : i32
      %add3A_392 = vector.broadcast %add3A_391 : i32 to vector<16xi32>
      %add3A_393 = arith.addi %mul3A_3, %add3A_392 : vector<16xi32>
      tpu.vector_store_idx %arg7[%add3A_393], %get3A_389 : memref<20480xf32, #tpu.memory_space<vmem>>[vector<16xi32>], vector<16xf32>,
      %mul3A_394 = arith.constant 8 : i32
      %mul3A_395 = arith.muli %scan3A_316, %mul3A_394 : i32
      %add3A_396 = arith.constant 6 : i32
      %add3A_397 = arith.addi %mul3A_395, %add3A_396 : i32
      %get3A_398 = arith.constant 1 : i32
      %get3A_399 = arith.index_cast %get3A_398 : i32 to index
      %get3A_400 = arith.index_cast %add3A_397 : i32 to index
      %get3A_401 = arith.constant 0 : index
      %get3A_402 = tpu.vector_load %arg6[%get3A_399, %get3A_400, %get3A_401] {strides = array<i32>} : memref<2x128x128xf32, #tpu.memory_space<vmem>>, vector<16xf32>,
      %add3A_403 = arith.constant 128 : i32
      %add3A_404 = arith.addi %add3A_403, %add3A_397 : i32
      %add3A_405 = vector.broadcast %add3A_404 : i32 to vector<16xi32>
      %add3A_406 = arith.addi %mul3A_3, %add3A_405 : vector<16xi32>
      tpu.vector_store_idx %arg7[%add3A_406], %get3A_402 : memref<20480xf32, #tpu.memory_space<vmem>>[vector<16xi32>], vector<16xf32>,
      %mul3A_407 = arith.constant 8 : i32
      %mul3A_408 = arith.muli %scan3A_316, %mul3A_407 : i32
      %add3A_409 = arith.constant 7 : i32
      %add3A_410 = arith.addi %mul3A_408, %add3A_409 : i32
      %get3A_411 = arith.constant 1 : i32
      %get3A_412 = arith.index_cast %get3A_411 : i32 to index
      %get3A_413 = arith.index_cast %add3A_410 : i32 to index
      %get3A_414 = arith.constant 0 : index
      %get3A_415 = tpu.vector_load %arg6[%get3A_412, %get3A_413, %get3A_414] {strides = array<i32>} : memref<2x128x128xf32, #tpu.memory_space<vmem>>, vector<16xf32>,
      %add3A_416 = arith.constant 128 : i32
      %add3A_417 = arith.addi %add3A_416, %add3A_410 : i32
      %add3A_418 = vector.broadcast %add3A_417 : i32 to vector<16xi32>
      %add3A_419 = arith.addi %mul3A_3, %add3A_418 : vector<16xi32>
      tpu.vector_store_idx %arg7[%add3A_419], %get3A_415 : memref<20480xf32, #tpu.memory_space<vmem>>[vector<16xi32>], vector<16xf32>,
    }
    %scan3A_72 = arith.constant 16 : i32
    %dma_start3A_73 = arith.constant 3 : i32
    %dma_start3A_74 = arith.constant 1 : i32
    %dma_start3A_75 = arith.constant 0 : i32
    %dma_start3A_76 = arith.constant 0 : i32
    %dma_start3A_77 = tpu.memref_slice %arg6[%dma_start3A_74, %dma_start3A_75, %dma_start3A_76] : memref<2x128x128xf32, #tpu.memory_space<vmem>> -> memref<1x128x128xf32, #tpu.memory_space<vmem>>
    %dma_start3A_78 = tpu.memref_squeeze %dma_start3A_77 : memref<1x128x128xf32, #tpu.memory_space<vmem>> -> memref<128x128xf32, #tpu.memory_space<vmem>>
    %dma_start3A_79 = arith.constant 0 : i32
    %dma_start3A_80 = tpu.memref_slice %arg5[%dma_start3A_73, %dma_start3A_79] : memref<10x128xi32, #tpu.memory_space<vmem>> -> memref<1x128xi32, #tpu.memory_space<vmem>>
    %dma_start3A_81 = tpu.memref_squeeze %dma_start3A_80 : memref<1x128xi32, #tpu.memory_space<vmem>> -> memref<128xi32, #tpu.memory_space<vmem>>
    %dma_start3A_82 = arith.constant 0 : i32
    %dma_start3A_83 = arith.constant 0 : i32
    %dma_start3A_84 = tpu.memref_slice %arg2[%dma_start3A_82, %dma_start3A_83] : memref<80000x128xf32, #tpu.memory_space<hbm>> -> memref<80000x128xf32, #tpu.memory_space<hbm>>
    tpu.enqueue_indirect_dma source(%dma_start3A_84 : memref<80000x128xf32, #tpu.memory_space<hbm>>) target(%dma_start3A_78 : memref<128x128xf32, #tpu.memory_space<vmem>>) offsets(%dma_start3A_81 : memref<128xi32, #tpu.memory_space<vmem>>) semaphore(%arg8 : memref<!tpu.dma_semaphore, #tpu.memory_space<semaphore_mem>>)
    %dma_wait3A_85 = arith.constant 2 : i32
    %dma_wait3A_86 = arith.constant 0 : i32
    %dma_wait3A_87 = arith.constant 0 : i32
    %dma_wait3A_88 = arith.constant 0 : i32
    %dma_wait3A_89 = tpu.memref_slice %arg6[%dma_wait3A_86, %dma_wait3A_87, %dma_wait3A_88] : memref<2x128x128xf32, #tpu.memory_space<vmem>> -> memref<1x128x128xf32, #tpu.memory_space<vmem>>
    %dma_wait3A_90 = tpu.memref_squeeze %dma_wait3A_89 : memref<1x128x128xf32, #tpu.memory_space<vmem>> -> memref<128x128xf32, #tpu.memory_space<vmem>>
    %dma_wait3A_91 = arith.constant 0 : i32
    %dma_wait3A_92 = tpu.memref_slice %arg5[%dma_wait3A_85, %dma_wait3A_91] : memref<10x128xi32, #tpu.memory_space<vmem>> -> memref<1x128xi32, #tpu.memory_space<vmem>>
    %dma_wait3A_93 = tpu.memref_squeeze %dma_wait3A_92 : memref<1x128xi32, #tpu.memory_space<vmem>> -> memref<128xi32, #tpu.memory_space<vmem>>
    %dma_wait3A_94 = arith.constant 0 : i32
    %dma_wait3A_95 = arith.constant 0 : i32
    %dma_wait3A_96 = tpu.memref_slice %arg2[%dma_wait3A_94, %dma_wait3A_95] : memref<80000x128xf32, #tpu.memory_space<hbm>> -> memref<80000x128xf32, #tpu.memory_space<hbm>>
    tpu.wait_indirect_dma semaphore(%arg8 : memref<!tpu.dma_semaphore, #tpu.memory_space<semaphore_mem>>) src(%dma_wait3A_96 : memref<80000x128xf32, #tpu.memory_space<hbm>>) dst(%dma_wait3A_90 : memref<128x128xf32, #tpu.memory_space<vmem>>)
    %scan3A_97 = arith.constant 0 : i32
    %scan3A_98 = arith.constant 0 : i32
    %scan3A_99 = arith.constant 16 : i32
    %scan3A_100 = arith.addi %scan3A_98, %scan3A_99 : i32
    %scan3A_101 = arith.constant 1 : i32
    scf.for %scan3A_316 = %scan3A_98 to %scan3A_100 step %scan3A_101  : i32 {
      %mul3A_317 = arith.constant 8 : i32
      %mul3A_318 = arith.muli %scan3A_316, %mul3A_317 : i32
      %add3A_319 = arith.constant 0 : i32
      %add3A_320 = arith.addi %mul3A_318, %add3A_319 : i32
      %get3A = arith.constant 0 : i32
      %get3A_321 = arith.index_cast %get3A : i32 to index
      %get3A_322 = arith.index_cast %add3A_320 : i32 to index
      %get3A_323 = arith.constant 0 : index
      %get3A_324 = tpu.vector_load %arg6[%get3A_321, %get3A_322, %get3A_323] {strides = array<i32>} : memref<2x128x128xf32, #tpu.memory_space<vmem>>, vector<16xf32>,
      %add3A_325 = arith.constant 256 : i32
      %add3A_326 = arith.addi %add3A_325, %add3A_320 : i32
      %add3A_327 = vector.broadcast %add3A_326 : i32 to vector<16xi32>
      %add3A_328 = arith.addi %mul3A_3, %add3A_327 : vector<16xi32>
      tpu.vector_store_idx %arg7[%add3A_328], %get3A_324 : memref<20480xf32, #tpu.memory_space<vmem>>[vector<16xi32>], vector<16xf32>,
      %mul3A_329 = arith.constant 8 : i32
      %mul3A_330 = arith.muli %scan3A_316, %mul3A_329 : i32
      %add3A_331 = arith.constant 1 : i32
      %add3A_332 = arith.addi %mul3A_330, %add3A_331 : i32
      %get3A_333 = arith.constant 0 : i32
      %get3A_334 = arith.index_cast %get3A_333 : i32 to index
      %get3A_335 = arith.index_cast %add3A_332 : i32 to index
      %get3A_336 = arith.constant 0 : index
      %get3A_337 = tpu.vector_load %arg6[%get3A_334, %get3A_335, %get3A_336] {strides = array<i32>} : memref<2x128x128xf32, #tpu.memory_space<vmem>>, vector<16xf32>,
      %add3A_338 = arith.constant 256 : i32
      %add3A_339 = arith.addi %add3A_338, %add3A_332 : i32
      %add3A_340 = vector.broadcast %add3A_339 : i32 to vector<16xi32>
      %add3A_341 = arith.addi %mul3A_3, %add3A_340 : vector<16xi32>
      tpu.vector_store_idx %arg7[%add3A_341], %get3A_337 : memref<20480xf32, #tpu.memory_space<vmem>>[vector<16xi32>], vector<16xf32>,
      %mul3A_342 = arith.constant 8 : i32
      %mul3A_343 = arith.muli %scan3A_316, %mul3A_342 : i32
      %add3A_344 = arith.constant 2 : i32
      %add3A_345 = arith.addi %mul3A_343, %add3A_344 : i32
      %get3A_346 = arith.constant 0 : i32
      %get3A_347 = arith.index_cast %get3A_346 : i32 to index
      %get3A_348 = arith.index_cast %add3A_345 : i32 to index
      %get3A_349 = arith.constant 0 : index
      %get3A_350 = tpu.vector_load %arg6[%get3A_347, %get3A_348, %get3A_349] {strides = array<i32>} : memref<2x128x128xf32, #tpu.memory_space<vmem>>, vector<16xf32>,
      %add3A_351 = arith.constant 256 : i32
      %add3A_352 = arith.addi %add3A_351, %add3A_345 : i32
      %add3A_353 = vector.broadcast %add3A_352 : i32 to vector<16xi32>
      %add3A_354 = arith.addi %mul3A_3, %add3A_353 : vector<16xi32>
      tpu.vector_store_idx %arg7[%add3A_354], %get3A_350 : memref<20480xf32, #tpu.memory_space<vmem>>[vector<16xi32>], vector<16xf32>,
      %mul3A_355 = arith.constant 8 : i32
      %mul3A_356 = arith.muli %scan3A_316, %mul3A_355 : i32
      %add3A_357 = arith.constant 3 : i32
      %add3A_358 = arith.addi %mul3A_356, %add3A_357 : i32
      %get3A_359 = arith.constant 0 : i32
      %get3A_360 = arith.index_cast %get3A_359 : i32 to index
      %get3A_361 = arith.index_cast %add3A_358 : i32 to index
      %get3A_362 = arith.constant 0 : index
      %get3A_363 = tpu.vector_load %arg6[%get3A_360, %get3A_361, %get3A_362] {strides = array<i32>} : memref<2x128x128xf32, #tpu.memory_space<vmem>>, vector<16xf32>,
      %add3A_364 = arith.constant 256 : i32
      %add3A_365 = arith.addi %add3A_364, %add3A_358 : i32
      %add3A_366 = vector.broadcast %add3A_365 : i32 to vector<16xi32>
      %add3A_367 = arith.addi %mul3A_3, %add3A_366 : vector<16xi32>
      tpu.vector_store_idx %arg7[%add3A_367], %get3A_363 : memref<20480xf32, #tpu.memory_space<vmem>>[vector<16xi32>], vector<16xf32>,
      %mul3A_368 = arith.constant 8 : i32
      %mul3A_369 = arith.muli %scan3A_316, %mul3A_368 : i32
      %add3A_370 = arith.constant 4 : i32
      %add3A_371 = arith.addi %mul3A_369, %add3A_370 : i32
      %get3A_372 = arith.constant 0 : i32
      %get3A_373 = arith.index_cast %get3A_372 : i32 to index
      %get3A_374 = arith.index_cast %add3A_371 : i32 to index
      %get3A_375 = arith.constant 0 : index
      %get3A_376 = tpu.vector_load %arg6[%get3A_373, %get3A_374, %get3A_375] {strides = array<i32>} : memref<2x128x128xf32, #tpu.memory_space<vmem>>, vector<16xf32>,
      %add3A_377 = arith.constant 256 : i32
      %add3A_378 = arith.addi %add3A_377, %add3A_371 : i32
      %add3A_379 = vector.broadcast %add3A_378 : i32 to vector<16xi32>
      %add3A_380 = arith.addi %mul3A_3, %add3A_379 : vector<16xi32>
      tpu.vector_store_idx %arg7[%add3A_380], %get3A_376 : memref<20480xf32, #tpu.memory_space<vmem>>[vector<16xi32>], vector<16xf32>,
      %mul3A_381 = arith.constant 8 : i32
      %mul3A_382 = arith.muli %scan3A_316, %mul3A_381 : i32
      %add3A_383 = arith.constant 5 : i32
      %add3A_384 = arith.addi %mul3A_382, %add3A_383 : i32
      %get3A_385 = arith.constant 0 : i32
      %get3A_386 = arith.index_cast %get3A_385 : i32 to index
      %get3A_387 = arith.index_cast %add3A_384 : i32 to index
      %get3A_388 = arith.constant 0 : index
      %get3A_389 = tpu.vector_load %arg6[%get3A_386, %get3A_387, %get3A_388] {strides = array<i32>} : memref<2x128x128xf32, #tpu.memory_space<vmem>>, vector<16xf32>,
      %add3A_390 = arith.constant 256 : i32
      %add3A_391 = arith.addi %add3A_390, %add3A_384 : i32
      %add3A_392 = vector.broadcast %add3A_391 : i32 to vector<16xi32>
      %add3A_393 = arith.addi %mul3A_3, %add3A_392 : vector<16xi32>
      tpu.vector_store_idx %arg7[%add3A_393], %get3A_389 : memref<20480xf32, #tpu.memory_space<vmem>>[vector<16xi32>], vector<16xf32>,
      %mul3A_394 = arith.constant 8 : i32
      %mul3A_395 = arith.muli %scan3A_316, %mul3A_394 : i32
      %add3A_396 = arith.constant 6 : i32
      %add3A_397 = arith.addi %mul3A_395, %add3A_396 : i32
      %get3A_398 = arith.constant 0 : i32
      %get3A_399 = arith.index_cast %get3A_398 : i32 to index
      %get3A_400 = arith.index_cast %add3A_397 : i32 to index
      %get3A_401 = arith.constant 0 : index
      %get3A_402 = tpu.vector_load %arg6[%get3A_399, %get3A_400, %get3A_401] {strides = array<i32>} : memref<2x128x128xf32, #tpu.memory_space<vmem>>, vector<16xf32>,
      %add3A_403 = arith.constant 256 : i32
      %add3A_404 = arith.addi %add3A_403, %add3A_397 : i32
      %add3A_405 = vector.broadcast %add3A_404 : i32 to vector<16xi32>
      %add3A_406 = arith.addi %mul3A_3, %add3A_405 : vector<16xi32>
      tpu.vector_store_idx %arg7[%add3A_406], %get3A_402 : memref<20480xf32, #tpu.memory_space<vmem>>[vector<16xi32>], vector<16xf32>,
      %mul3A_407 = arith.constant 8 : i32
      %mul3A_408 = arith.muli %scan3A_316, %mul3A_407 : i32
      %add3A_409 = arith.constant 7 : i32
      %add3A_410 = arith.addi %mul3A_408, %add3A_409 : i32
      %get3A_411 = arith.constant 0 : i32
      %get3A_412 = arith.index_cast %get3A_411 : i32 to index
      %get3A_413 = arith.index_cast %add3A_410 : i32 to index
      %get3A_414 = arith.constant 0 : index
      %get3A_415 = tpu.vector_load %arg6[%get3A_412, %get3A_413, %get3A_414] {strides = array<i32>} : memref<2x128x128xf32, #tpu.memory_space<vmem>>, vector<16xf32>,
      %add3A_416 = arith.constant 256 : i32
      %add3A_417 = arith.addi %add3A_416, %add3A_410 : i32
      %add3A_418 = vector.broadcast %add3A_417 : i32 to vector<16xi32>
      %add3A_419 = arith.addi %mul3A_3, %add3A_418 : vector<16xi32>
      tpu.vector_store_idx %arg7[%add3A_419], %get3A_415 : memref<20480xf32, #tpu.memory_space<vmem>>[vector<16xi32>], vector<16xf32>,
    }
    %scan3A_102 = arith.constant 16 : i32
    %dma_start3A_103 = arith.constant 4 : i32
    %dma_start3A_104 = arith.constant 0 : i32
    %dma_start3A_105 = arith.constant 0 : i32
    %dma_start3A_106 = arith.constant 0 : i32
    %dma_start3A_107 = tpu.memref_slice %arg6[%dma_start3A_104, %dma_start3A_105, %dma_start3A_106] : memref<2x128x128xf32, #tpu.memory_space<vmem>> -> memref<1x128x128xf32, #tpu.memory_space<vmem>>
    %dma_start3A_108 = tpu.memref_squeeze %dma_start3A_107 : memref<1x128x128xf32, #tpu.memory_space<vmem>> -> memref<128x128xf32, #tpu.memory_space<vmem>>
    %dma_start3A_109 = arith.constant 0 : i32
    %dma_start3A_110 = tpu.memref_slice %arg5[%dma_start3A_103, %dma_start3A_109] : memref<10x128xi32, #tpu.memory_space<vmem>> -> memref<1x128xi32, #tpu.memory_space<vmem>>
    %dma_start3A_111 = tpu.memref_squeeze %dma_start3A_110 : memref<1x128xi32, #tpu.memory_space<vmem>> -> memref<128xi32, #tpu.memory_space<vmem>>
    %dma_start3A_112 = arith.constant 0 : i32
    %dma_start3A_113 = arith.constant 0 : i32
    %dma_start3A_114 = tpu.memref_slice %arg2[%dma_start3A_112, %dma_start3A_113] : memref<80000x128xf32, #tpu.memory_space<hbm>> -> memref<80000x128xf32, #tpu.memory_space<hbm>>
    tpu.enqueue_indirect_dma source(%dma_start3A_114 : memref<80000x128xf32, #tpu.memory_space<hbm>>) target(%dma_start3A_108 : memref<128x128xf32, #tpu.memory_space<vmem>>) offsets(%dma_start3A_111 : memref<128xi32, #tpu.memory_space<vmem>>) semaphore(%arg8 : memref<!tpu.dma_semaphore, #tpu.memory_space<semaphore_mem>>)
    %dma_wait3A_115 = arith.constant 3 : i32
    %dma_wait3A_116 = arith.constant 1 : i32
    %dma_wait3A_117 = arith.constant 0 : i32
    %dma_wait3A_118 = arith.constant 0 : i32
    %dma_wait3A_119 = tpu.memref_slice %arg6[%dma_wait3A_116, %dma_wait3A_117, %dma_wait3A_118] : memref<2x128x128xf32, #tpu.memory_space<vmem>> -> memref<1x128x128xf32, #tpu.memory_space<vmem>>
    %dma_wait3A_120 = tpu.memref_squeeze %dma_wait3A_119 : memref<1x128x128xf32, #tpu.memory_space<vmem>> -> memref<128x128xf32, #tpu.memory_space<vmem>>
    %dma_wait3A_121 = arith.constant 0 : i32
    %dma_wait3A_122 = tpu.memref_slice %arg5[%dma_wait3A_115, %dma_wait3A_121] : memref<10x128xi32, #tpu.memory_space<vmem>> -> memref<1x128xi32, #tpu.memory_space<vmem>>
    %dma_wait3A_123 = tpu.memref_squeeze %dma_wait3A_122 : memref<1x128xi32, #tpu.memory_space<vmem>> -> memref<128xi32, #tpu.memory_space<vmem>>
    %dma_wait3A_124 = arith.constant 0 : i32
    %dma_wait3A_125 = arith.constant 0 : i32
    %dma_wait3A_126 = tpu.memref_slice %arg2[%dma_wait3A_124, %dma_wait3A_125] : memref<80000x128xf32, #tpu.memory_space<hbm>> -> memref<80000x128xf32, #tpu.memory_space<hbm>>
    tpu.wait_indirect_dma semaphore(%arg8 : memref<!tpu.dma_semaphore, #tpu.memory_space<semaphore_mem>>) src(%dma_wait3A_126 : memref<80000x128xf32, #tpu.memory_space<hbm>>) dst(%dma_wait3A_120 : memref<128x128xf32, #tpu.memory_space<vmem>>)
    %scan3A_127 = arith.constant 0 : i32
    %scan3A_128 = arith.constant 0 : i32
    %scan3A_129 = arith.constant 16 : i32
    %scan3A_130 = arith.addi %scan3A_128, %scan3A_129 : i32
    %scan3A_131 = arith.constant 1 : i32
    scf.for %scan3A_316 = %scan3A_128 to %scan3A_130 step %scan3A_131  : i32 {
      %mul3A_317 = arith.constant 8 : i32
      %mul3A_318 = arith.muli %scan3A_316, %mul3A_317 : i32
      %add3A_319 = arith.constant 0 : i32
      %add3A_320 = arith.addi %mul3A_318, %add3A_319 : i32
      %get3A = arith.constant 1 : i32
      %get3A_321 = arith.index_cast %get3A : i32 to index
      %get3A_322 = arith.index_cast %add3A_320 : i32 to index
      %get3A_323 = arith.constant 0 : index
      %get3A_324 = tpu.vector_load %arg6[%get3A_321, %get3A_322, %get3A_323] {strides = array<i32>} : memref<2x128x128xf32, #tpu.memory_space<vmem>>, vector<16xf32>,
      %add3A_325 = arith.constant 384 : i32
      %add3A_326 = arith.addi %add3A_325, %add3A_320 : i32
      %add3A_327 = vector.broadcast %add3A_326 : i32 to vector<16xi32>
      %add3A_328 = arith.addi %mul3A_3, %add3A_327 : vector<16xi32>
      tpu.vector_store_idx %arg7[%add3A_328], %get3A_324 : memref<20480xf32, #tpu.memory_space<vmem>>[vector<16xi32>], vector<16xf32>,
      %mul3A_329 = arith.constant 8 : i32
      %mul3A_330 = arith.muli %scan3A_316, %mul3A_329 : i32
      %add3A_331 = arith.constant 1 : i32
      %add3A_332 = arith.addi %mul3A_330, %add3A_331 : i32
      %get3A_333 = arith.constant 1 : i32
      %get3A_334 = arith.index_cast %get3A_333 : i32 to index
      %get3A_335 = arith.index_cast %add3A_332 : i32 to index
      %get3A_336 = arith.constant 0 : index
      %get3A_337 = tpu.vector_load %arg6[%get3A_334, %get3A_335, %get3A_336] {strides = array<i32>} : memref<2x128x128xf32, #tpu.memory_space<vmem>>, vector<16xf32>,
      %add3A_338 = arith.constant 384 : i32
      %add3A_339 = arith.addi %add3A_338, %add3A_332 : i32
      %add3A_340 = vector.broadcast %add3A_339 : i32 to vector<16xi32>
      %add3A_341 = arith.addi %mul3A_3, %add3A_340 : vector<16xi32>
      tpu.vector_store_idx %arg7[%add3A_341], %get3A_337 : memref<20480xf32, #tpu.memory_space<vmem>>[vector<16xi32>], vector<16xf32>,
      %mul3A_342 = arith.constant 8 : i32
      %mul3A_343 = arith.muli %scan3A_316, %mul3A_342 : i32
      %add3A_344 = arith.constant 2 : i32
      %add3A_345 = arith.addi %mul3A_343, %add3A_344 : i32
      %get3A_346 = arith.constant 1 : i32
      %get3A_347 = arith.index_cast %get3A_346 : i32 to index
      %get3A_348 = arith.index_cast %add3A_345 : i32 to index
      %get3A_349 = arith.constant 0 : index
      %get3A_350 = tpu.vector_load %arg6[%get3A_347, %get3A_348, %get3A_349] {strides = array<i32>} : memref<2x128x128xf32, #tpu.memory_space<vmem>>, vector<16xf32>,
      %add3A_351 = arith.constant 384 : i32
      %add3A_352 = arith.addi %add3A_351, %add3A_345 : i32
      %add3A_353 = vector.broadcast %add3A_352 : i32 to vector<16xi32>
      %add3A_354 = arith.addi %mul3A_3, %add3A_353 : vector<16xi32>
      tpu.vector_store_idx %arg7[%add3A_354], %get3A_350 : memref<20480xf32, #tpu.memory_space<vmem>>[vector<16xi32>], vector<16xf32>,
      %mul3A_355 = arith.constant 8 : i32
      %mul3A_356 = arith.muli %scan3A_316, %mul3A_355 : i32
      %add3A_357 = arith.constant 3 : i32
      %add3A_358 = arith.addi %mul3A_356, %add3A_357 : i32
      %get3A_359 = arith.constant 1 : i32
      %get3A_360 = arith.index_cast %get3A_359 : i32 to index
      %get3A_361 = arith.index_cast %add3A_358 : i32 to index
      %get3A_362 = arith.constant 0 : index
      %get3A_363 = tpu.vector_load %arg6[%get3A_360, %get3A_361, %get3A_362] {strides = array<i32>} : memref<2x128x128xf32, #tpu.memory_space<vmem>>, vector<16xf32>,
      %add3A_364 = arith.constant 384 : i32
      %add3A_365 = arith.addi %add3A_364, %add3A_358 : i32
      %add3A_366 = vector.broadcast %add3A_365 : i32 to vector<16xi32>
      %add3A_367 = arith.addi %mul3A_3, %add3A_366 : vector<16xi32>
      tpu.vector_store_idx %arg7[%add3A_367], %get3A_363 : memref<20480xf32, #tpu.memory_space<vmem>>[vector<16xi32>], vector<16xf32>,
      %mul3A_368 = arith.constant 8 : i32
      %mul3A_369 = arith.muli %scan3A_316, %mul3A_368 : i32
      %add3A_370 = arith.constant 4 : i32
      %add3A_371 = arith.addi %mul3A_369, %add3A_370 : i32
      %get3A_372 = arith.constant 1 : i32
      %get3A_373 = arith.index_cast %get3A_372 : i32 to index
      %get3A_374 = arith.index_cast %add3A_371 : i32 to index
      %get3A_375 = arith.constant 0 : index
      %get3A_376 = tpu.vector_load %arg6[%get3A_373, %get3A_374, %get3A_375] {strides = array<i32>} : memref<2x128x128xf32, #tpu.memory_space<vmem>>, vector<16xf32>,
      %add3A_377 = arith.constant 384 : i32
      %add3A_378 = arith.addi %add3A_377, %add3A_371 : i32
      %add3A_379 = vector.broadcast %add3A_378 : i32 to vector<16xi32>
      %add3A_380 = arith.addi %mul3A_3, %add3A_379 : vector<16xi32>
      tpu.vector_store_idx %arg7[%add3A_380], %get3A_376 : memref<20480xf32, #tpu.memory_space<vmem>>[vector<16xi32>], vector<16xf32>,
      %mul3A_381 = arith.constant 8 : i32
      %mul3A_382 = arith.muli %scan3A_316, %mul3A_381 : i32
      %add3A_383 = arith.constant 5 : i32
      %add3A_384 = arith.addi %mul3A_382, %add3A_383 : i32
      %get3A_385 = arith.constant 1 : i32
      %get3A_386 = arith.index_cast %get3A_385 : i32 to index
      %get3A_387 = arith.index_cast %add3A_384 : i32 to index
      %get3A_388 = arith.constant 0 : index
      %get3A_389 = tpu.vector_load %arg6[%get3A_386, %get3A_387, %get3A_388] {strides = array<i32>} : memref<2x128x128xf32, #tpu.memory_space<vmem>>, vector<16xf32>,
      %add3A_390 = arith.constant 384 : i32
      %add3A_391 = arith.addi %add3A_390, %add3A_384 : i32
      %add3A_392 = vector.broadcast %add3A_391 : i32 to vector<16xi32>
      %add3A_393 = arith.addi %mul3A_3, %add3A_392 : vector<16xi32>
      tpu.vector_store_idx %arg7[%add3A_393], %get3A_389 : memref<20480xf32, #tpu.memory_space<vmem>>[vector<16xi32>], vector<16xf32>,
      %mul3A_394 = arith.constant 8 : i32
      %mul3A_395 = arith.muli %scan3A_316, %mul3A_394 : i32
      %add3A_396 = arith.constant 6 : i32
      %add3A_397 = arith.addi %mul3A_395, %add3A_396 : i32
      %get3A_398 = arith.constant 1 : i32
      %get3A_399 = arith.index_cast %get3A_398 : i32 to index
      %get3A_400 = arith.index_cast %add3A_397 : i32 to index
      %get3A_401 = arith.constant 0 : index
      %get3A_402 = tpu.vector_load %arg6[%get3A_399, %get3A_400, %get3A_401] {strides = array<i32>} : memref<2x128x128xf32, #tpu.memory_space<vmem>>, vector<16xf32>,
      %add3A_403 = arith.constant 384 : i32
      %add3A_404 = arith.addi %add3A_403, %add3A_397 : i32
      %add3A_405 = vector.broadcast %add3A_404 : i32 to vector<16xi32>
      %add3A_406 = arith.addi %mul3A_3, %add3A_405 : vector<16xi32>
      tpu.vector_store_idx %arg7[%add3A_406], %get3A_402 : memref<20480xf32, #tpu.memory_space<vmem>>[vector<16xi32>], vector<16xf32>,
      %mul3A_407 = arith.constant 8 : i32
      %mul3A_408 = arith.muli %scan3A_316, %mul3A_407 : i32
      %add3A_409 = arith.constant 7 : i32
      %add3A_410 = arith.addi %mul3A_408, %add3A_409 : i32
      %get3A_411 = arith.constant 1 : i32
      %get3A_412 = arith.index_cast %get3A_411 : i32 to index
      %get3A_413 = arith.index_cast %add3A_410 : i32 to index
      %get3A_414 = arith.constant 0 : index
      %get3A_415 = tpu.vector_load %arg6[%get3A_412, %get3A_413, %get3A_414] {strides = array<i32>} : memref<2x128x128xf32, #tpu.memory_space<vmem>>, vector<16xf32>,
      %add3A_416 = arith.constant 384 : i32
      %add3A_417 = arith.addi %add3A_416, %add3A_410 : i32
      %add3A_418 = vector.broadcast %add3A_417 : i32 to vector<16xi32>
      %add3A_419 = arith.addi %mul3A_3, %add3A_418 : vector<16xi32>
      tpu.vector_store_idx %arg7[%add3A_419], %get3A_415 : memref<20480xf32, #tpu.memory_space<vmem>>[vector<16xi32>], vector<16xf32>,
    }
    %scan3A_132 = arith.constant 16 : i32
    %dma_start3A_133 = arith.constant 5 : i32
    %dma_start3A_134 = arith.constant 1 : i32
    %dma_start3A_135 = arith.constant 0 : i32
    %dma_start3A_136 = arith.constant 0 : i32
    %dma_start3A_137 = tpu.memref_slice %arg6[%dma_start3A_134, %dma_start3A_135, %dma_start3A_136] : memref<2x128x128xf32, #tpu.memory_space<vmem>> -> memref<1x128x128xf32, #tpu.memory_space<vmem>>
    %dma_start3A_138 = tpu.memref_squeeze %dma_start3A_137 : memref<1x128x128xf32, #tpu.memory_space<vmem>> -> memref<128x128xf32, #tpu.memory_space<vmem>>
    %dma_start3A_139 = arith.constant 0 : i32
    %dma_start3A_140 = tpu.memref_slice %arg5[%dma_start3A_133, %dma_start3A_139] : memref<10x128xi32, #tpu.memory_space<vmem>> -> memref<1x128xi32, #tpu.memory_space<vmem>>
    %dma_start3A_141 = tpu.memref_squeeze %dma_start3A_140 : memref<1x128xi32, #tpu.memory_space<vmem>> -> memref<128xi32, #tpu.memory_space<vmem>>
    %dma_start3A_142 = arith.constant 0 : i32
    %dma_start3A_143 = arith.constant 0 : i32
    %dma_start3A_144 = tpu.memref_slice %arg2[%dma_start3A_142, %dma_start3A_143] : memref<80000x128xf32, #tpu.memory_space<hbm>> -> memref<80000x128xf32, #tpu.memory_space<hbm>>
    tpu.enqueue_indirect_dma source(%dma_start3A_144 : memref<80000x128xf32, #tpu.memory_space<hbm>>) target(%dma_start3A_138 : memref<128x128xf32, #tpu.memory_space<vmem>>) offsets(%dma_start3A_141 : memref<128xi32, #tpu.memory_space<vmem>>) semaphore(%arg8 : memref<!tpu.dma_semaphore, #tpu.memory_space<semaphore_mem>>)
    %dma_wait3A_145 = arith.constant 4 : i32
    %dma_wait3A_146 = arith.constant 0 : i32
    %dma_wait3A_147 = arith.constant 0 : i32
    %dma_wait3A_148 = arith.constant 0 : i32
    %dma_wait3A_149 = tpu.memref_slice %arg6[%dma_wait3A_146, %dma_wait3A_147, %dma_wait3A_148] : memref<2x128x128xf32, #tpu.memory_space<vmem>> -> memref<1x128x128xf32, #tpu.memory_space<vmem>>
    %dma_wait3A_150 = tpu.memref_squeeze %dma_wait3A_149 : memref<1x128x128xf32, #tpu.memory_space<vmem>> -> memref<128x128xf32, #tpu.memory_space<vmem>>
    %dma_wait3A_151 = arith.constant 0 : i32
    %dma_wait3A_152 = tpu.memref_slice %arg5[%dma_wait3A_145, %dma_wait3A_151] : memref<10x128xi32, #tpu.memory_space<vmem>> -> memref<1x128xi32, #tpu.memory_space<vmem>>
    %dma_wait3A_153 = tpu.memref_squeeze %dma_wait3A_152 : memref<1x128xi32, #tpu.memory_space<vmem>> -> memref<128xi32, #tpu.memory_space<vmem>>
    %dma_wait3A_154 = arith.constant 0 : i32
    %dma_wait3A_155 = arith.constant 0 : i32
    %dma_wait3A_156 = tpu.memref_slice %arg2[%dma_wait3A_154, %dma_wait3A_155] : memref<80000x128xf32, #tpu.memory_space<hbm>> -> memref<80000x128xf32, #tpu.memory_space<hbm>>
    tpu.wait_indirect_dma semaphore(%arg8 : memref<!tpu.dma_semaphore, #tpu.memory_space<semaphore_mem>>) src(%dma_wait3A_156 : memref<80000x128xf32, #tpu.memory_space<hbm>>) dst(%dma_wait3A_150 : memref<128x128xf32, #tpu.memory_space<vmem>>)
    %scan3A_157 = arith.constant 0 : i32
    %scan3A_158 = arith.constant 0 : i32
    %scan3A_159 = arith.constant 16 : i32
    %scan3A_160 = arith.addi %scan3A_158, %scan3A_159 : i32
    %scan3A_161 = arith.constant 1 : i32
    scf.for %scan3A_316 = %scan3A_158 to %scan3A_160 step %scan3A_161  : i32 {
      %mul3A_317 = arith.constant 8 : i32
      %mul3A_318 = arith.muli %scan3A_316, %mul3A_317 : i32
      %add3A_319 = arith.constant 0 : i32
      %add3A_320 = arith.addi %mul3A_318, %add3A_319 : i32
      %get3A = arith.constant 0 : i32
      %get3A_321 = arith.index_cast %get3A : i32 to index
      %get3A_322 = arith.index_cast %add3A_320 : i32 to index
      %get3A_323 = arith.constant 0 : index
      %get3A_324 = tpu.vector_load %arg6[%get3A_321, %get3A_322, %get3A_323] {strides = array<i32>} : memref<2x128x128xf32, #tpu.memory_space<vmem>>, vector<16xf32>,
      %add3A_325 = arith.constant 512 : i32
      %add3A_326 = arith.addi %add3A_325, %add3A_320 : i32
      %add3A_327 = vector.broadcast %add3A_326 : i32 to vector<16xi32>
      %add3A_328 = arith.addi %mul3A_3, %add3A_327 : vector<16xi32>
      tpu.vector_store_idx %arg7[%add3A_328], %get3A_324 : memref<20480xf32, #tpu.memory_space<vmem>>[vector<16xi32>], vector<16xf32>,
      %mul3A_329 = arith.constant 8 : i32
      %mul3A_330 = arith.muli %scan3A_316, %mul3A_329 : i32
      %add3A_331 = arith.constant 1 : i32
      %add3A_332 = arith.addi %mul3A_330, %add3A_331 : i32
      %get3A_333 = arith.constant 0 : i32
      %get3A_334 = arith.index_cast %get3A_333 : i32 to index
      %get3A_335 = arith.index_cast %add3A_332 : i32 to index
      %get3A_336 = arith.constant 0 : index
      %get3A_337 = tpu.vector_load %arg6[%get3A_334, %get3A_335, %get3A_336] {strides = array<i32>} : memref<2x128x128xf32, #tpu.memory_space<vmem>>, vector<16xf32>,
      %add3A_338 = arith.constant 512 : i32
      %add3A_339 = arith.addi %add3A_338, %add3A_332 : i32
      %add3A_340 = vector.broadcast %add3A_339 : i32 to vector<16xi32>
      %add3A_341 = arith.addi %mul3A_3, %add3A_340 : vector<16xi32>
      tpu.vector_store_idx %arg7[%add3A_341], %get3A_337 : memref<20480xf32, #tpu.memory_space<vmem>>[vector<16xi32>], vector<16xf32>,
      %mul3A_342 = arith.constant 8 : i32
      %mul3A_343 = arith.muli %scan3A_316, %mul3A_342 : i32
      %add3A_344 = arith.constant 2 : i32
      %add3A_345 = arith.addi %mul3A_343, %add3A_344 : i32
      %get3A_346 = arith.constant 0 : i32
      %get3A_347 = arith.index_cast %get3A_346 : i32 to index
      %get3A_348 = arith.index_cast %add3A_345 : i32 to index
      %get3A_349 = arith.constant 0 : index
      %get3A_350 = tpu.vector_load %arg6[%get3A_347, %get3A_348, %get3A_349] {strides = array<i32>} : memref<2x128x128xf32, #tpu.memory_space<vmem>>, vector<16xf32>,
      %add3A_351 = arith.constant 512 : i32
      %add3A_352 = arith.addi %add3A_351, %add3A_345 : i32
      %add3A_353 = vector.broadcast %add3A_352 : i32 to vector<16xi32>
      %add3A_354 = arith.addi %mul3A_3, %add3A_353 : vector<16xi32>
      tpu.vector_store_idx %arg7[%add3A_354], %get3A_350 : memref<20480xf32, #tpu.memory_space<vmem>>[vector<16xi32>], vector<16xf32>,
      %mul3A_355 = arith.constant 8 : i32
      %mul3A_356 = arith.muli %scan3A_316, %mul3A_355 : i32
      %add3A_357 = arith.constant 3 : i32
      %add3A_358 = arith.addi %mul3A_356, %add3A_357 : i32
      %get3A_359 = arith.constant 0 : i32
      %get3A_360 = arith.index_cast %get3A_359 : i32 to index
      %get3A_361 = arith.index_cast %add3A_358 : i32 to index
      %get3A_362 = arith.constant 0 : index
      %get3A_363 = tpu.vector_load %arg6[%get3A_360, %get3A_361, %get3A_362] {strides = array<i32>} : memref<2x128x128xf32, #tpu.memory_space<vmem>>, vector<16xf32>,
      %add3A_364 = arith.constant 512 : i32
      %add3A_365 = arith.addi %add3A_364, %add3A_358 : i32
      %add3A_366 = vector.broadcast %add3A_365 : i32 to vector<16xi32>
      %add3A_367 = arith.addi %mul3A_3, %add3A_366 : vector<16xi32>
      tpu.vector_store_idx %arg7[%add3A_367], %get3A_363 : memref<20480xf32, #tpu.memory_space<vmem>>[vector<16xi32>], vector<16xf32>,
      %mul3A_368 = arith.constant 8 : i32
      %mul3A_369 = arith.muli %scan3A_316, %mul3A_368 : i32
      %add3A_370 = arith.constant 4 : i32
      %add3A_371 = arith.addi %mul3A_369, %add3A_370 : i32
      %get3A_372 = arith.constant 0 : i32
      %get3A_373 = arith.index_cast %get3A_372 : i32 to index
      %get3A_374 = arith.index_cast %add3A_371 : i32 to index
      %get3A_375 = arith.constant 0 : index
      %get3A_376 = tpu.vector_load %arg6[%get3A_373, %get3A_374, %get3A_375] {strides = array<i32>} : memref<2x128x128xf32, #tpu.memory_space<vmem>>, vector<16xf32>,
      %add3A_377 = arith.constant 512 : i32
      %add3A_378 = arith.addi %add3A_377, %add3A_371 : i32
      %add3A_379 = vector.broadcast %add3A_378 : i32 to vector<16xi32>
      %add3A_380 = arith.addi %mul3A_3, %add3A_379 : vector<16xi32>
      tpu.vector_store_idx %arg7[%add3A_380], %get3A_376 : memref<20480xf32, #tpu.memory_space<vmem>>[vector<16xi32>], vector<16xf32>,
      %mul3A_381 = arith.constant 8 : i32
      %mul3A_382 = arith.muli %scan3A_316, %mul3A_381 : i32
      %add3A_383 = arith.constant 5 : i32
      %add3A_384 = arith.addi %mul3A_382, %add3A_383 : i32
      %get3A_385 = arith.constant 0 : i32
      %get3A_386 = arith.index_cast %get3A_385 : i32 to index
      %get3A_387 = arith.index_cast %add3A_384 : i32 to index
      %get3A_388 = arith.constant 0 : index
      %get3A_389 = tpu.vector_load %arg6[%get3A_386, %get3A_387, %get3A_388] {strides = array<i32>} : memref<2x128x128xf32, #tpu.memory_space<vmem>>, vector<16xf32>,
      %add3A_390 = arith.constant 512 : i32
      %add3A_391 = arith.addi %add3A_390, %add3A_384 : i32
      %add3A_392 = vector.broadcast %add3A_391 : i32 to vector<16xi32>
      %add3A_393 = arith.addi %mul3A_3, %add3A_392 : vector<16xi32>
      tpu.vector_store_idx %arg7[%add3A_393], %get3A_389 : memref<20480xf32, #tpu.memory_space<vmem>>[vector<16xi32>], vector<16xf32>,
      %mul3A_394 = arith.constant 8 : i32
      %mul3A_395 = arith.muli %scan3A_316, %mul3A_394 : i32
      %add3A_396 = arith.constant 6 : i32
      %add3A_397 = arith.addi %mul3A_395, %add3A_396 : i32
      %get3A_398 = arith.constant 0 : i32
      %get3A_399 = arith.index_cast %get3A_398 : i32 to index
      %get3A_400 = arith.index_cast %add3A_397 : i32 to index
      %get3A_401 = arith.constant 0 : index
      %get3A_402 = tpu.vector_load %arg6[%get3A_399, %get3A_400, %get3A_401] {strides = array<i32>} : memref<2x128x128xf32, #tpu.memory_space<vmem>>, vector<16xf32>,
      %add3A_403 = arith.constant 512 : i32
      %add3A_404 = arith.addi %add3A_403, %add3A_397 : i32
      %add3A_405 = vector.broadcast %add3A_404 : i32 to vector<16xi32>
      %add3A_406 = arith.addi %mul3A_3, %add3A_405 : vector<16xi32>
      tpu.vector_store_idx %arg7[%add3A_406], %get3A_402 : memref<20480xf32, #tpu.memory_space<vmem>>[vector<16xi32>], vector<16xf32>,
      %mul3A_407 = arith.constant 8 : i32
      %mul3A_408 = arith.muli %scan3A_316, %mul3A_407 : i32
      %add3A_409 = arith.constant 7 : i32
      %add3A_410 = arith.addi %mul3A_408, %add3A_409 : i32
      %get3A_411 = arith.constant 0 : i32
      %get3A_412 = arith.index_cast %get3A_411 : i32 to index
      %get3A_413 = arith.index_cast %add3A_410 : i32 to index
      %get3A_414 = arith.constant 0 : index
      %get3A_415 = tpu.vector_load %arg6[%get3A_412, %get3A_413, %get3A_414] {strides = array<i32>} : memref<2x128x128xf32, #tpu.memory_space<vmem>>, vector<16xf32>,
      %add3A_416 = arith.constant 512 : i32
      %add3A_417 = arith.addi %add3A_416, %add3A_410 : i32
      %add3A_418 = vector.broadcast %add3A_417 : i32 to vector<16xi32>
      %add3A_419 = arith.addi %mul3A_3, %add3A_418 : vector<16xi32>
      tpu.vector_store_idx %arg7[%add3A_419], %get3A_415 : memref<20480xf32, #tpu.memory_space<vmem>>[vector<16xi32>], vector<16xf32>,
    }
    %scan3A_162 = arith.constant 16 : i32
    %dma_start3A_163 = arith.constant 6 : i32
    %dma_start3A_164 = arith.constant 0 : i32
    %dma_start3A_165 = arith.constant 0 : i32
    %dma_start3A_166 = arith.constant 0 : i32
    %dma_start3A_167 = tpu.memref_slice %arg6[%dma_start3A_164, %dma_start3A_165, %dma_start3A_166] : memref<2x128x128xf32, #tpu.memory_space<vmem>> -> memref<1x128x128xf32, #tpu.memory_space<vmem>>
    %dma_start3A_168 = tpu.memref_squeeze %dma_start3A_167 : memref<1x128x128xf32, #tpu.memory_space<vmem>> -> memref<128x128xf32, #tpu.memory_space<vmem>>
    %dma_start3A_169 = arith.constant 0 : i32
    %dma_start3A_170 = tpu.memref_slice %arg5[%dma_start3A_163, %dma_start3A_169] : memref<10x128xi32, #tpu.memory_space<vmem>> -> memref<1x128xi32, #tpu.memory_space<vmem>>
    %dma_start3A_171 = tpu.memref_squeeze %dma_start3A_170 : memref<1x128xi32, #tpu.memory_space<vmem>> -> memref<128xi32, #tpu.memory_space<vmem>>
    %dma_start3A_172 = arith.constant 0 : i32
    %dma_start3A_173 = arith.constant 0 : i32
    %dma_start3A_174 = tpu.memref_slice %arg2[%dma_start3A_172, %dma_start3A_173] : memref<80000x128xf32, #tpu.memory_space<hbm>> -> memref<80000x128xf32, #tpu.memory_space<hbm>>
    tpu.enqueue_indirect_dma source(%dma_start3A_174 : memref<80000x128xf32, #tpu.memory_space<hbm>>) target(%dma_start3A_168 : memref<128x128xf32, #tpu.memory_space<vmem>>) offsets(%dma_start3A_171 : memref<128xi32, #tpu.memory_space<vmem>>) semaphore(%arg8 : memref<!tpu.dma_semaphore, #tpu.memory_space<semaphore_mem>>)
    %dma_wait3A_175 = arith.constant 5 : i32
    %dma_wait3A_176 = arith.constant 1 : i32
    %dma_wait3A_177 = arith.constant 0 : i32
    %dma_wait3A_178 = arith.constant 0 : i32
    %dma_wait3A_179 = tpu.memref_slice %arg6[%dma_wait3A_176, %dma_wait3A_177, %dma_wait3A_178] : memref<2x128x128xf32, #tpu.memory_space<vmem>> -> memref<1x128x128xf32, #tpu.memory_space<vmem>>
    %dma_wait3A_180 = tpu.memref_squeeze %dma_wait3A_179 : memref<1x128x128xf32, #tpu.memory_space<vmem>> -> memref<128x128xf32, #tpu.memory_space<vmem>>
    %dma_wait3A_181 = arith.constant 0 : i32
    %dma_wait3A_182 = tpu.memref_slice %arg5[%dma_wait3A_175, %dma_wait3A_181] : memref<10x128xi32, #tpu.memory_space<vmem>> -> memref<1x128xi32, #tpu.memory_space<vmem>>
    %dma_wait3A_183 = tpu.memref_squeeze %dma_wait3A_182 : memref<1x128xi32, #tpu.memory_space<vmem>> -> memref<128xi32, #tpu.memory_space<vmem>>
    %dma_wait3A_184 = arith.constant 0 : i32
    %dma_wait3A_185 = arith.constant 0 : i32
    %dma_wait3A_186 = tpu.memref_slice %arg2[%dma_wait3A_184, %dma_wait3A_185] : memref<80000x128xf32, #tpu.memory_space<hbm>> -> memref<80000x128xf32, #tpu.memory_space<hbm>>
    tpu.wait_indirect_dma semaphore(%arg8 : memref<!tpu.dma_semaphore, #tpu.memory_space<semaphore_mem>>) src(%dma_wait3A_186 : memref<80000x128xf32, #tpu.memory_space<hbm>>) dst(%dma_wait3A_180 : memref<128x128xf32, #tpu.memory_space<vmem>>)
    %scan3A_187 = arith.constant 0 : i32
    %scan3A_188 = arith.constant 0 : i32
    %scan3A_189 = arith.constant 16 : i32
    %scan3A_190 = arith.addi %scan3A_188, %scan3A_189 : i32
    %scan3A_191 = arith.constant 1 : i32
    scf.for %scan3A_316 = %scan3A_188 to %scan3A_190 step %scan3A_191  : i32 {
      %mul3A_317 = arith.constant 8 : i32
      %mul3A_318 = arith.muli %scan3A_316, %mul3A_317 : i32
      %add3A_319 = arith.constant 0 : i32
      %add3A_320 = arith.addi %mul3A_318, %add3A_319 : i32
      %get3A = arith.constant 1 : i32
      %get3A_321 = arith.index_cast %get3A : i32 to index
      %get3A_322 = arith.index_cast %add3A_320 : i32 to index
      %get3A_323 = arith.constant 0 : index
      %get3A_324 = tpu.vector_load %arg6[%get3A_321, %get3A_322, %get3A_323] {strides = array<i32>} : memref<2x128x128xf32, #tpu.memory_space<vmem>>, vector<16xf32>,
      %add3A_325 = arith.constant 640 : i32
      %add3A_326 = arith.addi %add3A_325, %add3A_320 : i32
      %add3A_327 = vector.broadcast %add3A_326 : i32 to vector<16xi32>
      %add3A_328 = arith.addi %mul3A_3, %add3A_327 : vector<16xi32>
      tpu.vector_store_idx %arg7[%add3A_328], %get3A_324 : memref<20480xf32, #tpu.memory_space<vmem>>[vector<16xi32>], vector<16xf32>,
      %mul3A_329 = arith.constant 8 : i32
      %mul3A_330 = arith.muli %scan3A_316, %mul3A_329 : i32
      %add3A_331 = arith.constant 1 : i32
      %add3A_332 = arith.addi %mul3A_330, %add3A_331 : i32
      %get3A_333 = arith.constant 1 : i32
      %get3A_334 = arith.index_cast %get3A_333 : i32 to index
      %get3A_335 = arith.index_cast %add3A_332 : i32 to index
      %get3A_336 = arith.constant 0 : index
      %get3A_337 = tpu.vector_load %arg6[%get3A_334, %get3A_335, %get3A_336] {strides = array<i32>} : memref<2x128x128xf32, #tpu.memory_space<vmem>>, vector<16xf32>,
      %add3A_338 = arith.constant 640 : i32
      %add3A_339 = arith.addi %add3A_338, %add3A_332 : i32
      %add3A_340 = vector.broadcast %add3A_339 : i32 to vector<16xi32>
      %add3A_341 = arith.addi %mul3A_3, %add3A_340 : vector<16xi32>
      tpu.vector_store_idx %arg7[%add3A_341], %get3A_337 : memref<20480xf32, #tpu.memory_space<vmem>>[vector<16xi32>], vector<16xf32>,
      %mul3A_342 = arith.constant 8 : i32
      %mul3A_343 = arith.muli %scan3A_316, %mul3A_342 : i32
      %add3A_344 = arith.constant 2 : i32
      %add3A_345 = arith.addi %mul3A_343, %add3A_344 : i32
      %get3A_346 = arith.constant 1 : i32
      %get3A_347 = arith.index_cast %get3A_346 : i32 to index
      %get3A_348 = arith.index_cast %add3A_345 : i32 to index
      %get3A_349 = arith.constant 0 : index
      %get3A_350 = tpu.vector_load %arg6[%get3A_347, %get3A_348, %get3A_349] {strides = array<i32>} : memref<2x128x128xf32, #tpu.memory_space<vmem>>, vector<16xf32>,
      %add3A_351 = arith.constant 640 : i32
      %add3A_352 = arith.addi %add3A_351, %add3A_345 : i32
      %add3A_353 = vector.broadcast %add3A_352 : i32 to vector<16xi32>
      %add3A_354 = arith.addi %mul3A_3, %add3A_353 : vector<16xi32>
      tpu.vector_store_idx %arg7[%add3A_354], %get3A_350 : memref<20480xf32, #tpu.memory_space<vmem>>[vector<16xi32>], vector<16xf32>,
      %mul3A_355 = arith.constant 8 : i32
      %mul3A_356 = arith.muli %scan3A_316, %mul3A_355 : i32
      %add3A_357 = arith.constant 3 : i32
      %add3A_358 = arith.addi %mul3A_356, %add3A_357 : i32
      %get3A_359 = arith.constant 1 : i32
      %get3A_360 = arith.index_cast %get3A_359 : i32 to index
      %get3A_361 = arith.index_cast %add3A_358 : i32 to index
      %get3A_362 = arith.constant 0 : index
      %get3A_363 = tpu.vector_load %arg6[%get3A_360, %get3A_361, %get3A_362] {strides = array<i32>} : memref<2x128x128xf32, #tpu.memory_space<vmem>>, vector<16xf32>,
      %add3A_364 = arith.constant 640 : i32
      %add3A_365 = arith.addi %add3A_364, %add3A_358 : i32
      %add3A_366 = vector.broadcast %add3A_365 : i32 to vector<16xi32>
      %add3A_367 = arith.addi %mul3A_3, %add3A_366 : vector<16xi32>
      tpu.vector_store_idx %arg7[%add3A_367], %get3A_363 : memref<20480xf32, #tpu.memory_space<vmem>>[vector<16xi32>], vector<16xf32>,
      %mul3A_368 = arith.constant 8 : i32
      %mul3A_369 = arith.muli %scan3A_316, %mul3A_368 : i32
      %add3A_370 = arith.constant 4 : i32
      %add3A_371 = arith.addi %mul3A_369, %add3A_370 : i32
      %get3A_372 = arith.constant 1 : i32
      %get3A_373 = arith.index_cast %get3A_372 : i32 to index
      %get3A_374 = arith.index_cast %add3A_371 : i32 to index
      %get3A_375 = arith.constant 0 : index
      %get3A_376 = tpu.vector_load %arg6[%get3A_373, %get3A_374, %get3A_375] {strides = array<i32>} : memref<2x128x128xf32, #tpu.memory_space<vmem>>, vector<16xf32>,
      %add3A_377 = arith.constant 640 : i32
      %add3A_378 = arith.addi %add3A_377, %add3A_371 : i32
      %add3A_379 = vector.broadcast %add3A_378 : i32 to vector<16xi32>
      %add3A_380 = arith.addi %mul3A_3, %add3A_379 : vector<16xi32>
      tpu.vector_store_idx %arg7[%add3A_380], %get3A_376 : memref<20480xf32, #tpu.memory_space<vmem>>[vector<16xi32>], vector<16xf32>,
      %mul3A_381 = arith.constant 8 : i32
      %mul3A_382 = arith.muli %scan3A_316, %mul3A_381 : i32
      %add3A_383 = arith.constant 5 : i32
      %add3A_384 = arith.addi %mul3A_382, %add3A_383 : i32
      %get3A_385 = arith.constant 1 : i32
      %get3A_386 = arith.index_cast %get3A_385 : i32 to index
      %get3A_387 = arith.index_cast %add3A_384 : i32 to index
      %get3A_388 = arith.constant 0 : index
      %get3A_389 = tpu.vector_load %arg6[%get3A_386, %get3A_387, %get3A_388] {strides = array<i32>} : memref<2x128x128xf32, #tpu.memory_space<vmem>>, vector<16xf32>,
      %add3A_390 = arith.constant 640 : i32
      %add3A_391 = arith.addi %add3A_390, %add3A_384 : i32
      %add3A_392 = vector.broadcast %add3A_391 : i32 to vector<16xi32>
      %add3A_393 = arith.addi %mul3A_3, %add3A_392 : vector<16xi32>
      tpu.vector_store_idx %arg7[%add3A_393], %get3A_389 : memref<20480xf32, #tpu.memory_space<vmem>>[vector<16xi32>], vector<16xf32>,
      %mul3A_394 = arith.constant 8 : i32
      %mul3A_395 = arith.muli %scan3A_316, %mul3A_394 : i32
      %add3A_396 = arith.constant 6 : i32
      %add3A_397 = arith.addi %mul3A_395, %add3A_396 : i32
      %get3A_398 = arith.constant 1 : i32
      %get3A_399 = arith.index_cast %get3A_398 : i32 to index
      %get3A_400 = arith.index_cast %add3A_397 : i32 to index
      %get3A_401 = arith.constant 0 : index
      %get3A_402 = tpu.vector_load %arg6[%get3A_399, %get3A_400, %get3A_401] {strides = array<i32>} : memref<2x128x128xf32, #tpu.memory_space<vmem>>, vector<16xf32>,
      %add3A_403 = arith.constant 640 : i32
      %add3A_404 = arith.addi %add3A_403, %add3A_397 : i32
      %add3A_405 = vector.broadcast %add3A_404 : i32 to vector<16xi32>
      %add3A_406 = arith.addi %mul3A_3, %add3A_405 : vector<16xi32>
      tpu.vector_store_idx %arg7[%add3A_406], %get3A_402 : memref<20480xf32, #tpu.memory_space<vmem>>[vector<16xi32>], vector<16xf32>,
      %mul3A_407 = arith.constant 8 : i32
      %mul3A_408 = arith.muli %scan3A_316, %mul3A_407 : i32
      %add3A_409 = arith.constant 7 : i32
      %add3A_410 = arith.addi %mul3A_408, %add3A_409 : i32
      %get3A_411 = arith.constant 1 : i32
      %get3A_412 = arith.index_cast %get3A_411 : i32 to index
      %get3A_413 = arith.index_cast %add3A_410 : i32 to index
      %get3A_414 = arith.constant 0 : index
      %get3A_415 = tpu.vector_load %arg6[%get3A_412, %get3A_413, %get3A_414] {strides = array<i32>} : memref<2x128x128xf32, #tpu.memory_space<vmem>>, vector<16xf32>,
      %add3A_416 = arith.constant 640 : i32
      %add3A_417 = arith.addi %add3A_416, %add3A_410 : i32
      %add3A_418 = vector.broadcast %add3A_417 : i32 to vector<16xi32>
      %add3A_419 = arith.addi %mul3A_3, %add3A_418 : vector<16xi32>
      tpu.vector_store_idx %arg7[%add3A_419], %get3A_415 : memref<20480xf32, #tpu.memory_space<vmem>>[vector<16xi32>], vector<16xf32>,
    }
    %scan3A_192 = arith.constant 16 : i32
    %dma_start3A_193 = arith.constant 7 : i32
    %dma_start3A_194 = arith.constant 1 : i32
    %dma_start3A_195 = arith.constant 0 : i32
    %dma_start3A_196 = arith.constant 0 : i32
    %dma_start3A_197 = tpu.memref_slice %arg6[%dma_start3A_194, %dma_start3A_195, %dma_start3A_196] : memref<2x128x128xf32, #tpu.memory_space<vmem>> -> memref<1x128x128xf32, #tpu.memory_space<vmem>>
    %dma_start3A_198 = tpu.memref_squeeze %dma_start3A_197 : memref<1x128x128xf32, #tpu.memory_space<vmem>> -> memref<128x128xf32, #tpu.memory_space<vmem>>
    %dma_start3A_199 = arith.constant 0 : i32
    %dma_start3A_200 = tpu.memref_slice %arg5[%dma_start3A_193, %dma_start3A_199] : memref<10x128xi32, #tpu.memory_space<vmem>> -> memref<1x128xi32, #tpu.memory_space<vmem>>
    %dma_start3A_201 = tpu.memref_squeeze %dma_start3A_200 : memref<1x128xi32, #tpu.memory_space<vmem>> -> memref<128xi32, #tpu.memory_space<vmem>>
    %dma_start3A_202 = arith.constant 0 : i32
    %dma_start3A_203 = arith.constant 0 : i32
    %dma_start3A_204 = tpu.memref_slice %arg2[%dma_start3A_202, %dma_start3A_203] : memref<80000x128xf32, #tpu.memory_space<hbm>> -> memref<80000x128xf32, #tpu.memory_space<hbm>>
    tpu.enqueue_indirect_dma source(%dma_start3A_204 : memref<80000x128xf32, #tpu.memory_space<hbm>>) target(%dma_start3A_198 : memref<128x128xf32, #tpu.memory_space<vmem>>) offsets(%dma_start3A_201 : memref<128xi32, #tpu.memory_space<vmem>>) semaphore(%arg8 : memref<!tpu.dma_semaphore, #tpu.memory_space<semaphore_mem>>)
    %dma_wait3A_205 = arith.constant 6 : i32
    %dma_wait3A_206 = arith.constant 0 : i32
    %dma_wait3A_207 = arith.constant 0 : i32
    %dma_wait3A_208 = arith.constant 0 : i32
    %dma_wait3A_209 = tpu.memref_slice %arg6[%dma_wait3A_206, %dma_wait3A_207, %dma_wait3A_208] : memref<2x128x128xf32, #tpu.memory_space<vmem>> -> memref<1x128x128xf32, #tpu.memory_space<vmem>>
    %dma_wait3A_210 = tpu.memref_squeeze %dma_wait3A_209 : memref<1x128x128xf32, #tpu.memory_space<vmem>> -> memref<128x128xf32, #tpu.memory_space<vmem>>
    %dma_wait3A_211 = arith.constant 0 : i32
    %dma_wait3A_212 = tpu.memref_slice %arg5[%dma_wait3A_205, %dma_wait3A_211] : memref<10x128xi32, #tpu.memory_space<vmem>> -> memref<1x128xi32, #tpu.memory_space<vmem>>
    %dma_wait3A_213 = tpu.memref_squeeze %dma_wait3A_212 : memref<1x128xi32, #tpu.memory_space<vmem>> -> memref<128xi32, #tpu.memory_space<vmem>>
    %dma_wait3A_214 = arith.constant 0 : i32
    %dma_wait3A_215 = arith.constant 0 : i32
    %dma_wait3A_216 = tpu.memref_slice %arg2[%dma_wait3A_214, %dma_wait3A_215] : memref<80000x128xf32, #tpu.memory_space<hbm>> -> memref<80000x128xf32, #tpu.memory_space<hbm>>
    tpu.wait_indirect_dma semaphore(%arg8 : memref<!tpu.dma_semaphore, #tpu.memory_space<semaphore_mem>>) src(%dma_wait3A_216 : memref<80000x128xf32, #tpu.memory_space<hbm>>) dst(%dma_wait3A_210 : memref<128x128xf32, #tpu.memory_space<vmem>>)
    %scan3A_217 = arith.constant 0 : i32
    %scan3A_218 = arith.constant 0 : i32
    %scan3A_219 = arith.constant 16 : i32
    %scan3A_220 = arith.addi %scan3A_218, %scan3A_219 : i32
    %scan3A_221 = arith.constant 1 : i32
    scf.for %scan3A_316 = %scan3A_218 to %scan3A_220 step %scan3A_221  : i32 {
      %mul3A_317 = arith.constant 8 : i32
      %mul3A_318 = arith.muli %scan3A_316, %mul3A_317 : i32
      %add3A_319 = arith.constant 0 : i32
      %add3A_320 = arith.addi %mul3A_318, %add3A_319 : i32
      %get3A = arith.constant 0 : i32
      %get3A_321 = arith.index_cast %get3A : i32 to index
      %get3A_322 = arith.index_cast %add3A_320 : i32 to index
      %get3A_323 = arith.constant 0 : index
      %get3A_324 = tpu.vector_load %arg6[%get3A_321, %get3A_322, %get3A_323] {strides = array<i32>} : memref<2x128x128xf32, #tpu.memory_space<vmem>>, vector<16xf32>,
      %add3A_325 = arith.constant 768 : i32
      %add3A_326 = arith.addi %add3A_325, %add3A_320 : i32
      %add3A_327 = vector.broadcast %add3A_326 : i32 to vector<16xi32>
      %add3A_328 = arith.addi %mul3A_3, %add3A_327 : vector<16xi32>
      tpu.vector_store_idx %arg7[%add3A_328], %get3A_324 : memref<20480xf32, #tpu.memory_space<vmem>>[vector<16xi32>], vector<16xf32>,
      %mul3A_329 = arith.constant 8 : i32
      %mul3A_330 = arith.muli %scan3A_316, %mul3A_329 : i32
      %add3A_331 = arith.constant 1 : i32
      %add3A_332 = arith.addi %mul3A_330, %add3A_331 : i32
      %get3A_333 = arith.constant 0 : i32
      %get3A_334 = arith.index_cast %get3A_333 : i32 to index
      %get3A_335 = arith.index_cast %add3A_332 : i32 to index
      %get3A_336 = arith.constant 0 : index
      %get3A_337 = tpu.vector_load %arg6[%get3A_334, %get3A_335, %get3A_336] {strides = array<i32>} : memref<2x128x128xf32, #tpu.memory_space<vmem>>, vector<16xf32>,
      %add3A_338 = arith.constant 768 : i32
      %add3A_339 = arith.addi %add3A_338, %add3A_332 : i32
      %add3A_340 = vector.broadcast %add3A_339 : i32 to vector<16xi32>
      %add3A_341 = arith.addi %mul3A_3, %add3A_340 : vector<16xi32>
      tpu.vector_store_idx %arg7[%add3A_341], %get3A_337 : memref<20480xf32, #tpu.memory_space<vmem>>[vector<16xi32>], vector<16xf32>,
      %mul3A_342 = arith.constant 8 : i32
      %mul3A_343 = arith.muli %scan3A_316, %mul3A_342 : i32
      %add3A_344 = arith.constant 2 : i32
      %add3A_345 = arith.addi %mul3A_343, %add3A_344 : i32
      %get3A_346 = arith.constant 0 : i32
      %get3A_347 = arith.index_cast %get3A_346 : i32 to index
      %get3A_348 = arith.index_cast %add3A_345 : i32 to index
      %get3A_349 = arith.constant 0 : index
      %get3A_350 = tpu.vector_load %arg6[%get3A_347, %get3A_348, %get3A_349] {strides = array<i32>} : memref<2x128x128xf32, #tpu.memory_space<vmem>>, vector<16xf32>,
      %add3A_351 = arith.constant 768 : i32
      %add3A_352 = arith.addi %add3A_351, %add3A_345 : i32
      %add3A_353 = vector.broadcast %add3A_352 : i32 to vector<16xi32>
      %add3A_354 = arith.addi %mul3A_3, %add3A_353 : vector<16xi32>
      tpu.vector_store_idx %arg7[%add3A_354], %get3A_350 : memref<20480xf32, #tpu.memory_space<vmem>>[vector<16xi32>], vector<16xf32>,
      %mul3A_355 = arith.constant 8 : i32
      %mul3A_356 = arith.muli %scan3A_316, %mul3A_355 : i32
      %add3A_357 = arith.constant 3 : i32
      %add3A_358 = arith.addi %mul3A_356, %add3A_357 : i32
      %get3A_359 = arith.constant 0 : i32
      %get3A_360 = arith.index_cast %get3A_359 : i32 to index
      %get3A_361 = arith.index_cast %add3A_358 : i32 to index
      %get3A_362 = arith.constant 0 : index
      %get3A_363 = tpu.vector_load %arg6[%get3A_360, %get3A_361, %get3A_362] {strides = array<i32>} : memref<2x128x128xf32, #tpu.memory_space<vmem>>, vector<16xf32>,
      %add3A_364 = arith.constant 768 : i32
      %add3A_365 = arith.addi %add3A_364, %add3A_358 : i32
      %add3A_366 = vector.broadcast %add3A_365 : i32 to vector<16xi32>
      %add3A_367 = arith.addi %mul3A_3, %add3A_366 : vector<16xi32>
      tpu.vector_store_idx %arg7[%add3A_367], %get3A_363 : memref<20480xf32, #tpu.memory_space<vmem>>[vector<16xi32>], vector<16xf32>,
      %mul3A_368 = arith.constant 8 : i32
      %mul3A_369 = arith.muli %scan3A_316, %mul3A_368 : i32
      %add3A_370 = arith.constant 4 : i32
      %add3A_371 = arith.addi %mul3A_369, %add3A_370 : i32
      %get3A_372 = arith.constant 0 : i32
      %get3A_373 = arith.index_cast %get3A_372 : i32 to index
      %get3A_374 = arith.index_cast %add3A_371 : i32 to index
      %get3A_375 = arith.constant 0 : index
      %get3A_376 = tpu.vector_load %arg6[%get3A_373, %get3A_374, %get3A_375] {strides = array<i32>} : memref<2x128x128xf32, #tpu.memory_space<vmem>>, vector<16xf32>,
      %add3A_377 = arith.constant 768 : i32
      %add3A_378 = arith.addi %add3A_377, %add3A_371 : i32
      %add3A_379 = vector.broadcast %add3A_378 : i32 to vector<16xi32>
      %add3A_380 = arith.addi %mul3A_3, %add3A_379 : vector<16xi32>
      tpu.vector_store_idx %arg7[%add3A_380], %get3A_376 : memref<20480xf32, #tpu.memory_space<vmem>>[vector<16xi32>], vector<16xf32>,
      %mul3A_381 = arith.constant 8 : i32
      %mul3A_382 = arith.muli %scan3A_316, %mul3A_381 : i32
      %add3A_383 = arith.constant 5 : i32
      %add3A_384 = arith.addi %mul3A_382, %add3A_383 : i32
      %get3A_385 = arith.constant 0 : i32
      %get3A_386 = arith.index_cast %get3A_385 : i32 to index
      %get3A_387 = arith.index_cast %add3A_384 : i32 to index
      %get3A_388 = arith.constant 0 : index
      %get3A_389 = tpu.vector_load %arg6[%get3A_386, %get3A_387, %get3A_388] {strides = array<i32>} : memref<2x128x128xf32, #tpu.memory_space<vmem>>, vector<16xf32>,
      %add3A_390 = arith.constant 768 : i32
      %add3A_391 = arith.addi %add3A_390, %add3A_384 : i32
      %add3A_392 = vector.broadcast %add3A_391 : i32 to vector<16xi32>
      %add3A_393 = arith.addi %mul3A_3, %add3A_392 : vector<16xi32>
      tpu.vector_store_idx %arg7[%add3A_393], %get3A_389 : memref<20480xf32, #tpu.memory_space<vmem>>[vector<16xi32>], vector<16xf32>,
      %mul3A_394 = arith.constant 8 : i32
      %mul3A_395 = arith.muli %scan3A_316, %mul3A_394 : i32
      %add3A_396 = arith.constant 6 : i32
      %add3A_397 = arith.addi %mul3A_395, %add3A_396 : i32
      %get3A_398 = arith.constant 0 : i32
      %get3A_399 = arith.index_cast %get3A_398 : i32 to index
      %get3A_400 = arith.index_cast %add3A_397 : i32 to index
      %get3A_401 = arith.constant 0 : index
      %get3A_402 = tpu.vector_load %arg6[%get3A_399, %get3A_400, %get3A_401] {strides = array<i32>} : memref<2x128x128xf32, #tpu.memory_space<vmem>>, vector<16xf32>,
      %add3A_403 = arith.constant 768 : i32
      %add3A_404 = arith.addi %add3A_403, %add3A_397 : i32
      %add3A_405 = vector.broadcast %add3A_404 : i32 to vector<16xi32>
      %add3A_406 = arith.addi %mul3A_3, %add3A_405 : vector<16xi32>
      tpu.vector_store_idx %arg7[%add3A_406], %get3A_402 : memref<20480xf32, #tpu.memory_space<vmem>>[vector<16xi32>], vector<16xf32>,
      %mul3A_407 = arith.constant 8 : i32
      %mul3A_408 = arith.muli %scan3A_316, %mul3A_407 : i32
      %add3A_409 = arith.constant 7 : i32
      %add3A_410 = arith.addi %mul3A_408, %add3A_409 : i32
      %get3A_411 = arith.constant 0 : i32
      %get3A_412 = arith.index_cast %get3A_411 : i32 to index
      %get3A_413 = arith.index_cast %add3A_410 : i32 to index
      %get3A_414 = arith.constant 0 : index
      %get3A_415 = tpu.vector_load %arg6[%get3A_412, %get3A_413, %get3A_414] {strides = array<i32>} : memref<2x128x128xf32, #tpu.memory_space<vmem>>, vector<16xf32>,
      %add3A_416 = arith.constant 768 : i32
      %add3A_417 = arith.addi %add3A_416, %add3A_410 : i32
      %add3A_418 = vector.broadcast %add3A_417 : i32 to vector<16xi32>
      %add3A_419 = arith.addi %mul3A_3, %add3A_418 : vector<16xi32>
      tpu.vector_store_idx %arg7[%add3A_419], %get3A_415 : memref<20480xf32, #tpu.memory_space<vmem>>[vector<16xi32>], vector<16xf32>,
    }
    %scan3A_222 = arith.constant 16 : i32
    %dma_start3A_223 = arith.constant 8 : i32
    %dma_start3A_224 = arith.constant 0 : i32
    %dma_start3A_225 = arith.constant 0 : i32
    %dma_start3A_226 = arith.constant 0 : i32
    %dma_start3A_227 = tpu.memref_slice %arg6[%dma_start3A_224, %dma_start3A_225, %dma_start3A_226] : memref<2x128x128xf32, #tpu.memory_space<vmem>> -> memref<1x128x128xf32, #tpu.memory_space<vmem>>
    %dma_start3A_228 = tpu.memref_squeeze %dma_start3A_227 : memref<1x128x128xf32, #tpu.memory_space<vmem>> -> memref<128x128xf32, #tpu.memory_space<vmem>>
    %dma_start3A_229 = arith.constant 0 : i32
    %dma_start3A_230 = tpu.memref_slice %arg5[%dma_start3A_223, %dma_start3A_229] : memref<10x128xi32, #tpu.memory_space<vmem>> -> memref<1x128xi32, #tpu.memory_space<vmem>>
    %dma_start3A_231 = tpu.memref_squeeze %dma_start3A_230 : memref<1x128xi32, #tpu.memory_space<vmem>> -> memref<128xi32, #tpu.memory_space<vmem>>
    %dma_start3A_232 = arith.constant 0 : i32
    %dma_start3A_233 = arith.constant 0 : i32
    %dma_start3A_234 = tpu.memref_slice %arg2[%dma_start3A_232, %dma_start3A_233] : memref<80000x128xf32, #tpu.memory_space<hbm>> -> memref<80000x128xf32, #tpu.memory_space<hbm>>
    tpu.enqueue_indirect_dma source(%dma_start3A_234 : memref<80000x128xf32, #tpu.memory_space<hbm>>) target(%dma_start3A_228 : memref<128x128xf32, #tpu.memory_space<vmem>>) offsets(%dma_start3A_231 : memref<128xi32, #tpu.memory_space<vmem>>) semaphore(%arg8 : memref<!tpu.dma_semaphore, #tpu.memory_space<semaphore_mem>>)
    %dma_wait3A_235 = arith.constant 7 : i32
    %dma_wait3A_236 = arith.constant 1 : i32
    %dma_wait3A_237 = arith.constant 0 : i32
    %dma_wait3A_238 = arith.constant 0 : i32
    %dma_wait3A_239 = tpu.memref_slice %arg6[%dma_wait3A_236, %dma_wait3A_237, %dma_wait3A_238] : memref<2x128x128xf32, #tpu.memory_space<vmem>> -> memref<1x128x128xf32, #tpu.memory_space<vmem>>
    %dma_wait3A_240 = tpu.memref_squeeze %dma_wait3A_239 : memref<1x128x128xf32, #tpu.memory_space<vmem>> -> memref<128x128xf32, #tpu.memory_space<vmem>>
    %dma_wait3A_241 = arith.constant 0 : i32
    %dma_wait3A_242 = tpu.memref_slice %arg5[%dma_wait3A_235, %dma_wait3A_241] : memref<10x128xi32, #tpu.memory_space<vmem>> -> memref<1x128xi32, #tpu.memory_space<vmem>>
    %dma_wait3A_243 = tpu.memref_squeeze %dma_wait3A_242 : memref<1x128xi32, #tpu.memory_space<vmem>> -> memref<128xi32, #tpu.memory_space<vmem>>
    %dma_wait3A_244 = arith.constant 0 : i32
    %dma_wait3A_245 = arith.constant 0 : i32
    %dma_wait3A_246 = tpu.memref_slice %arg2[%dma_wait3A_244, %dma_wait3A_245] : memref<80000x128xf32, #tpu.memory_space<hbm>> -> memref<80000x128xf32, #tpu.memory_space<hbm>>
    tpu.wait_indirect_dma semaphore(%arg8 : memref<!tpu.dma_semaphore, #tpu.memory_space<semaphore_mem>>) src(%dma_wait3A_246 : memref<80000x128xf32, #tpu.memory_space<hbm>>) dst(%dma_wait3A_240 : memref<128x128xf32, #tpu.memory_space<vmem>>)
    %scan3A_247 = arith.constant 0 : i32
    %scan3A_248 = arith.constant 0 : i32
    %scan3A_249 = arith.constant 16 : i32
    %scan3A_250 = arith.addi %scan3A_248, %scan3A_249 : i32
    %scan3A_251 = arith.constant 1 : i32
    scf.for %scan3A_316 = %scan3A_248 to %scan3A_250 step %scan3A_251  : i32 {
      %mul3A_317 = arith.constant 8 : i32
      %mul3A_318 = arith.muli %scan3A_316, %mul3A_317 : i32
      %add3A_319 = arith.constant 0 : i32
      %add3A_320 = arith.addi %mul3A_318, %add3A_319 : i32
      %get3A = arith.constant 1 : i32
      %get3A_321 = arith.index_cast %get3A : i32 to index
      %get3A_322 = arith.index_cast %add3A_320 : i32 to index
      %get3A_323 = arith.constant 0 : index
      %get3A_324 = tpu.vector_load %arg6[%get3A_321, %get3A_322, %get3A_323] {strides = array<i32>} : memref<2x128x128xf32, #tpu.memory_space<vmem>>, vector<16xf32>,
      %add3A_325 = arith.constant 896 : i32
      %add3A_326 = arith.addi %add3A_325, %add3A_320 : i32
      %add3A_327 = vector.broadcast %add3A_326 : i32 to vector<16xi32>
      %add3A_328 = arith.addi %mul3A_3, %add3A_327 : vector<16xi32>
      tpu.vector_store_idx %arg7[%add3A_328], %get3A_324 : memref<20480xf32, #tpu.memory_space<vmem>>[vector<16xi32>], vector<16xf32>,
      %mul3A_329 = arith.constant 8 : i32
      %mul3A_330 = arith.muli %scan3A_316, %mul3A_329 : i32
      %add3A_331 = arith.constant 1 : i32
      %add3A_332 = arith.addi %mul3A_330, %add3A_331 : i32
      %get3A_333 = arith.constant 1 : i32
      %get3A_334 = arith.index_cast %get3A_333 : i32 to index
      %get3A_335 = arith.index_cast %add3A_332 : i32 to index
      %get3A_336 = arith.constant 0 : index
      %get3A_337 = tpu.vector_load %arg6[%get3A_334, %get3A_335, %get3A_336] {strides = array<i32>} : memref<2x128x128xf32, #tpu.memory_space<vmem>>, vector<16xf32>,
      %add3A_338 = arith.constant 896 : i32
      %add3A_339 = arith.addi %add3A_338, %add3A_332 : i32
      %add3A_340 = vector.broadcast %add3A_339 : i32 to vector<16xi32>
      %add3A_341 = arith.addi %mul3A_3, %add3A_340 : vector<16xi32>
      tpu.vector_store_idx %arg7[%add3A_341], %get3A_337 : memref<20480xf32, #tpu.memory_space<vmem>>[vector<16xi32>], vector<16xf32>,
      %mul3A_342 = arith.constant 8 : i32
      %mul3A_343 = arith.muli %scan3A_316, %mul3A_342 : i32
      %add3A_344 = arith.constant 2 : i32
      %add3A_345 = arith.addi %mul3A_343, %add3A_344 : i32
      %get3A_346 = arith.constant 1 : i32
      %get3A_347 = arith.index_cast %get3A_346 : i32 to index
      %get3A_348 = arith.index_cast %add3A_345 : i32 to index
      %get3A_349 = arith.constant 0 : index
      %get3A_350 = tpu.vector_load %arg6[%get3A_347, %get3A_348, %get3A_349] {strides = array<i32>} : memref<2x128x128xf32, #tpu.memory_space<vmem>>, vector<16xf32>,
      %add3A_351 = arith.constant 896 : i32
      %add3A_352 = arith.addi %add3A_351, %add3A_345 : i32
      %add3A_353 = vector.broadcast %add3A_352 : i32 to vector<16xi32>
      %add3A_354 = arith.addi %mul3A_3, %add3A_353 : vector<16xi32>
      tpu.vector_store_idx %arg7[%add3A_354], %get3A_350 : memref<20480xf32, #tpu.memory_space<vmem>>[vector<16xi32>], vector<16xf32>,
      %mul3A_355 = arith.constant 8 : i32
      %mul3A_356 = arith.muli %scan3A_316, %mul3A_355 : i32
      %add3A_357 = arith.constant 3 : i32
      %add3A_358 = arith.addi %mul3A_356, %add3A_357 : i32
      %get3A_359 = arith.constant 1 : i32
      %get3A_360 = arith.index_cast %get3A_359 : i32 to index
      %get3A_361 = arith.index_cast %add3A_358 : i32 to index
      %get3A_362 = arith.constant 0 : index
      %get3A_363 = tpu.vector_load %arg6[%get3A_360, %get3A_361, %get3A_362] {strides = array<i32>} : memref<2x128x128xf32, #tpu.memory_space<vmem>>, vector<16xf32>,
      %add3A_364 = arith.constant 896 : i32
      %add3A_365 = arith.addi %add3A_364, %add3A_358 : i32
      %add3A_366 = vector.broadcast %add3A_365 : i32 to vector<16xi32>
      %add3A_367 = arith.addi %mul3A_3, %add3A_366 : vector<16xi32>
      tpu.vector_store_idx %arg7[%add3A_367], %get3A_363 : memref<20480xf32, #tpu.memory_space<vmem>>[vector<16xi32>], vector<16xf32>,
      %mul3A_368 = arith.constant 8 : i32
      %mul3A_369 = arith.muli %scan3A_316, %mul3A_368 : i32
      %add3A_370 = arith.constant 4 : i32
      %add3A_371 = arith.addi %mul3A_369, %add3A_370 : i32
      %get3A_372 = arith.constant 1 : i32
      %get3A_373 = arith.index_cast %get3A_372 : i32 to index
      %get3A_374 = arith.index_cast %add3A_371 : i32 to index
      %get3A_375 = arith.constant 0 : index
      %get3A_376 = tpu.vector_load %arg6[%get3A_373, %get3A_374, %get3A_375] {strides = array<i32>} : memref<2x128x128xf32, #tpu.memory_space<vmem>>, vector<16xf32>,
      %add3A_377 = arith.constant 896 : i32
      %add3A_378 = arith.addi %add3A_377, %add3A_371 : i32
      %add3A_379 = vector.broadcast %add3A_378 : i32 to vector<16xi32>
      %add3A_380 = arith.addi %mul3A_3, %add3A_379 : vector<16xi32>
      tpu.vector_store_idx %arg7[%add3A_380], %get3A_376 : memref<20480xf32, #tpu.memory_space<vmem>>[vector<16xi32>], vector<16xf32>,
      %mul3A_381 = arith.constant 8 : i32
      %mul3A_382 = arith.muli %scan3A_316, %mul3A_381 : i32
      %add3A_383 = arith.constant 5 : i32
      %add3A_384 = arith.addi %mul3A_382, %add3A_383 : i32
      %get3A_385 = arith.constant 1 : i32
      %get3A_386 = arith.index_cast %get3A_385 : i32 to index
      %get3A_387 = arith.index_cast %add3A_384 : i32 to index
      %get3A_388 = arith.constant 0 : index
      %get3A_389 = tpu.vector_load %arg6[%get3A_386, %get3A_387, %get3A_388] {strides = array<i32>} : memref<2x128x128xf32, #tpu.memory_space<vmem>>, vector<16xf32>,
      %add3A_390 = arith.constant 896 : i32
      %add3A_391 = arith.addi %add3A_390, %add3A_384 : i32
      %add3A_392 = vector.broadcast %add3A_391 : i32 to vector<16xi32>
      %add3A_393 = arith.addi %mul3A_3, %add3A_392 : vector<16xi32>
      tpu.vector_store_idx %arg7[%add3A_393], %get3A_389 : memref<20480xf32, #tpu.memory_space<vmem>>[vector<16xi32>], vector<16xf32>,
      %mul3A_394 = arith.constant 8 : i32
      %mul3A_395 = arith.muli %scan3A_316, %mul3A_394 : i32
      %add3A_396 = arith.constant 6 : i32
      %add3A_397 = arith.addi %mul3A_395, %add3A_396 : i32
      %get3A_398 = arith.constant 1 : i32
      %get3A_399 = arith.index_cast %get3A_398 : i32 to index
      %get3A_400 = arith.index_cast %add3A_397 : i32 to index
      %get3A_401 = arith.constant 0 : index
      %get3A_402 = tpu.vector_load %arg6[%get3A_399, %get3A_400, %get3A_401] {strides = array<i32>} : memref<2x128x128xf32, #tpu.memory_space<vmem>>, vector<16xf32>,
      %add3A_403 = arith.constant 896 : i32
      %add3A_404 = arith.addi %add3A_403, %add3A_397 : i32
      %add3A_405 = vector.broadcast %add3A_404 : i32 to vector<16xi32>
      %add3A_406 = arith.addi %mul3A_3, %add3A_405 : vector<16xi32>
      tpu.vector_store_idx %arg7[%add3A_406], %get3A_402 : memref<20480xf32, #tpu.memory_space<vmem>>[vector<16xi32>], vector<16xf32>,
      %mul3A_407 = arith.constant 8 : i32
      %mul3A_408 = arith.muli %scan3A_316, %mul3A_407 : i32
      %add3A_409 = arith.constant 7 : i32
      %add3A_410 = arith.addi %mul3A_408, %add3A_409 : i32
      %get3A_411 = arith.constant 1 : i32
      %get3A_412 = arith.index_cast %get3A_411 : i32 to index
      %get3A_413 = arith.index_cast %add3A_410 : i32 to index
      %get3A_414 = arith.constant 0 : index
      %get3A_415 = tpu.vector_load %arg6[%get3A_412, %get3A_413, %get3A_414] {strides = array<i32>} : memref<2x128x128xf32, #tpu.memory_space<vmem>>, vector<16xf32>,
      %add3A_416 = arith.constant 896 : i32
      %add3A_417 = arith.addi %add3A_416, %add3A_410 : i32
      %add3A_418 = vector.broadcast %add3A_417 : i32 to vector<16xi32>
      %add3A_419 = arith.addi %mul3A_3, %add3A_418 : vector<16xi32>
      tpu.vector_store_idx %arg7[%add3A_419], %get3A_415 : memref<20480xf32, #tpu.memory_space<vmem>>[vector<16xi32>], vector<16xf32>,
    }
    %scan3A_252 = arith.constant 16 : i32
    %dma_start3A_253 = arith.constant 9 : i32
    %dma_start3A_254 = arith.constant 1 : i32
    %dma_start3A_255 = arith.constant 0 : i32
    %dma_start3A_256 = arith.constant 0 : i32
    %dma_start3A_257 = tpu.memref_slice %arg6[%dma_start3A_254, %dma_start3A_255, %dma_start3A_256] : memref<2x128x128xf32, #tpu.memory_space<vmem>> -> memref<1x128x128xf32, #tpu.memory_space<vmem>>
    %dma_start3A_258 = tpu.memref_squeeze %dma_start3A_257 : memref<1x128x128xf32, #tpu.memory_space<vmem>> -> memref<128x128xf32, #tpu.memory_space<vmem>>
    %dma_start3A_259 = arith.constant 0 : i32
    %dma_start3A_260 = tpu.memref_slice %arg5[%dma_start3A_253, %dma_start3A_259] : memref<10x128xi32, #tpu.memory_space<vmem>> -> memref<1x128xi32, #tpu.memory_space<vmem>>
    %dma_start3A_261 = tpu.memref_squeeze %dma_start3A_260 : memref<1x128xi32, #tpu.memory_space<vmem>> -> memref<128xi32, #tpu.memory_space<vmem>>
    %dma_start3A_262 = arith.constant 0 : i32
    %dma_start3A_263 = arith.constant 0 : i32
    %dma_start3A_264 = tpu.memref_slice %arg2[%dma_start3A_262, %dma_start3A_263] : memref<80000x128xf32, #tpu.memory_space<hbm>> -> memref<80000x128xf32, #tpu.memory_space<hbm>>
    tpu.enqueue_indirect_dma source(%dma_start3A_264 : memref<80000x128xf32, #tpu.memory_space<hbm>>) target(%dma_start3A_258 : memref<128x128xf32, #tpu.memory_space<vmem>>) offsets(%dma_start3A_261 : memref<128xi32, #tpu.memory_space<vmem>>) semaphore(%arg8 : memref<!tpu.dma_semaphore, #tpu.memory_space<semaphore_mem>>)
    %dma_wait3A_265 = arith.constant 8 : i32
    %dma_wait3A_266 = arith.constant 0 : i32
    %dma_wait3A_267 = arith.constant 0 : i32
    %dma_wait3A_268 = arith.constant 0 : i32
    %dma_wait3A_269 = tpu.memref_slice %arg6[%dma_wait3A_266, %dma_wait3A_267, %dma_wait3A_268] : memref<2x128x128xf32, #tpu.memory_space<vmem>> -> memref<1x128x128xf32, #tpu.memory_space<vmem>>
    %dma_wait3A_270 = tpu.memref_squeeze %dma_wait3A_269 : memref<1x128x128xf32, #tpu.memory_space<vmem>> -> memref<128x128xf32, #tpu.memory_space<vmem>>
    %dma_wait3A_271 = arith.constant 0 : i32
    %dma_wait3A_272 = tpu.memref_slice %arg5[%dma_wait3A_265, %dma_wait3A_271] : memref<10x128xi32, #tpu.memory_space<vmem>> -> memref<1x128xi32, #tpu.memory_space<vmem>>
    %dma_wait3A_273 = tpu.memref_squeeze %dma_wait3A_272 : memref<1x128xi32, #tpu.memory_space<vmem>> -> memref<128xi32, #tpu.memory_space<vmem>>
    %dma_wait3A_274 = arith.constant 0 : i32
    %dma_wait3A_275 = arith.constant 0 : i32
    %dma_wait3A_276 = tpu.memref_slice %arg2[%dma_wait3A_274, %dma_wait3A_275] : memref<80000x128xf32, #tpu.memory_space<hbm>> -> memref<80000x128xf32, #tpu.memory_space<hbm>>
    tpu.wait_indirect_dma semaphore(%arg8 : memref<!tpu.dma_semaphore, #tpu.memory_space<semaphore_mem>>) src(%dma_wait3A_276 : memref<80000x128xf32, #tpu.memory_space<hbm>>) dst(%dma_wait3A_270 : memref<128x128xf32, #tpu.memory_space<vmem>>)
    %scan3A_277 = arith.constant 0 : i32
    %scan3A_278 = arith.constant 0 : i32
    %scan3A_279 = arith.constant 16 : i32
    %scan3A_280 = arith.addi %scan3A_278, %scan3A_279 : i32
    %scan3A_281 = arith.constant 1 : i32
    scf.for %scan3A_316 = %scan3A_278 to %scan3A_280 step %scan3A_281  : i32 {
      %mul3A_317 = arith.constant 8 : i32
      %mul3A_318 = arith.muli %scan3A_316, %mul3A_317 : i32
      %add3A_319 = arith.constant 0 : i32
      %add3A_320 = arith.addi %mul3A_318, %add3A_319 : i32
      %get3A = arith.constant 0 : i32
      %get3A_321 = arith.index_cast %get3A : i32 to index
      %get3A_322 = arith.index_cast %add3A_320 : i32 to index
      %get3A_323 = arith.constant 0 : index
      %get3A_324 = tpu.vector_load %arg6[%get3A_321, %get3A_322, %get3A_323] {strides = array<i32>} : memref<2x128x128xf32, #tpu.memory_space<vmem>>, vector<16xf32>,
      %add3A_325 = arith.constant 1024 : i32
      %add3A_326 = arith.addi %add3A_325, %add3A_320 : i32
      %add3A_327 = vector.broadcast %add3A_326 : i32 to vector<16xi32>
      %add3A_328 = arith.addi %mul3A_3, %add3A_327 : vector<16xi32>
      tpu.vector_store_idx %arg7[%add3A_328], %get3A_324 : memref<20480xf32, #tpu.memory_space<vmem>>[vector<16xi32>], vector<16xf32>,
      %mul3A_329 = arith.constant 8 : i32
      %mul3A_330 = arith.muli %scan3A_316, %mul3A_329 : i32
      %add3A_331 = arith.constant 1 : i32
      %add3A_332 = arith.addi %mul3A_330, %add3A_331 : i32
      %get3A_333 = arith.constant 0 : i32
      %get3A_334 = arith.index_cast %get3A_333 : i32 to index
      %get3A_335 = arith.index_cast %add3A_332 : i32 to index
      %get3A_336 = arith.constant 0 : index
      %get3A_337 = tpu.vector_load %arg6[%get3A_334, %get3A_335, %get3A_336] {strides = array<i32>} : memref<2x128x128xf32, #tpu.memory_space<vmem>>, vector<16xf32>,
      %add3A_338 = arith.constant 1024 : i32
      %add3A_339 = arith.addi %add3A_338, %add3A_332 : i32
      %add3A_340 = vector.broadcast %add3A_339 : i32 to vector<16xi32>
      %add3A_341 = arith.addi %mul3A_3, %add3A_340 : vector<16xi32>
      tpu.vector_store_idx %arg7[%add3A_341], %get3A_337 : memref<20480xf32, #tpu.memory_space<vmem>>[vector<16xi32>], vector<16xf32>,
      %mul3A_342 = arith.constant 8 : i32
      %mul3A_343 = arith.muli %scan3A_316, %mul3A_342 : i32
      %add3A_344 = arith.constant 2 : i32
      %add3A_345 = arith.addi %mul3A_343, %add3A_344 : i32
      %get3A_346 = arith.constant 0 : i32
      %get3A_347 = arith.index_cast %get3A_346 : i32 to index
      %get3A_348 = arith.index_cast %add3A_345 : i32 to index
      %get3A_349 = arith.constant 0 : index
      %get3A_350 = tpu.vector_load %arg6[%get3A_347, %get3A_348, %get3A_349] {strides = array<i32>} : memref<2x128x128xf32, #tpu.memory_space<vmem>>, vector<16xf32>,
      %add3A_351 = arith.constant 1024 : i32
      %add3A_352 = arith.addi %add3A_351, %add3A_345 : i32
      %add3A_353 = vector.broadcast %add3A_352 : i32 to vector<16xi32>
      %add3A_354 = arith.addi %mul3A_3, %add3A_353 : vector<16xi32>
      tpu.vector_store_idx %arg7[%add3A_354], %get3A_350 : memref<20480xf32, #tpu.memory_space<vmem>>[vector<16xi32>], vector<16xf32>,
      %mul3A_355 = arith.constant 8 : i32
      %mul3A_356 = arith.muli %scan3A_316, %mul3A_355 : i32
      %add3A_357 = arith.constant 3 : i32
      %add3A_358 = arith.addi %mul3A_356, %add3A_357 : i32
      %get3A_359 = arith.constant 0 : i32
      %get3A_360 = arith.index_cast %get3A_359 : i32 to index
      %get3A_361 = arith.index_cast %add3A_358 : i32 to index
      %get3A_362 = arith.constant 0 : index
      %get3A_363 = tpu.vector_load %arg6[%get3A_360, %get3A_361, %get3A_362] {strides = array<i32>} : memref<2x128x128xf32, #tpu.memory_space<vmem>>, vector<16xf32>,
      %add3A_364 = arith.constant 1024 : i32
      %add3A_365 = arith.addi %add3A_364, %add3A_358 : i32
      %add3A_366 = vector.broadcast %add3A_365 : i32 to vector<16xi32>
      %add3A_367 = arith.addi %mul3A_3, %add3A_366 : vector<16xi32>
      tpu.vector_store_idx %arg7[%add3A_367], %get3A_363 : memref<20480xf32, #tpu.memory_space<vmem>>[vector<16xi32>], vector<16xf32>,
      %mul3A_368 = arith.constant 8 : i32
      %mul3A_369 = arith.muli %scan3A_316, %mul3A_368 : i32
      %add3A_370 = arith.constant 4 : i32
      %add3A_371 = arith.addi %mul3A_369, %add3A_370 : i32
      %get3A_372 = arith.constant 0 : i32
      %get3A_373 = arith.index_cast %get3A_372 : i32 to index
      %get3A_374 = arith.index_cast %add3A_371 : i32 to index
      %get3A_375 = arith.constant 0 : index
      %get3A_376 = tpu.vector_load %arg6[%get3A_373, %get3A_374, %get3A_375] {strides = array<i32>} : memref<2x128x128xf32, #tpu.memory_space<vmem>>, vector<16xf32>,
      %add3A_377 = arith.constant 1024 : i32
      %add3A_378 = arith.addi %add3A_377, %add3A_371 : i32
      %add3A_379 = vector.broadcast %add3A_378 : i32 to vector<16xi32>
      %add3A_380 = arith.addi %mul3A_3, %add3A_379 : vector<16xi32>
      tpu.vector_store_idx %arg7[%add3A_380], %get3A_376 : memref<20480xf32, #tpu.memory_space<vmem>>[vector<16xi32>], vector<16xf32>,
      %mul3A_381 = arith.constant 8 : i32
      %mul3A_382 = arith.muli %scan3A_316, %mul3A_381 : i32
      %add3A_383 = arith.constant 5 : i32
      %add3A_384 = arith.addi %mul3A_382, %add3A_383 : i32
      %get3A_385 = arith.constant 0 : i32
      %get3A_386 = arith.index_cast %get3A_385 : i32 to index
      %get3A_387 = arith.index_cast %add3A_384 : i32 to index
      %get3A_388 = arith.constant 0 : index
      %get3A_389 = tpu.vector_load %arg6[%get3A_386, %get3A_387, %get3A_388] {strides = array<i32>} : memref<2x128x128xf32, #tpu.memory_space<vmem>>, vector<16xf32>,
      %add3A_390 = arith.constant 1024 : i32
      %add3A_391 = arith.addi %add3A_390, %add3A_384 : i32
      %add3A_392 = vector.broadcast %add3A_391 : i32 to vector<16xi32>
      %add3A_393 = arith.addi %mul3A_3, %add3A_392 : vector<16xi32>
      tpu.vector_store_idx %arg7[%add3A_393], %get3A_389 : memref<20480xf32, #tpu.memory_space<vmem>>[vector<16xi32>], vector<16xf32>,
      %mul3A_394 = arith.constant 8 : i32
      %mul3A_395 = arith.muli %scan3A_316, %mul3A_394 : i32
      %add3A_396 = arith.constant 6 : i32
      %add3A_397 = arith.addi %mul3A_395, %add3A_396 : i32
      %get3A_398 = arith.constant 0 : i32
      %get3A_399 = arith.index_cast %get3A_398 : i32 to index
      %get3A_400 = arith.index_cast %add3A_397 : i32 to index
      %get3A_401 = arith.constant 0 : index
      %get3A_402 = tpu.vector_load %arg6[%get3A_399, %get3A_400, %get3A_401] {strides = array<i32>} : memref<2x128x128xf32, #tpu.memory_space<vmem>>, vector<16xf32>,
      %add3A_403 = arith.constant 1024 : i32
      %add3A_404 = arith.addi %add3A_403, %add3A_397 : i32
      %add3A_405 = vector.broadcast %add3A_404 : i32 to vector<16xi32>
      %add3A_406 = arith.addi %mul3A_3, %add3A_405 : vector<16xi32>
      tpu.vector_store_idx %arg7[%add3A_406], %get3A_402 : memref<20480xf32, #tpu.memory_space<vmem>>[vector<16xi32>], vector<16xf32>,
      %mul3A_407 = arith.constant 8 : i32
      %mul3A_408 = arith.muli %scan3A_316, %mul3A_407 : i32
      %add3A_409 = arith.constant 7 : i32
      %add3A_410 = arith.addi %mul3A_408, %add3A_409 : i32
      %get3A_411 = arith.constant 0 : i32
      %get3A_412 = arith.index_cast %get3A_411 : i32 to index
      %get3A_413 = arith.index_cast %add3A_410 : i32 to index
      %get3A_414 = arith.constant 0 : index
      %get3A_415 = tpu.vector_load %arg6[%get3A_412, %get3A_413, %get3A_414] {strides = array<i32>} : memref<2x128x128xf32, #tpu.memory_space<vmem>>, vector<16xf32>,
      %add3A_416 = arith.constant 1024 : i32
      %add3A_417 = arith.addi %add3A_416, %add3A_410 : i32
      %add3A_418 = vector.broadcast %add3A_417 : i32 to vector<16xi32>
      %add3A_419 = arith.addi %mul3A_3, %add3A_418 : vector<16xi32>
      tpu.vector_store_idx %arg7[%add3A_419], %get3A_415 : memref<20480xf32, #tpu.memory_space<vmem>>[vector<16xi32>], vector<16xf32>,
    }
    %scan3A_282 = arith.constant 16 : i32
    %dma_wait3A_283 = arith.constant 9 : i32
    %dma_wait3A_284 = arith.constant 1 : i32
    %dma_wait3A_285 = arith.constant 0 : i32
    %dma_wait3A_286 = arith.constant 0 : i32
    %dma_wait3A_287 = tpu.memref_slice %arg6[%dma_wait3A_284, %dma_wait3A_285, %dma_wait3A_286] : memref<2x128x128xf32, #tpu.memory_space<vmem>> -> memref<1x128x128xf32, #tpu.memory_space<vmem>>
    %dma_wait3A_288 = tpu.memref_squeeze %dma_wait3A_287 : memref<1x128x128xf32, #tpu.memory_space<vmem>> -> memref<128x128xf32, #tpu.memory_space<vmem>>
    %dma_wait3A_289 = arith.constant 0 : i32
    %dma_wait3A_290 = tpu.memref_slice %arg5[%dma_wait3A_283, %dma_wait3A_289] : memref<10x128xi32, #tpu.memory_space<vmem>> -> memref<1x128xi32, #tpu.memory_space<vmem>>
    %dma_wait3A_291 = tpu.memref_squeeze %dma_wait3A_290 : memref<1x128xi32, #tpu.memory_space<vmem>> -> memref<128xi32, #tpu.memory_space<vmem>>
    %dma_wait3A_292 = arith.constant 0 : i32
    %dma_wait3A_293 = arith.constant 0 : i32
    %dma_wait3A_294 = tpu.memref_slice %arg2[%dma_wait3A_292, %dma_wait3A_293] : memref<80000x128xf32, #tpu.memory_space<hbm>> -> memref<80000x128xf32, #tpu.memory_space<hbm>>
    tpu.wait_indirect_dma semaphore(%arg8 : memref<!tpu.dma_semaphore, #tpu.memory_space<semaphore_mem>>) src(%dma_wait3A_294 : memref<80000x128xf32, #tpu.memory_space<hbm>>) dst(%dma_wait3A_288 : memref<128x128xf32, #tpu.memory_space<vmem>>)
    %scan3A_295 = arith.constant 0 : i32
    %scan3A_296 = arith.constant 0 : i32
    %scan3A_297 = arith.constant 16 : i32
    %scan3A_298 = arith.addi %scan3A_296, %scan3A_297 : i32
    %scan3A_299 = arith.constant 1 : i32
    scf.for %scan3A_316 = %scan3A_296 to %scan3A_298 step %scan3A_299  : i32 {
      %mul3A_317 = arith.constant 8 : i32
      %mul3A_318 = arith.muli %scan3A_316, %mul3A_317 : i32
      %add3A_319 = arith.constant 0 : i32
      %add3A_320 = arith.addi %mul3A_318, %add3A_319 : i32
      %get3A = arith.constant 1 : i32
      %get3A_321 = arith.index_cast %get3A : i32 to index
      %get3A_322 = arith.index_cast %add3A_320 : i32 to index
      %get3A_323 = arith.constant 0 : index
      %get3A_324 = tpu.vector_load %arg6[%get3A_321, %get3A_322, %get3A_323] {strides = array<i32>} : memref<2x128x128xf32, #tpu.memory_space<vmem>>, vector<16xf32>,
      %add3A_325 = arith.constant 1152 : i32
      %add3A_326 = arith.addi %add3A_325, %add3A_320 : i32
      %add3A_327 = vector.broadcast %add3A_326 : i32 to vector<16xi32>
      %add3A_328 = arith.addi %mul3A_3, %add3A_327 : vector<16xi32>
      tpu.vector_store_idx %arg7[%add3A_328], %get3A_324 : memref<20480xf32, #tpu.memory_space<vmem>>[vector<16xi32>], vector<16xf32>,
      %mul3A_329 = arith.constant 8 : i32
      %mul3A_330 = arith.muli %scan3A_316, %mul3A_329 : i32
      %add3A_331 = arith.constant 1 : i32
      %add3A_332 = arith.addi %mul3A_330, %add3A_331 : i32
      %get3A_333 = arith.constant 1 : i32
      %get3A_334 = arith.index_cast %get3A_333 : i32 to index
      %get3A_335 = arith.index_cast %add3A_332 : i32 to index
      %get3A_336 = arith.constant 0 : index
      %get3A_337 = tpu.vector_load %arg6[%get3A_334, %get3A_335, %get3A_336] {strides = array<i32>} : memref<2x128x128xf32, #tpu.memory_space<vmem>>, vector<16xf32>,
      %add3A_338 = arith.constant 1152 : i32
      %add3A_339 = arith.addi %add3A_338, %add3A_332 : i32
      %add3A_340 = vector.broadcast %add3A_339 : i32 to vector<16xi32>
      %add3A_341 = arith.addi %mul3A_3, %add3A_340 : vector<16xi32>
      tpu.vector_store_idx %arg7[%add3A_341], %get3A_337 : memref<20480xf32, #tpu.memory_space<vmem>>[vector<16xi32>], vector<16xf32>,
      %mul3A_342 = arith.constant 8 : i32
      %mul3A_343 = arith.muli %scan3A_316, %mul3A_342 : i32
      %add3A_344 = arith.constant 2 : i32
      %add3A_345 = arith.addi %mul3A_343, %add3A_344 : i32
      %get3A_346 = arith.constant 1 : i32
      %get3A_347 = arith.index_cast %get3A_346 : i32 to index
      %get3A_348 = arith.index_cast %add3A_345 : i32 to index
      %get3A_349 = arith.constant 0 : index
      %get3A_350 = tpu.vector_load %arg6[%get3A_347, %get3A_348, %get3A_349] {strides = array<i32>} : memref<2x128x128xf32, #tpu.memory_space<vmem>>, vector<16xf32>,
      %add3A_351 = arith.constant 1152 : i32
      %add3A_352 = arith.addi %add3A_351, %add3A_345 : i32
      %add3A_353 = vector.broadcast %add3A_352 : i32 to vector<16xi32>
      %add3A_354 = arith.addi %mul3A_3, %add3A_353 : vector<16xi32>
      tpu.vector_store_idx %arg7[%add3A_354], %get3A_350 : memref<20480xf32, #tpu.memory_space<vmem>>[vector<16xi32>], vector<16xf32>,
      %mul3A_355 = arith.constant 8 : i32
      %mul3A_356 = arith.muli %scan3A_316, %mul3A_355 : i32
      %add3A_357 = arith.constant 3 : i32
      %add3A_358 = arith.addi %mul3A_356, %add3A_357 : i32
      %get3A_359 = arith.constant 1 : i32
      %get3A_360 = arith.index_cast %get3A_359 : i32 to index
      %get3A_361 = arith.index_cast %add3A_358 : i32 to index
      %get3A_362 = arith.constant 0 : index
      %get3A_363 = tpu.vector_load %arg6[%get3A_360, %get3A_361, %get3A_362] {strides = array<i32>} : memref<2x128x128xf32, #tpu.memory_space<vmem>>, vector<16xf32>,
      %add3A_364 = arith.constant 1152 : i32
      %add3A_365 = arith.addi %add3A_364, %add3A_358 : i32
      %add3A_366 = vector.broadcast %add3A_365 : i32 to vector<16xi32>
      %add3A_367 = arith.addi %mul3A_3, %add3A_366 : vector<16xi32>
      tpu.vector_store_idx %arg7[%add3A_367], %get3A_363 : memref<20480xf32, #tpu.memory_space<vmem>>[vector<16xi32>], vector<16xf32>,
      %mul3A_368 = arith.constant 8 : i32
      %mul3A_369 = arith.muli %scan3A_316, %mul3A_368 : i32
      %add3A_370 = arith.constant 4 : i32
      %add3A_371 = arith.addi %mul3A_369, %add3A_370 : i32
      %get3A_372 = arith.constant 1 : i32
      %get3A_373 = arith.index_cast %get3A_372 : i32 to index
      %get3A_374 = arith.index_cast %add3A_371 : i32 to index
      %get3A_375 = arith.constant 0 : index
      %get3A_376 = tpu.vector_load %arg6[%get3A_373, %get3A_374, %get3A_375] {strides = array<i32>} : memref<2x128x128xf32, #tpu.memory_space<vmem>>, vector<16xf32>,
      %add3A_377 = arith.constant 1152 : i32
      %add3A_378 = arith.addi %add3A_377, %add3A_371 : i32
      %add3A_379 = vector.broadcast %add3A_378 : i32 to vector<16xi32>
      %add3A_380 = arith.addi %mul3A_3, %add3A_379 : vector<16xi32>
      tpu.vector_store_idx %arg7[%add3A_380], %get3A_376 : memref<20480xf32, #tpu.memory_space<vmem>>[vector<16xi32>], vector<16xf32>,
      %mul3A_381 = arith.constant 8 : i32
      %mul3A_382 = arith.muli %scan3A_316, %mul3A_381 : i32
      %add3A_383 = arith.constant 5 : i32
      %add3A_384 = arith.addi %mul3A_382, %add3A_383 : i32
      %get3A_385 = arith.constant 1 : i32
      %get3A_386 = arith.index_cast %get3A_385 : i32 to index
      %get3A_387 = arith.index_cast %add3A_384 : i32 to index
      %get3A_388 = arith.constant 0 : index
      %get3A_389 = tpu.vector_load %arg6[%get3A_386, %get3A_387, %get3A_388] {strides = array<i32>} : memref<2x128x128xf32, #tpu.memory_space<vmem>>, vector<16xf32>,
      %add3A_390 = arith.constant 1152 : i32
      %add3A_391 = arith.addi %add3A_390, %add3A_384 : i32
      %add3A_392 = vector.broadcast %add3A_391 : i32 to vector<16xi32>
      %add3A_393 = arith.addi %mul3A_3, %add3A_392 : vector<16xi32>
      tpu.vector_store_idx %arg7[%add3A_393], %get3A_389 : memref<20480xf32, #tpu.memory_space<vmem>>[vector<16xi32>], vector<16xf32>,
      %mul3A_394 = arith.constant 8 : i32
      %mul3A_395 = arith.muli %scan3A_316, %mul3A_394 : i32
      %add3A_396 = arith.constant 6 : i32
      %add3A_397 = arith.addi %mul3A_395, %add3A_396 : i32
      %get3A_398 = arith.constant 1 : i32
      %get3A_399 = arith.index_cast %get3A_398 : i32 to index
      %get3A_400 = arith.index_cast %add3A_397 : i32 to index
      %get3A_401 = arith.constant 0 : index
      %get3A_402 = tpu.vector_load %arg6[%get3A_399, %get3A_400, %get3A_401] {strides = array<i32>} : memref<2x128x128xf32, #tpu.memory_space<vmem>>, vector<16xf32>,
      %add3A_403 = arith.constant 1152 : i32
      %add3A_404 = arith.addi %add3A_403, %add3A_397 : i32
      %add3A_405 = vector.broadcast %add3A_404 : i32 to vector<16xi32>
      %add3A_406 = arith.addi %mul3A_3, %add3A_405 : vector<16xi32>
      tpu.vector_store_idx %arg7[%add3A_406], %get3A_402 : memref<20480xf32, #tpu.memory_space<vmem>>[vector<16xi32>], vector<16xf32>,
      %mul3A_407 = arith.constant 8 : i32
      %mul3A_408 = arith.muli %scan3A_316, %mul3A_407 : i32
      %add3A_409 = arith.constant 7 : i32
      %add3A_410 = arith.addi %mul3A_408, %add3A_409 : i32
      %get3A_411 = arith.constant 1 : i32
      %get3A_412 = arith.index_cast %get3A_411 : i32 to index
      %get3A_413 = arith.index_cast %add3A_410 : i32 to index
      %get3A_414 = arith.constant 0 : index
      %get3A_415 = tpu.vector_load %arg6[%get3A_412, %get3A_413, %get3A_414] {strides = array<i32>} : memref<2x128x128xf32, #tpu.memory_space<vmem>>, vector<16xf32>,
      %add3A_416 = arith.constant 1152 : i32
      %add3A_417 = arith.addi %add3A_416, %add3A_410 : i32
      %add3A_418 = vector.broadcast %add3A_417 : i32 to vector<16xi32>
      %add3A_419 = arith.addi %mul3A_3, %add3A_418 : vector<16xi32>
      tpu.vector_store_idx %arg7[%add3A_419], %get3A_415 : memref<20480xf32, #tpu.memory_space<vmem>>[vector<16xi32>], vector<16xf32>,
    }
    %scan3A_300 = arith.constant 16 : i32
    %run_scoped3A = arith.constant 0 : i32
    "tpu.region"() ({
      %run_scoped3A_316 = tpu.sem_alloc : memref<!tpu.dma_semaphore, #tpu.memory_space<semaphore_mem>>
      %dma_start3A_317 = arith.constant 0 : i32
      %dma_start3A_318 = tpu.memref_slice %arg7[%dma_start3A_317] : memref<20480xf32, #tpu.memory_space<vmem>> -> memref<1280xf32, #tpu.memory_space<vmem>>
      %dma_start3A_319 = arith.constant 0 : i32
      %dma_start3A_320 = tpu.memref_slice %arg4[%run_scoped3A, %add3A, %dma_start3A_319] : memref<16x32x1280xf32, #tpu.memory_space<hbm>> -> memref<1x1x1280xf32, #tpu.memory_space<hbm>>
      %dma_start3A_321 = tpu.memref_squeeze %dma_start3A_320 : memref<1x1x1280xf32, #tpu.memory_space<hbm>> -> memref<1280xf32, #tpu.memory_space<hbm>>
      %dma_start3A_322 = arith.constant 0 : i32
      %dma_start3A_323 = tpu.memref_slice %arg4[%run_scoped3A, %add3A, %dma_start3A_322] : memref<16x32x1280xf32, #tpu.memory_space<hbm>> -> memref<1x1x1280xf32, #tpu.memory_space<hbm>>
      %dma_start3A_324 = tpu.memref_squeeze %dma_start3A_323 : memref<1x1x1280xf32, #tpu.memory_space<hbm>> -> memref<1280xf32, #tpu.memory_space<hbm>>
      %dma_start3A_325 = arith.constant 0 : i32
      %dma_start3A_326 = tpu.memref_slice %arg7[%dma_start3A_325] : memref<20480xf32, #tpu.memory_space<vmem>> -> memref<1280xf32, #tpu.memory_space<vmem>>
      tpu.enqueue_dma source(%dma_start3A_326 : memref<1280xf32, #tpu.memory_space<vmem>>) target(%dma_start3A_324 : memref<1280xf32, #tpu.memory_space<hbm>>) target_semaphore(%run_scoped3A_316 : memref<!tpu.dma_semaphore, #tpu.memory_space<semaphore_mem>>)
      %dma_wait3A_327 = arith.constant 0 : i32
      %dma_wait3A_328 = tpu.memref_slice %arg7[%dma_wait3A_327] : memref<20480xf32, #tpu.memory_space<vmem>> -> memref<1280xf32, #tpu.memory_space<vmem>>
      %dma_wait3A_329 = arith.constant 0 : i32
      %dma_wait3A_330 = tpu.memref_slice %arg4[%run_scoped3A, %add3A, %dma_wait3A_329] : memref<16x32x1280xf32, #tpu.memory_space<hbm>> -> memref<1x1x1280xf32, #tpu.memory_space<hbm>>
      %dma_wait3A_331 = tpu.memref_squeeze %dma_wait3A_330 : memref<1x1x1280xf32, #tpu.memory_space<hbm>> -> memref<1280xf32, #tpu.memory_space<hbm>>
      %dma_wait3A_332 = arith.constant 0 : i32
      %dma_wait3A_333 = tpu.memref_slice %arg4[%run_scoped3A, %add3A, %dma_wait3A_332] : memref<16x32x1280xf32, #tpu.memory_space<hbm>> -> memref<1x1x1280xf32, #tpu.memory_space<hbm>>
      %dma_wait3A_334 = tpu.memref_squeeze %dma_wait3A_333 : memref<1x1x1280xf32, #tpu.memory_space<hbm>> -> memref<1280xf32, #tpu.memory_space<hbm>>
      %dma_wait3A_335 = arith.constant 0 : i32
      %dma_wait3A_336 = tpu.memref_slice %arg7[%dma_wait3A_335] : memref<20480xf32, #tpu.memory_space<vmem>> -> memref<1280xf32, #tpu.memory_space<vmem>>
      tpu.wait_dma2 semaphore(%run_scoped3A_316 : memref<!tpu.dma_semaphore, #tpu.memory_space<semaphore_mem>>) src(%dma_wait3A_336 : memref<1280xf32, #tpu.memory_space<vmem>>) dst(%dma_wait3A_334 : memref<1280xf32, #tpu.memory_space<hbm>>)
      tpu.yield
    }) : () -> ()
    %run_scoped3A_301 = arith.constant 1 : i32
    "tpu.region"() ({
      %run_scoped3A_316 = tpu.sem_alloc : memref<!tpu.dma_semaphore, #tpu.memory_space<semaphore_mem>>
      %dma_start3A_317 = arith.constant 1280 : i32
      %dma_start3A_318 = tpu.memref_slice %arg7[%dma_start3A_317] : memref<20480xf32, #tpu.memory_space<vmem>> -> memref<1280xf32, #tpu.memory_space<vmem>>
      %dma_start3A_319 = arith.constant 0 : i32
      %dma_start3A_320 = tpu.memref_slice %arg4[%run_scoped3A_301, %add3A, %dma_start3A_319] : memref<16x32x1280xf32, #tpu.memory_space<hbm>> -> memref<1x1x1280xf32, #tpu.memory_space<hbm>>
      %dma_start3A_321 = tpu.memref_squeeze %dma_start3A_320 : memref<1x1x1280xf32, #tpu.memory_space<hbm>> -> memref<1280xf32, #tpu.memory_space<hbm>>
      %dma_start3A_322 = arith.constant 0 : i32
      %dma_start3A_323 = tpu.memref_slice %arg4[%run_scoped3A_301, %add3A, %dma_start3A_322] : memref<16x32x1280xf32, #tpu.memory_space<hbm>> -> memref<1x1x1280xf32, #tpu.memory_space<hbm>>
      %dma_start3A_324 = tpu.memref_squeeze %dma_start3A_323 : memref<1x1x1280xf32, #tpu.memory_space<hbm>> -> memref<1280xf32, #tpu.memory_space<hbm>>
      %dma_start3A_325 = arith.constant 1280 : i32
      %dma_start3A_326 = tpu.memref_slice %arg7[%dma_start3A_325] : memref<20480xf32, #tpu.memory_space<vmem>> -> memref<1280xf32, #tpu.memory_space<vmem>>
      tpu.enqueue_dma source(%dma_start3A_326 : memref<1280xf32, #tpu.memory_space<vmem>>) target(%dma_start3A_324 : memref<1280xf32, #tpu.memory_space<hbm>>) target_semaphore(%run_scoped3A_316 : memref<!tpu.dma_semaphore, #tpu.memory_space<semaphore_mem>>)
      %dma_wait3A_327 = arith.constant 1280 : i32
      %dma_wait3A_328 = tpu.memref_slice %arg7[%dma_wait3A_327] : memref<20480xf32, #tpu.memory_space<vmem>> -> memref<1280xf32, #tpu.memory_space<vmem>>
      %dma_wait3A_329 = arith.constant 0 : i32
      %dma_wait3A_330 = tpu.memref_slice %arg4[%run_scoped3A_301, %add3A, %dma_wait3A_329] : memref<16x32x1280xf32, #tpu.memory_space<hbm>> -> memref<1x1x1280xf32, #tpu.memory_space<hbm>>
      %dma_wait3A_331 = tpu.memref_squeeze %dma_wait3A_330 : memref<1x1x1280xf32, #tpu.memory_space<hbm>> -> memref<1280xf32, #tpu.memory_space<hbm>>
      %dma_wait3A_332 = arith.constant 0 : i32
      %dma_wait3A_333 = tpu.memref_slice %arg4[%run_scoped3A_301, %add3A, %dma_wait3A_332] : memref<16x32x1280xf32, #tpu.memory_space<hbm>> -> memref<1x1x1280xf32, #tpu.memory_space<hbm>>
      %dma_wait3A_334 = tpu.memref_squeeze %dma_wait3A_333 : memref<1x1x1280xf32, #tpu.memory_space<hbm>> -> memref<1280xf32, #tpu.memory_space<hbm>>
      %dma_wait3A_335 = arith.constant 1280 : i32
      %dma_wait3A_336 = tpu.memref_slice %arg7[%dma_wait3A_335] : memref<20480xf32, #tpu.memory_space<vmem>> -> memref<1280xf32, #tpu.memory_space<vmem>>
      tpu.wait_dma2 semaphore(%run_scoped3A_316 : memref<!tpu.dma_semaphore, #tpu.memory_space<semaphore_mem>>) src(%dma_wait3A_336 : memref<1280xf32, #tpu.memory_space<vmem>>) dst(%dma_wait3A_334 : memref<1280xf32, #tpu.memory_space<hbm>>)
      tpu.yield
    }) : () -> ()
    %run_scoped3A_302 = arith.constant 2 : i32
    "tpu.region"() ({
      %run_scoped3A_316 = tpu.sem_alloc : memref<!tpu.dma_semaphore, #tpu.memory_space<semaphore_mem>>
      %dma_start3A_317 = arith.constant 2560 : i32
      %dma_start3A_318 = tpu.memref_slice %arg7[%dma_start3A_317] : memref<20480xf32, #tpu.memory_space<vmem>> -> memref<1280xf32, #tpu.memory_space<vmem>>
      %dma_start3A_319 = arith.constant 0 : i32
      %dma_start3A_320 = tpu.memref_slice %arg4[%run_scoped3A_302, %add3A, %dma_start3A_319] : memref<16x32x1280xf32, #tpu.memory_space<hbm>> -> memref<1x1x1280xf32, #tpu.memory_space<hbm>>
      %dma_start3A_321 = tpu.memref_squeeze %dma_start3A_320 : memref<1x1x1280xf32, #tpu.memory_space<hbm>> -> memref<1280xf32, #tpu.memory_space<hbm>>
      %dma_start3A_322 = arith.constant 0 : i32
      %dma_start3A_323 = tpu.memref_slice %arg4[%run_scoped3A_302, %add3A, %dma_start3A_322] : memref<16x32x1280xf32, #tpu.memory_space<hbm>> -> memref<1x1x1280xf32, #tpu.memory_space<hbm>>
      %dma_start3A_324 = tpu.memref_squeeze %dma_start3A_323 : memref<1x1x1280xf32, #tpu.memory_space<hbm>> -> memref<1280xf32, #tpu.memory_space<hbm>>
      %dma_start3A_325 = arith.constant 2560 : i32
      %dma_start3A_326 = tpu.memref_slice %arg7[%dma_start3A_325] : memref<20480xf32, #tpu.memory_space<vmem>> -> memref<1280xf32, #tpu.memory_space<vmem>>
      tpu.enqueue_dma source(%dma_start3A_326 : memref<1280xf32, #tpu.memory_space<vmem>>) target(%dma_start3A_324 : memref<1280xf32, #tpu.memory_space<hbm>>) target_semaphore(%run_scoped3A_316 : memref<!tpu.dma_semaphore, #tpu.memory_space<semaphore_mem>>)
      %dma_wait3A_327 = arith.constant 2560 : i32
      %dma_wait3A_328 = tpu.memref_slice %arg7[%dma_wait3A_327] : memref<20480xf32, #tpu.memory_space<vmem>> -> memref<1280xf32, #tpu.memory_space<vmem>>
      %dma_wait3A_329 = arith.constant 0 : i32
      %dma_wait3A_330 = tpu.memref_slice %arg4[%run_scoped3A_302, %add3A, %dma_wait3A_329] : memref<16x32x1280xf32, #tpu.memory_space<hbm>> -> memref<1x1x1280xf32, #tpu.memory_space<hbm>>
      %dma_wait3A_331 = tpu.memref_squeeze %dma_wait3A_330 : memref<1x1x1280xf32, #tpu.memory_space<hbm>> -> memref<1280xf32, #tpu.memory_space<hbm>>
      %dma_wait3A_332 = arith.constant 0 : i32
      %dma_wait3A_333 = tpu.memref_slice %arg4[%run_scoped3A_302, %add3A, %dma_wait3A_332] : memref<16x32x1280xf32, #tpu.memory_space<hbm>> -> memref<1x1x1280xf32, #tpu.memory_space<hbm>>
      %dma_wait3A_334 = tpu.memref_squeeze %dma_wait3A_333 : memref<1x1x1280xf32, #tpu.memory_space<hbm>> -> memref<1280xf32, #tpu.memory_space<hbm>>
      %dma_wait3A_335 = arith.constant 2560 : i32
      %dma_wait3A_336 = tpu.memref_slice %arg7[%dma_wait3A_335] : memref<20480xf32, #tpu.memory_space<vmem>> -> memref<1280xf32, #tpu.memory_space<vmem>>
      tpu.wait_dma2 semaphore(%run_scoped3A_316 : memref<!tpu.dma_semaphore, #tpu.memory_space<semaphore_mem>>) src(%dma_wait3A_336 : memref<1280xf32, #tpu.memory_space<vmem>>) dst(%dma_wait3A_334 : memref<1280xf32, #tpu.memory_space<hbm>>)
      tpu.yield
    }) : () -> ()
    %run_scoped3A_303 = arith.constant 3 : i32
    "tpu.region"() ({
      %run_scoped3A_316 = tpu.sem_alloc : memref<!tpu.dma_semaphore, #tpu.memory_space<semaphore_mem>>
      %dma_start3A_317 = arith.constant 3840 : i32
      %dma_start3A_318 = tpu.memref_slice %arg7[%dma_start3A_317] : memref<20480xf32, #tpu.memory_space<vmem>> -> memref<1280xf32, #tpu.memory_space<vmem>>
      %dma_start3A_319 = arith.constant 0 : i32
      %dma_start3A_320 = tpu.memref_slice %arg4[%run_scoped3A_303, %add3A, %dma_start3A_319] : memref<16x32x1280xf32, #tpu.memory_space<hbm>> -> memref<1x1x1280xf32, #tpu.memory_space<hbm>>
      %dma_start3A_321 = tpu.memref_squeeze %dma_start3A_320 : memref<1x1x1280xf32, #tpu.memory_space<hbm>> -> memref<1280xf32, #tpu.memory_space<hbm>>
      %dma_start3A_322 = arith.constant 0 : i32
      %dma_start3A_323 = tpu.memref_slice %arg4[%run_scoped3A_303, %add3A, %dma_start3A_322] : memref<16x32x1280xf32, #tpu.memory_space<hbm>> -> memref<1x1x1280xf32, #tpu.memory_space<hbm>>
      %dma_start3A_324 = tpu.memref_squeeze %dma_start3A_323 : memref<1x1x1280xf32, #tpu.memory_space<hbm>> -> memref<1280xf32, #tpu.memory_space<hbm>>
      %dma_start3A_325 = arith.constant 3840 : i32
      %dma_start3A_326 = tpu.memref_slice %arg7[%dma_start3A_325] : memref<20480xf32, #tpu.memory_space<vmem>> -> memref<1280xf32, #tpu.memory_space<vmem>>
      tpu.enqueue_dma source(%dma_start3A_326 : memref<1280xf32, #tpu.memory_space<vmem>>) target(%dma_start3A_324 : memref<1280xf32, #tpu.memory_space<hbm>>) target_semaphore(%run_scoped3A_316 : memref<!tpu.dma_semaphore, #tpu.memory_space<semaphore_mem>>)
      %dma_wait3A_327 = arith.constant 3840 : i32
      %dma_wait3A_328 = tpu.memref_slice %arg7[%dma_wait3A_327] : memref<20480xf32, #tpu.memory_space<vmem>> -> memref<1280xf32, #tpu.memory_space<vmem>>
      %dma_wait3A_329 = arith.constant 0 : i32
      %dma_wait3A_330 = tpu.memref_slice %arg4[%run_scoped3A_303, %add3A, %dma_wait3A_329] : memref<16x32x1280xf32, #tpu.memory_space<hbm>> -> memref<1x1x1280xf32, #tpu.memory_space<hbm>>
      %dma_wait3A_331 = tpu.memref_squeeze %dma_wait3A_330 : memref<1x1x1280xf32, #tpu.memory_space<hbm>> -> memref<1280xf32, #tpu.memory_space<hbm>>
      %dma_wait3A_332 = arith.constant 0 : i32
      %dma_wait3A_333 = tpu.memref_slice %arg4[%run_scoped3A_303, %add3A, %dma_wait3A_332] : memref<16x32x1280xf32, #tpu.memory_space<hbm>> -> memref<1x1x1280xf32, #tpu.memory_space<hbm>>
      %dma_wait3A_334 = tpu.memref_squeeze %dma_wait3A_333 : memref<1x1x1280xf32, #tpu.memory_space<hbm>> -> memref<1280xf32, #tpu.memory_space<hbm>>
      %dma_wait3A_335 = arith.constant 3840 : i32
      %dma_wait3A_336 = tpu.memref_slice %arg7[%dma_wait3A_335] : memref<20480xf32, #tpu.memory_space<vmem>> -> memref<1280xf32, #tpu.memory_space<vmem>>
      tpu.wait_dma2 semaphore(%run_scoped3A_316 : memref<!tpu.dma_semaphore, #tpu.memory_space<semaphore_mem>>) src(%dma_wait3A_336 : memref<1280xf32, #tpu.memory_space<vmem>>) dst(%dma_wait3A_334 : memref<1280xf32, #tpu.memory_space<hbm>>)
      tpu.yield
    }) : () -> ()
    %run_scoped3A_304 = arith.constant 4 : i32
    "tpu.region"() ({
      %run_scoped3A_316 = tpu.sem_alloc : memref<!tpu.dma_semaphore, #tpu.memory_space<semaphore_mem>>
      %dma_start3A_317 = arith.constant 5120 : i32
      %dma_start3A_318 = tpu.memref_slice %arg7[%dma_start3A_317] : memref<20480xf32, #tpu.memory_space<vmem>> -> memref<1280xf32, #tpu.memory_space<vmem>>
      %dma_start3A_319 = arith.constant 0 : i32
      %dma_start3A_320 = tpu.memref_slice %arg4[%run_scoped3A_304, %add3A, %dma_start3A_319] : memref<16x32x1280xf32, #tpu.memory_space<hbm>> -> memref<1x1x1280xf32, #tpu.memory_space<hbm>>
      %dma_start3A_321 = tpu.memref_squeeze %dma_start3A_320 : memref<1x1x1280xf32, #tpu.memory_space<hbm>> -> memref<1280xf32, #tpu.memory_space<hbm>>
      %dma_start3A_322 = arith.constant 0 : i32
      %dma_start3A_323 = tpu.memref_slice %arg4[%run_scoped3A_304, %add3A, %dma_start3A_322] : memref<16x32x1280xf32, #tpu.memory_space<hbm>> -> memref<1x1x1280xf32, #tpu.memory_space<hbm>>
      %dma_start3A_324 = tpu.memref_squeeze %dma_start3A_323 : memref<1x1x1280xf32, #tpu.memory_space<hbm>> -> memref<1280xf32, #tpu.memory_space<hbm>>
      %dma_start3A_325 = arith.constant 5120 : i32
      %dma_start3A_326 = tpu.memref_slice %arg7[%dma_start3A_325] : memref<20480xf32, #tpu.memory_space<vmem>> -> memref<1280xf32, #tpu.memory_space<vmem>>
      tpu.enqueue_dma source(%dma_start3A_326 : memref<1280xf32, #tpu.memory_space<vmem>>) target(%dma_start3A_324 : memref<1280xf32, #tpu.memory_space<hbm>>) target_semaphore(%run_scoped3A_316 : memref<!tpu.dma_semaphore, #tpu.memory_space<semaphore_mem>>)
      %dma_wait3A_327 = arith.constant 5120 : i32
      %dma_wait3A_328 = tpu.memref_slice %arg7[%dma_wait3A_327] : memref<20480xf32, #tpu.memory_space<vmem>> -> memref<1280xf32, #tpu.memory_space<vmem>>
      %dma_wait3A_329 = arith.constant 0 : i32
      %dma_wait3A_330 = tpu.memref_slice %arg4[%run_scoped3A_304, %add3A, %dma_wait3A_329] : memref<16x32x1280xf32, #tpu.memory_space<hbm>> -> memref<1x1x1280xf32, #tpu.memory_space<hbm>>
      %dma_wait3A_331 = tpu.memref_squeeze %dma_wait3A_330 : memref<1x1x1280xf32, #tpu.memory_space<hbm>> -> memref<1280xf32, #tpu.memory_space<hbm>>
      %dma_wait3A_332 = arith.constant 0 : i32
      %dma_wait3A_333 = tpu.memref_slice %arg4[%run_scoped3A_304, %add3A, %dma_wait3A_332] : memref<16x32x1280xf32, #tpu.memory_space<hbm>> -> memref<1x1x1280xf32, #tpu.memory_space<hbm>>
      %dma_wait3A_334 = tpu.memref_squeeze %dma_wait3A_333 : memref<1x1x1280xf32, #tpu.memory_space<hbm>> -> memref<1280xf32, #tpu.memory_space<hbm>>
      %dma_wait3A_335 = arith.constant 5120 : i32
      %dma_wait3A_336 = tpu.memref_slice %arg7[%dma_wait3A_335] : memref<20480xf32, #tpu.memory_space<vmem>> -> memref<1280xf32, #tpu.memory_space<vmem>>
      tpu.wait_dma2 semaphore(%run_scoped3A_316 : memref<!tpu.dma_semaphore, #tpu.memory_space<semaphore_mem>>) src(%dma_wait3A_336 : memref<1280xf32, #tpu.memory_space<vmem>>) dst(%dma_wait3A_334 : memref<1280xf32, #tpu.memory_space<hbm>>)
      tpu.yield
    }) : () -> ()
    %run_scoped3A_305 = arith.constant 5 : i32
    "tpu.region"() ({
      %run_scoped3A_316 = tpu.sem_alloc : memref<!tpu.dma_semaphore, #tpu.memory_space<semaphore_mem>>
      %dma_start3A_317 = arith.constant 6400 : i32
      %dma_start3A_318 = tpu.memref_slice %arg7[%dma_start3A_317] : memref<20480xf32, #tpu.memory_space<vmem>> -> memref<1280xf32, #tpu.memory_space<vmem>>
      %dma_start3A_319 = arith.constant 0 : i32
      %dma_start3A_320 = tpu.memref_slice %arg4[%run_scoped3A_305, %add3A, %dma_start3A_319] : memref<16x32x1280xf32, #tpu.memory_space<hbm>> -> memref<1x1x1280xf32, #tpu.memory_space<hbm>>
      %dma_start3A_321 = tpu.memref_squeeze %dma_start3A_320 : memref<1x1x1280xf32, #tpu.memory_space<hbm>> -> memref<1280xf32, #tpu.memory_space<hbm>>
      %dma_start3A_322 = arith.constant 0 : i32
      %dma_start3A_323 = tpu.memref_slice %arg4[%run_scoped3A_305, %add3A, %dma_start3A_322] : memref<16x32x1280xf32, #tpu.memory_space<hbm>> -> memref<1x1x1280xf32, #tpu.memory_space<hbm>>
      %dma_start3A_324 = tpu.memref_squeeze %dma_start3A_323 : memref<1x1x1280xf32, #tpu.memory_space<hbm>> -> memref<1280xf32, #tpu.memory_space<hbm>>
      %dma_start3A_325 = arith.constant 6400 : i32
      %dma_start3A_326 = tpu.memref_slice %arg7[%dma_start3A_325] : memref<20480xf32, #tpu.memory_space<vmem>> -> memref<1280xf32, #tpu.memory_space<vmem>>
      tpu.enqueue_dma source(%dma_start3A_326 : memref<1280xf32, #tpu.memory_space<vmem>>) target(%dma_start3A_324 : memref<1280xf32, #tpu.memory_space<hbm>>) target_semaphore(%run_scoped3A_316 : memref<!tpu.dma_semaphore, #tpu.memory_space<semaphore_mem>>)
      %dma_wait3A_327 = arith.constant 6400 : i32
      %dma_wait3A_328 = tpu.memref_slice %arg7[%dma_wait3A_327] : memref<20480xf32, #tpu.memory_space<vmem>> -> memref<1280xf32, #tpu.memory_space<vmem>>
      %dma_wait3A_329 = arith.constant 0 : i32
      %dma_wait3A_330 = tpu.memref_slice %arg4[%run_scoped3A_305, %add3A, %dma_wait3A_329] : memref<16x32x1280xf32, #tpu.memory_space<hbm>> -> memref<1x1x1280xf32, #tpu.memory_space<hbm>>
      %dma_wait3A_331 = tpu.memref_squeeze %dma_wait3A_330 : memref<1x1x1280xf32, #tpu.memory_space<hbm>> -> memref<1280xf32, #tpu.memory_space<hbm>>
      %dma_wait3A_332 = arith.constant 0 : i32
      %dma_wait3A_333 = tpu.memref_slice %arg4[%run_scoped3A_305, %add3A, %dma_wait3A_332] : memref<16x32x1280xf32, #tpu.memory_space<hbm>> -> memref<1x1x1280xf32, #tpu.memory_space<hbm>>
      %dma_wait3A_334 = tpu.memref_squeeze %dma_wait3A_333 : memref<1x1x1280xf32, #tpu.memory_space<hbm>> -> memref<1280xf32, #tpu.memory_space<hbm>>
      %dma_wait3A_335 = arith.constant 6400 : i32
      %dma_wait3A_336 = tpu.memref_slice %arg7[%dma_wait3A_335] : memref<20480xf32, #tpu.memory_space<vmem>> -> memref<1280xf32, #tpu.memory_space<vmem>>
      tpu.wait_dma2 semaphore(%run_scoped3A_316 : memref<!tpu.dma_semaphore, #tpu.memory_space<semaphore_mem>>) src(%dma_wait3A_336 : memref<1280xf32, #tpu.memory_space<vmem>>) dst(%dma_wait3A_334 : memref<1280xf32, #tpu.memory_space<hbm>>)
      tpu.yield
    }) : () -> ()
    %run_scoped3A_306 = arith.constant 6 : i32
    "tpu.region"() ({
      %run_scoped3A_316 = tpu.sem_alloc : memref<!tpu.dma_semaphore, #tpu.memory_space<semaphore_mem>>
      %dma_start3A_317 = arith.constant 7680 : i32
      %dma_start3A_318 = tpu.memref_slice %arg7[%dma_start3A_317] : memref<20480xf32, #tpu.memory_space<vmem>> -> memref<1280xf32, #tpu.memory_space<vmem>>
      %dma_start3A_319 = arith.constant 0 : i32
      %dma_start3A_320 = tpu.memref_slice %arg4[%run_scoped3A_306, %add3A, %dma_start3A_319] : memref<16x32x1280xf32, #tpu.memory_space<hbm>> -> memref<1x1x1280xf32, #tpu.memory_space<hbm>>
      %dma_start3A_321 = tpu.memref_squeeze %dma_start3A_320 : memref<1x1x1280xf32, #tpu.memory_space<hbm>> -> memref<1280xf32, #tpu.memory_space<hbm>>
      %dma_start3A_322 = arith.constant 0 : i32
      %dma_start3A_323 = tpu.memref_slice %arg4[%run_scoped3A_306, %add3A, %dma_start3A_322] : memref<16x32x1280xf32, #tpu.memory_space<hbm>> -> memref<1x1x1280xf32, #tpu.memory_space<hbm>>
      %dma_start3A_324 = tpu.memref_squeeze %dma_start3A_323 : memref<1x1x1280xf32, #tpu.memory_space<hbm>> -> memref<1280xf32, #tpu.memory_space<hbm>>
      %dma_start3A_325 = arith.constant 7680 : i32
      %dma_start3A_326 = tpu.memref_slice %arg7[%dma_start3A_325] : memref<20480xf32, #tpu.memory_space<vmem>> -> memref<1280xf32, #tpu.memory_space<vmem>>
      tpu.enqueue_dma source(%dma_start3A_326 : memref<1280xf32, #tpu.memory_space<vmem>>) target(%dma_start3A_324 : memref<1280xf32, #tpu.memory_space<hbm>>) target_semaphore(%run_scoped3A_316 : memref<!tpu.dma_semaphore, #tpu.memory_space<semaphore_mem>>)
      %dma_wait3A_327 = arith.constant 7680 : i32
      %dma_wait3A_328 = tpu.memref_slice %arg7[%dma_wait3A_327] : memref<20480xf32, #tpu.memory_space<vmem>> -> memref<1280xf32, #tpu.memory_space<vmem>>
      %dma_wait3A_329 = arith.constant 0 : i32
      %dma_wait3A_330 = tpu.memref_slice %arg4[%run_scoped3A_306, %add3A, %dma_wait3A_329] : memref<16x32x1280xf32, #tpu.memory_space<hbm>> -> memref<1x1x1280xf32, #tpu.memory_space<hbm>>
      %dma_wait3A_331 = tpu.memref_squeeze %dma_wait3A_330 : memref<1x1x1280xf32, #tpu.memory_space<hbm>> -> memref<1280xf32, #tpu.memory_space<hbm>>
      %dma_wait3A_332 = arith.constant 0 : i32
      %dma_wait3A_333 = tpu.memref_slice %arg4[%run_scoped3A_306, %add3A, %dma_wait3A_332] : memref<16x32x1280xf32, #tpu.memory_space<hbm>> -> memref<1x1x1280xf32, #tpu.memory_space<hbm>>
      %dma_wait3A_334 = tpu.memref_squeeze %dma_wait3A_333 : memref<1x1x1280xf32, #tpu.memory_space<hbm>> -> memref<1280xf32, #tpu.memory_space<hbm>>
      %dma_wait3A_335 = arith.constant 7680 : i32
      %dma_wait3A_336 = tpu.memref_slice %arg7[%dma_wait3A_335] : memref<20480xf32, #tpu.memory_space<vmem>> -> memref<1280xf32, #tpu.memory_space<vmem>>
      tpu.wait_dma2 semaphore(%run_scoped3A_316 : memref<!tpu.dma_semaphore, #tpu.memory_space<semaphore_mem>>) src(%dma_wait3A_336 : memref<1280xf32, #tpu.memory_space<vmem>>) dst(%dma_wait3A_334 : memref<1280xf32, #tpu.memory_space<hbm>>)
      tpu.yield
    }) : () -> ()
    %run_scoped3A_307 = arith.constant 7 : i32
    "tpu.region"() ({
      %run_scoped3A_316 = tpu.sem_alloc : memref<!tpu.dma_semaphore, #tpu.memory_space<semaphore_mem>>
      %dma_start3A_317 = arith.constant 8960 : i32
      %dma_start3A_318 = tpu.memref_slice %arg7[%dma_start3A_317] : memref<20480xf32, #tpu.memory_space<vmem>> -> memref<1280xf32, #tpu.memory_space<vmem>>
      %dma_start3A_319 = arith.constant 0 : i32
      %dma_start3A_320 = tpu.memref_slice %arg4[%run_scoped3A_307, %add3A, %dma_start3A_319] : memref<16x32x1280xf32, #tpu.memory_space<hbm>> -> memref<1x1x1280xf32, #tpu.memory_space<hbm>>
      %dma_start3A_321 = tpu.memref_squeeze %dma_start3A_320 : memref<1x1x1280xf32, #tpu.memory_space<hbm>> -> memref<1280xf32, #tpu.memory_space<hbm>>
      %dma_start3A_322 = arith.constant 0 : i32
      %dma_start3A_323 = tpu.memref_slice %arg4[%run_scoped3A_307, %add3A, %dma_start3A_322] : memref<16x32x1280xf32, #tpu.memory_space<hbm>> -> memref<1x1x1280xf32, #tpu.memory_space<hbm>>
      %dma_start3A_324 = tpu.memref_squeeze %dma_start3A_323 : memref<1x1x1280xf32, #tpu.memory_space<hbm>> -> memref<1280xf32, #tpu.memory_space<hbm>>
      %dma_start3A_325 = arith.constant 8960 : i32
      %dma_start3A_326 = tpu.memref_slice %arg7[%dma_start3A_325] : memref<20480xf32, #tpu.memory_space<vmem>> -> memref<1280xf32, #tpu.memory_space<vmem>>
      tpu.enqueue_dma source(%dma_start3A_326 : memref<1280xf32, #tpu.memory_space<vmem>>) target(%dma_start3A_324 : memref<1280xf32, #tpu.memory_space<hbm>>) target_semaphore(%run_scoped3A_316 : memref<!tpu.dma_semaphore, #tpu.memory_space<semaphore_mem>>)
      %dma_wait3A_327 = arith.constant 8960 : i32
      %dma_wait3A_328 = tpu.memref_slice %arg7[%dma_wait3A_327] : memref<20480xf32, #tpu.memory_space<vmem>> -> memref<1280xf32, #tpu.memory_space<vmem>>
      %dma_wait3A_329 = arith.constant 0 : i32
      %dma_wait3A_330 = tpu.memref_slice %arg4[%run_scoped3A_307, %add3A, %dma_wait3A_329] : memref<16x32x1280xf32, #tpu.memory_space<hbm>> -> memref<1x1x1280xf32, #tpu.memory_space<hbm>>
      %dma_wait3A_331 = tpu.memref_squeeze %dma_wait3A_330 : memref<1x1x1280xf32, #tpu.memory_space<hbm>> -> memref<1280xf32, #tpu.memory_space<hbm>>
      %dma_wait3A_332 = arith.constant 0 : i32
      %dma_wait3A_333 = tpu.memref_slice %arg4[%run_scoped3A_307, %add3A, %dma_wait3A_332] : memref<16x32x1280xf32, #tpu.memory_space<hbm>> -> memref<1x1x1280xf32, #tpu.memory_space<hbm>>
      %dma_wait3A_334 = tpu.memref_squeeze %dma_wait3A_333 : memref<1x1x1280xf32, #tpu.memory_space<hbm>> -> memref<1280xf32, #tpu.memory_space<hbm>>
      %dma_wait3A_335 = arith.constant 8960 : i32
      %dma_wait3A_336 = tpu.memref_slice %arg7[%dma_wait3A_335] : memref<20480xf32, #tpu.memory_space<vmem>> -> memref<1280xf32, #tpu.memory_space<vmem>>
      tpu.wait_dma2 semaphore(%run_scoped3A_316 : memref<!tpu.dma_semaphore, #tpu.memory_space<semaphore_mem>>) src(%dma_wait3A_336 : memref<1280xf32, #tpu.memory_space<vmem>>) dst(%dma_wait3A_334 : memref<1280xf32, #tpu.memory_space<hbm>>)
      tpu.yield
    }) : () -> ()
    %run_scoped3A_308 = arith.constant 8 : i32
    "tpu.region"() ({
      %run_scoped3A_316 = tpu.sem_alloc : memref<!tpu.dma_semaphore, #tpu.memory_space<semaphore_mem>>
      %dma_start3A_317 = arith.constant 10240 : i32
      %dma_start3A_318 = tpu.memref_slice %arg7[%dma_start3A_317] : memref<20480xf32, #tpu.memory_space<vmem>> -> memref<1280xf32, #tpu.memory_space<vmem>>
      %dma_start3A_319 = arith.constant 0 : i32
      %dma_start3A_320 = tpu.memref_slice %arg4[%run_scoped3A_308, %add3A, %dma_start3A_319] : memref<16x32x1280xf32, #tpu.memory_space<hbm>> -> memref<1x1x1280xf32, #tpu.memory_space<hbm>>
      %dma_start3A_321 = tpu.memref_squeeze %dma_start3A_320 : memref<1x1x1280xf32, #tpu.memory_space<hbm>> -> memref<1280xf32, #tpu.memory_space<hbm>>
      %dma_start3A_322 = arith.constant 0 : i32
      %dma_start3A_323 = tpu.memref_slice %arg4[%run_scoped3A_308, %add3A, %dma_start3A_322] : memref<16x32x1280xf32, #tpu.memory_space<hbm>> -> memref<1x1x1280xf32, #tpu.memory_space<hbm>>
      %dma_start3A_324 = tpu.memref_squeeze %dma_start3A_323 : memref<1x1x1280xf32, #tpu.memory_space<hbm>> -> memref<1280xf32, #tpu.memory_space<hbm>>
      %dma_start3A_325 = arith.constant 10240 : i32
      %dma_start3A_326 = tpu.memref_slice %arg7[%dma_start3A_325] : memref<20480xf32, #tpu.memory_space<vmem>> -> memref<1280xf32, #tpu.memory_space<vmem>>
      tpu.enqueue_dma source(%dma_start3A_326 : memref<1280xf32, #tpu.memory_space<vmem>>) target(%dma_start3A_324 : memref<1280xf32, #tpu.memory_space<hbm>>) target_semaphore(%run_scoped3A_316 : memref<!tpu.dma_semaphore, #tpu.memory_space<semaphore_mem>>)
      %dma_wait3A_327 = arith.constant 10240 : i32
      %dma_wait3A_328 = tpu.memref_slice %arg7[%dma_wait3A_327] : memref<20480xf32, #tpu.memory_space<vmem>> -> memref<1280xf32, #tpu.memory_space<vmem>>
      %dma_wait3A_329 = arith.constant 0 : i32
      %dma_wait3A_330 = tpu.memref_slice %arg4[%run_scoped3A_308, %add3A, %dma_wait3A_329] : memref<16x32x1280xf32, #tpu.memory_space<hbm>> -> memref<1x1x1280xf32, #tpu.memory_space<hbm>>
      %dma_wait3A_331 = tpu.memref_squeeze %dma_wait3A_330 : memref<1x1x1280xf32, #tpu.memory_space<hbm>> -> memref<1280xf32, #tpu.memory_space<hbm>>
      %dma_wait3A_332 = arith.constant 0 : i32
      %dma_wait3A_333 = tpu.memref_slice %arg4[%run_scoped3A_308, %add3A, %dma_wait3A_332] : memref<16x32x1280xf32, #tpu.memory_space<hbm>> -> memref<1x1x1280xf32, #tpu.memory_space<hbm>>
      %dma_wait3A_334 = tpu.memref_squeeze %dma_wait3A_333 : memref<1x1x1280xf32, #tpu.memory_space<hbm>> -> memref<1280xf32, #tpu.memory_space<hbm>>
      %dma_wait3A_335 = arith.constant 10240 : i32
      %dma_wait3A_336 = tpu.memref_slice %arg7[%dma_wait3A_335] : memref<20480xf32, #tpu.memory_space<vmem>> -> memref<1280xf32, #tpu.memory_space<vmem>>
      tpu.wait_dma2 semaphore(%run_scoped3A_316 : memref<!tpu.dma_semaphore, #tpu.memory_space<semaphore_mem>>) src(%dma_wait3A_336 : memref<1280xf32, #tpu.memory_space<vmem>>) dst(%dma_wait3A_334 : memref<1280xf32, #tpu.memory_space<hbm>>)
      tpu.yield
    }) : () -> ()
    %run_scoped3A_309 = arith.constant 9 : i32
    "tpu.region"() ({
      %run_scoped3A_316 = tpu.sem_alloc : memref<!tpu.dma_semaphore, #tpu.memory_space<semaphore_mem>>
      %dma_start3A_317 = arith.constant 11520 : i32
      %dma_start3A_318 = tpu.memref_slice %arg7[%dma_start3A_317] : memref<20480xf32, #tpu.memory_space<vmem>> -> memref<1280xf32, #tpu.memory_space<vmem>>
      %dma_start3A_319 = arith.constant 0 : i32
      %dma_start3A_320 = tpu.memref_slice %arg4[%run_scoped3A_309, %add3A, %dma_start3A_319] : memref<16x32x1280xf32, #tpu.memory_space<hbm>> -> memref<1x1x1280xf32, #tpu.memory_space<hbm>>
      %dma_start3A_321 = tpu.memref_squeeze %dma_start3A_320 : memref<1x1x1280xf32, #tpu.memory_space<hbm>> -> memref<1280xf32, #tpu.memory_space<hbm>>
      %dma_start3A_322 = arith.constant 0 : i32
      %dma_start3A_323 = tpu.memref_slice %arg4[%run_scoped3A_309, %add3A, %dma_start3A_322] : memref<16x32x1280xf32, #tpu.memory_space<hbm>> -> memref<1x1x1280xf32, #tpu.memory_space<hbm>>
      %dma_start3A_324 = tpu.memref_squeeze %dma_start3A_323 : memref<1x1x1280xf32, #tpu.memory_space<hbm>> -> memref<1280xf32, #tpu.memory_space<hbm>>
      %dma_start3A_325 = arith.constant 11520 : i32
      %dma_start3A_326 = tpu.memref_slice %arg7[%dma_start3A_325] : memref<20480xf32, #tpu.memory_space<vmem>> -> memref<1280xf32, #tpu.memory_space<vmem>>
      tpu.enqueue_dma source(%dma_start3A_326 : memref<1280xf32, #tpu.memory_space<vmem>>) target(%dma_start3A_324 : memref<1280xf32, #tpu.memory_space<hbm>>) target_semaphore(%run_scoped3A_316 : memref<!tpu.dma_semaphore, #tpu.memory_space<semaphore_mem>>)
      %dma_wait3A_327 = arith.constant 11520 : i32
      %dma_wait3A_328 = tpu.memref_slice %arg7[%dma_wait3A_327] : memref<20480xf32, #tpu.memory_space<vmem>> -> memref<1280xf32, #tpu.memory_space<vmem>>
      %dma_wait3A_329 = arith.constant 0 : i32
      %dma_wait3A_330 = tpu.memref_slice %arg4[%run_scoped3A_309, %add3A, %dma_wait3A_329] : memref<16x32x1280xf32, #tpu.memory_space<hbm>> -> memref<1x1x1280xf32, #tpu.memory_space<hbm>>
      %dma_wait3A_331 = tpu.memref_squeeze %dma_wait3A_330 : memref<1x1x1280xf32, #tpu.memory_space<hbm>> -> memref<1280xf32, #tpu.memory_space<hbm>>
      %dma_wait3A_332 = arith.constant 0 : i32
      %dma_wait3A_333 = tpu.memref_slice %arg4[%run_scoped3A_309, %add3A, %dma_wait3A_332] : memref<16x32x1280xf32, #tpu.memory_space<hbm>> -> memref<1x1x1280xf32, #tpu.memory_space<hbm>>
      %dma_wait3A_334 = tpu.memref_squeeze %dma_wait3A_333 : memref<1x1x1280xf32, #tpu.memory_space<hbm>> -> memref<1280xf32, #tpu.memory_space<hbm>>
      %dma_wait3A_335 = arith.constant 11520 : i32
      %dma_wait3A_336 = tpu.memref_slice %arg7[%dma_wait3A_335] : memref<20480xf32, #tpu.memory_space<vmem>> -> memref<1280xf32, #tpu.memory_space<vmem>>
      tpu.wait_dma2 semaphore(%run_scoped3A_316 : memref<!tpu.dma_semaphore, #tpu.memory_space<semaphore_mem>>) src(%dma_wait3A_336 : memref<1280xf32, #tpu.memory_space<vmem>>) dst(%dma_wait3A_334 : memref<1280xf32, #tpu.memory_space<hbm>>)
      tpu.yield
    }) : () -> ()
    %run_scoped3A_310 = arith.constant 10 : i32
    "tpu.region"() ({
      %run_scoped3A_316 = tpu.sem_alloc : memref<!tpu.dma_semaphore, #tpu.memory_space<semaphore_mem>>
      %dma_start3A_317 = arith.constant 12800 : i32
      %dma_start3A_318 = tpu.memref_slice %arg7[%dma_start3A_317] : memref<20480xf32, #tpu.memory_space<vmem>> -> memref<1280xf32, #tpu.memory_space<vmem>>
      %dma_start3A_319 = arith.constant 0 : i32
      %dma_start3A_320 = tpu.memref_slice %arg4[%run_scoped3A_310, %add3A, %dma_start3A_319] : memref<16x32x1280xf32, #tpu.memory_space<hbm>> -> memref<1x1x1280xf32, #tpu.memory_space<hbm>>
      %dma_start3A_321 = tpu.memref_squeeze %dma_start3A_320 : memref<1x1x1280xf32, #tpu.memory_space<hbm>> -> memref<1280xf32, #tpu.memory_space<hbm>>
      %dma_start3A_322 = arith.constant 0 : i32
      %dma_start3A_323 = tpu.memref_slice %arg4[%run_scoped3A_310, %add3A, %dma_start3A_322] : memref<16x32x1280xf32, #tpu.memory_space<hbm>> -> memref<1x1x1280xf32, #tpu.memory_space<hbm>>
      %dma_start3A_324 = tpu.memref_squeeze %dma_start3A_323 : memref<1x1x1280xf32, #tpu.memory_space<hbm>> -> memref<1280xf32, #tpu.memory_space<hbm>>
      %dma_start3A_325 = arith.constant 12800 : i32
      %dma_start3A_326 = tpu.memref_slice %arg7[%dma_start3A_325] : memref<20480xf32, #tpu.memory_space<vmem>> -> memref<1280xf32, #tpu.memory_space<vmem>>
      tpu.enqueue_dma source(%dma_start3A_326 : memref<1280xf32, #tpu.memory_space<vmem>>) target(%dma_start3A_324 : memref<1280xf32, #tpu.memory_space<hbm>>) target_semaphore(%run_scoped3A_316 : memref<!tpu.dma_semaphore, #tpu.memory_space<semaphore_mem>>)
      %dma_wait3A_327 = arith.constant 12800 : i32
      %dma_wait3A_328 = tpu.memref_slice %arg7[%dma_wait3A_327] : memref<20480xf32, #tpu.memory_space<vmem>> -> memref<1280xf32, #tpu.memory_space<vmem>>
      %dma_wait3A_329 = arith.constant 0 : i32
      %dma_wait3A_330 = tpu.memref_slice %arg4[%run_scoped3A_310, %add3A, %dma_wait3A_329] : memref<16x32x1280xf32, #tpu.memory_space<hbm>> -> memref<1x1x1280xf32, #tpu.memory_space<hbm>>
      %dma_wait3A_331 = tpu.memref_squeeze %dma_wait3A_330 : memref<1x1x1280xf32, #tpu.memory_space<hbm>> -> memref<1280xf32, #tpu.memory_space<hbm>>
      %dma_wait3A_332 = arith.constant 0 : i32
      %dma_wait3A_333 = tpu.memref_slice %arg4[%run_scoped3A_310, %add3A, %dma_wait3A_332] : memref<16x32x1280xf32, #tpu.memory_space<hbm>> -> memref<1x1x1280xf32, #tpu.memory_space<hbm>>
      %dma_wait3A_334 = tpu.memref_squeeze %dma_wait3A_333 : memref<1x1x1280xf32, #tpu.memory_space<hbm>> -> memref<1280xf32, #tpu.memory_space<hbm>>
      %dma_wait3A_335 = arith.constant 12800 : i32
      %dma_wait3A_336 = tpu.memref_slice %arg7[%dma_wait3A_335] : memref<20480xf32, #tpu.memory_space<vmem>> -> memref<1280xf32, #tpu.memory_space<vmem>>
      tpu.wait_dma2 semaphore(%run_scoped3A_316 : memref<!tpu.dma_semaphore, #tpu.memory_space<semaphore_mem>>) src(%dma_wait3A_336 : memref<1280xf32, #tpu.memory_space<vmem>>) dst(%dma_wait3A_334 : memref<1280xf32, #tpu.memory_space<hbm>>)
      tpu.yield
    }) : () -> ()
    %run_scoped3A_311 = arith.constant 11 : i32
    "tpu.region"() ({
      %run_scoped3A_316 = tpu.sem_alloc : memref<!tpu.dma_semaphore, #tpu.memory_space<semaphore_mem>>
      %dma_start3A_317 = arith.constant 14080 : i32
      %dma_start3A_318 = tpu.memref_slice %arg7[%dma_start3A_317] : memref<20480xf32, #tpu.memory_space<vmem>> -> memref<1280xf32, #tpu.memory_space<vmem>>
      %dma_start3A_319 = arith.constant 0 : i32
      %dma_start3A_320 = tpu.memref_slice %arg4[%run_scoped3A_311, %add3A, %dma_start3A_319] : memref<16x32x1280xf32, #tpu.memory_space<hbm>> -> memref<1x1x1280xf32, #tpu.memory_space<hbm>>
      %dma_start3A_321 = tpu.memref_squeeze %dma_start3A_320 : memref<1x1x1280xf32, #tpu.memory_space<hbm>> -> memref<1280xf32, #tpu.memory_space<hbm>>
      %dma_start3A_322 = arith.constant 0 : i32
      %dma_start3A_323 = tpu.memref_slice %arg4[%run_scoped3A_311, %add3A, %dma_start3A_322] : memref<16x32x1280xf32, #tpu.memory_space<hbm>> -> memref<1x1x1280xf32, #tpu.memory_space<hbm>>
      %dma_start3A_324 = tpu.memref_squeeze %dma_start3A_323 : memref<1x1x1280xf32, #tpu.memory_space<hbm>> -> memref<1280xf32, #tpu.memory_space<hbm>>
      %dma_start3A_325 = arith.constant 14080 : i32
      %dma_start3A_326 = tpu.memref_slice %arg7[%dma_start3A_325] : memref<20480xf32, #tpu.memory_space<vmem>> -> memref<1280xf32, #tpu.memory_space<vmem>>
      tpu.enqueue_dma source(%dma_start3A_326 : memref<1280xf32, #tpu.memory_space<vmem>>) target(%dma_start3A_324 : memref<1280xf32, #tpu.memory_space<hbm>>) target_semaphore(%run_scoped3A_316 : memref<!tpu.dma_semaphore, #tpu.memory_space<semaphore_mem>>)
      %dma_wait3A_327 = arith.constant 14080 : i32
      %dma_wait3A_328 = tpu.memref_slice %arg7[%dma_wait3A_327] : memref<20480xf32, #tpu.memory_space<vmem>> -> memref<1280xf32, #tpu.memory_space<vmem>>
      %dma_wait3A_329 = arith.constant 0 : i32
      %dma_wait3A_330 = tpu.memref_slice %arg4[%run_scoped3A_311, %add3A, %dma_wait3A_329] : memref<16x32x1280xf32, #tpu.memory_space<hbm>> -> memref<1x1x1280xf32, #tpu.memory_space<hbm>>
      %dma_wait3A_331 = tpu.memref_squeeze %dma_wait3A_330 : memref<1x1x1280xf32, #tpu.memory_space<hbm>> -> memref<1280xf32, #tpu.memory_space<hbm>>
      %dma_wait3A_332 = arith.constant 0 : i32
      %dma_wait3A_333 = tpu.memref_slice %arg4[%run_scoped3A_311, %add3A, %dma_wait3A_332] : memref<16x32x1280xf32, #tpu.memory_space<hbm>> -> memref<1x1x1280xf32, #tpu.memory_space<hbm>>
      %dma_wait3A_334 = tpu.memref_squeeze %dma_wait3A_333 : memref<1x1x1280xf32, #tpu.memory_space<hbm>> -> memref<1280xf32, #tpu.memory_space<hbm>>
      %dma_wait3A_335 = arith.constant 14080 : i32
      %dma_wait3A_336 = tpu.memref_slice %arg7[%dma_wait3A_335] : memref<20480xf32, #tpu.memory_space<vmem>> -> memref<1280xf32, #tpu.memory_space<vmem>>
      tpu.wait_dma2 semaphore(%run_scoped3A_316 : memref<!tpu.dma_semaphore, #tpu.memory_space<semaphore_mem>>) src(%dma_wait3A_336 : memref<1280xf32, #tpu.memory_space<vmem>>) dst(%dma_wait3A_334 : memref<1280xf32, #tpu.memory_space<hbm>>)
      tpu.yield
    }) : () -> ()
    %run_scoped3A_312 = arith.constant 12 : i32
    "tpu.region"() ({
      %run_scoped3A_316 = tpu.sem_alloc : memref<!tpu.dma_semaphore, #tpu.memory_space<semaphore_mem>>
      %dma_start3A_317 = arith.constant 15360 : i32
      %dma_start3A_318 = tpu.memref_slice %arg7[%dma_start3A_317] : memref<20480xf32, #tpu.memory_space<vmem>> -> memref<1280xf32, #tpu.memory_space<vmem>>
      %dma_start3A_319 = arith.constant 0 : i32
      %dma_start3A_320 = tpu.memref_slice %arg4[%run_scoped3A_312, %add3A, %dma_start3A_319] : memref<16x32x1280xf32, #tpu.memory_space<hbm>> -> memref<1x1x1280xf32, #tpu.memory_space<hbm>>
      %dma_start3A_321 = tpu.memref_squeeze %dma_start3A_320 : memref<1x1x1280xf32, #tpu.memory_space<hbm>> -> memref<1280xf32, #tpu.memory_space<hbm>>
      %dma_start3A_322 = arith.constant 0 : i32
      %dma_start3A_323 = tpu.memref_slice %arg4[%run_scoped3A_312, %add3A, %dma_start3A_322] : memref<16x32x1280xf32, #tpu.memory_space<hbm>> -> memref<1x1x1280xf32, #tpu.memory_space<hbm>>
      %dma_start3A_324 = tpu.memref_squeeze %dma_start3A_323 : memref<1x1x1280xf32, #tpu.memory_space<hbm>> -> memref<1280xf32, #tpu.memory_space<hbm>>
      %dma_start3A_325 = arith.constant 15360 : i32
      %dma_start3A_326 = tpu.memref_slice %arg7[%dma_start3A_325] : memref<20480xf32, #tpu.memory_space<vmem>> -> memref<1280xf32, #tpu.memory_space<vmem>>
      tpu.enqueue_dma source(%dma_start3A_326 : memref<1280xf32, #tpu.memory_space<vmem>>) target(%dma_start3A_324 : memref<1280xf32, #tpu.memory_space<hbm>>) target_semaphore(%run_scoped3A_316 : memref<!tpu.dma_semaphore, #tpu.memory_space<semaphore_mem>>)
      %dma_wait3A_327 = arith.constant 15360 : i32
      %dma_wait3A_328 = tpu.memref_slice %arg7[%dma_wait3A_327] : memref<20480xf32, #tpu.memory_space<vmem>> -> memref<1280xf32, #tpu.memory_space<vmem>>
      %dma_wait3A_329 = arith.constant 0 : i32
      %dma_wait3A_330 = tpu.memref_slice %arg4[%run_scoped3A_312, %add3A, %dma_wait3A_329] : memref<16x32x1280xf32, #tpu.memory_space<hbm>> -> memref<1x1x1280xf32, #tpu.memory_space<hbm>>
      %dma_wait3A_331 = tpu.memref_squeeze %dma_wait3A_330 : memref<1x1x1280xf32, #tpu.memory_space<hbm>> -> memref<1280xf32, #tpu.memory_space<hbm>>
      %dma_wait3A_332 = arith.constant 0 : i32
      %dma_wait3A_333 = tpu.memref_slice %arg4[%run_scoped3A_312, %add3A, %dma_wait3A_332] : memref<16x32x1280xf32, #tpu.memory_space<hbm>> -> memref<1x1x1280xf32, #tpu.memory_space<hbm>>
      %dma_wait3A_334 = tpu.memref_squeeze %dma_wait3A_333 : memref<1x1x1280xf32, #tpu.memory_space<hbm>> -> memref<1280xf32, #tpu.memory_space<hbm>>
      %dma_wait3A_335 = arith.constant 15360 : i32
      %dma_wait3A_336 = tpu.memref_slice %arg7[%dma_wait3A_335] : memref<20480xf32, #tpu.memory_space<vmem>> -> memref<1280xf32, #tpu.memory_space<vmem>>
      tpu.wait_dma2 semaphore(%run_scoped3A_316 : memref<!tpu.dma_semaphore, #tpu.memory_space<semaphore_mem>>) src(%dma_wait3A_336 : memref<1280xf32, #tpu.memory_space<vmem>>) dst(%dma_wait3A_334 : memref<1280xf32, #tpu.memory_space<hbm>>)
      tpu.yield
    }) : () -> ()
    %run_scoped3A_313 = arith.constant 13 : i32
    "tpu.region"() ({
      %run_scoped3A_316 = tpu.sem_alloc : memref<!tpu.dma_semaphore, #tpu.memory_space<semaphore_mem>>
      %dma_start3A_317 = arith.constant 16640 : i32
      %dma_start3A_318 = tpu.memref_slice %arg7[%dma_start3A_317] : memref<20480xf32, #tpu.memory_space<vmem>> -> memref<1280xf32, #tpu.memory_space<vmem>>
      %dma_start3A_319 = arith.constant 0 : i32
      %dma_start3A_320 = tpu.memref_slice %arg4[%run_scoped3A_313, %add3A, %dma_start3A_319] : memref<16x32x1280xf32, #tpu.memory_space<hbm>> -> memref<1x1x1280xf32, #tpu.memory_space<hbm>>
      %dma_start3A_321 = tpu.memref_squeeze %dma_start3A_320 : memref<1x1x1280xf32, #tpu.memory_space<hbm>> -> memref<1280xf32, #tpu.memory_space<hbm>>
      %dma_start3A_322 = arith.constant 0 : i32
      %dma_start3A_323 = tpu.memref_slice %arg4[%run_scoped3A_313, %add3A, %dma_start3A_322] : memref<16x32x1280xf32, #tpu.memory_space<hbm>> -> memref<1x1x1280xf32, #tpu.memory_space<hbm>>
      %dma_start3A_324 = tpu.memref_squeeze %dma_start3A_323 : memref<1x1x1280xf32, #tpu.memory_space<hbm>> -> memref<1280xf32, #tpu.memory_space<hbm>>
      %dma_start3A_325 = arith.constant 16640 : i32
      %dma_start3A_326 = tpu.memref_slice %arg7[%dma_start3A_325] : memref<20480xf32, #tpu.memory_space<vmem>> -> memref<1280xf32, #tpu.memory_space<vmem>>
      tpu.enqueue_dma source(%dma_start3A_326 : memref<1280xf32, #tpu.memory_space<vmem>>) target(%dma_start3A_324 : memref<1280xf32, #tpu.memory_space<hbm>>) target_semaphore(%run_scoped3A_316 : memref<!tpu.dma_semaphore, #tpu.memory_space<semaphore_mem>>)
      %dma_wait3A_327 = arith.constant 16640 : i32
      %dma_wait3A_328 = tpu.memref_slice %arg7[%dma_wait3A_327] : memref<20480xf32, #tpu.memory_space<vmem>> -> memref<1280xf32, #tpu.memory_space<vmem>>
      %dma_wait3A_329 = arith.constant 0 : i32
      %dma_wait3A_330 = tpu.memref_slice %arg4[%run_scoped3A_313, %add3A, %dma_wait3A_329] : memref<16x32x1280xf32, #tpu.memory_space<hbm>> -> memref<1x1x1280xf32, #tpu.memory_space<hbm>>
      %dma_wait3A_331 = tpu.memref_squeeze %dma_wait3A_330 : memref<1x1x1280xf32, #tpu.memory_space<hbm>> -> memref<1280xf32, #tpu.memory_space<hbm>>
      %dma_wait3A_332 = arith.constant 0 : i32
      %dma_wait3A_333 = tpu.memref_slice %arg4[%run_scoped3A_313, %add3A, %dma_wait3A_332] : memref<16x32x1280xf32, #tpu.memory_space<hbm>> -> memref<1x1x1280xf32, #tpu.memory_space<hbm>>
      %dma_wait3A_334 = tpu.memref_squeeze %dma_wait3A_333 : memref<1x1x1280xf32, #tpu.memory_space<hbm>> -> memref<1280xf32, #tpu.memory_space<hbm>>
      %dma_wait3A_335 = arith.constant 16640 : i32
      %dma_wait3A_336 = tpu.memref_slice %arg7[%dma_wait3A_335] : memref<20480xf32, #tpu.memory_space<vmem>> -> memref<1280xf32, #tpu.memory_space<vmem>>
      tpu.wait_dma2 semaphore(%run_scoped3A_316 : memref<!tpu.dma_semaphore, #tpu.memory_space<semaphore_mem>>) src(%dma_wait3A_336 : memref<1280xf32, #tpu.memory_space<vmem>>) dst(%dma_wait3A_334 : memref<1280xf32, #tpu.memory_space<hbm>>)
      tpu.yield
    }) : () -> ()
    %run_scoped3A_314 = arith.constant 14 : i32
    "tpu.region"() ({
      %run_scoped3A_316 = tpu.sem_alloc : memref<!tpu.dma_semaphore, #tpu.memory_space<semaphore_mem>>
      %dma_start3A_317 = arith.constant 17920 : i32
      %dma_start3A_318 = tpu.memref_slice %arg7[%dma_start3A_317] : memref<20480xf32, #tpu.memory_space<vmem>> -> memref<1280xf32, #tpu.memory_space<vmem>>
      %dma_start3A_319 = arith.constant 0 : i32
      %dma_start3A_320 = tpu.memref_slice %arg4[%run_scoped3A_314, %add3A, %dma_start3A_319] : memref<16x32x1280xf32, #tpu.memory_space<hbm>> -> memref<1x1x1280xf32, #tpu.memory_space<hbm>>
      %dma_start3A_321 = tpu.memref_squeeze %dma_start3A_320 : memref<1x1x1280xf32, #tpu.memory_space<hbm>> -> memref<1280xf32, #tpu.memory_space<hbm>>
      %dma_start3A_322 = arith.constant 0 : i32
      %dma_start3A_323 = tpu.memref_slice %arg4[%run_scoped3A_314, %add3A, %dma_start3A_322] : memref<16x32x1280xf32, #tpu.memory_space<hbm>> -> memref<1x1x1280xf32, #tpu.memory_space<hbm>>
      %dma_start3A_324 = tpu.memref_squeeze %dma_start3A_323 : memref<1x1x1280xf32, #tpu.memory_space<hbm>> -> memref<1280xf32, #tpu.memory_space<hbm>>
      %dma_start3A_325 = arith.constant 17920 : i32
      %dma_start3A_326 = tpu.memref_slice %arg7[%dma_start3A_325] : memref<20480xf32, #tpu.memory_space<vmem>> -> memref<1280xf32, #tpu.memory_space<vmem>>
      tpu.enqueue_dma source(%dma_start3A_326 : memref<1280xf32, #tpu.memory_space<vmem>>) target(%dma_start3A_324 : memref<1280xf32, #tpu.memory_space<hbm>>) target_semaphore(%run_scoped3A_316 : memref<!tpu.dma_semaphore, #tpu.memory_space<semaphore_mem>>)
      %dma_wait3A_327 = arith.constant 17920 : i32
      %dma_wait3A_328 = tpu.memref_slice %arg7[%dma_wait3A_327] : memref<20480xf32, #tpu.memory_space<vmem>> -> memref<1280xf32, #tpu.memory_space<vmem>>
      %dma_wait3A_329 = arith.constant 0 : i32
      %dma_wait3A_330 = tpu.memref_slice %arg4[%run_scoped3A_314, %add3A, %dma_wait3A_329] : memref<16x32x1280xf32, #tpu.memory_space<hbm>> -> memref<1x1x1280xf32, #tpu.memory_space<hbm>>
      %dma_wait3A_331 = tpu.memref_squeeze %dma_wait3A_330 : memref<1x1x1280xf32, #tpu.memory_space<hbm>> -> memref<1280xf32, #tpu.memory_space<hbm>>
      %dma_wait3A_332 = arith.constant 0 : i32
      %dma_wait3A_333 = tpu.memref_slice %arg4[%run_scoped3A_314, %add3A, %dma_wait3A_332] : memref<16x32x1280xf32, #tpu.memory_space<hbm>> -> memref<1x1x1280xf32, #tpu.memory_space<hbm>>
      %dma_wait3A_334 = tpu.memref_squeeze %dma_wait3A_333 : memref<1x1x1280xf32, #tpu.memory_space<hbm>> -> memref<1280xf32, #tpu.memory_space<hbm>>
      %dma_wait3A_335 = arith.constant 17920 : i32
      %dma_wait3A_336 = tpu.memref_slice %arg7[%dma_wait3A_335] : memref<20480xf32, #tpu.memory_space<vmem>> -> memref<1280xf32, #tpu.memory_space<vmem>>
      tpu.wait_dma2 semaphore(%run_scoped3A_316 : memref<!tpu.dma_semaphore, #tpu.memory_space<semaphore_mem>>) src(%dma_wait3A_336 : memref<1280xf32, #tpu.memory_space<vmem>>) dst(%dma_wait3A_334 : memref<1280xf32, #tpu.memory_space<hbm>>)
      tpu.yield
    }) : () -> ()
    %run_scoped3A_315 = arith.constant 15 : i32
    "tpu.region"() ({
      %run_scoped3A_316 = tpu.sem_alloc : memref<!tpu.dma_semaphore, #tpu.memory_space<semaphore_mem>>
      %dma_start3A_317 = arith.constant 19200 : i32
      %dma_start3A_318 = tpu.memref_slice %arg7[%dma_start3A_317] : memref<20480xf32, #tpu.memory_space<vmem>> -> memref<1280xf32, #tpu.memory_space<vmem>>
      %dma_start3A_319 = arith.constant 0 : i32
      %dma_start3A_320 = tpu.memref_slice %arg4[%run_scoped3A_315, %add3A, %dma_start3A_319] : memref<16x32x1280xf32, #tpu.memory_space<hbm>> -> memref<1x1x1280xf32, #tpu.memory_space<hbm>>
      %dma_start3A_321 = tpu.memref_squeeze %dma_start3A_320 : memref<1x1x1280xf32, #tpu.memory_space<hbm>> -> memref<1280xf32, #tpu.memory_space<hbm>>
      %dma_start3A_322 = arith.constant 0 : i32
      %dma_start3A_323 = tpu.memref_slice %arg4[%run_scoped3A_315, %add3A, %dma_start3A_322] : memref<16x32x1280xf32, #tpu.memory_space<hbm>> -> memref<1x1x1280xf32, #tpu.memory_space<hbm>>
      %dma_start3A_324 = tpu.memref_squeeze %dma_start3A_323 : memref<1x1x1280xf32, #tpu.memory_space<hbm>> -> memref<1280xf32, #tpu.memory_space<hbm>>
      %dma_start3A_325 = arith.constant 19200 : i32
      %dma_start3A_326 = tpu.memref_slice %arg7[%dma_start3A_325] : memref<20480xf32, #tpu.memory_space<vmem>> -> memref<1280xf32, #tpu.memory_space<vmem>>
      tpu.enqueue_dma source(%dma_start3A_326 : memref<1280xf32, #tpu.memory_space<vmem>>) target(%dma_start3A_324 : memref<1280xf32, #tpu.memory_space<hbm>>) target_semaphore(%run_scoped3A_316 : memref<!tpu.dma_semaphore, #tpu.memory_space<semaphore_mem>>)
      %dma_wait3A_327 = arith.constant 19200 : i32
      %dma_wait3A_328 = tpu.memref_slice %arg7[%dma_wait3A_327] : memref<20480xf32, #tpu.memory_space<vmem>> -> memref<1280xf32, #tpu.memory_space<vmem>>
      %dma_wait3A_329 = arith.constant 0 : i32
      %dma_wait3A_330 = tpu.memref_slice %arg4[%run_scoped3A_315, %add3A, %dma_wait3A_329] : memref<16x32x1280xf32, #tpu.memory_space<hbm>> -> memref<1x1x1280xf32, #tpu.memory_space<hbm>>
      %dma_wait3A_331 = tpu.memref_squeeze %dma_wait3A_330 : memref<1x1x1280xf32, #tpu.memory_space<hbm>> -> memref<1280xf32, #tpu.memory_space<hbm>>
      %dma_wait3A_332 = arith.constant 0 : i32
      %dma_wait3A_333 = tpu.memref_slice %arg4[%run_scoped3A_315, %add3A, %dma_wait3A_332] : memref<16x32x1280xf32, #tpu.memory_space<hbm>> -> memref<1x1x1280xf32, #tpu.memory_space<hbm>>
      %dma_wait3A_334 = tpu.memref_squeeze %dma_wait3A_333 : memref<1x1x1280xf32, #tpu.memory_space<hbm>> -> memref<1280xf32, #tpu.memory_space<hbm>>
      %dma_wait3A_335 = arith.constant 19200 : i32
      %dma_wait3A_336 = tpu.memref_slice %arg7[%dma_wait3A_335] : memref<20480xf32, #tpu.memory_space<vmem>> -> memref<1280xf32, #tpu.memory_space<vmem>>
      tpu.wait_dma2 semaphore(%run_scoped3A_316 : memref<!tpu.dma_semaphore, #tpu.memory_space<semaphore_mem>>) src(%dma_wait3A_336 : memref<1280xf32, #tpu.memory_space<vmem>>) dst(%dma_wait3A_334 : memref<1280xf32, #tpu.memory_space<hbm>>)
      tpu.yield
    }) : () -> ()
    return
  }
}

#map = affine_map<(d0, d1) -> (0, 0)>
#map1 = affine_map<(d0, d1) -> (0, 0, 0)>
module attributes {stable_mosaic.version = 14 : i64} {
  func.func @k(%arg0: i32, %arg1: i32, %arg2: memref<4x5120xi32, #tpu.memory_space<hbm>>, %arg3: memref<4x5120xf32, #tpu.memory_space<hbm>>, %arg4: memref<4x3x5120xi32, #tpu.memory_space<hbm>>, %arg5: memref<4x3x5120xi32, #tpu.memory_space<hbm>>, %arg6: memref<4x5120xf32, #tpu.memory_space<hbm>>, %arg7: memref<5120xi32, #tpu.memory_space<vmem>>, %arg8: memref<5120xf32, #tpu.memory_space<vmem>>, %arg9: memref<3x5120xi32, #tpu.memory_space<vmem>>, %arg10: memref<3x5120xi32, #tpu.memory_space<vmem>>, %arg11: memref<5120xf32, #tpu.memory_space<vmem>>) attributes {dimension_semantics = [#tpu.dimension_semantics<core_parallel>, #tpu.dimension_semantics<subcore_parallel>], iteration_bounds = array<i64: 2, 16>, scalar_prefetch = 0 : i64, scratch_operands = 5 : i64, tpu.core_type = #tpu.core_type<sc_vector_subcore>, window_params = [{transform_indices = #map}, {transform_indices = #map}, {transform_indices = #map1}, {transform_indices = #map1}, {transform_indices = #map}]} {
    %mul3A = arith.constant 2 : i32
    %mul3A_0 = arith.muli %arg1, %mul3A : i32
    %add3A = arith.addi %mul3A_0, %arg0 : i32
    %lt3A = arith.constant 4 : i32
    %lt3A_1 = arith.cmpi slt, %add3A, %lt3A : i32
    %convert_element_type3A = arith.extui %lt3A_1 : i1 to i32
    %cond3A = arith.constant 0 : i32
    %cond3A_2 = arith.cmpi ne, %convert_element_type3A, %cond3A : i32
    scf.if %cond3A_2 {
      "tpu.region"() ({
        %run_scoped3A = tpu.sem_alloc : memref<!tpu.dma_semaphore, #tpu.memory_space<semaphore_mem>>
        %dma_start3A = arith.constant 0 : i32
        %dma_start3A_8 = tpu.memref_slice %arg2[%add3A, %dma_start3A] : memref<4x5120xi32, #tpu.memory_space<hbm>> -> memref<1x5120xi32, #tpu.memory_space<hbm>>
        %dma_start3A_9 = tpu.memref_squeeze %dma_start3A_8 : memref<1x5120xi32, #tpu.memory_space<hbm>> -> memref<5120xi32, #tpu.memory_space<hbm>>
        %dma_start3A_10 = arith.constant 0 : i32
        %dma_start3A_11 = tpu.memref_slice %arg2[%add3A, %dma_start3A_10] : memref<4x5120xi32, #tpu.memory_space<hbm>> -> memref<1x5120xi32, #tpu.memory_space<hbm>>
        %dma_start3A_12 = tpu.memref_squeeze %dma_start3A_11 : memref<1x5120xi32, #tpu.memory_space<hbm>> -> memref<5120xi32, #tpu.memory_space<hbm>>
        tpu.enqueue_dma source(%dma_start3A_12 : memref<5120xi32, #tpu.memory_space<hbm>>) target(%arg7 : memref<5120xi32, #tpu.memory_space<vmem>>) target_semaphore(%run_scoped3A : memref<!tpu.dma_semaphore, #tpu.memory_space<semaphore_mem>>)
        %dma_wait3A = arith.constant 0 : i32
        %dma_wait3A_13 = tpu.memref_slice %arg2[%add3A, %dma_wait3A] : memref<4x5120xi32, #tpu.memory_space<hbm>> -> memref<1x5120xi32, #tpu.memory_space<hbm>>
        %dma_wait3A_14 = tpu.memref_squeeze %dma_wait3A_13 : memref<1x5120xi32, #tpu.memory_space<hbm>> -> memref<5120xi32, #tpu.memory_space<hbm>>
        %dma_wait3A_15 = arith.constant 0 : i32
        %dma_wait3A_16 = tpu.memref_slice %arg2[%add3A, %dma_wait3A_15] : memref<4x5120xi32, #tpu.memory_space<hbm>> -> memref<1x5120xi32, #tpu.memory_space<hbm>>
        %dma_wait3A_17 = tpu.memref_squeeze %dma_wait3A_16 : memref<1x5120xi32, #tpu.memory_space<hbm>> -> memref<5120xi32, #tpu.memory_space<hbm>>
        tpu.wait_dma2 semaphore(%run_scoped3A : memref<!tpu.dma_semaphore, #tpu.memory_space<semaphore_mem>>) src(%dma_wait3A_17 : memref<5120xi32, #tpu.memory_space<hbm>>) dst(%arg7 : memref<5120xi32, #tpu.memory_space<vmem>>)
        tpu.yield
      }) : () -> ()
      "tpu.region"() ({
        %run_scoped3A = tpu.sem_alloc : memref<!tpu.dma_semaphore, #tpu.memory_space<semaphore_mem>>
        %dma_start3A = arith.constant 0 : i32
        %dma_start3A_8 = tpu.memref_slice %arg3[%add3A, %dma_start3A] : memref<4x5120xf32, #tpu.memory_space<hbm>> -> memref<1x5120xf32, #tpu.memory_space<hbm>>
        %dma_start3A_9 = tpu.memref_squeeze %dma_start3A_8 : memref<1x5120xf32, #tpu.memory_space<hbm>> -> memref<5120xf32, #tpu.memory_space<hbm>>
        %dma_start3A_10 = arith.constant 0 : i32
        %dma_start3A_11 = tpu.memref_slice %arg3[%add3A, %dma_start3A_10] : memref<4x5120xf32, #tpu.memory_space<hbm>> -> memref<1x5120xf32, #tpu.memory_space<hbm>>
        %dma_start3A_12 = tpu.memref_squeeze %dma_start3A_11 : memref<1x5120xf32, #tpu.memory_space<hbm>> -> memref<5120xf32, #tpu.memory_space<hbm>>
        tpu.enqueue_dma source(%dma_start3A_12 : memref<5120xf32, #tpu.memory_space<hbm>>) target(%arg8 : memref<5120xf32, #tpu.memory_space<vmem>>) target_semaphore(%run_scoped3A : memref<!tpu.dma_semaphore, #tpu.memory_space<semaphore_mem>>)
        %dma_wait3A = arith.constant 0 : i32
        %dma_wait3A_13 = tpu.memref_slice %arg3[%add3A, %dma_wait3A] : memref<4x5120xf32, #tpu.memory_space<hbm>> -> memref<1x5120xf32, #tpu.memory_space<hbm>>
        %dma_wait3A_14 = tpu.memref_squeeze %dma_wait3A_13 : memref<1x5120xf32, #tpu.memory_space<hbm>> -> memref<5120xf32, #tpu.memory_space<hbm>>
        %dma_wait3A_15 = arith.constant 0 : i32
        %dma_wait3A_16 = tpu.memref_slice %arg3[%add3A, %dma_wait3A_15] : memref<4x5120xf32, #tpu.memory_space<hbm>> -> memref<1x5120xf32, #tpu.memory_space<hbm>>
        %dma_wait3A_17 = tpu.memref_squeeze %dma_wait3A_16 : memref<1x5120xf32, #tpu.memory_space<hbm>> -> memref<5120xf32, #tpu.memory_space<hbm>>
        tpu.wait_dma2 semaphore(%run_scoped3A : memref<!tpu.dma_semaphore, #tpu.memory_space<semaphore_mem>>) src(%dma_wait3A_17 : memref<5120xf32, #tpu.memory_space<hbm>>) dst(%arg8 : memref<5120xf32, #tpu.memory_space<vmem>>)
        tpu.yield
      }) : () -> ()
      "tpu.region"() ({
        %run_scoped3A = tpu.sem_alloc : memref<!tpu.dma_semaphore, #tpu.memory_space<semaphore_mem>>
        %dma_start3A = arith.constant 0 : i32
        %dma_start3A_8 = arith.constant 0 : i32
        %dma_start3A_9 = tpu.memref_slice %arg4[%add3A, %dma_start3A, %dma_start3A_8] : memref<4x3x5120xi32, #tpu.memory_space<hbm>> -> memref<1x3x5120xi32, #tpu.memory_space<hbm>>
        %dma_start3A_10 = tpu.memref_squeeze %dma_start3A_9 : memref<1x3x5120xi32, #tpu.memory_space<hbm>> -> memref<3x5120xi32, #tpu.memory_space<hbm>>
        %dma_start3A_11 = arith.constant 0 : i32
        %dma_start3A_12 = arith.constant 0 : i32
        %dma_start3A_13 = tpu.memref_slice %arg4[%add3A, %dma_start3A_11, %dma_start3A_12] : memref<4x3x5120xi32, #tpu.memory_space<hbm>> -> memref<1x3x5120xi32, #tpu.memory_space<hbm>>
        %dma_start3A_14 = tpu.memref_squeeze %dma_start3A_13 : memref<1x3x5120xi32, #tpu.memory_space<hbm>> -> memref<3x5120xi32, #tpu.memory_space<hbm>>
        tpu.enqueue_dma source(%dma_start3A_14 : memref<3x5120xi32, #tpu.memory_space<hbm>>) target(%arg9 : memref<3x5120xi32, #tpu.memory_space<vmem>>) target_semaphore(%run_scoped3A : memref<!tpu.dma_semaphore, #tpu.memory_space<semaphore_mem>>)
        %dma_wait3A = arith.constant 0 : i32
        %dma_wait3A_15 = arith.constant 0 : i32
        %dma_wait3A_16 = tpu.memref_slice %arg4[%add3A, %dma_wait3A, %dma_wait3A_15] : memref<4x3x5120xi32, #tpu.memory_space<hbm>> -> memref<1x3x5120xi32, #tpu.memory_space<hbm>>
        %dma_wait3A_17 = tpu.memref_squeeze %dma_wait3A_16 : memref<1x3x5120xi32, #tpu.memory_space<hbm>> -> memref<3x5120xi32, #tpu.memory_space<hbm>>
        %dma_wait3A_18 = arith.constant 0 : i32
        %dma_wait3A_19 = arith.constant 0 : i32
        %dma_wait3A_20 = tpu.memref_slice %arg4[%add3A, %dma_wait3A_18, %dma_wait3A_19] : memref<4x3x5120xi32, #tpu.memory_space<hbm>> -> memref<1x3x5120xi32, #tpu.memory_space<hbm>>
        %dma_wait3A_21 = tpu.memref_squeeze %dma_wait3A_20 : memref<1x3x5120xi32, #tpu.memory_space<hbm>> -> memref<3x5120xi32, #tpu.memory_space<hbm>>
        tpu.wait_dma2 semaphore(%run_scoped3A : memref<!tpu.dma_semaphore, #tpu.memory_space<semaphore_mem>>) src(%dma_wait3A_21 : memref<3x5120xi32, #tpu.memory_space<hbm>>) dst(%arg9 : memref<3x5120xi32, #tpu.memory_space<vmem>>)
        tpu.yield
      }) : () -> ()
      %scan3A = arith.constant 0 : i32
      %scan3A_3 = arith.constant 0 : i32
      %scan3A_4 = arith.constant 313 : i32
      %scan3A_5 = arith.addi %scan3A_3, %scan3A_4 : i32
      %scan3A_6 = arith.constant 1 : i32
      scf.for %scan3A_8 = %scan3A_3 to %scan3A_5 step %scan3A_6  : i32 {
        %mul3A_9 = arith.constant 16 : i32
        %mul3A_10 = arith.muli %scan3A_8, %mul3A_9 : i32
        %iota3A = tpu.iota {dimensions = array<i32: 0>} : vector<16xi32>
        %add3A_11 = vector.broadcast %mul3A_10 : i32 to vector<16xi32>
        %add3A_12 = arith.addi %add3A_11, %iota3A : vector<16xi32>
        %lt3A_13 = arith.constant 5000 : i32
        %lt3A_14 = vector.broadcast %lt3A_13 : i32 to vector<16xi32>
        %lt3A_15 = arith.cmpi slt, %add3A_12, %lt3A_14 : vector<16xi32>
        %get3A = arith.index_cast %mul3A_10 : i32 to index
        %get3A_16 = tpu.vector_load %arg7[%get3A] {strides = array<i32>} : memref<5120xi32, #tpu.memory_space<vmem>>, vector<16xi32>,
        %min3A = arith.constant 4999 : i32
        %min3A_17 = vector.broadcast %min3A : i32 to vector<16xi32>
        %min3A_18 = arith.minsi %get3A_16, %min3A_17 : vector<16xi32>
        %get3A_19 = arith.index_cast %mul3A_10 : i32 to index
        %get3A_20 = tpu.vector_load %arg8[%get3A_19] {strides = array<i32>} : memref<5120xf32, #tpu.memory_space<vmem>>, vector<16xf32>,
        tpu.vector_store_idx %arg11[%min3A_18], %get3A_20 masked %lt3A_15 : memref<5120xf32, #tpu.memory_space<vmem>>[vector<16xi32>], vector<16xf32>, vector<16xi1>
        %broadcast_in_dim3A = arith.constant 0 : i32
        %broadcast_in_dim3A_21 = vector.broadcast %broadcast_in_dim3A : i32 to vector<16xi32>
        %get3A_22 = arith.constant 0 : i32
        %get3A_23 = arith.index_cast %get3A_22 : i32 to index
        %get3A_24 = arith.index_cast %mul3A_10 : i32 to index
        %get3A_25 = tpu.vector_load %arg9[%get3A_23, %get3A_24] {strides = array<i32>} : memref<3x5120xi32, #tpu.memory_space<vmem>>, vector<16xi32>,
        tpu.vector_store_idx %arg10[%broadcast_in_dim3A_21, %min3A_18], %get3A_25 masked %lt3A_15 : memref<3x5120xi32, #tpu.memory_space<vmem>>[vector<16xi32>, vector<16xi32>], vector<16xi32>, vector<16xi1>
        %broadcast_in_dim3A_26 = arith.constant 1 : i32
        %broadcast_in_dim3A_27 = vector.broadcast %broadcast_in_dim3A_26 : i32 to vector<16xi32>
        %get3A_28 = arith.constant 1 : i32
        %get3A_29 = arith.index_cast %get3A_28 : i32 to index
        %get3A_30 = arith.index_cast %mul3A_10 : i32 to index
        %get3A_31 = tpu.vector_load %arg9[%get3A_29, %get3A_30] {strides = array<i32>} : memref<3x5120xi32, #tpu.memory_space<vmem>>, vector<16xi32>,
        tpu.vector_store_idx %arg10[%broadcast_in_dim3A_27, %min3A_18], %get3A_31 masked %lt3A_15 : memref<3x5120xi32, #tpu.memory_space<vmem>>[vector<16xi32>, vector<16xi32>], vector<16xi32>, vector<16xi1>
        %broadcast_in_dim3A_32 = arith.constant 2 : i32
        %broadcast_in_dim3A_33 = vector.broadcast %broadcast_in_dim3A_32 : i32 to vector<16xi32>
        %get3A_34 = arith.constant 2 : i32
        %get3A_35 = arith.index_cast %get3A_34 : i32 to index
        %get3A_36 = arith.index_cast %mul3A_10 : i32 to index
        %get3A_37 = tpu.vector_load %arg9[%get3A_35, %get3A_36] {strides = array<i32>} : memref<3x5120xi32, #tpu.memory_space<vmem>>, vector<16xi32>,
        tpu.vector_store_idx %arg10[%broadcast_in_dim3A_33, %min3A_18], %get3A_37 masked %lt3A_15 : memref<3x5120xi32, #tpu.memory_space<vmem>>[vector<16xi32>, vector<16xi32>], vector<16xi32>, vector<16xi1>
      }
      %scan3A_7 = arith.constant 313 : i32
      "tpu.region"() ({
        %run_scoped3A = tpu.sem_alloc : memref<!tpu.dma_semaphore, #tpu.memory_space<semaphore_mem>>
        %dma_start3A = arith.constant 0 : i32
        %dma_start3A_8 = tpu.memref_slice %arg6[%add3A, %dma_start3A] : memref<4x5120xf32, #tpu.memory_space<hbm>> -> memref<1x5120xf32, #tpu.memory_space<hbm>>
        %dma_start3A_9 = tpu.memref_squeeze %dma_start3A_8 : memref<1x5120xf32, #tpu.memory_space<hbm>> -> memref<5120xf32, #tpu.memory_space<hbm>>
        %dma_start3A_10 = arith.constant 0 : i32
        %dma_start3A_11 = tpu.memref_slice %arg6[%add3A, %dma_start3A_10] : memref<4x5120xf32, #tpu.memory_space<hbm>> -> memref<1x5120xf32, #tpu.memory_space<hbm>>
        %dma_start3A_12 = tpu.memref_squeeze %dma_start3A_11 : memref<1x5120xf32, #tpu.memory_space<hbm>> -> memref<5120xf32, #tpu.memory_space<hbm>>
        tpu.enqueue_dma source(%arg11 : memref<5120xf32, #tpu.memory_space<vmem>>) target(%dma_start3A_12 : memref<5120xf32, #tpu.memory_space<hbm>>) target_semaphore(%run_scoped3A : memref<!tpu.dma_semaphore, #tpu.memory_space<semaphore_mem>>)
        %dma_wait3A = arith.constant 0 : i32
        %dma_wait3A_13 = tpu.memref_slice %arg6[%add3A, %dma_wait3A] : memref<4x5120xf32, #tpu.memory_space<hbm>> -> memref<1x5120xf32, #tpu.memory_space<hbm>>
        %dma_wait3A_14 = tpu.memref_squeeze %dma_wait3A_13 : memref<1x5120xf32, #tpu.memory_space<hbm>> -> memref<5120xf32, #tpu.memory_space<hbm>>
        %dma_wait3A_15 = arith.constant 0 : i32
        %dma_wait3A_16 = tpu.memref_slice %arg6[%add3A, %dma_wait3A_15] : memref<4x5120xf32, #tpu.memory_space<hbm>> -> memref<1x5120xf32, #tpu.memory_space<hbm>>
        %dma_wait3A_17 = tpu.memref_squeeze %dma_wait3A_16 : memref<1x5120xf32, #tpu.memory_space<hbm>> -> memref<5120xf32, #tpu.memory_space<hbm>>
        tpu.wait_dma2 semaphore(%run_scoped3A : memref<!tpu.dma_semaphore, #tpu.memory_space<semaphore_mem>>) src(%arg11 : memref<5120xf32, #tpu.memory_space<vmem>>) dst(%dma_wait3A_17 : memref<5120xf32, #tpu.memory_space<hbm>>)
        tpu.yield
      }) : () -> ()
      "tpu.region"() ({
        %run_scoped3A = tpu.sem_alloc : memref<!tpu.dma_semaphore, #tpu.memory_space<semaphore_mem>>
        %dma_start3A = arith.constant 0 : i32
        %dma_start3A_8 = arith.constant 0 : i32
        %dma_start3A_9 = tpu.memref_slice %arg5[%add3A, %dma_start3A, %dma_start3A_8] : memref<4x3x5120xi32, #tpu.memory_space<hbm>> -> memref<1x3x5120xi32, #tpu.memory_space<hbm>>
        %dma_start3A_10 = tpu.memref_squeeze %dma_start3A_9 : memref<1x3x5120xi32, #tpu.memory_space<hbm>> -> memref<3x5120xi32, #tpu.memory_space<hbm>>
        %dma_start3A_11 = arith.constant 0 : i32
        %dma_start3A_12 = arith.constant 0 : i32
        %dma_start3A_13 = tpu.memref_slice %arg5[%add3A, %dma_start3A_11, %dma_start3A_12] : memref<4x3x5120xi32, #tpu.memory_space<hbm>> -> memref<1x3x5120xi32, #tpu.memory_space<hbm>>
        %dma_start3A_14 = tpu.memref_squeeze %dma_start3A_13 : memref<1x3x5120xi32, #tpu.memory_space<hbm>> -> memref<3x5120xi32, #tpu.memory_space<hbm>>
        tpu.enqueue_dma source(%arg10 : memref<3x5120xi32, #tpu.memory_space<vmem>>) target(%dma_start3A_14 : memref<3x5120xi32, #tpu.memory_space<hbm>>) target_semaphore(%run_scoped3A : memref<!tpu.dma_semaphore, #tpu.memory_space<semaphore_mem>>)
        %dma_wait3A = arith.constant 0 : i32
        %dma_wait3A_15 = arith.constant 0 : i32
        %dma_wait3A_16 = tpu.memref_slice %arg5[%add3A, %dma_wait3A, %dma_wait3A_15] : memref<4x3x5120xi32, #tpu.memory_space<hbm>> -> memref<1x3x5120xi32, #tpu.memory_space<hbm>>
        %dma_wait3A_17 = tpu.memref_squeeze %dma_wait3A_16 : memref<1x3x5120xi32, #tpu.memory_space<hbm>> -> memref<3x5120xi32, #tpu.memory_space<hbm>>
        %dma_wait3A_18 = arith.constant 0 : i32
        %dma_wait3A_19 = arith.constant 0 : i32
        %dma_wait3A_20 = tpu.memref_slice %arg5[%add3A, %dma_wait3A_18, %dma_wait3A_19] : memref<4x3x5120xi32, #tpu.memory_space<hbm>> -> memref<1x3x5120xi32, #tpu.memory_space<hbm>>
        %dma_wait3A_21 = tpu.memref_squeeze %dma_wait3A_20 : memref<1x3x5120xi32, #tpu.memory_space<hbm>> -> memref<3x5120xi32, #tpu.memory_space<hbm>>
        tpu.wait_dma2 semaphore(%run_scoped3A : memref<!tpu.dma_semaphore, #tpu.memory_space<semaphore_mem>>) src(%arg10 : memref<3x5120xi32, #tpu.memory_space<vmem>>) dst(%dma_wait3A_21 : memref<3x5120xi32, #tpu.memory_space<hbm>>)
        tpu.yield
      }) : () -> ()
    } else {
    }
    return
  }
}

module attributes {stable_mosaic.version = 14 : i64} {
  func.func @_prep_body(%arg0: i32, %arg1: i32, %arg2: memref<1x2000x81xf32, #tpu.memory_space<vmem>>, %arg3: memref<1x2000x4xf32, #tpu.memory_space<vmem>>, %arg4: memref<1x2000x128xf32, #tpu.memory_space<vmem>>) attributes {dimension_semantics = [#tpu.dimension_semantics<arbitrary>, #tpu.dimension_semantics<arbitrary>], iteration_bounds = array<i64: 4, 10>, scalar_prefetch = 0 : i64, scratch_operands = 0 : i64, tpu.core_type = #tpu.core_type<tc>, window_params = [{transform_indices = @transform_0, window_bounds = array<i64: 1, 2000, 81>}, {transform_indices = @transform_1, window_bounds = array<i64: 1, 2000, 4>}, {transform_indices = @transform_2, window_bounds = array<i64: 1, 2000, 128>}]} {
    %get3A = arith.constant 0 : index
    %get3A_0 = arith.constant 0 : index
    %get3A_1 = arith.constant 0 : index
    %get3A_2 = vector.load %arg2[%get3A, %get3A_0, %get3A_1] : memref<1x2000x81xf32, #tpu.memory_space<vmem>>, vector<1x2000x81xf32>
    %get3A_3 = vector.shape_cast %get3A_2 : vector<1x2000x81xf32> to vector<2000x81xf32>
    %reduce_max3A = arith.constant dense<0xFF800000> : vector<2000xf32>
    %reduce_max3A_4 = vector.multi_reduction <maximumf>, %get3A_3, %reduce_max3A [1] : vector<2000x81xf32> to vector<2000xf32>
    %broadcast_in_dim3A = vector.shape_cast %reduce_max3A_4 : vector<2000xf32> to vector<2000x1xf32>
    %sub3A = vector.broadcast %broadcast_in_dim3A : vector<2000x1xf32> to vector<2000x81xf32>
    %sub3A_5 = arith.subf %get3A_3, %sub3A : vector<2000x81xf32>
    %exp3A = math.exp %sub3A_5 : vector<2000x81xf32>
    %broadcast_in_dim3A_6 = arith.constant 0.000000e+00 : f32
    %broadcast_in_dim3A_7 = vector.broadcast %broadcast_in_dim3A_6 : f32 to vector<2000x47xf32>
    %concatenate3A = tpu.concatenate %exp3A, %broadcast_in_dim3A_7 in 1 : vector<2000x81xf32>, vector<2000x47xf32> -> vector<2000x128xf32>
    %slice3A = vector.extract_strided_slice %concatenate3A {offsets = [0, 0], sizes = [2000, 64], strides = [1, 1]} : vector<2000x128xf32> to vector<2000x64xf32>
    %slice3A_8 = vector.extract_strided_slice %concatenate3A {offsets = [0, 64], sizes = [2000, 64], strides = [1, 1]} : vector<2000x128xf32> to vector<2000x64xf32>
    %add3A = arith.addf %slice3A, %slice3A_8 : vector<2000x64xf32>
    %slice3A_9 = vector.extract_strided_slice %add3A {offsets = [0, 0], sizes = [2000, 32], strides = [1, 1]} : vector<2000x64xf32> to vector<2000x32xf32>
    %slice3A_10 = vector.extract_strided_slice %add3A {offsets = [0, 32], sizes = [2000, 32], strides = [1, 1]} : vector<2000x64xf32> to vector<2000x32xf32>
    %add3A_11 = arith.addf %slice3A_9, %slice3A_10 : vector<2000x32xf32>
    %slice3A_12 = vector.extract_strided_slice %add3A_11 {offsets = [0, 0], sizes = [2000, 16], strides = [1, 1]} : vector<2000x32xf32> to vector<2000x16xf32>
    %slice3A_13 = vector.extract_strided_slice %add3A_11 {offsets = [0, 16], sizes = [2000, 16], strides = [1, 1]} : vector<2000x32xf32> to vector<2000x16xf32>
    %add3A_14 = arith.addf %slice3A_12, %slice3A_13 : vector<2000x16xf32>
    %slice3A_15 = vector.extract_strided_slice %add3A_14 {offsets = [0, 0], sizes = [2000, 8], strides = [1, 1]} : vector<2000x16xf32> to vector<2000x8xf32>
    %slice3A_16 = vector.extract_strided_slice %add3A_14 {offsets = [0, 8], sizes = [2000, 8], strides = [1, 1]} : vector<2000x16xf32> to vector<2000x8xf32>
    %add3A_17 = arith.addf %slice3A_15, %slice3A_16 : vector<2000x8xf32>
    %slice3A_18 = vector.extract_strided_slice %add3A_17 {offsets = [0, 0], sizes = [2000, 4], strides = [1, 1]} : vector<2000x8xf32> to vector<2000x4xf32>
    %slice3A_19 = vector.extract_strided_slice %add3A_17 {offsets = [0, 4], sizes = [2000, 4], strides = [1, 1]} : vector<2000x8xf32> to vector<2000x4xf32>
    %add3A_20 = arith.addf %slice3A_18, %slice3A_19 : vector<2000x4xf32>
    %slice3A_21 = vector.extract_strided_slice %add3A_20 {offsets = [0, 0], sizes = [2000, 2], strides = [1, 1]} : vector<2000x4xf32> to vector<2000x2xf32>
    %slice3A_22 = vector.extract_strided_slice %add3A_20 {offsets = [0, 2], sizes = [2000, 2], strides = [1, 1]} : vector<2000x4xf32> to vector<2000x2xf32>
    %add3A_23 = arith.addf %slice3A_21, %slice3A_22 : vector<2000x2xf32>
    %slice3A_24 = vector.extract_strided_slice %add3A_23 {offsets = [0, 0], sizes = [2000, 1], strides = [1, 1]} : vector<2000x2xf32> to vector<2000x1xf32>
    %slice3A_25 = vector.extract_strided_slice %add3A_23 {offsets = [0, 1], sizes = [2000, 1], strides = [1, 1]} : vector<2000x2xf32> to vector<2000x1xf32>
    %add3A_26 = arith.addf %slice3A_24, %slice3A_25 : vector<2000x1xf32>
    %slice3A_27 = vector.extract_strided_slice %exp3A {offsets = [0, 0], sizes = [2000, 80], strides = [1, 1]} : vector<2000x81xf32> to vector<2000x80xf32>
    %reduce_max3A_28 = arith.constant dense<0xFF800000> : vector<2000xf32>
    %reduce_max3A_29 = vector.multi_reduction <maximumf>, %slice3A_27, %reduce_max3A_28 [1] : vector<2000x80xf32> to vector<2000xf32>
    %broadcast_in_dim3A_30 = vector.shape_cast %reduce_max3A_29 : vector<2000xf32> to vector<2000x1xf32>
    %div3A = arith.divf %broadcast_in_dim3A_30, %add3A_26 : vector<2000x1xf32>
    %iota3A = tpu.iota {dimensions = array<i32: 1>} : vector<2000x80xi32>
    %eq3A = vector.broadcast %broadcast_in_dim3A_30 : vector<2000x1xf32> to vector<2000x80xf32>
    %eq3A_31 = arith.cmpf oeq, %slice3A_27, %eq3A : vector<2000x80xf32>
    %jit3A = arith.constant 81 : i32
    %broadcast_in_dim3A_32 = vector.broadcast %jit3A : i32 to vector<2000x80xi32>
    %select_n3A = arith.select %eq3A_31, %iota3A, %broadcast_in_dim3A_32 : vector<2000x80xi1>, vector<2000x80xi32>
    %reduce_min3A = arith.constant dense<2147483647> : vector<2000xi32>
    %reduce_min3A_33 = vector.multi_reduction <minsi>, %select_n3A, %reduce_min3A [1] : vector<2000x80xi32> to vector<2000xi32>
    %broadcast_in_dim3A_34 = vector.shape_cast %reduce_min3A_33 : vector<2000xi32> to vector<2000x1xi32>
    %get3A_35 = arith.constant 0 : index
    %get3A_36 = arith.constant 0 : index
    %get3A_37 = arith.constant 0 : index
    %get3A_38 = vector.load %arg3[%get3A_35, %get3A_36, %get3A_37] : memref<1x2000x4xf32, #tpu.memory_space<vmem>>, vector<1x2000x4xf32>
    %get3A_39 = vector.shape_cast %get3A_38 : vector<1x2000x4xf32> to vector<2000x4xf32>
    %slice3A_40 = vector.extract_strided_slice %get3A_39 {offsets = [0, 0], sizes = [2000, 1], strides = [1, 1]} : vector<2000x4xf32> to vector<2000x1xf32>
    %slice3A_41 = vector.extract_strided_slice %get3A_39 {offsets = [0, 1], sizes = [2000, 1], strides = [1, 1]} : vector<2000x4xf32> to vector<2000x1xf32>
    %slice3A_42 = vector.extract_strided_slice %get3A_39 {offsets = [0, 2], sizes = [2000, 1], strides = [1, 1]} : vector<2000x4xf32> to vector<2000x1xf32>
    %slice3A_43 = vector.extract_strided_slice %get3A_39 {offsets = [0, 3], sizes = [2000, 1], strides = [1, 1]} : vector<2000x4xf32> to vector<2000x1xf32>
    %mul3A = arith.constant 5.000000e-01 : f32
    %mul3A_44 = vector.broadcast %mul3A : f32 to vector<2000x1xf32>
    %mul3A_45 = arith.mulf %mul3A_44, %slice3A_42 : vector<2000x1xf32>
    %sub3A_46 = arith.subf %slice3A_40, %mul3A_45 : vector<2000x1xf32>
    %mul3A_47 = arith.constant 2.048000e+03 : f32
    %mul3A_48 = vector.broadcast %mul3A_47 : f32 to vector<2000x1xf32>
    %mul3A_49 = arith.mulf %sub3A_46, %mul3A_48 : vector<2000x1xf32>
    %mul3A_50 = arith.constant 5.000000e-01 : f32
    %mul3A_51 = vector.broadcast %mul3A_50 : f32 to vector<2000x1xf32>
    %mul3A_52 = arith.mulf %mul3A_51, %slice3A_43 : vector<2000x1xf32>
    %sub3A_53 = arith.subf %slice3A_41, %mul3A_52 : vector<2000x1xf32>
    %mul3A_54 = arith.constant 1.536000e+03 : f32
    %mul3A_55 = vector.broadcast %mul3A_54 : f32 to vector<2000x1xf32>
    %mul3A_56 = arith.mulf %sub3A_53, %mul3A_55 : vector<2000x1xf32>
    %mul3A_57 = arith.constant 5.000000e-01 : f32
    %mul3A_58 = vector.broadcast %mul3A_57 : f32 to vector<2000x1xf32>
    %mul3A_59 = arith.mulf %mul3A_58, %slice3A_42 : vector<2000x1xf32>
    %add3A_60 = arith.addf %slice3A_40, %mul3A_59 : vector<2000x1xf32>
    %mul3A_61 = arith.constant 2.048000e+03 : f32
    %mul3A_62 = vector.broadcast %mul3A_61 : f32 to vector<2000x1xf32>
    %mul3A_63 = arith.mulf %add3A_60, %mul3A_62 : vector<2000x1xf32>
    %mul3A_64 = arith.constant 5.000000e-01 : f32
    %mul3A_65 = vector.broadcast %mul3A_64 : f32 to vector<2000x1xf32>
    %mul3A_66 = arith.mulf %mul3A_65, %slice3A_43 : vector<2000x1xf32>
    %add3A_67 = arith.addf %slice3A_41, %mul3A_66 : vector<2000x1xf32>
    %mul3A_68 = arith.constant 1.536000e+03 : f32
    %mul3A_69 = vector.broadcast %mul3A_68 : f32 to vector<2000x1xf32>
    %mul3A_70 = arith.mulf %add3A_67, %mul3A_69 : vector<2000x1xf32>
    %broadcast_in_dim3A_71 = arith.constant 0.000000e+00 : f32
    %broadcast_in_dim3A_72 = vector.broadcast %broadcast_in_dim3A_71 : f32 to vector<2000x122xf32>
    %convert_element_type3A = arith.sitofp %broadcast_in_dim3A_34 : vector<2000x1xi32> to vector<2000x1xf32>
    %concatenate3A_73 = tpu.concatenate %div3A, %convert_element_type3A, %mul3A_49, %mul3A_56, %mul3A_63, %mul3A_70, %broadcast_in_dim3A_72 in 1 : vector<2000x1xf32>, vector<2000x1xf32>, vector<2000x1xf32>, vector<2000x1xf32>, vector<2000x1xf32>, vector<2000x1xf32>, vector<2000x122xf32> -> vector<2000x128xf32>
    %swap3A = arith.constant 0 : index
    %swap3A_74 = arith.constant 0 : index
    %swap3A_75 = arith.constant 0 : index
    %swap3A_76 = vector.load %arg4[%swap3A, %swap3A_74, %swap3A_75] : memref<1x2000x128xf32, #tpu.memory_space<vmem>>, vector<1x2000x128xf32>
    %swap3A_77 = vector.shape_cast %swap3A_76 : vector<1x2000x128xf32> to vector<2000x128xf32>
    %swap3A_78 = vector.shape_cast %concatenate3A_73 : vector<2000x128xf32> to vector<1x2000x128xf32>
    tpu.vector_store %arg4[%swap3A, %swap3A_74, %swap3A_75], %swap3A_78 {strides = array<i32>} : memref<1x2000x128xf32, #tpu.memory_space<vmem>>, vector<1x2000x128xf32>,
    return
  }
  func.func @transform_0(%arg0: i32, %arg1: i32) -> (i32, i32, i32) {
    %c0_i32 = arith.constant 0 : i32
    %c0_i32_0 = arith.constant 0 : i32
    return %arg0, %arg1, %c0_i32 : i32, i32, i32
  }
  func.func @transform_1(%arg0: i32, %arg1: i32) -> (i32, i32, i32) {
    %c0_i32 = arith.constant 0 : i32
    %c0_i32_0 = arith.constant 0 : i32
    return %arg0, %arg1, %c0_i32 : i32, i32, i32
  }
  func.func @transform_2(%arg0: i32, %arg1: i32) -> (i32, i32, i32) {
    %c0_i32 = arith.constant 0 : i32
    %c0_i32_0 = arith.constant 0 : i32
    return %arg0, %arg1, %c0_i32 : i32, i32, i32
  }
}

module attributes {stable_mosaic.version = 14 : i64} {
  func.func @_pair_body(%arg0: i32, %arg1: memref<1x5000x117xf32, #tpu.memory_space<vmem>>, %arg2: memref<1x4x5000xf32, #tpu.memory_space<vmem>>, %arg3: memref<1x5000x117xf32, #tpu.memory_space<vmem>>, %arg4: memref<1x3x5120xi32, #tpu.memory_space<vmem>>, %arg5: memref<1x1x5120xf32, #tpu.memory_space<vmem>>) attributes {dimension_semantics = [#tpu.dimension_semantics<arbitrary>], iteration_bounds = array<i64: 4>, scalar_prefetch = 0 : i64, scratch_operands = 0 : i64, tpu.core_type = #tpu.core_type<tc>, window_params = [{transform_indices = @transform_0, window_bounds = array<i64: 1, 5000, 117>}, {transform_indices = @transform_1, window_bounds = array<i64: 1, 4, 5000>}, {transform_indices = @transform_2, window_bounds = array<i64: 1, 5000, 117>}, {transform_indices = @transform_3, window_bounds = array<i64: 1, 3, 5120>}, {transform_indices = @transform_4, window_bounds = array<i64: 1, 1, 5120>}]} {
    %get3A = arith.constant 0 : index
    %get3A_0 = arith.constant 0 : index
    %get3A_1 = arith.constant 0 : index
    %get3A_2 = vector.load %arg1[%get3A, %get3A_0, %get3A_1] : memref<1x5000x117xf32, #tpu.memory_space<vmem>>, vector<1x5000x117xf32>
    %get3A_3 = vector.shape_cast %get3A_2 : vector<1x5000x117xf32> to vector<5000x117xf32>
    %neg3A = arith.constant 0.000000e+00 : f32
    %neg3A_4 = vector.broadcast %neg3A : f32 to vector<5000x117xf32>
    %neg3A_5 = arith.subf %neg3A_4, %get3A_3 : vector<5000x117xf32>
    %exp3A = math.exp %neg3A_5 : vector<5000x117xf32>
    %add3A = arith.constant 1.000000e+00 : f32
    %add3A_6 = vector.broadcast %add3A : f32 to vector<5000x117xf32>
    %add3A_7 = arith.addf %add3A_6, %exp3A : vector<5000x117xf32>
    %div3A = arith.constant 1.000000e+00 : f32
    %div3A_8 = vector.broadcast %div3A : f32 to vector<5000x117xf32>
    %div3A_9 = arith.divf %div3A_8, %add3A_7 : vector<5000x117xf32>
    %get3A_10 = arith.constant 0 : index
    %get3A_11 = arith.constant 0 : index
    %get3A_12 = arith.constant 0 : index
    %get3A_13 = vector.load %arg2[%get3A_10, %get3A_11, %get3A_12] : memref<1x4x5000xf32, #tpu.memory_space<vmem>>, vector<1x4x5000xf32>
    %get3A_14 = vector.shape_cast %get3A_13 : vector<1x4x5000xf32> to vector<4x5000xf32>
    %slice3A = vector.extract_strided_slice %get3A_14 {offsets = [0, 0], sizes = [1, 5000], strides = [1, 1]} : vector<4x5000xf32> to vector<1x5000xf32>
    %transpose3A = tpu.transpose %slice3A, [1, 0] : vector<1x5000xf32> -> vector<5000x1xf32>
    %slice3A_15 = vector.extract_strided_slice %get3A_14 {offsets = [1, 0], sizes = [1, 5000], strides = [1, 1]} : vector<4x5000xf32> to vector<1x5000xf32>
    %transpose3A_16 = tpu.transpose %slice3A_15, [1, 0] : vector<1x5000xf32> -> vector<5000x1xf32>
    %mul3A = arith.mulf %div3A_9, %div3A_9 : vector<5000x117xf32>
    %mul3A_17 = vector.broadcast %transpose3A_16 : vector<5000x1xf32> to vector<5000x117xf32>
    %mul3A_18 = arith.mulf %mul3A, %mul3A_17 : vector<5000x117xf32>
    %mul3A_19 = vector.broadcast %transpose3A : vector<5000x1xf32> to vector<5000x117xf32>
    %mul3A_20 = arith.mulf %mul3A_18, %mul3A_19 : vector<5000x117xf32>
    %swap3A = arith.constant 0 : index
    %swap3A_21 = arith.constant 0 : index
    %swap3A_22 = arith.constant 0 : index
    %swap3A_23 = vector.load %arg3[%swap3A, %swap3A_21, %swap3A_22] : memref<1x5000x117xf32, #tpu.memory_space<vmem>>, vector<1x5000x117xf32>
    %swap3A_24 = vector.shape_cast %swap3A_23 : vector<1x5000x117xf32> to vector<5000x117xf32>
    %swap3A_25 = vector.shape_cast %mul3A_20 : vector<5000x117xf32> to vector<1x5000x117xf32>
    tpu.vector_store %arg3[%swap3A, %swap3A_21, %swap3A_22], %swap3A_25 {strides = array<i32>} : memref<1x5000x117xf32, #tpu.memory_space<vmem>>, vector<1x5000x117xf32>,
    %reduce_max3A = arith.constant dense<0xFF800000> : vector<5000xf32>
    %reduce_max3A_26 = vector.multi_reduction <maximumf>, %div3A_9, %reduce_max3A [1] : vector<5000x117xf32> to vector<5000xf32>
    %broadcast_in_dim3A = vector.shape_cast %reduce_max3A_26 : vector<5000xf32> to vector<5000x1xf32>
    %iota3A = tpu.iota {dimensions = array<i32: 1>} : vector<5000x117xi32>
    %eq3A = vector.broadcast %broadcast_in_dim3A : vector<5000x1xf32> to vector<5000x117xf32>
    %eq3A_27 = arith.cmpf oeq, %div3A_9, %eq3A : vector<5000x117xf32>
    %jit3A = arith.constant 117 : i32
    %broadcast_in_dim3A_28 = vector.broadcast %jit3A : i32 to vector<5000x117xi32>
    %select_n3A = arith.select %eq3A_27, %iota3A, %broadcast_in_dim3A_28 : vector<5000x117xi1>, vector<5000x117xi32>
    %reduce_min3A = arith.constant dense<2147483647> : vector<5000xi32>
    %reduce_min3A_29 = vector.multi_reduction <minsi>, %select_n3A, %reduce_min3A [1] : vector<5000x117xi32> to vector<5000xi32>
    %broadcast_in_dim3A_30 = vector.shape_cast %reduce_min3A_29 : vector<5000xi32> to vector<5000x1xi32>
    %eq3A_31 = vector.broadcast %broadcast_in_dim3A_30 : vector<5000x1xi32> to vector<5000x117xi32>
    %eq3A_32 = arith.cmpi eq, %iota3A, %eq3A_31 : vector<5000x117xi32>
    %jit3A_33 = arith.constant 0.000000e+00 : f32
    %broadcast_in_dim3A_34 = vector.broadcast %jit3A_33 : f32 to vector<5000x117xf32>
    %select_n3A_35 = arith.select %eq3A_32, %mul3A_20, %broadcast_in_dim3A_34 : vector<5000x117xi1>, vector<5000x117xf32>
    %reduce_sum3A = arith.constant dense<0.000000e+00> : vector<5000xf32>
    %reduce_sum3A_36 = vector.multi_reduction <add>, %select_n3A_35, %reduce_sum3A [1] : vector<5000x117xf32> to vector<5000xf32>
    %broadcast_in_dim3A_37 = vector.shape_cast %reduce_sum3A_36 : vector<5000xf32> to vector<5000x1xf32>
    %transpose3A_38 = tpu.transpose %broadcast_in_dim3A_30, [1, 0] : vector<5000x1xi32> -> vector<1x5000xi32>
    %slice3A_39 = vector.extract_strided_slice %get3A_14 {offsets = [2, 0], sizes = [1, 5000], strides = [1, 1]} : vector<4x5000xf32> to vector<1x5000xf32>
    %convert_element_type3A = arith.fptosi %slice3A_39 : vector<1x5000xf32> to vector<1x5000xi32>
    %slice3A_40 = vector.extract_strided_slice %get3A_14 {offsets = [3, 0], sizes = [1, 5000], strides = [1, 1]} : vector<4x5000xf32> to vector<1x5000xf32>
    %convert_element_type3A_41 = arith.fptosi %slice3A_40 : vector<1x5000xf32> to vector<1x5000xi32>
    %concatenate3A = tpu.concatenate %convert_element_type3A, %convert_element_type3A_41, %transpose3A_38 in 0 : vector<1x5000xi32>, vector<1x5000xi32>, vector<1x5000xi32> -> vector<3x5000xi32>
    %broadcast_in_dim3A_42 = arith.constant 0 : i32
    %broadcast_in_dim3A_43 = vector.broadcast %broadcast_in_dim3A_42 : i32 to vector<3x120xi32>
    %concatenate3A_44 = tpu.concatenate %concatenate3A, %broadcast_in_dim3A_43 in 1 : vector<3x5000xi32>, vector<3x120xi32> -> vector<3x5120xi32>
    %swap3A_45 = arith.constant 0 : index
    %swap3A_46 = arith.constant 0 : index
    %swap3A_47 = arith.constant 0 : index
    %swap3A_48 = vector.load %arg4[%swap3A_45, %swap3A_46, %swap3A_47] : memref<1x3x5120xi32, #tpu.memory_space<vmem>>, vector<1x3x5120xi32>
    %swap3A_49 = vector.shape_cast %swap3A_48 : vector<1x3x5120xi32> to vector<3x5120xi32>
    %swap3A_50 = vector.shape_cast %concatenate3A_44 : vector<3x5120xi32> to vector<1x3x5120xi32>
    tpu.vector_store %arg4[%swap3A_45, %swap3A_46, %swap3A_47], %swap3A_50 {strides = array<i32>} : memref<1x3x5120xi32, #tpu.memory_space<vmem>>, vector<1x3x5120xi32>,
    %transpose3A_51 = tpu.transpose %broadcast_in_dim3A_37, [1, 0] : vector<5000x1xf32> -> vector<1x5000xf32>
    %broadcast_in_dim3A_52 = arith.constant -1.000000e+00 : f32
    %broadcast_in_dim3A_53 = vector.broadcast %broadcast_in_dim3A_52 : f32 to vector<1x120xf32>
    %concatenate3A_54 = tpu.concatenate %transpose3A_51, %broadcast_in_dim3A_53 in 1 : vector<1x5000xf32>, vector<1x120xf32> -> vector<1x5120xf32>
    %swap3A_55 = arith.constant 0 : index
    %swap3A_56 = arith.constant 0 : index
    %swap3A_57 = arith.constant 0 : index
    %swap3A_58 = vector.load %arg5[%swap3A_55, %swap3A_56, %swap3A_57] : memref<1x1x5120xf32, #tpu.memory_space<vmem>>, vector<1x1x5120xf32>
    %swap3A_59 = vector.shape_cast %swap3A_58 : vector<1x1x5120xf32> to vector<1x5120xf32>
    %swap3A_60 = vector.shape_cast %concatenate3A_54 : vector<1x5120xf32> to vector<1x1x5120xf32>
    tpu.vector_store %arg5[%swap3A_55, %swap3A_56, %swap3A_57], %swap3A_60 {strides = array<i32>} : memref<1x1x5120xf32, #tpu.memory_space<vmem>>, vector<1x1x5120xf32>,
    return
  }
  func.func @transform_0(%arg0: i32) -> (i32, i32, i32) {
    %c0_i32 = arith.constant 0 : i32
    %c0_i32_0 = arith.constant 0 : i32
    %c0_i32_1 = arith.constant 0 : i32
    return %arg0, %c0_i32, %c0_i32_0 : i32, i32, i32
  }
  func.func @transform_1(%arg0: i32) -> (i32, i32, i32) {
    %c0_i32 = arith.constant 0 : i32
    %c0_i32_0 = arith.constant 0 : i32
    %c0_i32_1 = arith.constant 0 : i32
    return %arg0, %c0_i32, %c0_i32_0 : i32, i32, i32
  }
  func.func @transform_2(%arg0: i32) -> (i32, i32, i32) {
    %c0_i32 = arith.constant 0 : i32
    %c0_i32_0 = arith.constant 0 : i32
    %c0_i32_1 = arith.constant 0 : i32
    return %arg0, %c0_i32, %c0_i32_0 : i32, i32, i32
  }
  func.func @transform_3(%arg0: i32) -> (i32, i32, i32) {
    %c0_i32 = arith.constant 0 : i32
    %c0_i32_0 = arith.constant 0 : i32
    %c0_i32_1 = arith.constant 0 : i32
    return %arg0, %c0_i32, %c0_i32_0 : i32, i32, i32
  }
  func.func @transform_4(%arg0: i32) -> (i32, i32, i32) {
    %c0_i32 = arith.constant 0 : i32
    %c0_i32_0 = arith.constant 0 : i32
    %c0_i32_1 = arith.constant 0 : i32
    return %arg0, %c0_i32, %c0_i32_0 : i32, i32, i32
  }
}

module attributes {stable_mosaic.version = 14 : i64} {
  func.func @_rank_body(%arg0: i32, %arg1: i32, %arg2: memref<1x1x128xf32, #tpu.memory_space<vmem>>, %arg3: memref<1x1x5120xf32, #tpu.memory_space<vmem>>, %arg4: memref<1x1x128xi32, #tpu.memory_space<vmem>>) attributes {dimension_semantics = [#tpu.dimension_semantics<arbitrary>, #tpu.dimension_semantics<arbitrary>], iteration_bounds = array<i64: 4, 40>, scalar_prefetch = 0 : i64, scratch_operands = 0 : i64, tpu.core_type = #tpu.core_type<tc>, window_params = [{transform_indices = @transform_0, window_bounds = array<i64: 1, 1, 128>}, {transform_indices = @transform_1, window_bounds = array<i64: 1, 1, 5120>}, {transform_indices = @transform_2, window_bounds = array<i64: 1, 1, 128>}]} {
    %get3A = arith.constant 0 : index
    %get3A_0 = arith.constant 0 : index
    %get3A_1 = arith.constant 0 : index
    %get3A_2 = vector.load %arg2[%get3A, %get3A_0, %get3A_1] : memref<1x1x128xf32, #tpu.memory_space<vmem>>, vector<1x1x128xf32>
    %get3A_3 = vector.shape_cast %get3A_2 : vector<1x1x128xf32> to vector<1x128xf32>
    %transpose3A = tpu.transpose %get3A_3, [1, 0] : vector<1x128xf32> -> vector<128x1xf32>
    %get3A_4 = arith.constant 0 : index
    %get3A_5 = arith.constant 0 : index
    %get3A_6 = arith.constant 0 : index
    %get3A_7 = vector.load %arg3[%get3A_4, %get3A_5, %get3A_6] : memref<1x1x5120xf32, #tpu.memory_space<vmem>>, vector<1x1x5120xf32>
    %get3A_8 = vector.shape_cast %get3A_7 : vector<1x1x5120xf32> to vector<1x5120xf32>
    %gt3A = vector.broadcast %get3A_8 : vector<1x5120xf32> to vector<128x5120xf32>
    %gt3A_9 = vector.broadcast %transpose3A : vector<128x1xf32> to vector<128x5120xf32>
    %gt3A_10 = arith.cmpf ogt, %gt3A, %gt3A_9 : vector<128x5120xf32>
    %eq3A = vector.broadcast %get3A_8 : vector<1x5120xf32> to vector<128x5120xf32>
    %eq3A_11 = vector.broadcast %transpose3A : vector<128x1xf32> to vector<128x5120xf32>
    %eq3A_12 = arith.cmpf oeq, %eq3A, %eq3A_11 : vector<128x5120xf32>
    %iota3A = tpu.iota {dimensions = array<i32: 1>} : vector<128x5120xi32>
    %mul3A = arith.constant 128 : i32
    %mul3A_13 = arith.muli %arg1, %mul3A : i32
    %iota3A_14 = tpu.iota {dimensions = array<i32: 0>} : vector<128x5120xi32>
    %add3A = vector.broadcast %mul3A_13 : i32 to vector<128x5120xi32>
    %add3A_15 = arith.addi %add3A, %iota3A_14 : vector<128x5120xi32>
    %lt3A = arith.cmpi slt, %iota3A, %add3A_15 : vector<128x5120xi32>
    %and3A = arith.andi %eq3A_12, %lt3A : vector<128x5120xi1>
    %or3A = arith.ori %gt3A_10, %and3A : vector<128x5120xi1>
    %convert_element_type3A = arith.extui %or3A : vector<128x5120xi1> to vector<128x5120xi32>
    %convert_element_type3A_16 = arith.sitofp %convert_element_type3A : vector<128x5120xi32> to vector<128x5120xf32>
    %reduce_sum3A = arith.constant dense<0.000000e+00> : vector<128xf32>
    %reduce_sum3A_17 = vector.multi_reduction <add>, %convert_element_type3A_16, %reduce_sum3A [1] : vector<128x5120xf32> to vector<128xf32>
    %broadcast_in_dim3A = vector.shape_cast %reduce_sum3A_17 : vector<128xf32> to vector<128x1xf32>
    %convert_element_type3A_18 = arith.fptosi %broadcast_in_dim3A : vector<128x1xf32> to vector<128x1xi32>
    %transpose3A_19 = tpu.transpose %convert_element_type3A_18, [1, 0] : vector<128x1xi32> -> vector<1x128xi32>
    %swap3A = arith.constant 0 : index
    %swap3A_20 = arith.constant 0 : index
    %swap3A_21 = arith.constant 0 : index
    %swap3A_22 = vector.load %arg4[%swap3A, %swap3A_20, %swap3A_21] : memref<1x1x128xi32, #tpu.memory_space<vmem>>, vector<1x1x128xi32>
    %swap3A_23 = vector.shape_cast %swap3A_22 : vector<1x1x128xi32> to vector<1x128xi32>
    %swap3A_24 = vector.shape_cast %transpose3A_19 : vector<1x128xi32> to vector<1x1x128xi32>
    tpu.vector_store %arg4[%swap3A, %swap3A_20, %swap3A_21], %swap3A_24 {strides = array<i32>} : memref<1x1x128xi32, #tpu.memory_space<vmem>>, vector<1x1x128xi32>,
    return
  }
  func.func @transform_0(%arg0: i32, %arg1: i32) -> (i32, i32, i32) {
    %c0_i32 = arith.constant 0 : i32
    %c0_i32_0 = arith.constant 0 : i32
    return %arg0, %c0_i32, %arg1 : i32, i32, i32
  }
  func.func @transform_1(%arg0: i32, %arg1: i32) -> (i32, i32, i32) {
    %c0_i32 = arith.constant 0 : i32
    %c0_i32_0 = arith.constant 0 : i32
    %c0_i32_1 = arith.constant 0 : i32
    return %arg0, %c0_i32, %c0_i32_0 : i32, i32, i32
  }
  func.func @transform_2(%arg0: i32, %arg1: i32) -> (i32, i32, i32) {
    %c0_i32 = arith.constant 0 : i32
    %c0_i32_0 = arith.constant 0 : i32
    return %arg0, %c0_i32, %arg1 : i32, i32, i32
  }
}

</mosaic_0001>

<sc_bundles>
// kernel: kernel.10.cloned.1.call-start
scs
__scs_entry_jumppad:
0x0: {  	(pc) =	sbr.rel $0x88, $3  }
0x1: {  	(tag) =	ssettag $0x0;
	lr =	simm.s32 $0x1  }
0x2: {  	[smem:$0x3F9D] =	sst lr;
	_ =	strace $0xD0000000  }
0x3: {  	_ = 	snop  }
0x4: {  	_ = 	snop  }
0x5: {  	_ = 	snop  }
0x6: {  	_ = 	snop  }
0x7: {  	_ = 	snop  }
__scs_overlays_trampoline_lowered:
0x8: {  	[smem:$0x3FAC] =	sst s0  }
0x9: {  	[smem:$0x3FAD] =	sst s1  }
0xa: {  	[smem:$0x3FAE] =	sst s2  }
0xb: {  	[smem:$0x3FAF] =	sst s3  }
0xc: {  	[smem:$0x3FB0] =	sst s4  }
0xd: {  	[smem:$0x3FB1] =	sst s5  }
0xe: {  	[smem:$0x3FB2] =	sst s6  }
0xf: {  	[smem:$0x3FB3] =	sst s7  }
0x10: {  	[smem:$0x3FB4] =	sst s8  }
0x11: {  	[smem:$0x3FB5] =	sst s9;
	s0 =	simm.s32 @!p0 $0x0  }
0x12: {  	s1 =	sld [smem:$0x3F9B];
	s0 =	simm.s32 @p0 $0x1  }
0x13: {  	[smem:$0x3FB6] =	sst s0;
	s0 =	simm.s32 @!p1 $0x0  }
0x14: {  	s2 =	sld [smem:$0x3F9A];
	s0 =	simm.s32 @p1 $0x1  }
0x15: {  	[smem:$0x3FB7] =	sst s0;
	s0 =	simm.s32 @!p2 $0x0  }
0x16: {  	s3 =	sld [smem:$0x3FDB];
	s0 =	simm.s32 @p2 $0x1  }
0x17: {  	s4 =	simm.s32 $0x1BF5;
	[smem:$0x3FB9] =	sst s0  }
0x18: {  	s0 =	sld [smem:$0x3F9C];
	_ =	swait.ge [sflag:s4], $0x0  }
0x19: {  	s7 =	sld [smem:$0x3F9D]  }
0x1a: {  	s8 =	sadd.s32 $0xFFFFE003, lr  }
0x1b: {  	s9 =	sadd.s32 $0xFFFFFEF7, lr;
	s5 =	simm.s32 $0xFFFFFFFF;
	p2 =	slt.u32 s8, $0xFFFFF086  }
0x1c: {  	p1 =	slt.u32 s9, $0xF7A;
	s5 =	simm.s32 @!p2 $0x0  }
0x1d: {  	s5 =	simm.s32 @p1 $0x1;
	p0 =	seq.s32 s7, s2  }
0x1e: {  	s7 =	smul.u32 @!p0 $0xF7A, s2;
	p2 =	seq.s32 @!p0 s5, $0x0  }
0x1f: {  	s9 =	smul.u32 $0xF7A, s1;
	s8 =	simm.s32 @!p0 $0x1BF5;
	p2 =	por !p2, p0  }
0x20: {  	[sflag:s8] =	ssyncset.s32 @!p0 $0xFFFFF086;
	s6 =	sadd.s32 @!p0 s3, s7;
	s7 =	simm.s32 @!p0 $0x108  }
0x21: {  	s3 =	sadd.s32 s3, s9;
	s6 =	sadd.s32 @!p0 $0x88, s6;
	s7 =	simm.s32 @p2 $0x1082  }
0x22: {  	[simem:s7], [sflag:s8] =	dma.local @!p0 [hbm:s6], $0xF7A  }
0x23: {  	s9 =	sor.u32 $0xD0000000, s2;
	s6 =	simm.s32 $0x108;
	_ =	swait.ge @!p0 [sflag:s8], $0x0  }
0x24: {  	s3 =	sadd.s32 $0x88, s3;
	s6 =	simm.s32 @!p1 $0x1082;
	[sflag:s4] =	ssyncset.s32 $0xFFFFF086  }
0x25: {  	[simem:s6], [sflag:s4] =	dma.local [hbm:s3], $0xF7A  }
0x26: {  	[smem:$0x3F9D] =	sst s1;
	(tag) =	ssettag s2;
	_ =	strace s9  }
0x27: {  	s1 =	sld [smem:$0x3FAD]  }
0x28: {  	s2 =	sld [smem:$0x3FAE]  }
0x29: {  	s4 =	sld [smem:$0x3FB0]  }
0x2a: {  	p0 =	seq.s32 s5, $0x0;
	s5 =	sld [smem:$0x3FB1]  }
0x2b: {  	s6 =	sld [smem:$0x3FB2]  }
0x2c: {  	s7 =	sld [smem:$0x3FB3]  }
0x2d: {  	s3 =	simm.s32 $0x108;
	s8 =	sld [smem:$0x3FB4]  }
0x2e: {  	s3 =	simm.s32 @!p0 $0x1082;
	s9 =	sld [smem:$0x3FB5]  }
0x2f: {  	lr =	sadd.s32 s0, s3;
	s0 =	sld [smem:$0x3FAC]  }
0x30: {  	s3 =	sld [smem:$0x3FAF]  }
0x31: {  	[smem:$0x3FB8] =	sst s10  }
0x32: {  	s10 =	sld [smem:$0x3FB6];
	_ =	sdelay $0x3  }
0x33: {  	p0 =	seq.s32 s10, $0x1;
	s10 =	sld [smem:$0x3FB8];
	_ =	sdelay $0x3  }
0x34: {  	[smem:$0x3FB8] =	sst s10  }
0x35: {  	s10 =	sld [smem:$0x3FB7];
	_ =	sdelay $0x3  }
0x36: {  	p1 =	seq.s32 s10, $0x1;
	s10 =	sld [smem:$0x3FB8];
	_ =	sdelay $0x3  }
0x37: {  	[smem:$0x3FB8] =	sst s10  }
0x38: {  	s10 =	sld [smem:$0x3FB9]  }
0x39: {  	_ = 	snop;
	(pc) =	sbr.ind lr, $3  }
0x3a: {  	_ = 	snop  }
0x3b: {  	_ = 	snop  }
0x3c: {  	p2 =	seq.s32 s10, $0x1;
	s10 =	sld [smem:$0x3FB8]  }
0x3d: {  	_ =	shalt  }
0x3e: {  	_ =	shalt  }
0x3f: {  	_ =	shalt  }
0x40: {  	_ =	shalt  }
0x41: {  	_ =	shalt  }
0x42: {  	_ =	shalt  }
0x43: {  	_ =	shalt  }
0x44: {  	_ =	shalt  }
0x45: {  	_ =	shalt  }
0x46: {  	_ =	shalt  }
0x47: {  	_ =	shalt  }
0x48: {  	_ =	shalt  }
0x49: {  	_ =	shalt  }
0x4a: {  	_ =	shalt  }
0x4b: {  	_ =	shalt  }
0x4c: {  	_ =	shalt  }
0x4d: {  	_ =	shalt  }
0x4e: {  	_ =	shalt  }
0x4f: {  	_ =	shalt  }
0x50: {  	_ =	shalt  }
0x51: {  	_ =	shalt  }
0x52: {  	_ =	shalt  }
0x53: {  	_ =	shalt  }
0x54: {  	_ =	shalt  }
0x55: {  	_ =	shalt  }
0x56: {  	_ =	shalt  }
0x57: {  	_ =	shalt  }
0x58: {  	_ =	shalt  }
0x59: {  	_ =	shalt  }
0x5a: {  	_ =	shalt  }
0x5b: {  	_ =	shalt  }
0x5c: {  	_ =	shalt  }
0x5d: {  	_ =	shalt  }
0x5e: {  	_ =	shalt  }
0x5f: {  	_ =	shalt  }
0x60: {  	_ =	shalt  }
0x61: {  	_ =	shalt  }
0x62: {  	_ =	shalt  }
0x63: {  	_ =	shalt  }
0x64: {  	_ =	shalt  }
0x65: {  	_ =	shalt  }
0x66: {  	_ =	shalt  }
0x67: {  	_ =	shalt  }
0x68: {  	_ =	shalt  }
0x69: {  	_ =	shalt  }
0x6a: {  	_ =	shalt  }
0x6b: {  	_ =	shalt  }
0x6c: {  	_ =	shalt  }
0x6d: {  	_ =	shalt  }
0x6e: {  	_ =	shalt  }
0x6f: {  	_ =	shalt  }
0x70: {  	_ =	shalt  }
0x71: {  	_ =	shalt  }
0x72: {  	_ =	shalt  }
0x73: {  	_ =	shalt  }
0x74: {  	_ =	shalt  }
0x75: {  	_ =	shalt  }
0x76: {  	_ =	shalt  }
0x77: {  	_ =	shalt  }
0x78: {  	_ =	shalt  }
0x79: {  	_ =	shalt  }
0x7a: {  	_ =	shalt  }
0x7b: {  	_ =	shalt  }
0x7c: {  	_ =	shalt  }
0x7d: {  	_ =	shalt  }
0x7e: {  	_ =	shalt  }
0x7f: {  	_ =	shalt  }
0x80: {  	_ =	shalt  }
0x81: {  	_ =	shalt  }
0x82: {  	_ =	shalt  }
0x83: {  	_ =	shalt  }
0x84: {  	_ =	shalt  }
0x85: {  	_ =	shalt  }
0x86: {  	_ =	shalt  }
0x87: {  	_ =	shalt  }
.Lfunc_end0:
.L_simem_size_0:
called_computation.1_lowered:
.L_overlay_start_0:
0x88: {  	s2 =	sld [smem:$0x3FD9]  }
0x89: {  	s3 =	sld [smem:$0x3FFE];
	_ =	sdelay $0x1  }
0x8a: {  	s1 =	srdreg.scid  }
0x8b: {  	s0 =	sand.u32 $0x1, s1  }
0x8c: {  	s14 =	sshll.u32 s0, $0xA;
	s2 =	sadd.s32 s3, s2  }
0x8d: {  	s2 =	sadd.s32 s2, s14  }
0x8e: {  	[smem:$0x3FC4] =	sst s2  }
0x8f: {  	_ = 	snop  }
0x90: {  	s2 =	sld [smem:$0x3FD0];
	_ =	sdelay $0x2  }
0x91: {  	s15 =	simm.s32 $0xA;
	s4 =	simm.s32 $0x10  }
0x92: {  	[smem:s4], [sflag:s15] =	dma.local [hbm:s2], $0x1  }
0x93: {  	_ =	swait.eq [sflag:s15], $0x1  }
0x94: {  	[sflag:s15] =	ssyncset.done $0x0  }
0x95: {  	s16 =	sld [smem:$0x13];
	[sflag:s15] =	ssyncadd.s32 $0xFFFFFFFF  }
0x96: {  	s17 =	sld [smem:$0x14];
	(tm) =	ssettm $0x1  }
0x97: {  	s18 =	sld [smem:$0x3FFB];
	_ =	sdelay $0x3  }
0x98: {  	_ =	strace s18  }
0x99: {  	s4 =	sld [smem:$0x3FFC];
	_ =	sdelay $0x3  }
0x9a: {  	_ =	strace s4  }
0x9b: {  	s4 =	sld [smem:$0x3FFD];
	_ =	sdelay $0x3  }
0x9c: {  	_ =	strace s4  }
0x9d: {  	_ =	strace $0x8FFFFFFF  }
0x9e: {  	s19 =	sld [smem:$0x3FDB];
	_ =	sdelay $0x1  }
0x9f: {  	s5 =	simm.s32 $_scs_section_size  }
0xa0: {  	s6 =	simm.s32 $_size__tile_overlayer_lowered;
	s7 =	simm.s32 $_tile_overlayer_lowered  }
0xa1: {  	s22 =	simm.s32 $0x1BFF;
	s21 =	sshll.u32 s7, $0x1;
	s4 =	sadd.s32 s5, s19  }
0xa2: {  	s8 =	simm.s32 $0x0;
	s20 =	sshll.u32 s6, $0x1;
	s6 =	sadd.s32 s21, s4  }
0xa3: {  	[timem:s8], [sflag:s22] =	dma.local [hbm:s6], s20  }
0xa4: {  	_ =	swait.ge [sflag:s22], s20  }
0xa5: {  	s5 =	ssub.s32 $0x0, s20;
	[sflag:s22] =	ssyncset.done $0x0  }
0xa6: {  	[sflag:s22] =	ssyncadd.s32 s5;
	_ =	sdelay $0x1  }
0xa7: {  	s23 =	simm.s32 $0x1B8B  }
0xa8: {  	_ =	swait.ge [sflag:s23], $0x1  }
0xa9: {  	[sflag:s23] =	ssyncset.done $0x0  }
0xaa: {  	s25 =	simm.s32 $0x1B8E;
	s24 =	sld [smem:$0x3FFE];
	[sflag:s23] =	ssyncadd.s32 $0xFFFFFFFF  }
0xab: {  	s26 =	simm.s32 $execute0_lowered;
	[smem:$0x3FD2] =	sst s25  }
0xac: {  	s6 =	sshll.u32 s26, $0x1;
	_ =	strace $0x80000049;
	[dreg:$0x1] =	wrdreg $0xFFFFFFFF  }
0xad: {  	s28 =	simm.s32 $_size_execute0_lowered;
	s4 =	sadd.s32 s4, s6;
	[dreg:$0x0] =	wrdreg $0x0  }
0xae: {  	s6 =	sshll.u32 s28, $0x1;
	[dreg:$0x2] =	wrdreg s4  }
0xaf: {  	[dreg:$0x3] =	wrdreg s6  }
0xb0: {  	[dreg:$0x4] =	wrdreg $0xC0  }
0xb1: {  	_ =	task [dreg:s8], $0x5FFFF  }
0xb2: {  	[dreg:$0x1] =	wrdreg $0xFFFFFFFF  }
0xb3: {  	[dreg:$0x0] =	wrdreg $0x60  }
0xb4: {  	[dreg:$0x2] =	wrdreg s16  }
0xb5: {  	[dreg:$0x3] =	wrdreg s24  }
0xb6: {  	[dreg:$0x4] =	wrdreg s17  }
0xb7: {  	[dreg:$0x5] =	wrdreg $0x9  }
0xb8: {  	_ =	task.clear_ibuf [dreg:s8], $0x6FFFF;
	_ =	strace $0x90000049  }
0xb9: {  	s29 =	simm.s32 $0x9;
	_ =	strace $0x8000004B  }
0xba: {  	_ =	swait.ge [sflag:s29], $0x1  }
0xbb: {  	[sflag:s29] =	ssyncadd.s32 $0xFFFFFFFF  }
0xbc: {  	_ =	strace $0x9000004B  }
0xbd: {  	_ =	sfence  }
0xbe: {  	s30 =	sld [smem:$0x0];
	_ =	sdelay $0x2  }
0xbf: {  	s31 =	sshll.u32 s1, $0xD;
	s1 =	sshrl.u32 s1, $0x2  }
0xc0: {  	s3 =	sand.u32 $0x4000, s31;
	s1 =	sadd.s32 s1, s30  }
0xc1: {  	s0 =	sor.u32 s3, s0;
	s1 =	sshll.u32 s1, $0x11  }
0xc2: {  	s0 =	sor.u32 s1, s0  }
0xc3: {  	s0 =	sadd.s32 $0x8F2B, s0  }
0xc4: {  	[sflag:s0] =	ssyncadd.remote.s32 $0x1  }
0xc5: {  	_ =	sfence.sel $0xFFFF  }
0xc6: {  	[dreg:$0x0] =	wrdreg $0xFFFFFFFF;
	(pc) =	sbr.abs _section_cstart, $3  }
0xc7: {  	[dreg:$0x1] =	wrdreg $0xFFFFFFFF  }
0xc8: {  	_ =	task.clear_ibuf [dreg:s8], $0x2FFFF;
	_ =	strace $0x9FFFFFFF  }
0xc9: {  	(tm) =	ssettm $0x7FFFFFFF  }
tec
execute0_lowered:
.L_overlay_start_1:
0x0: {  	(tag) =	ssettag $0x1  }
0x1: {  	s1 =	stileid.u32  }
0x2: {  	p0 =	sgt.u32 s1, $0x1  }
.Ltmp0:
0x3: {  	s7 =	rddreg [dreg:$0x0];
	(pc) =	sbr.rel @p0 .LBB2_5-.Ltmp0, $4  }
0x4: {  	s3 =	rddreg [dreg:$0x1]  }
0x5: {  	s5 =	rddreg [dreg:$0x2];
	s2 =	simm.s32 $0x0  }
0x6: {  	[smem:$0x7FF] =	sst s2  }
0x7: {  	s0 =	rddreg [dreg:$0x3];
	_ =	strace $0x8000004A  }
0x8: {  	s4 =	srdreg.scid  }
0x9: {  	s6 =	sshll.u32 s1, $0x1;
	s11 =	simm.s32 $0x1;
	s12 =	simm.s32 $0x1400  }
0xa: {  	s13 =	simm.s32 $0x2800;
	s14 =	simm.s32 $0xC800;
	s4 =	sand.u32 $0x1, s4  }
0xb: {  	s15 =	simm.s32 $0x7800;
	s16 =	simm.s32 $0x0;
	s6 =	sor.u32 s4, s6  }
0xc: {  	s31 =	ssub.s32 $0x2, s4;
	s8 =	sshll.u32 s6, $0x4;
	s6 =	smul.u32 $0xA00, s6  }
0xd: {  	v0 =	vlaneseq.u32;
	s10 =	sshrl.u32 s31, $0x1;
	s9 =	sadd.s32 s8, s3;
	s5 =	sadd.s32 s5, s8  }
0xe: {  	v0 =	vmul.u32 $0xFFFFFFFF, v0;
	s7 =	sadd.s32 s7, s8;
	s6 =	sadd.s32 s6, s3;
	s3 =	sadd.s32 $0x4E00, s9  }
0xf: {  	s9 =	ssub.s32 s31, s10;
	s10 =	simm.s32 $0x200;
	s4 =	sadd.s32 $0x2600, s6  }
0x10: {  	v0 =	vadd.s32 $0x1388, v0;
	s6 =	sadd.s32 $0x5800, s6;
	s8 =	smax.u32 s9, $0x1;
	s9 =	simm.s32 $0x80  }
.LBB2_2:
0x11: {  	s17 =	simm.s32 $0x0  }
0x12: {  	[tilespmem:s17], [sflag:$0x1] =	stream.strided.gather [hbm4b:s7+s9], $0x1400, s10, s9, $0x38;
	[tilespmem:$0xDC00] =	vst v63  }
0x13: {  	_ =	swait.ge [sflag:s11], $0x1400  }
0x14: {  	[sflag:s11] =	ssyncset.done $0x0  }
0x15: {  	[sflag:s11] =	ssyncadd.s32 $0xFFFFEC00  }
0x16: {  	[tilespmem:s12], [sflag:$0x1] =	stream.strided.gather [hbm4b:s3+s9], $0x1400, s10, s9, $0x38;
	[tilespmem:$0xDC00] =	vst v63  }
0x17: {  	_ =	swait.ge [sflag:s11], $0x1400  }
0x18: {  	[sflag:s11] =	ssyncset.done $0x0  }
0x19: {  	[sflag:s11] =	ssyncadd.s32 $0xFFFFEC00  }
0x1a: {  	[tilespmem:s13], [sflag:$0x1] =	stream.linear.gather [hbm4b:s4+s17], $0x5000, $0x38;
	[tilespmem:$0xDC00] =	vst v63  }
0x1b: {  	_ =	swait.ge [sflag:s11], $0x5000  }
0x1c: {  	s20 =	simm.s32 $0x0;
	[sflag:s11] =	ssyncset.done $0x0  }
0x1d: {  	s19 =	simm.s32 $0x10;
	s18 =	simm.s32 $0x0;
	[sflag:s11] =	ssyncadd.s32 $0xFFFFB000  }
.LBB2_3:
0x1e: {  	p0 =	sne.s32 s19, $0x1380;
	v1 =	vld [tilespmem:s20+$0x0]  }
0x1f: {  	v2 =	vld [tilespmem:s20+$0x1400];
	_ =	sdelay $0x2  }
0x20: {  	v3 =	vmov s17  }
0x21: {  	vm0 =	vlt.u32 v3, v0;
	vm1 =	vlt.s32 v1, $0x1387  }
0x22: {  	v1 =	vnsel vm1, $0x1387, v1;
	_ =	sdelay $0x3  }
0x23: {  	s21 =	sand.u32 $0x7E00, s18;
	s20 =	sand.u32 $0x70, s17;
	s17 =	smov.u32 s19;
	v3 =	vshll.u32 v1, $0x2  }
0x24: {  	s20 =	sor.u32 s20, s21;
	v4 =	vand.u32 $0x7F, v1;
	[tilespmem:v1+s14+$0x0] =	vst.idx.msk vm0, v2;
	v1 =	vand.u32 $0xFFFFFE00, v3  }
0x25: {  	v2 =	vld [tilespmem:s20+$0x2800];
	v1 =	vor.u32 v4, v1;
	_ =	sdelay $0x4  }
0x26: {  	[tilespmem:v1+s15+$0x0] =	vst.idx.msk vm0, v2  }
0x27: {  	v3 =	vor.u32 $0x80, v1;
	v2 =	vld [tilespmem:s20+$0x2880];
	_ =	sdelay $0x4  }
0x28: {  	[tilespmem:v3+s15+$0x0] =	vst.idx.msk vm0, v2  }
0x29: {  	v1 =	vor.u32 $0x100, v1;
	v2 =	vld [tilespmem:s20+$0x2900]  }
.Ltmp1:
0x2a: {  	(pc) =	sbr.rel @p0 .LBB2_3-.Ltmp1, $3  }
0x2b: {  	_ =	sdelay $0x1  }
0x2c: {  	s18 =	sadd.s32 $0x40, s18  }
0x2d: {  	s19 =	sadd.s32 $0x10, s19;
	s20 =	sshra.s32 s18, $0x2;
	[tilespmem:v1+s15+$0x0] =	vst.idx.msk vm0, v2  }
0x2e: {  	v1 =	vld [tilespmem:s20+$0x0];
	_ =	sdelay $0x3  }
0x2f: {  	v2 =	vmov s17  }
0x30: {  	vm0 =	vlt.u32 v2, v0;
	vm1 =	vlt.s32 v1, $0x1387  }
0x31: {  	v2 =	vld [tilespmem:s20+$0x1400];
	v1 =	vnsel vm1, $0x1387, v1;
	_ =	sdelay $0x3  }
0x32: {  	s31 =	sand.u32 $0x70, s17;
	s18 =	sand.u32 $0x7E00, s18;
	v3 =	vshll.u32 v1, $0x2  }
0x33: {  	s17 =	sor.u32 s31, s18;
	v4 =	vand.u32 $0x7F, v1;
	[tilespmem:v1+s14+$0x0] =	vst.idx.msk vm0, v2;
	v1 =	vand.u32 $0xFFFFFE00, v3  }
0x34: {  	v2 =	vld [tilespmem:s17+$0x2800];
	v1 =	vor.u32 v4, v1;
	_ =	sdelay $0x4  }
0x35: {  	[tilespmem:v1+s15+$0x0] =	vst.idx.msk vm0, v2  }
0x36: {  	v3 =	vor.u32 $0x80, v1;
	v2 =	vld [tilespmem:s17+$0x2880];
	_ =	sdelay $0x4  }
0x37: {  	[tilespmem:v3+s15+$0x0] =	vst.idx.msk vm0, v2  }
0x38: {  	v1 =	vor.u32 $0x100, v1;
	v2 =	vld [tilespmem:s17+$0x2900];
	_ =	sdelay $0x4  }
0x39: {  	[tilespmem:v1+s15+$0x0] =	vst.idx.msk vm0, v2  }
0x3a: {  	[hbm4b:s5+s9] =	stream.strided.scatter [tilespmem:s14], [sflag:$0x1], $0x1400, s10, s9, $0x38;
	[tilespmem:$0xDC00] =	vst v63  }
0x3b: {  	s16 =	sadd.s32 $0x1, s16;
	_ =	swait.ge [sflag:s11], $0x1400  }
0x3c: {  	p0 =	sne.s32 s16, s8;
	[sflag:s11] =	ssyncset.done $0x0  }
.Ltmp2:
0x3d: {  	[sflag:s11] =	ssyncadd.s32 $0xFFFFEC00;
	(pc) =	sbr.rel @p0 .LBB2_2-.Ltmp2, $4  }
0x3e: {  	[hbm4b:s6+s2] =	stream.linear.scatter [tilespmem:s15], [sflag:$0x1], $0x5000, $0x38;
	[tilespmem:$0xDC00] =	vst v63  }
0x3f: {  	_ =	swait.ge [sflag:s11], $0x5000  }
0x40: {  	[sflag:s11] =	ssyncset.done $0x0  }
0x41: {  	[sflag:s11] =	ssyncadd.s32 $0xFFFFB000  }
.LBB2_5:
0x42: {  	_ =	sfence.sel $0x180000  }
0x43: {  	[bflag:$0x0] =	sbarrier.arrive $0xFFFF  }
0x44: {  	p0 =	sne.s32 s1, $0x0;
	_ =	strace $0x9000004A  }
0x45: {  	s0 =	sadd.s32 @!p0 $0x100000, s0;
	[bflag:$0x2] =	sbarrier.arrive $0xFFFF  }
0x46: {  	[sflag:s0] =	ssyncadd.tile.s32 @!p0 $0x1;
	_ =	shalt  }
.Lfunc_end2:
_tile_overlayer_lowered:
.L_overlay_start_2:
0x47: {  	(tag) =	ssettag $0x2  }
0x48: {  	s0 =	rddreg [dreg:$0x0];
	s2 =	stileid.u32  }
0x49: {  	s1 =	rddreg [dreg:$0x1];
	p0 =	sne.s32 s2, $0x0  }
0x4a: {  	s3 =	rddreg [dreg:$0x2];
	[bflag:$0x3] =	sbarrier.arrive $0xFFFF;
	s2 =	simm.s32 @!p0 $0x1C01  }
0x4b: {  	[timem:s3], [sflag:s2] =	dma.local @!p0 [hbm:s0], s1  }
0x4c: {  	s0 =	simm.s32 @!p0 $0x1  }
0x4d: {  	_ =	swait.ge @!p0 [sflag:s0], s1  }
0x4e: {  	s1 =	ssub.s32 @!p0 $0x0, s1;
	[sflag:s0] =	ssyncset.done @!p0 $0x0  }
0x4f: {  	[sflag:s0] =	ssyncadd.s32 @!p0 s1  }
0x50: {  	[bflag:$0x3] =	sbarrier.arrive $0xFFFF  }
0x51: {  	_ =	shalt  }

// kernel: kernel.7.cloned.1.call-start
scs
__scs_entry_jumppad:
0x0: {  	(pc) =	sbr.rel $0x88, $3  }
0x1: {  	(tag) =	ssettag $0x0;
	lr =	simm.s32 $0x1  }
0x2: {  	[smem:$0x3F9D] =	sst lr;
	_ =	strace $0xD0000000  }
0x3: {  	_ = 	snop  }
0x4: {  	_ = 	snop  }
0x5: {  	_ = 	snop  }
0x6: {  	_ = 	snop  }
0x7: {  	_ = 	snop  }
__scs_overlays_trampoline_lowered:
0x8: {  	[smem:$0x3FAC] =	sst s0  }
0x9: {  	[smem:$0x3FAD] =	sst s1  }
0xa: {  	[smem:$0x3FAE] =	sst s2  }
0xb: {  	[smem:$0x3FAF] =	sst s3  }
0xc: {  	[smem:$0x3FB0] =	sst s4  }
0xd: {  	[smem:$0x3FB1] =	sst s5  }
0xe: {  	[smem:$0x3FB2] =	sst s6  }
0xf: {  	[smem:$0x3FB3] =	sst s7  }
0x10: {  	[smem:$0x3FB4] =	sst s8  }
0x11: {  	[smem:$0x3FB5] =	sst s9;
	s0 =	simm.s32 @!p0 $0x0  }
0x12: {  	s1 =	sld [smem:$0x3F9B];
	s0 =	simm.s32 @p0 $0x1  }
0x13: {  	[smem:$0x3FB6] =	sst s0;
	s0 =	simm.s32 @!p1 $0x0  }
0x14: {  	s2 =	sld [smem:$0x3F9A];
	s0 =	simm.s32 @p1 $0x1  }
0x15: {  	[smem:$0x3FB7] =	sst s0;
	s0 =	simm.s32 @!p2 $0x0  }
0x16: {  	s3 =	sld [smem:$0x3FDB];
	s0 =	simm.s32 @p2 $0x1  }
0x17: {  	s4 =	simm.s32 $0x1BF5;
	[smem:$0x3FB9] =	sst s0  }
0x18: {  	s0 =	sld [smem:$0x3F9C];
	_ =	swait.ge [sflag:s4], $0x0  }
0x19: {  	s7 =	sld [smem:$0x3F9D]  }
0x1a: {  	s8 =	sadd.s32 $0xFFFFE003, lr  }
0x1b: {  	s9 =	sadd.s32 $0xFFFFFEF7, lr;
	s5 =	simm.s32 $0xFFFFFFFF;
	p2 =	slt.u32 s8, $0xFFFFF086  }
0x1c: {  	p1 =	slt.u32 s9, $0xF7A;
	s5 =	simm.s32 @!p2 $0x0  }
0x1d: {  	s5 =	simm.s32 @p1 $0x1;
	p0 =	seq.s32 s7, s2  }
0x1e: {  	s7 =	smul.u32 @!p0 $0xF7A, s2;
	p2 =	seq.s32 @!p0 s5, $0x0  }
0x1f: {  	s9 =	smul.u32 $0xF7A, s1;
	s8 =	simm.s32 @!p0 $0x1BF5;
	p2 =	por !p2, p0  }
0x20: {  	[sflag:s8] =	ssyncset.s32 @!p0 $0xFFFFF086;
	s6 =	sadd.s32 @!p0 s3, s7;
	s7 =	simm.s32 @!p0 $0x108  }
0x21: {  	s3 =	sadd.s32 s3, s9;
	s6 =	sadd.s32 @!p0 $0x88, s6;
	s7 =	simm.s32 @p2 $0x1082  }
0x22: {  	[simem:s7], [sflag:s8] =	dma.local @!p0 [hbm:s6], $0xF7A  }
0x23: {  	s9 =	sor.u32 $0xD0000000, s2;
	s6 =	simm.s32 $0x108;
	_ =	swait.ge @!p0 [sflag:s8], $0x0  }
0x24: {  	s3 =	sadd.s32 $0x88, s3;
	s6 =	simm.s32 @!p1 $0x1082;
	[sflag:s4] =	ssyncset.s32 $0xFFFFF086  }
0x25: {  	[simem:s6], [sflag:s4] =	dma.local [hbm:s3], $0xF7A  }
0x26: {  	[smem:$0x3F9D] =	sst s1;
	(tag) =	ssettag s2;
	_ =	strace s9  }
0x27: {  	s1 =	sld [smem:$0x3FAD]  }
0x28: {  	s2 =	sld [smem:$0x3FAE]  }
0x29: {  	s4 =	sld [smem:$0x3FB0]  }
0x2a: {  	p0 =	seq.s32 s5, $0x0;
	s5 =	sld [smem:$0x3FB1]  }
0x2b: {  	s6 =	sld [smem:$0x3FB2]  }
0x2c: {  	s7 =	sld [smem:$0x3FB3]  }
0x2d: {  	s3 =	simm.s32 $0x108;
	s8 =	sld [smem:$0x3FB4]  }
0x2e: {  	s3 =	simm.s32 @!p0 $0x1082;
	s9 =	sld [smem:$0x3FB5]  }
0x2f: {  	lr =	sadd.s32 s0, s3;
	s0 =	sld [smem:$0x3FAC]  }
0x30: {  	s3 =	sld [smem:$0x3FAF]  }
0x31: {  	[smem:$0x3FB8] =	sst s10  }
0x32: {  	s10 =	sld [smem:$0x3FB6];
	_ =	sdelay $0x3  }
0x33: {  	p0 =	seq.s32 s10, $0x1;
	s10 =	sld [smem:$0x3FB8];
	_ =	sdelay $0x3  }
0x34: {  	[smem:$0x3FB8] =	sst s10  }
0x35: {  	s10 =	sld [smem:$0x3FB7];
	_ =	sdelay $0x3  }
0x36: {  	p1 =	seq.s32 s10, $0x1;
	s10 =	sld [smem:$0x3FB8];
	_ =	sdelay $0x3  }
0x37: {  	[smem:$0x3FB8] =	sst s10  }
0x38: {  	s10 =	sld [smem:$0x3FB9]  }
0x39: {  	_ = 	snop;
	(pc) =	sbr.ind lr, $3  }
0x3a: {  	_ = 	snop  }
0x3b: {  	_ = 	snop  }
0x3c: {  	p2 =	seq.s32 s10, $0x1;
	s10 =	sld [smem:$0x3FB8]  }
0x3d: {  	_ =	shalt  }
0x3e: {  	_ =	shalt  }
0x3f: {  	_ =	shalt  }
0x40: {  	_ =	shalt  }
0x41: {  	_ =	shalt  }
0x42: {  	_ =	shalt  }
0x43: {  	_ =	shalt  }
0x44: {  	_ =	shalt  }
0x45: {  	_ =	shalt  }
0x46: {  	_ =	shalt  }
0x47: {  	_ =	shalt  }
0x48: {  	_ =	shalt  }
0x49: {  	_ =	shalt  }
0x4a: {  	_ =	shalt  }
0x4b: {  	_ =	shalt  }
0x4c: {  	_ =	shalt  }
0x4d: {  	_ =	shalt  }
0x4e: {  	_ =	shalt  }
0x4f: {  	_ =	shalt  }
0x50: {  	_ =	shalt  }
0x51: {  	_ =	shalt  }
0x52: {  	_ =	shalt  }
0x53: {  	_ =	shalt  }
0x54: {  	_ =	shalt  }
0x55: {  	_ =	shalt  }
0x56: {  	_ =	shalt  }
0x57: {  	_ =	shalt  }
0x58: {  	_ =	shalt  }
0x59: {  	_ =	shalt  }
0x5a: {  	_ =	shalt  }
0x5b: {  	_ =	shalt  }
0x5c: {  	_ =	shalt  }
0x5d: {  	_ =	shalt  }
0x5e: {  	_ =	shalt  }
0x5f: {  	_ =	shalt  }
0x60: {  	_ =	shalt  }
0x61: {  	_ =	shalt  }
0x62: {  	_ =	shalt  }
0x63: {  	_ =	shalt  }
0x64: {  	_ =	shalt  }
0x65: {  	_ =	shalt  }
0x66: {  	_ =	shalt  }
0x67: {  	_ =	shalt  }
0x68: {  	_ =	shalt  }
0x69: {  	_ =	shalt  }
0x6a: {  	_ =	shalt  }
0x6b: {  	_ =	shalt  }
0x6c: {  	_ =	shalt  }
0x6d: {  	_ =	shalt  }
0x6e: {  	_ =	shalt  }
0x6f: {  	_ =	shalt  }
0x70: {  	_ =	shalt  }
0x71: {  	_ =	shalt  }
0x72: {  	_ =	shalt  }
0x73: {  	_ =	shalt  }
0x74: {  	_ =	shalt  }
0x75: {  	_ =	shalt  }
0x76: {  	_ =	shalt  }
0x77: {  	_ =	shalt  }
0x78: {  	_ =	shalt  }
0x79: {  	_ =	shalt  }
0x7a: {  	_ =	shalt  }
0x7b: {  	_ =	shalt  }
0x7c: {  	_ =	shalt  }
0x7d: {  	_ =	shalt  }
0x7e: {  	_ =	shalt  }
0x7f: {  	_ =	shalt  }
0x80: {  	_ =	shalt  }
0x81: {  	_ =	shalt  }
0x82: {  	_ =	shalt  }
0x83: {  	_ =	shalt  }
0x84: {  	_ =	shalt  }
0x85: {  	_ =	shalt  }
0x86: {  	_ =	shalt  }
0x87: {  	_ =	shalt  }
.Lfunc_end0:
.L_simem_size_0:
called_computation_lowered:
.L_overlay_start_0:
0x88: {  	s2 =	sld [smem:$0x3FD9]  }
0x89: {  	s3 =	sld [smem:$0x3FFE];
	_ =	sdelay $0x1  }
0x8a: {  	s1 =	srdreg.scid  }
0x8b: {  	s0 =	sand.u32 $0x1, s1  }
0x8c: {  	s14 =	sshll.u32 s0, $0xA;
	s2 =	sadd.s32 s3, s2  }
0x8d: {  	s2 =	sadd.s32 s2, s14  }
0x8e: {  	[smem:$0x3FC4] =	sst s2  }
0x8f: {  	_ = 	snop  }
0x90: {  	s2 =	sld [smem:$0x3FD0];
	_ =	sdelay $0x2  }
0x91: {  	s15 =	simm.s32 $0xA;
	s4 =	simm.s32 $0x10  }
0x92: {  	[smem:s4], [sflag:s15] =	dma.local [hbm:s2], $0x1  }
0x93: {  	_ =	swait.eq [sflag:s15], $0x1  }
0x94: {  	[sflag:s15] =	ssyncset.done $0x0  }
0x95: {  	s16 =	sld [smem:$0x11];
	[sflag:s15] =	ssyncadd.s32 $0xFFFFFFFF  }
0x96: {  	s17 =	sld [smem:$0x12];
	(tm) =	ssettm $0x1  }
0x97: {  	s18 =	sld [smem:$0x3FFB];
	_ =	sdelay $0x3  }
0x98: {  	_ =	strace s18  }
0x99: {  	s4 =	sld [smem:$0x3FFC];
	_ =	sdelay $0x3  }
0x9a: {  	_ =	strace s4  }
0x9b: {  	s4 =	sld [smem:$0x3FFD];
	_ =	sdelay $0x3  }
0x9c: {  	_ =	strace s4  }
0x9d: {  	_ =	strace $0x8FFFFFFF  }
0x9e: {  	s19 =	sld [smem:$0x3FDB];
	_ =	sdelay $0x1  }
0x9f: {  	s5 =	simm.s32 $_scs_section_size  }
0xa0: {  	s6 =	simm.s32 $_size__tile_overlayer_lowered;
	s7 =	simm.s32 $_tile_overlayer_lowered  }
0xa1: {  	s22 =	simm.s32 $0x1BFF;
	s21 =	sshll.u32 s7, $0x1;
	s4 =	sadd.s32 s5, s19  }
0xa2: {  	s8 =	simm.s32 $0x0;
	s20 =	sshll.u32 s6, $0x1;
	s6 =	sadd.s32 s21, s4  }
0xa3: {  	[timem:s8], [sflag:s22] =	dma.local [hbm:s6], s20  }
0xa4: {  	_ =	swait.ge [sflag:s22], s20  }
0xa5: {  	s5 =	ssub.s32 $0x0, s20;
	[sflag:s22] =	ssyncset.done $0x0  }
0xa6: {  	[sflag:s22] =	ssyncadd.s32 s5;
	_ =	sdelay $0x1  }
0xa7: {  	s23 =	simm.s32 $0x1B8B  }
0xa8: {  	_ =	swait.ge [sflag:s23], $0x1  }
0xa9: {  	[sflag:s23] =	ssyncset.done $0x0  }
0xaa: {  	s25 =	simm.s32 $0x1B8E;
	s24 =	sld [smem:$0x3FFE];
	[sflag:s23] =	ssyncadd.s32 $0xFFFFFFFF  }
0xab: {  	s26 =	simm.s32 $execute0_lowered;
	[smem:$0x3FD2] =	sst s25  }
0xac: {  	s6 =	sshll.u32 s26, $0x1;
	_ =	strace $0x80000046;
	[dreg:$0x1] =	wrdreg $0xFFFFFFFF  }
0xad: {  	s28 =	simm.s32 $_size_execute0_lowered;
	s4 =	sadd.s32 s4, s6;
	[dreg:$0x0] =	wrdreg $0x0  }
0xae: {  	s6 =	sshll.u32 s28, $0x1;
	[dreg:$0x2] =	wrdreg s4  }
0xaf: {  	[dreg:$0x3] =	wrdreg s6  }
0xb0: {  	[dreg:$0x4] =	wrdreg $0xC0  }
0xb1: {  	_ =	task [dreg:s8], $0x5FFFF  }
0xb2: {  	[dreg:$0x1] =	wrdreg $0xFFFFFFFF  }
0xb3: {  	[dreg:$0x0] =	wrdreg $0x60  }
0xb4: {  	[dreg:$0x2] =	wrdreg s24  }
0xb5: {  	[dreg:$0x3] =	wrdreg s16  }
0xb6: {  	[dreg:$0x4] =	wrdreg s17  }
0xb7: {  	[dreg:$0x5] =	wrdreg $0x9  }
0xb8: {  	_ =	task.clear_ibuf [dreg:s8], $0x6FFFF;
	_ =	strace $0x90000046  }
0xb9: {  	s29 =	simm.s32 $0x9;
	_ =	strace $0x80000048  }
0xba: {  	_ =	swait.ge [sflag:s29], $0x1  }
0xbb: {  	[sflag:s29] =	ssyncadd.s32 $0xFFFFFFFF  }
0xbc: {  	_ =	strace $0x90000048  }
0xbd: {  	_ =	sfence  }
0xbe: {  	s30 =	sld [smem:$0x0];
	_ =	sdelay $0x2  }
0xbf: {  	s31 =	sshll.u32 s1, $0xD;
	s1 =	sshrl.u32 s1, $0x2  }
0xc0: {  	s3 =	sand.u32 $0x4000, s31;
	s1 =	sadd.s32 s1, s30  }
0xc1: {  	s0 =	sor.u32 s3, s0;
	s1 =	sshll.u32 s1, $0x11  }
0xc2: {  	s0 =	sor.u32 s1, s0  }
0xc3: {  	s0 =	sadd.s32 $0x8F2B, s0  }
0xc4: {  	[sflag:s0] =	ssyncadd.remote.s32 $0x1  }
0xc5: {  	_ =	sfence.sel $0xFFFF  }
0xc6: {  	[dreg:$0x0] =	wrdreg $0xFFFFFFFF;
	(pc) =	sbr.abs _section_cstart, $3  }
0xc7: {  	[dreg:$0x1] =	wrdreg $0xFFFFFFFF  }
0xc8: {  	_ =	task.clear_ibuf [dreg:s8], $0x2FFFF;
	_ =	strace $0x9FFFFFFF  }
0xc9: {  	(tm) =	ssettm $0x7FFFFFFF  }
tec
execute0_lowered:
.L_overlay_start_1:
0x0: {  	(tag) =	ssettag $0x1  }
0x1: {  	s0 =	rddreg [dreg:$0x0]  }
0x2: {  	s1 =	rddreg [dreg:$0x1]  }
0x3: {  	s2 =	rddreg [dreg:$0x2]  }
0x4: {  	s3 =	srdreg.scid;
	s5 =	stileid.u32;
	s6 =	simm.s32 $0x0  }
0x5: {  	s28 =	simm.s32 $0x8800;
	s30 =	simm.s32 $0x400;
	s31 =	simm.s32 $0x0  }
0x6: {  	s3 =	sand.u32 $0x1, s3;
	s4 =	sshll.u32 s5, $0x1;
	s5 =	sshrl.u32 s5, $0x2  }
0x7: {  	[smem:$0x7FF] =	sst s6;
	s4 =	sor.u32 s3, s4;
	s5 =	smul.u32 $0x2800, s5  }
0x8: {  	_ =	strace $0x80000047;
	s7 =	ssub.s32 $0x2, s3;
	s18 =	sshll.u32 s4, $0x7  }
0x9: {  	s3 =	sadd.s32 $0x273600, s0;
	s19 =	sshrl.u32 s7, $0x1;
	s6 =	sand.u32 $0x380, s18  }
0xa: {  	s4 =	sshll.u32 s4, $0x8;
	s0 =	ssub.s32 s7, s19;
	s18 =	sor.u32 s5, s6  }
0xb: {  	s4 =	sadd.s32 s1, s4;
	s5 =	sshrl.u32 s18, $0x3;
	s20 =	sadd.s32 $0xA000, s18  }
0xc: {  	s21 =	sadd.s32 $0x14000, s18;
	s8 =	sadd.s32 $0x1E000, s18;
	s23 =	sadd.s32 $0x32000, s18  }
0xd: {  	s10 =	sadd.s32 $0x3C000, s18;
	s11 =	sadd.s32 $0x46000, s18;
	s24 =	sadd.s32 $0x5A000, s18  }
0xe: {  	s14 =	sadd.s32 $0x64000, s18;
	s16 =	sadd.s32 $0x6E000, s18;
	s26 =	sadd.s32 $0x82000, s18  }
0xf: {  	s19 =	sadd.s32 $0x8C000, s18;
	s5 =	sadd.s32 s2, s5;
	s1 =	sshrl.u32 s20, $0x3  }
0x10: {  	s22 =	sshrl.u32 s21, $0x3;
	s8 =	sshrl.u32 s8, $0x3;
	s12 =	sshrl.u32 s10, $0x3  }
0x11: {  	s13 =	sshrl.u32 s11, $0x3;
	s15 =	sshrl.u32 s14, $0x3;
	s25 =	sshrl.u32 s16, $0x3  }
0x12: {  	s20 =	sadd.s32 $0x96000, s18;
	s29 =	sshrl.u32 s19, $0x3;
	s21 =	smax.u32 s0, $0x1  }
0x13: {  	s6 =	sadd.s32 s2, s1;
	s7 =	sadd.s32 s2, s22;
	s8 =	sadd.s32 s2, s8  }
0x14: {  	s9 =	sadd.s32 $0x5000, s5;
	s1 =	sshrl.u32 s23, $0x3;
	s11 =	sadd.s32 s2, s12  }
0x15: {  	v0 =	vlaneseq.u32;
	s12 =	sadd.s32 s2, s13;
	s13 =	sadd.s32 $0xA000, s5;
	s15 =	sadd.s32 s2, s15  }
0x16: {  	v0 =	vmul.u32 $0x500, v0;
	s16 =	sadd.s32 s2, s25;
	s17 =	sadd.s32 $0xF000, s5;
	s20 =	sshrl.u32 s20, $0x3  }
0x17: {  	s19 =	sadd.s32 s2, s29;
	s22 =	simm.s32 $0x2;
	s23 =	simm.s32 $0x80  }
0x18: {  	v1 =	vor.u32 $0x80, v0;
	v2 =	vadd.s32 $0x100, v0;
	v3 =	vadd.s32 $0x180, v0;
	s25 =	simm.s32 $0x4800;
	s10 =	sadd.s32 s2, s1;
	s1 =	sshrl.u32 s24, $0x3  }
0x19: {  	v4 =	vadd.s32 $0x200, v0;
	v5 =	vadd.s32 $0x280, v0;
	v6 =	vadd.s32 $0x300, v0;
	s20 =	sadd.s32 s2, s20;
	s14 =	sadd.s32 s2, s1;
	s1 =	sshrl.u32 s26, $0x3  }
0x1a: {  	v7 =	vadd.s32 $0x380, v0;
	v8 =	vadd.s32 $0x400, v0;
	v9 =	vadd.s32 $0x480, v0;
	s24 =	simm.s32 $0x800;
	s26 =	simm.s32 $0x1;
	s18 =	sadd.s32 s2, s1  }
.LBB2_1:
0x1b: {  	s0 =	simm.s32 $0x0  }
0x1c: {  	[tilespmem:s0], [sflag:$0x2] =	stream.linear.gather [hbm4b:s4+s0], $0x500, $0x38;
	[tilespmem:$0xD800] =	vst v63  }
0x1d: {  	_ =	swait.ge [sflag:s22], $0x500  }
0x1e: {  	[sflag:s22] =	ssyncset.done $0x0  }
0x1f: {  	[sflag:s22] =	ssyncadd.s32 $0xFFFFFB00  }
0x20: {  	[tilespmem:s24], [sflag:$0x1] =	stream.indirect.gather [hbm4b:s3+s23], $0x80, s0, s23, $0xb8;
	[tilespmem:$0xD800] =	vst v63  }
0x21: {  	s1 =	simm.s32 $0x0  }
0x22: {  	v10 =	vmov s1;
	[tilespmem:s25], [sflag:$0x1] =	stream.indirect.gather [hbm4b:s3+s23], $0x80, s23, s23, $0xb8;
	[tilespmem:$0xD800] =	vst v63  }
0x23: {  	v10 =	vand.u32 $0x78, v10;
	_ =	swait.ge [sflag:s26], $0x4000  }
0x24: {  	v10 =	vbroadcast v10, $0x0;
	[sflag:s26] =	ssyncset.done $0x0  }
0x25: {  	s0 =	simm.s32 $0xA00;
	[sflag:s26] =	ssyncadd.s32 $0xFFFFC000  }
0x26: {  	v10 =	vor.u32 v0, v10;
	v11 =	vld [tilespmem:s0+$0xFFFFFE00]  }
0x27: {  	s1 =	simm.s32 $0x1  }
0x28: {  	v12 =	vmov s1  }
0x29: {  	v12 =	vand.u32 $0x79, v12  }
0x2a: {  	v12 =	vbroadcast v12, $0x0  }
0x2b: {  	[tilespmem:v10+s28+$0x0] =	vst.idx.msk $0xffff, v11  }
0x2c: {  	v11 =	vor.u32 v0, v12;
	v10 =	vld [tilespmem:s0+$0xFFFFFE80]  }
0x2d: {  	s2 =	simm.s32 $0x2  }
0x2e: {  	v59 =	vmov s2  }
0x2f: {  	v12 =	vand.u32 $0x7A, v59  }
0x30: {  	v12 =	vbroadcast v12, $0x0  }
0x31: {  	[tilespmem:v11+s28+$0x0] =	vst.idx.msk $0xffff, v10  }
0x32: {  	v11 =	vor.u32 v0, v12;
	v10 =	vld [tilespmem:s0+$0xFFFFFF00]  }
0x33: {  	s2 =	simm.s32 $0x3  }
0x34: {  	v60 =	vmov s2  }
0x35: {  	v12 =	vand.u32 $0x7B, v60  }
0x36: {  	v12 =	vbroadcast v12, $0x0  }
0x37: {  	[tilespmem:v11+s28+$0x0] =	vst.idx.msk $0xffff, v10  }
0x38: {  	v11 =	vor.u32 v0, v12;
	v10 =	vld [tilespmem:s0+$0xFFFFFF80]  }
0x39: {  	s2 =	simm.s32 $0x4  }
0x3a: {  	v61 =	vmov s2  }
0x3b: {  	v12 =	vand.u32 $0x7C, v61  }
0x3c: {  	v12 =	vbroadcast v12, $0x0  }
0x3d: {  	[tilespmem:v11+s28+$0x0] =	vst.idx.msk $0xffff, v10  }
0x3e: {  	v11 =	vor.u32 v0, v12;
	v10 =	vld [tilespmem:s0+$0x0]  }
0x3f: {  	s2 =	simm.s32 $0x5  }
0x40: {  	v62 =	vmov s2  }
0x41: {  	v12 =	vand.u32 $0x7D, v62  }
0x42: {  	v12 =	vbroadcast v12, $0x0  }
0x43: {  	[tilespmem:v11+s28+$0x0] =	vst.idx.msk $0xffff, v10  }
0x44: {  	v11 =	vor.u32 v0, v12;
	v10 =	vld [tilespmem:s0+$0x80]  }
0x45: {  	s2 =	simm.s32 $0x6  }
0x46: {  	v63 =	vmov s2  }
0x47: {  	v12 =	vand.u32 $0x7E, v63  }
0x48: {  	v12 =	vbroadcast v12, $0x0  }
0x49: {  	[tilespmem:v11+s28+$0x0] =	vst.idx.msk $0xffff, v10  }
0x4a: {  	v11 =	vor.u32 v0, v12;
	v10 =	vld [tilespmem:s0+$0x100];
	_ =	sdelay $0x4  }
0x4b: {  	s2 =	simm.s32 $0x7;
	[tilespmem:v11+s28+$0x0] =	vst.idx.msk $0xffff, v10  }
0x4c: {  	v11 =	vor.u32 s2, v0;
	v10 =	vld [tilespmem:s0+$0x180]  }
0x4d: {  	s29 =	simm.s32 $0x17;
	s1 =	simm.s32 $0xF;
	s2 =	simm.s32 $0x8  }
.LBB2_2:
0x4e: {  	p0 =	sne.s32 s29, $0x7F;
	v12 =	vmov s2  }
0x4f: {  	v12 =	vand.u32 $0x78, v12  }
0x50: {  	v12 =	vbroadcast v12, $0x0  }
0x51: {  	s0 =	sadd.s32 $0x400, s0;
	[tilespmem:v11+s28+$0x0] =	vst.idx.msk $0xffff, v10  }
0x52: {  	v10 =	vld [tilespmem:s0+$0xFFFFFE00];
	v11 =	vor.u32 v0, v12  }
0x53: {  	s2 =	sadd.s32 $0xFFFFFFFA, s1  }
0x54: {  	v12 =	vmov s2  }
0x55: {  	v12 =	vand.u32 $0x79, v12  }
0x56: {  	v12 =	vbroadcast v12, $0x0  }
0x57: {  	[tilespmem:v11+s28+$0x0] =	vst.idx.msk $0xffff, v10  }
0x58: {  	v11 =	vor.u32 v0, v12;
	v10 =	vld [tilespmem:s0+$0xFFFFFE80]  }
0x59: {  	s2 =	sadd.s32 $0xFFFFFFFB, s1  }
0x5a: {  	v12 =	vmov s2  }
0x5b: {  	v12 =	vand.u32 $0x7A, v12  }
0x5c: {  	v12 =	vbroadcast v12, $0x0  }
0x5d: {  	[tilespmem:v11+s28+$0x0] =	vst.idx.msk $0xffff, v10  }
0x5e: {  	v11 =	vor.u32 v0, v12;
	v10 =	vld [tilespmem:s0+$0xFFFFFF00]  }
0x5f: {  	s2 =	sadd.s32 $0xFFFFFFFC, s1  }
0x60: {  	v12 =	vmov s2  }
0x61: {  	v12 =	vand.u32 $0x7B, v12  }
0x62: {  	v12 =	vbroadcast v12, $0x0  }
0x63: {  	[tilespmem:v11+s28+$0x0] =	vst.idx.msk $0xffff, v10  }
0x64: {  	v11 =	vor.u32 v0, v12;
	v10 =	vld [tilespmem:s0+$0xFFFFFF80]  }
0x65: {  	s2 =	sadd.s32 $0xFFFFFFFD, s1  }
0x66: {  	v12 =	vmov s2  }
0x67: {  	v12 =	vand.u32 $0x7C, v12  }
0x68: {  	v12 =	vbroadcast v12, $0x0  }
0x69: {  	[tilespmem:v11+s28+$0x0] =	vst.idx.msk $0xffff, v10  }
0x6a: {  	v11 =	vor.u32 v0, v12;
	v10 =	vld [tilespmem:s0+$0x0]  }
0x6b: {  	s2 =	sadd.s32 $0xFFFFFFFE, s1  }
0x6c: {  	v12 =	vmov s2  }
0x6d: {  	v12 =	vand.u32 $0x7D, v12  }
0x6e: {  	v12 =	vbroadcast v12, $0x0  }
0x6f: {  	[tilespmem:v11+s28+$0x0] =	vst.idx.msk $0xffff, v10  }
0x70: {  	v11 =	vor.u32 v0, v12;
	v10 =	vld [tilespmem:s0+$0x80]  }
0x71: {  	s2 =	sadd.s32 $0xFFFFFFFF, s1  }
0x72: {  	v12 =	vmov s2  }
0x73: {  	v12 =	vand.u32 $0x7E, v12  }
0x74: {  	v12 =	vbroadcast v12, $0x0  }
0x75: {  	[tilespmem:v11+s28+$0x0] =	vst.idx.msk $0xffff, v10  }
0x76: {  	v11 =	vor.u32 v0, v12;
	v10 =	vld [tilespmem:s0+$0x100];
	_ =	sdelay $0x2  }
.Ltmp0:
0x77: {  	(pc) =	sbr.rel @p0 .LBB2_2-.Ltmp0, $4  }
0x78: {  	_ = 	snop  }
0x79: {  	[tilespmem:v11+s28+$0x0] =	vst.idx.msk $0xffff, v10  }
0x7a: {  	v11 =	vor.u32 s1, v0;
	s1 =	smov.u32 s29;
	v10 =	vld [tilespmem:s0+$0x180]  }
0x7b: {  	s29 =	sadd.s32 $0x8, s29;
	s2 =	sadd.s32 $0xFFFFFFF9, s1  }
0x7c: {  	_ = 	snop  }
0x7d: {  	v12 =	vmov s2  }
0x7e: {  	v12 =	vand.u32 $0x78, v12  }
0x7f: {  	v12 =	vbroadcast v12, $0x0  }
0x80: {  	s0 =	sadd.s32 $0x400, s0;
	[tilespmem:v11+s28+$0x0] =	vst.idx.msk $0xffff, v10  }
0x81: {  	v10 =	vld [tilespmem:s0+$0xFFFFFE00];
	v11 =	vor.u32 v0, v12  }
0x82: {  	s2 =	sadd.s32 $0xFFFFFFFA, s1  }
0x83: {  	v12 =	vmov s2  }
0x84: {  	v12 =	vand.u32 $0x79, v12  }
0x85: {  	v12 =	vbroadcast v12, $0x0  }
0x86: {  	[tilespmem:v11+s28+$0x0] =	vst.idx.msk $0xffff, v10  }
0x87: {  	v11 =	vor.u32 v0, v12;
	v10 =	vld [tilespmem:s0+$0xFFFFFE80]  }
0x88: {  	s2 =	sadd.s32 $0xFFFFFFFB, s1  }
0x89: {  	v12 =	vmov s2  }
0x8a: {  	v12 =	vand.u32 $0x7A, v12  }
0x8b: {  	v12 =	vbroadcast v12, $0x0  }
0x8c: {  	[tilespmem:v11+s28+$0x0] =	vst.idx.msk $0xffff, v10  }
0x8d: {  	v11 =	vor.u32 v0, v12;
	v10 =	vld [tilespmem:s0+$0xFFFFFF00]  }
0x8e: {  	s2 =	sadd.s32 $0xFFFFFFFC, s1  }
0x8f: {  	v12 =	vmov s2  }
0x90: {  	v12 =	vand.u32 $0x7B, v12  }
0x91: {  	v12 =	vbroadcast v12, $0x0  }
0x92: {  	[tilespmem:v11+s28+$0x0] =	vst.idx.msk $0xffff, v10  }
0x93: {  	v11 =	vor.u32 v0, v12;
	v10 =	vld [tilespmem:s0+$0xFFFFFF80]  }
0x94: {  	s2 =	sadd.s32 $0xFFFFFFFD, s1  }
0x95: {  	v12 =	vmov s2  }
0x96: {  	v12 =	vand.u32 $0x7C, v12  }
0x97: {  	v12 =	vbroadcast v12, $0x0  }
0x98: {  	[tilespmem:v11+s28+$0x0] =	vst.idx.msk $0xffff, v10  }
0x99: {  	v11 =	vor.u32 v0, v12;
	v10 =	vld [tilespmem:s0+$0x0]  }
0x9a: {  	s2 =	sadd.s32 $0xFFFFFFFE, s1  }
0x9b: {  	v12 =	vmov s2  }
0x9c: {  	v12 =	vand.u32 $0x7D, v12  }
0x9d: {  	v12 =	vbroadcast v12, $0x0  }
0x9e: {  	[tilespmem:v11+s28+$0x0] =	vst.idx.msk $0xffff, v10  }
0x9f: {  	v11 =	vor.u32 v0, v12;
	v10 =	vld [tilespmem:s0+$0x80]  }
0xa0: {  	s2 =	sadd.s32 $0xFFFFFFFF, s1  }
0xa1: {  	v12 =	vmov s2  }
0xa2: {  	v12 =	vand.u32 $0x7E, v12  }
0xa3: {  	v12 =	vbroadcast v12, $0x0  }
0xa4: {  	[tilespmem:v11+s28+$0x0] =	vst.idx.msk $0xffff, v10  }
0xa5: {  	v11 =	vor.u32 v0, v12;
	v10 =	vld [tilespmem:s0+$0x100];
	_ =	sdelay $0x4  }
0xa6: {  	[tilespmem:v11+s28+$0x0] =	vst.idx.msk $0xffff, v10  }
0xa7: {  	v11 =	vor.u32 s1, v0;
	v10 =	vld [tilespmem:s0+$0x180];
	_ =	sdelay $0x4  }
0xa8: {  	s2 =	simm.s32 $0x100;
	s0 =	simm.s32 $0x0;
	[tilespmem:v11+s28+$0x0] =	vst.idx.msk $0xffff, v10  }
0xa9: {  	v10 =	vmov s0;
	[tilespmem:s24], [sflag:$0x1] =	stream.indirect.gather [hbm4b:s3+s23], $0x80, s2, s23, $0xb8;
	[tilespmem:$0xD800] =	vst v63  }
0xaa: {  	v10 =	vand.u32 $0x78, v10;
	_ =	swait.ge [sflag:s26], $0x4000  }
0xab: {  	v10 =	vbroadcast v10, $0x0;
	[sflag:s26] =	ssyncset.done $0x0  }
0xac: {  	s1 =	simm.s32 $0x4B80;
	[sflag:s26] =	ssyncadd.s32 $0xFFFFC000  }
0xad: {  	v10 =	vor.u32 v1, v10;
	v11 =	vld [tilespmem:s1+$0xFFFFFC80]  }
0xae: {  	s2 =	simm.s32 $0x81  }
0xaf: {  	v12 =	vmov s2  }
0xb0: {  	v12 =	vand.u32 $0x79, v12  }
0xb1: {  	v12 =	vbroadcast v12, $0x0  }
0xb2: {  	[tilespmem:v10+s28+$0x0] =	vst.idx.msk $0xffff, v11  }
0xb3: {  	v11 =	vor.u32 v1, v12;
	v10 =	vld [tilespmem:s1+$0xFFFFFD00]  }
0xb4: {  	s2 =	simm.s32 $0x82  }
0xb5: {  	v12 =	vmov s2  }
0xb6: {  	v12 =	vand.u32 $0x7A, v12  }
0xb7: {  	v12 =	vbroadcast v12, $0x0  }
0xb8: {  	[tilespmem:v11+s28+$0x0] =	vst.idx.msk $0xffff, v10  }
0xb9: {  	v11 =	vor.u32 v1, v12;
	v10 =	vld [tilespmem:s1+$0xFFFFFD80]  }
0xba: {  	s2 =	simm.s32 $0x83  }
0xbb: {  	v12 =	vmov s2  }
0xbc: {  	v12 =	vand.u32 $0x7B, v12  }
0xbd: {  	v12 =	vbroadcast v12, $0x0  }
0xbe: {  	[tilespmem:v11+s28+$0x0] =	vst.idx.msk $0xffff, v10  }
0xbf: {  	v11 =	vor.u32 v1, v12;
	v10 =	vld [tilespmem:s1+$0xFFFFFE00]  }
0xc0: {  	s2 =	simm.s32 $0x84  }
0xc1: {  	v12 =	vmov s2  }
0xc2: {  	v12 =	vand.u32 $0x7C, v12  }
0xc3: {  	v12 =	vbroadcast v12, $0x0  }
0xc4: {  	[tilespmem:v11+s28+$0x0] =	vst.idx.msk $0xffff, v10  }
0xc5: {  	v11 =	vor.u32 v1, v12;
	v10 =	vld [tilespmem:s1+$0xFFFFFE80]  }
0xc6: {  	s2 =	simm.s32 $0x85  }
0xc7: {  	v12 =	vmov s2  }
0xc8: {  	v12 =	vand.u32 $0x7D, v12  }
0xc9: {  	v12 =	vbroadcast v12, $0x0  }
0xca: {  	[tilespmem:v11+s28+$0x0] =	vst.idx.msk $0xffff, v10  }
0xcb: {  	v11 =	vor.u32 v1, v12;
	v10 =	vld [tilespmem:s1+$0xFFFFFF00]  }
0xcc: {  	s2 =	simm.s32 $0x86  }
0xcd: {  	v12 =	vmov s2  }
0xce: {  	v12 =	vand.u32 $0x7E, v12  }
0xcf: {  	v12 =	vbroadcast v12, $0x0  }
0xd0: {  	[tilespmem:v11+s28+$0x0] =	vst.idx.msk $0xffff, v10  }
0xd1: {  	v11 =	vor.u32 v1, v12;
	v10 =	vld [tilespmem:s1+$0xFFFFFF80];
	_ =	sdelay $0x4  }
0xd2: {  	s2 =	simm.s32 $0x87;
	[tilespmem:v11+s28+$0x0] =	vst.idx.msk $0xffff, v10  }
0xd3: {  	v11 =	vor.u32 s2, v0;
	v10 =	vld [tilespmem:s1+$0x0]  }
0xd4: {  	s0 =	simm.s32 $0x8  }
0xd5: {  	s29 =	simm.s32 $0x10;
	v12 =	vmov s0  }
.LBB2_4:
0xd6: {  	p0 =	sne.s32 s29, $0x78;
	v12 =	vand.u32 $0x78, v12  }
0xd7: {  	v12 =	vbroadcast v12, $0x0  }
0xd8: {  	s1 =	sadd.s32 $0x400, s1;
	[tilespmem:v11+s28+$0x0] =	vst.idx.msk $0xffff, v10  }
0xd9: {  	v10 =	vld [tilespmem:s1+$0xFFFFFC80];
	v11 =	vor.u32 v1, v12  }
0xda: {  	s2 =	sadd.s32 $0x81, s0  }
0xdb: {  	v12 =	vmov s2  }
0xdc: {  	v12 =	vand.u32 $0x79, v12  }
0xdd: {  	v12 =	vbroadcast v12, $0x0  }
0xde: {  	[tilespmem:v11+s28+$0x0] =	vst.idx.msk $0xffff, v10  }
0xdf: {  	v11 =	vor.u32 v1, v12;
	v10 =	vld [tilespmem:s1+$0xFFFFFD00]  }
0xe0: {  	s2 =	sadd.s32 $0x82, s0  }
0xe1: {  	v12 =	vmov s2  }
0xe2: {  	v12 =	vand.u32 $0x7A, v12  }
0xe3: {  	v12 =	vbroadcast v12, $0x0  }
0xe4: {  	[tilespmem:v11+s28+$0x0] =	vst.idx.msk $0xffff, v10  }
0xe5: {  	v11 =	vor.u32 v1, v12;
	v10 =	vld [tilespmem:s1+$0xFFFFFD80]  }
0xe6: {  	s2 =	sadd.s32 $0x83, s0  }
0xe7: {  	v12 =	vmov s2  }
0xe8: {  	v12 =	vand.u32 $0x7B, v12  }
0xe9: {  	v12 =	vbroadcast v12, $0x0  }
0xea: {  	[tilespmem:v11+s28+$0x0] =	vst.idx.msk $0xffff, v10  }
0xeb: {  	v11 =	vor.u32 v1, v12;
	v10 =	vld [tilespmem:s1+$0xFFFFFE00]  }
0xec: {  	s2 =	sadd.s32 $0x84, s0  }
0xed: {  	v12 =	vmov s2  }
0xee: {  	v12 =	vand.u32 $0x7C, v12  }
0xef: {  	v12 =	vbroadcast v12, $0x0  }
0xf0: {  	[tilespmem:v11+s28+$0x0] =	vst.idx.msk $0xffff, v10  }
0xf1: {  	v11 =	vor.u32 v1, v12;
	v10 =	vld [tilespmem:s1+$0xFFFFFE80]  }
0xf2: {  	s2 =	sadd.s32 $0x85, s0  }
0xf3: {  	v12 =	vmov s2  }
0xf4: {  	v12 =	vand.u32 $0x7D, v12  }
0xf5: {  	v12 =	vbroadcast v12, $0x0  }
0xf6: {  	[tilespmem:v11+s28+$0x0] =	vst.idx.msk $0xffff, v10  }
0xf7: {  	v11 =	vor.u32 v1, v12;
	v10 =	vld [tilespmem:s1+$0xFFFFFF00]  }
0xf8: {  	s2 =	sadd.s32 $0x86, s0  }
0xf9: {  	v12 =	vmov s2  }
0xfa: {  	v12 =	vand.u32 $0x7E, v12  }
0xfb: {  	v12 =	vbroadcast v12, $0x0  }
0xfc: {  	[tilespmem:v11+s28+$0x0] =	vst.idx.msk $0xffff, v10  }
0xfd: {  	v11 =	vor.u32 v1, v12;
	v10 =	vld [tilespmem:s1+$0xFFFFFF80];
	_ =	sdelay $0x3  }
.Ltmp1:
0xfe: {  	(pc) =	sbr.rel @p0 .LBB2_4-.Ltmp1, $3  }
0xff: {  	s2 =	sadd.s32 $0x87, s0;
	s0 =	smov.u32 s29;
	[tilespmem:v11+s28+$0x0] =	vst.idx.msk $0xffff, v10  }
0x100: {  	v11 =	vor.u32 s2, v0;
	v10 =	vld [tilespmem:s1+$0x0];
	_ =	sdelay $0x1  }
0x101: {  	s29 =	sadd.s32 $0x8, s29;
	v12 =	vmov s0  }
0x102: {  	_ =	sdelay $0x1  }
0x103: {  	v12 =	vand.u32 $0x78, v12  }
0x104: {  	v12 =	vbroadcast v12, $0x0  }
0x105: {  	s1 =	sadd.s32 $0x400, s1;
	[tilespmem:v11+s28+$0x0] =	vst.idx.msk $0xffff, v10  }
0x106: {  	v10 =	vld [tilespmem:s1+$0xFFFFFC80];
	v11 =	vor.u32 v1, v12  }
0x107: {  	s2 =	sadd.s32 $0x81, s0  }
0x108: {  	v12 =	vmov s2  }
0x109: {  	v12 =	vand.u32 $0x79, v12  }
0x10a: {  	v12 =	vbroadcast v12, $0x0  }
0x10b: {  	[tilespmem:v11+s28+$0x0] =	vst.idx.msk $0xffff, v10  }
0x10c: {  	v11 =	vor.u32 v1, v12;
	v10 =	vld [tilespmem:s1+$0xFFFFFD00]  }
0x10d: {  	s2 =	sadd.s32 $0x82, s0  }
0x10e: {  	v12 =	vmov s2  }
0x10f: {  	v12 =	vand.u32 $0x7A, v12  }
0x110: {  	v12 =	vbroadcast v12, $0x0  }
0x111: {  	[tilespmem:v11+s28+$0x0] =	vst.idx.msk $0xffff, v10  }
0x112: {  	v11 =	vor.u32 v1, v12;
	v10 =	vld [tilespmem:s1+$0xFFFFFD80]  }
0x113: {  	s2 =	sadd.s32 $0x83, s0  }
0x114: {  	v12 =	vmov s2  }
0x115: {  	v12 =	vand.u32 $0x7B, v12  }
0x116: {  	v12 =	vbroadcast v12, $0x0  }
0x117: {  	[tilespmem:v11+s28+$0x0] =	vst.idx.msk $0xffff, v10  }
0x118: {  	v11 =	vor.u32 v1, v12;
	v10 =	vld [tilespmem:s1+$0xFFFFFE00]  }
0x119: {  	s2 =	sadd.s32 $0x84, s0  }
0x11a: {  	v12 =	vmov s2  }
0x11b: {  	v12 =	vand.u32 $0x7C, v12  }
0x11c: {  	v12 =	vbroadcast v12, $0x0  }
0x11d: {  	[tilespmem:v11+s28+$0x0] =	vst.idx.msk $0xffff, v10  }
0x11e: {  	v11 =	vor.u32 v1, v12;
	v10 =	vld [tilespmem:s1+$0xFFFFFE80]  }
0x11f: {  	s2 =	sadd.s32 $0x85, s0  }
0x120: {  	v12 =	vmov s2  }
0x121: {  	v12 =	vand.u32 $0x7D, v12  }
0x122: {  	v12 =	vbroadcast v12, $0x0  }
0x123: {  	[tilespmem:v11+s28+$0x0] =	vst.idx.msk $0xffff, v10  }
0x124: {  	v11 =	vor.u32 v1, v12;
	v10 =	vld [tilespmem:s1+$0xFFFFFF00]  }
0x125: {  	s2 =	sadd.s32 $0x86, s0  }
0x126: {  	v12 =	vmov s2  }
0x127: {  	v12 =	vand.u32 $0x7E, v12  }
0x128: {  	v12 =	vbroadcast v12, $0x0  }
0x129: {  	[tilespmem:v11+s28+$0x0] =	vst.idx.msk $0xffff, v10  }
0x12a: {  	v11 =	vor.u32 v1, v12;
	v10 =	vld [tilespmem:s1+$0xFFFFFF80];
	_ =	sdelay $0x4  }
0x12b: {  	s2 =	sadd.s32 $0x87, s0;
	[tilespmem:v11+s28+$0x0] =	vst.idx.msk $0xffff, v10  }
0x12c: {  	v11 =	vor.u32 s2, v0;
	v10 =	vld [tilespmem:s1+$0x0];
	_ =	sdelay $0x4  }
0x12d: {  	s0 =	simm.s32 $0x0;
	s2 =	simm.s32 $0x180;
	[tilespmem:v11+s28+$0x0] =	vst.idx.msk $0xffff, v10  }
0x12e: {  	v10 =	vmov s0;
	[tilespmem:s25], [sflag:$0x1] =	stream.indirect.gather [hbm4b:s3+s23], $0x80, s2, s23, $0xb8;
	[tilespmem:$0xD800] =	vst v63  }
0x12f: {  	v10 =	vand.u32 $0x78, v10;
	_ =	swait.ge [sflag:s26], $0x4000  }
0x130: {  	v10 =	vbroadcast v10, $0x0;
	[sflag:s26] =	ssyncset.done $0x0  }
0x131: {  	s1 =	simm.s32 $0xA00;
	[sflag:s26] =	ssyncadd.s32 $0xFFFFC000  }
0x132: {  	v10 =	vor.u32 v2, v10;
	v11 =	vld [tilespmem:s1+$0xFFFFFE00]  }
0x133: {  	s2 =	simm.s32 $0x101  }
0x134: {  	v12 =	vmov s2  }
0x135: {  	v12 =	vand.u32 $0x79, v12  }
0x136: {  	v12 =	vbroadcast v12, $0x0  }
0x137: {  	[tilespmem:v10+s28+$0x0] =	vst.idx.msk $0xffff, v11  }
0x138: {  	v11 =	vor.u32 v2, v12;
	v10 =	vld [tilespmem:s1+$0xFFFFFE80]  }
0x139: {  	s2 =	simm.s32 $0x102  }
0x13a: {  	v12 =	vmov s2  }
0x13b: {  	v12 =	vand.u32 $0x7A, v12  }
0x13c: {  	v12 =	vbroadcast v12, $0x0  }
0x13d: {  	[tilespmem:v11+s28+$0x0] =	vst.idx.msk $0xffff, v10  }
0x13e: {  	v11 =	vor.u32 v2, v12;
	v10 =	vld [tilespmem:s1+$0xFFFFFF00]  }
0x13f: {  	s2 =	simm.s32 $0x103  }
0x140: {  	v12 =	vmov s2  }
0x141: {  	v12 =	vand.u32 $0x7B, v12  }
0x142: {  	v12 =	vbroadcast v12, $0x0  }
0x143: {  	[tilespmem:v11+s28+$0x0] =	vst.idx.msk $0xffff, v10  }
0x144: {  	v11 =	vor.u32 v2, v12;
	v10 =	vld [tilespmem:s1+$0xFFFFFF80]  }
0x145: {  	s2 =	simm.s32 $0x104  }
0x146: {  	v12 =	vmov s2  }
0x147: {  	v12 =	vand.u32 $0x7C, v12  }
0x148: {  	v12 =	vbroadcast v12, $0x0  }
0x149: {  	[tilespmem:v11+s28+$0x0] =	vst.idx.msk $0xffff, v10  }
0x14a: {  	v11 =	vor.u32 v2, v12;
	v10 =	vld [tilespmem:s1+$0x0]  }
0x14b: {  	s2 =	simm.s32 $0x105  }
0x14c: {  	v12 =	vmov s2  }
0x14d: {  	v12 =	vand.u32 $0x7D, v12  }
0x14e: {  	v12 =	vbroadcast v12, $0x0  }
0x14f: {  	[tilespmem:v11+s28+$0x0] =	vst.idx.msk $0xffff, v10  }
0x150: {  	v11 =	vor.u32 v2, v12;
	v10 =	vld [tilespmem:s1+$0x80]  }
0x151: {  	s2 =	simm.s32 $0x106  }
0x152: {  	v12 =	vmov s2  }
0x153: {  	v12 =	vand.u32 $0x7E, v12  }
0x154: {  	v12 =	vbroadcast v12, $0x0  }
0x155: {  	[tilespmem:v11+s28+$0x0] =	vst.idx.msk $0xffff, v10  }
0x156: {  	v11 =	vor.u32 v2, v12;
	v10 =	vld [tilespmem:s1+$0x100];
	_ =	sdelay $0x4  }
0x157: {  	s2 =	simm.s32 $0x107;
	[tilespmem:v11+s28+$0x0] =	vst.idx.msk $0xffff, v10  }
0x158: {  	v11 =	vadd.s32 s2, v0;
	v10 =	vld [tilespmem:s1+$0x180]  }
0x159: {  	s0 =	simm.s32 $0x8  }
0x15a: {  	s29 =	simm.s32 $0x10;
	v12 =	vmov s0  }
.LBB2_6:
0x15b: {  	p0 =	sne.s32 s29, $0x78;
	v12 =	vand.u32 $0x78, v12  }
0x15c: {  	v12 =	vbroadcast v12, $0x0  }
0x15d: {  	s1 =	sadd.s32 $0x400, s1;
	[tilespmem:v11+s28+$0x0] =	vst.idx.msk $0xffff, v10  }
0x15e: {  	v10 =	vld [tilespmem:s1+$0xFFFFFE00];
	v11 =	vor.u32 v2, v12  }
0x15f: {  	s2 =	sadd.s32 $0x101, s0  }
0x160: {  	v12 =	vmov s2  }
0x161: {  	v12 =	vand.u32 $0x79, v12  }
0x162: {  	v12 =	vbroadcast v12, $0x0  }
0x163: {  	[tilespmem:v11+s28+$0x0] =	vst.idx.msk $0xffff, v10  }
0x164: {  	v11 =	vor.u32 v2, v12;
	v10 =	vld [tilespmem:s1+$0xFFFFFE80]  }
0x165: {  	s2 =	sadd.s32 $0x102, s0  }
0x166: {  	v12 =	vmov s2  }
0x167: {  	v12 =	vand.u32 $0x7A, v12  }
0x168: {  	v12 =	vbroadcast v12, $0x0  }
0x169: {  	[tilespmem:v11+s28+$0x0] =	vst.idx.msk $0xffff, v10  }
0x16a: {  	v11 =	vor.u32 v2, v12;
	v10 =	vld [tilespmem:s1+$0xFFFFFF00]  }
0x16b: {  	s2 =	sadd.s32 $0x103, s0  }
0x16c: {  	v12 =	vmov s2  }
0x16d: {  	v12 =	vand.u32 $0x7B, v12  }
0x16e: {  	v12 =	vbroadcast v12, $0x0  }
0x16f: {  	[tilespmem:v11+s28+$0x0] =	vst.idx.msk $0xffff, v10  }
0x170: {  	v11 =	vor.u32 v2, v12;
	v10 =	vld [tilespmem:s1+$0xFFFFFF80]  }
0x171: {  	s2 =	sadd.s32 $0x104, s0  }
0x172: {  	v12 =	vmov s2  }
0x173: {  	v12 =	vand.u32 $0x7C, v12  }
0x174: {  	v12 =	vbroadcast v12, $0x0  }
0x175: {  	[tilespmem:v11+s28+$0x0] =	vst.idx.msk $0xffff, v10  }
0x176: {  	v11 =	vor.u32 v2, v12;
	v10 =	vld [tilespmem:s1+$0x0]  }
0x177: {  	s2 =	sadd.s32 $0x105, s0  }
0x178: {  	v12 =	vmov s2  }
0x179: {  	v12 =	vand.u32 $0x7D, v12  }
0x17a: {  	v12 =	vbroadcast v12, $0x0  }
0x17b: {  	[tilespmem:v11+s28+$0x0] =	vst.idx.msk $0xffff, v10  }
0x17c: {  	v11 =	vor.u32 v2, v12;
	v10 =	vld [tilespmem:s1+$0x80]  }
0x17d: {  	s2 =	sadd.s32 $0x106, s0  }
0x17e: {  	v12 =	vmov s2  }
0x17f: {  	v12 =	vand.u32 $0x7E, v12  }
0x180: {  	v12 =	vbroadcast v12, $0x0  }
0x181: {  	[tilespmem:v11+s28+$0x0] =	vst.idx.msk $0xffff, v10  }
0x182: {  	v11 =	vor.u32 v2, v12;
	v10 =	vld [tilespmem:s1+$0x100];
	_ =	sdelay $0x3  }
.Ltmp2:
0x183: {  	(pc) =	sbr.rel @p0 .LBB2_6-.Ltmp2, $3  }
0x184: {  	s2 =	sadd.s32 $0x107, s0;
	s0 =	smov.u32 s29;
	[tilespmem:v11+s28+$0x0] =	vst.idx.msk $0xffff, v10  }
0x185: {  	v11 =	vadd.s32 s2, v0;
	v10 =	vld [tilespmem:s1+$0x180];
	_ =	sdelay $0x1  }
0x186: {  	s29 =	sadd.s32 $0x8, s29;
	v12 =	vmov s0  }
0x187: {  	_ =	sdelay $0x1  }
0x188: {  	v12 =	vand.u32 $0x78, v12  }
0x189: {  	v12 =	vbroadcast v12, $0x0  }
0x18a: {  	s1 =	sadd.s32 $0x400, s1;
	[tilespmem:v11+s28+$0x0] =	vst.idx.msk $0xffff, v10  }
0x18b: {  	v10 =	vld [tilespmem:s1+$0xFFFFFE00];
	v11 =	vor.u32 v2, v12  }
0x18c: {  	s2 =	sadd.s32 $0x101, s0  }
0x18d: {  	v12 =	vmov s2  }
0x18e: {  	v12 =	vand.u32 $0x79, v12  }
0x18f: {  	v12 =	vbroadcast v12, $0x0  }
0x190: {  	[tilespmem:v11+s28+$0x0] =	vst.idx.msk $0xffff, v10  }
0x191: {  	v11 =	vor.u32 v2, v12;
	v10 =	vld [tilespmem:s1+$0xFFFFFE80]  }
0x192: {  	s2 =	sadd.s32 $0x102, s0  }
0x193: {  	v12 =	vmov s2  }
0x194: {  	v12 =	vand.u32 $0x7A, v12  }
0x195: {  	v12 =	vbroadcast v12, $0x0  }
0x196: {  	[tilespmem:v11+s28+$0x0] =	vst.idx.msk $0xffff, v10  }
0x197: {  	v11 =	vor.u32 v2, v12;
	v10 =	vld [tilespmem:s1+$0xFFFFFF00]  }
0x198: {  	s2 =	sadd.s32 $0x103, s0  }
0x199: {  	v12 =	vmov s2  }
0x19a: {  	v12 =	vand.u32 $0x7B, v12  }
0x19b: {  	v12 =	vbroadcast v12, $0x0  }
0x19c: {  	[tilespmem:v11+s28+$0x0] =	vst.idx.msk $0xffff, v10  }
0x19d: {  	v11 =	vor.u32 v2, v12;
	v10 =	vld [tilespmem:s1+$0xFFFFFF80]  }
0x19e: {  	s2 =	sadd.s32 $0x104, s0  }
0x19f: {  	v12 =	vmov s2  }
0x1a0: {  	v12 =	vand.u32 $0x7C, v12  }
0x1a1: {  	v12 =	vbroadcast v12, $0x0  }
0x1a2: {  	[tilespmem:v11+s28+$0x0] =	vst.idx.msk $0xffff, v10  }
0x1a3: {  	v11 =	vor.u32 v2, v12;
	v10 =	vld [tilespmem:s1+$0x0]  }
0x1a4: {  	s2 =	sadd.s32 $0x105, s0  }
0x1a5: {  	v12 =	vmov s2  }
0x1a6: {  	v12 =	vand.u32 $0x7D, v12  }
0x1a7: {  	v12 =	vbroadcast v12, $0x0  }
0x1a8: {  	[tilespmem:v11+s28+$0x0] =	vst.idx.msk $0xffff, v10  }
0x1a9: {  	v11 =	vor.u32 v2, v12;
	v10 =	vld [tilespmem:s1+$0x80]  }
0x1aa: {  	s2 =	sadd.s32 $0x106, s0  }
0x1ab: {  	v12 =	vmov s2  }
0x1ac: {  	v12 =	vand.u32 $0x7E, v12  }
0x1ad: {  	v12 =	vbroadcast v12, $0x0  }
0x1ae: {  	[tilespmem:v11+s28+$0x0] =	vst.idx.msk $0xffff, v10  }
0x1af: {  	v11 =	vor.u32 v2, v12;
	v10 =	vld [tilespmem:s1+$0x100];
	_ =	sdelay $0x4  }
0x1b0: {  	s2 =	sadd.s32 $0x107, s0;
	[tilespmem:v11+s28+$0x0] =	vst.idx.msk $0xffff, v10  }
0x1b1: {  	v11 =	vadd.s32 s2, v0;
	v10 =	vld [tilespmem:s1+$0x180];
	_ =	sdelay $0x4  }
0x1b2: {  	s0 =	simm.s32 $0x0;
	s2 =	simm.s32 $0x200;
	[tilespmem:v11+s28+$0x0] =	vst.idx.msk $0xffff, v10  }
0x1b3: {  	v10 =	vmov s0;
	[tilespmem:s24], [sflag:$0x1] =	stream.indirect.gather [hbm4b:s3+s23], $0x80, s2, s23, $0xb8;
	[tilespmem:$0xD800] =	vst v63  }
0x1b4: {  	v10 =	vand.u32 $0x78, v10;
	_ =	swait.ge [sflag:s26], $0x4000  }
0x1b5: {  	v10 =	vbroadcast v10, $0x0;
	[sflag:s26] =	ssyncset.done $0x0  }
0x1b6: {  	s1 =	simm.s32 $0x4B80;
	[sflag:s26] =	ssyncadd.s32 $0xFFFFC000  }
0x1b7: {  	v10 =	vor.u32 v3, v10;
	v11 =	vld [tilespmem:s1+$0xFFFFFC80]  }
0x1b8: {  	s2 =	simm.s32 $0x181  }
0x1b9: {  	v12 =	vmov s2  }
0x1ba: {  	v12 =	vand.u32 $0x79, v12  }
0x1bb: {  	v12 =	vbroadcast v12, $0x0  }
0x1bc: {  	[tilespmem:v10+s28+$0x0] =	vst.idx.msk $0xffff, v11  }
0x1bd: {  	v11 =	vor.u32 v3, v12;
	v10 =	vld [tilespmem:s1+$0xFFFFFD00]  }
0x1be: {  	s2 =	simm.s32 $0x182  }
0x1bf: {  	v12 =	vmov s2  }
0x1c0: {  	v12 =	vand.u32 $0x7A, v12  }
0x1c1: {  	v12 =	vbroadcast v12, $0x0  }
0x1c2: {  	[tilespmem:v11+s28+$0x0] =	vst.idx.msk $0xffff, v10  }
0x1c3: {  	v11 =	vor.u32 v3, v12;
	v10 =	vld [tilespmem:s1+$0xFFFFFD80]  }
0x1c4: {  	s2 =	simm.s32 $0x183  }
0x1c5: {  	v12 =	vmov s2  }
0x1c6: {  	v12 =	vand.u32 $0x7B, v12  }
0x1c7: {  	v12 =	vbroadcast v12, $0x0  }
0x1c8: {  	[tilespmem:v11+s28+$0x0] =	vst.idx.msk $0xffff, v10  }
0x1c9: {  	v11 =	vor.u32 v3, v12;
	v10 =	vld [tilespmem:s1+$0xFFFFFE00]  }
0x1ca: {  	s2 =	simm.s32 $0x184  }
0x1cb: {  	v12 =	vmov s2  }
0x1cc: {  	v12 =	vand.u32 $0x7C, v12  }
0x1cd: {  	v12 =	vbroadcast v12, $0x0  }
0x1ce: {  	[tilespmem:v11+s28+$0x0] =	vst.idx.msk $0xffff, v10  }
0x1cf: {  	v11 =	vor.u32 v3, v12;
	v10 =	vld [tilespmem:s1+$0xFFFFFE80]  }
0x1d0: {  	s2 =	simm.s32 $0x185  }
0x1d1: {  	v12 =	vmov s2  }
0x1d2: {  	v12 =	vand.u32 $0x7D, v12  }
0x1d3: {  	v12 =	vbroadcast v12, $0x0  }
0x1d4: {  	[tilespmem:v11+s28+$0x0] =	vst.idx.msk $0xffff, v10  }
0x1d5: {  	v11 =	vor.u32 v3, v12;
	v10 =	vld [tilespmem:s1+$0xFFFFFF00]  }
0x1d6: {  	s2 =	simm.s32 $0x186  }
0x1d7: {  	v12 =	vmov s2  }
0x1d8: {  	v12 =	vand.u32 $0x7E, v12  }
0x1d9: {  	v12 =	vbroadcast v12, $0x0  }
0x1da: {  	[tilespmem:v11+s28+$0x0] =	vst.idx.msk $0xffff, v10  }
0x1db: {  	v11 =	vor.u32 v3, v12;
	v10 =	vld [tilespmem:s1+$0xFFFFFF80];
	_ =	sdelay $0x4  }
0x1dc: {  	s2 =	simm.s32 $0x187;
	[tilespmem:v11+s28+$0x0] =	vst.idx.msk $0xffff, v10  }
0x1dd: {  	v11 =	vadd.s32 s2, v0;
	v10 =	vld [tilespmem:s1+$0x0]  }
0x1de: {  	s0 =	simm.s32 $0x8  }
0x1df: {  	s29 =	simm.s32 $0x10;
	v12 =	vmov s0  }
.LBB2_8:
0x1e0: {  	p0 =	sne.s32 s29, $0x78;
	v12 =	vand.u32 $0x78, v12  }
0x1e1: {  	v12 =	vbroadcast v12, $0x0  }
0x1e2: {  	s1 =	sadd.s32 $0x400, s1;
	[tilespmem:v11+s28+$0x0] =	vst.idx.msk $0xffff, v10  }
0x1e3: {  	v10 =	vld [tilespmem:s1+$0xFFFFFC80];
	v11 =	vor.u32 v3, v12  }
0x1e4: {  	s2 =	sadd.s32 $0x181, s0  }
0x1e5: {  	v12 =	vmov s2  }
0x1e6: {  	v12 =	vand.u32 $0x79, v12  }
0x1e7: {  	v12 =	vbroadcast v12, $0x0  }
0x1e8: {  	[tilespmem:v11+s28+$0x0] =	vst.idx.msk $0xffff, v10  }
0x1e9: {  	v11 =	vor.u32 v3, v12;
	v10 =	vld [tilespmem:s1+$0xFFFFFD00]  }
0x1ea: {  	s2 =	sadd.s32 $0x182, s0  }
0x1eb: {  	v12 =	vmov s2  }
0x1ec: {  	v12 =	vand.u32 $0x7A, v12  }
0x1ed: {  	v12 =	vbroadcast v12, $0x0  }
0x1ee: {  	[tilespmem:v11+s28+$0x0] =	vst.idx.msk $0xffff, v10  }
0x1ef: {  	v11 =	vor.u32 v3, v12;
	v10 =	vld [tilespmem:s1+$0xFFFFFD80]  }
0x1f0: {  	s2 =	sadd.s32 $0x183, s0  }
0x1f1: {  	v12 =	vmov s2  }
0x1f2: {  	v12 =	vand.u32 $0x7B, v12  }
0x1f3: {  	v12 =	vbroadcast v12, $0x0  }
0x1f4: {  	[tilespmem:v11+s28+$0x0] =	vst.idx.msk $0xffff, v10  }
0x1f5: {  	v11 =	vor.u32 v3, v12;
	v10 =	vld [tilespmem:s1+$0xFFFFFE00]  }
0x1f6: {  	s2 =	sadd.s32 $0x184, s0  }
0x1f7: {  	v12 =	vmov s2  }
0x1f8: {  	v12 =	vand.u32 $0x7C, v12  }
0x1f9: {  	v12 =	vbroadcast v12, $0x0  }
0x1fa: {  	[tilespmem:v11+s28+$0x0] =	vst.idx.msk $0xffff, v10  }
0x1fb: {  	v11 =	vor.u32 v3, v12;
	v10 =	vld [tilespmem:s1+$0xFFFFFE80]  }
0x1fc: {  	s2 =	sadd.s32 $0x185, s0  }
0x1fd: {  	v12 =	vmov s2  }
0x1fe: {  	v12 =	vand.u32 $0x7D, v12  }
0x1ff: {  	v12 =	vbroadcast v12, $0x0  }
0x200: {  	[tilespmem:v11+s28+$0x0] =	vst.idx.msk $0xffff, v10  }
0x201: {  	v11 =	vor.u32 v3, v12;
	v10 =	vld [tilespmem:s1+$0xFFFFFF00]  }
0x202: {  	s2 =	sadd.s32 $0x186, s0  }
0x203: {  	v12 =	vmov s2  }
0x204: {  	v12 =	vand.u32 $0x7E, v12  }
0x205: {  	v12 =	vbroadcast v12, $0x0  }
0x206: {  	[tilespmem:v11+s28+$0x0] =	vst.idx.msk $0xffff, v10  }
0x207: {  	v11 =	vor.u32 v3, v12;
	v10 =	vld [tilespmem:s1+$0xFFFFFF80];
	_ =	sdelay $0x3  }
.Ltmp3:
0x208: {  	(pc) =	sbr.rel @p0 .LBB2_8-.Ltmp3, $3  }
0x209: {  	s2 =	sadd.s32 $0x187, s0;
	s0 =	smov.u32 s29;
	[tilespmem:v11+s28+$0x0] =	vst.idx.msk $0xffff, v10  }
0x20a: {  	v11 =	vadd.s32 s2, v0;
	v10 =	vld [tilespmem:s1+$0x0];
	_ =	sdelay $0x1  }
0x20b: {  	s29 =	sadd.s32 $0x8, s29;
	v12 =	vmov s0  }
0x20c: {  	_ =	sdelay $0x1  }
0x20d: {  	v12 =	vand.u32 $0x78, v12  }
0x20e: {  	v12 =	vbroadcast v12, $0x0  }
0x20f: {  	s1 =	sadd.s32 $0x400, s1;
	[tilespmem:v11+s28+$0x0] =	vst.idx.msk $0xffff, v10  }
0x210: {  	v10 =	vld [tilespmem:s1+$0xFFFFFC80];
	v11 =	vor.u32 v3, v12  }
0x211: {  	s2 =	sadd.s32 $0x181, s0  }
0x212: {  	v12 =	vmov s2  }
0x213: {  	v12 =	vand.u32 $0x79, v12  }
0x214: {  	v12 =	vbroadcast v12, $0x0  }
0x215: {  	[tilespmem:v11+s28+$0x0] =	vst.idx.msk $0xffff, v10  }
0x216: {  	v11 =	vor.u32 v3, v12;
	v10 =	vld [tilespmem:s1+$0xFFFFFD00]  }
0x217: {  	s2 =	sadd.s32 $0x182, s0  }
0x218: {  	v12 =	vmov s2  }
0x219: {  	v12 =	vand.u32 $0x7A, v12  }
0x21a: {  	v12 =	vbroadcast v12, $0x0  }
0x21b: {  	[tilespmem:v11+s28+$0x0] =	vst.idx.msk $0xffff, v10  }
0x21c: {  	v11 =	vor.u32 v3, v12;
	v10 =	vld [tilespmem:s1+$0xFFFFFD80]  }
0x21d: {  	s2 =	sadd.s32 $0x183, s0  }
0x21e: {  	v12 =	vmov s2  }
0x21f: {  	v12 =	vand.u32 $0x7B, v12  }
0x220: {  	v12 =	vbroadcast v12, $0x0  }
0x221: {  	[tilespmem:v11+s28+$0x0] =	vst.idx.msk $0xffff, v10  }
0x222: {  	v11 =	vor.u32 v3, v12;
	v10 =	vld [tilespmem:s1+$0xFFFFFE00]  }
0x223: {  	s2 =	sadd.s32 $0x184, s0  }
0x224: {  	v12 =	vmov s2  }
0x225: {  	v12 =	vand.u32 $0x7C, v12  }
0x226: {  	v12 =	vbroadcast v12, $0x0  }
0x227: {  	[tilespmem:v11+s28+$0x0] =	vst.idx.msk $0xffff, v10  }
0x228: {  	v11 =	vor.u32 v3, v12;
	v10 =	vld [tilespmem:s1+$0xFFFFFE80]  }
0x229: {  	s2 =	sadd.s32 $0x185, s0  }
0x22a: {  	v12 =	vmov s2  }
0x22b: {  	v12 =	vand.u32 $0x7D, v12  }
0x22c: {  	v12 =	vbroadcast v12, $0x0  }
0x22d: {  	[tilespmem:v11+s28+$0x0] =	vst.idx.msk $0xffff, v10  }
0x22e: {  	v11 =	vor.u32 v3, v12;
	v10 =	vld [tilespmem:s1+$0xFFFFFF00]  }
0x22f: {  	s2 =	sadd.s32 $0x186, s0  }
0x230: {  	v12 =	vmov s2  }
0x231: {  	v12 =	vand.u32 $0x7E, v12  }
0x232: {  	v12 =	vbroadcast v12, $0x0  }
0x233: {  	[tilespmem:v11+s28+$0x0] =	vst.idx.msk $0xffff, v10  }
0x234: {  	v11 =	vor.u32 v3, v12;
	v10 =	vld [tilespmem:s1+$0xFFFFFF80];
	_ =	sdelay $0x4  }
0x235: {  	s2 =	sadd.s32 $0x187, s0;
	[tilespmem:v11+s28+$0x0] =	vst.idx.msk $0xffff, v10  }
0x236: {  	v11 =	vadd.s32 s2, v0;
	v10 =	vld [tilespmem:s1+$0x0];
	_ =	sdelay $0x4  }
0x237: {  	s0 =	simm.s32 $0x0;
	s2 =	simm.s32 $0x280;
	[tilespmem:v11+s28+$0x0] =	vst.idx.msk $0xffff, v10  }
0x238: {  	v10 =	vmov s0;
	[tilespmem:s25], [sflag:$0x1] =	stream.indirect.gather [hbm4b:s3+s23], $0x80, s2, s23, $0xb8;
	[tilespmem:$0xD800] =	vst v63  }
0x239: {  	v10 =	vand.u32 $0x78, v10;
	_ =	swait.ge [sflag:s26], $0x4000  }
0x23a: {  	v10 =	vbroadcast v10, $0x0;
	[sflag:s26] =	ssyncset.done $0x0  }
0x23b: {  	s1 =	simm.s32 $0xA00;
	[sflag:s26] =	ssyncadd.s32 $0xFFFFC000  }
0x23c: {  	v10 =	vor.u32 v4, v10;
	v11 =	vld [tilespmem:s1+$0xFFFFFE00]  }
0x23d: {  	s2 =	simm.s32 $0x201  }
0x23e: {  	v12 =	vmov s2  }
0x23f: {  	v12 =	vand.u32 $0x79, v12  }
0x240: {  	v12 =	vbroadcast v12, $0x0  }
0x241: {  	[tilespmem:v10+s28+$0x0] =	vst.idx.msk $0xffff, v11  }
0x242: {  	v11 =	vor.u32 v4, v12;
	v10 =	vld [tilespmem:s1+$0xFFFFFE80]  }
0x243: {  	s2 =	simm.s32 $0x202  }
0x244: {  	v12 =	vmov s2  }
0x245: {  	v12 =	vand.u32 $0x7A, v12  }
0x246: {  	v12 =	vbroadcast v12, $0x0  }
0x247: {  	[tilespmem:v11+s28+$0x0] =	vst.idx.msk $0xffff, v10  }
0x248: {  	v11 =	vor.u32 v4, v12;
	v10 =	vld [tilespmem:s1+$0xFFFFFF00]  }
0x249: {  	s2 =	simm.s32 $0x203  }
0x24a: {  	v12 =	vmov s2  }
0x24b: {  	v12 =	vand.u32 $0x7B, v12  }
0x24c: {  	v12 =	vbroadcast v12, $0x0  }
0x24d: {  	[tilespmem:v11+s28+$0x0] =	vst.idx.msk $0xffff, v10  }
0x24e: {  	v11 =	vor.u32 v4, v12;
	v10 =	vld [tilespmem:s1+$0xFFFFFF80]  }
0x24f: {  	s2 =	simm.s32 $0x204  }
0x250: {  	v12 =	vmov s2  }
0x251: {  	v12 =	vand.u32 $0x7C, v12  }
0x252: {  	v12 =	vbroadcast v12, $0x0  }
0x253: {  	[tilespmem:v11+s28+$0x0] =	vst.idx.msk $0xffff, v10  }
0x254: {  	v11 =	vor.u32 v4, v12;
	v10 =	vld [tilespmem:s1+$0x0]  }
0x255: {  	s2 =	simm.s32 $0x205  }
0x256: {  	v12 =	vmov s2  }
0x257: {  	v12 =	vand.u32 $0x7D, v12  }
0x258: {  	v12 =	vbroadcast v12, $0x0  }
0x259: {  	[tilespmem:v11+s28+$0x0] =	vst.idx.msk $0xffff, v10  }
0x25a: {  	v11 =	vor.u32 v4, v12;
	v10 =	vld [tilespmem:s1+$0x80]  }
0x25b: {  	s2 =	simm.s32 $0x206  }
0x25c: {  	v12 =	vmov s2  }
0x25d: {  	v12 =	vand.u32 $0x7E, v12  }
0x25e: {  	v12 =	vbroadcast v12, $0x0  }
0x25f: {  	[tilespmem:v11+s28+$0x0] =	vst.idx.msk $0xffff, v10  }
0x260: {  	v11 =	vor.u32 v4, v12;
	v10 =	vld [tilespmem:s1+$0x100];
	_ =	sdelay $0x4  }
0x261: {  	s2 =	simm.s32 $0x207;
	[tilespmem:v11+s28+$0x0] =	vst.idx.msk $0xffff, v10  }
0x262: {  	v11 =	vadd.s32 s2, v0;
	v10 =	vld [tilespmem:s1+$0x180]  }
0x263: {  	s0 =	simm.s32 $0x8  }
0x264: {  	s29 =	simm.s32 $0x10;
	v12 =	vmov s0  }
.LBB2_10:
0x265: {  	p0 =	sne.s32 s29, $0x78;
	v12 =	vand.u32 $0x78, v12  }
0x266: {  	v12 =	vbroadcast v12, $0x0  }
0x267: {  	s1 =	sadd.s32 $0x400, s1;
	[tilespmem:v11+s28+$0x0] =	vst.idx.msk $0xffff, v10  }
0x268: {  	v10 =	vld [tilespmem:s1+$0xFFFFFE00];
	v11 =	vor.u32 v4, v12  }
0x269: {  	s2 =	sadd.s32 $0x201, s0  }
0x26a: {  	v12 =	vmov s2  }
0x26b: {  	v12 =	vand.u32 $0x79, v12  }
0x26c: {  	v12 =	vbroadcast v12, $0x0  }
0x26d: {  	[tilespmem:v11+s28+$0x0] =	vst.idx.msk $0xffff, v10  }
0x26e: {  	v11 =	vor.u32 v4, v12;
	v10 =	vld [tilespmem:s1+$0xFFFFFE80]  }
0x26f: {  	s2 =	sadd.s32 $0x202, s0  }
0x270: {  	v12 =	vmov s2  }
0x271: {  	v12 =	vand.u32 $0x7A, v12  }
0x272: {  	v12 =	vbroadcast v12, $0x0  }
0x273: {  	[tilespmem:v11+s28+$0x0] =	vst.idx.msk $0xffff, v10  }
0x274: {  	v11 =	vor.u32 v4, v12;
	v10 =	vld [tilespmem:s1+$0xFFFFFF00]  }
0x275: {  	s2 =	sadd.s32 $0x203, s0  }
0x276: {  	v12 =	vmov s2  }
0x277: {  	v12 =	vand.u32 $0x7B, v12  }
0x278: {  	v12 =	vbroadcast v12, $0x0  }
0x279: {  	[tilespmem:v11+s28+$0x0] =	vst.idx.msk $0xffff, v10  }
0x27a: {  	v11 =	vor.u32 v4, v12;
	v10 =	vld [tilespmem:s1+$0xFFFFFF80]  }
0x27b: {  	s2 =	sadd.s32 $0x204, s0  }
0x27c: {  	v12 =	vmov s2  }
0x27d: {  	v12 =	vand.u32 $0x7C, v12  }
0x27e: {  	v12 =	vbroadcast v12, $0x0  }
0x27f: {  	[tilespmem:v11+s28+$0x0] =	vst.idx.msk $0xffff, v10  }
0x280: {  	v11 =	vor.u32 v4, v12;
	v10 =	vld [tilespmem:s1+$0x0]  }
0x281: {  	s2 =	sadd.s32 $0x205, s0  }
0x282: {  	v12 =	vmov s2  }
0x283: {  	v12 =	vand.u32 $0x7D, v12  }
0x284: {  	v12 =	vbroadcast v12, $0x0  }
0x285: {  	[tilespmem:v11+s28+$0x0] =	vst.idx.msk $0xffff, v10  }
0x286: {  	v11 =	vor.u32 v4, v12;
	v10 =	vld [tilespmem:s1+$0x80]  }
0x287: {  	s2 =	sadd.s32 $0x206, s0  }
0x288: {  	v12 =	vmov s2  }
0x289: {  	v12 =	vand.u32 $0x7E, v12  }
0x28a: {  	v12 =	vbroadcast v12, $0x0  }
0x28b: {  	[tilespmem:v11+s28+$0x0] =	vst.idx.msk $0xffff, v10  }
0x28c: {  	v11 =	vor.u32 v4, v12;
	v10 =	vld [tilespmem:s1+$0x100];
	_ =	sdelay $0x3  }
.Ltmp4:
0x28d: {  	(pc) =	sbr.rel @p0 .LBB2_10-.Ltmp4, $3  }
0x28e: {  	s2 =	sadd.s32 $0x207, s0;
	s0 =	smov.u32 s29;
	[tilespmem:v11+s28+$0x0] =	vst.idx.msk $0xffff, v10  }
0x28f: {  	v11 =	vadd.s32 s2, v0;
	v10 =	vld [tilespmem:s1+$0x180];
	_ =	sdelay $0x1  }
0x290: {  	s29 =	sadd.s32 $0x8, s29;
	v12 =	vmov s0  }
0x291: {  	_ =	sdelay $0x1  }
0x292: {  	v12 =	vand.u32 $0x78, v12  }
0x293: {  	v12 =	vbroadcast v12, $0x0  }
0x294: {  	s1 =	sadd.s32 $0x400, s1;
	[tilespmem:v11+s28+$0x0] =	vst.idx.msk $0xffff, v10  }
0x295: {  	v10 =	vld [tilespmem:s1+$0xFFFFFE00];
	v11 =	vor.u32 v4, v12  }
0x296: {  	s2 =	sadd.s32 $0x201, s0  }
0x297: {  	v12 =	vmov s2  }
0x298: {  	v12 =	vand.u32 $0x79, v12  }
0x299: {  	v12 =	vbroadcast v12, $0x0  }
0x29a: {  	[tilespmem:v11+s28+$0x0] =	vst.idx.msk $0xffff, v10  }
0x29b: {  	v11 =	vor.u32 v4, v12;
	v10 =	vld [tilespmem:s1+$0xFFFFFE80]  }
0x29c: {  	s2 =	sadd.s32 $0x202, s0  }
0x29d: {  	v12 =	vmov s2  }
0x29e: {  	v12 =	vand.u32 $0x7A, v12  }
0x29f: {  	v12 =	vbroadcast v12, $0x0  }
0x2a0: {  	[tilespmem:v11+s28+$0x0] =	vst.idx.msk $0xffff, v10  }
0x2a1: {  	v11 =	vor.u32 v4, v12;
	v10 =	vld [tilespmem:s1+$0xFFFFFF00]  }
0x2a2: {  	s2 =	sadd.s32 $0x203, s0  }
0x2a3: {  	v12 =	vmov s2  }
0x2a4: {  	v12 =	vand.u32 $0x7B, v12  }
0x2a5: {  	v12 =	vbroadcast v12, $0x0  }
0x2a6: {  	[tilespmem:v11+s28+$0x0] =	vst.idx.msk $0xffff, v10  }
0x2a7: {  	v11 =	vor.u32 v4, v12;
	v10 =	vld [tilespmem:s1+$0xFFFFFF80]  }
0x2a8: {  	s2 =	sadd.s32 $0x204, s0  }
0x2a9: {  	v12 =	vmov s2  }
0x2aa: {  	v12 =	vand.u32 $0x7C, v12  }
0x2ab: {  	v12 =	vbroadcast v12, $0x0  }
0x2ac: {  	[tilespmem:v11+s28+$0x0] =	vst.idx.msk $0xffff, v10  }
0x2ad: {  	v11 =	vor.u32 v4, v12;
	v10 =	vld [tilespmem:s1+$0x0]  }
0x2ae: {  	s2 =	sadd.s32 $0x205, s0  }
0x2af: {  	v12 =	vmov s2  }
0x2b0: {  	v12 =	vand.u32 $0x7D, v12  }
0x2b1: {  	v12 =	vbroadcast v12, $0x0  }
0x2b2: {  	[tilespmem:v11+s28+$0x0] =	vst.idx.msk $0xffff, v10  }
0x2b3: {  	v11 =	vor.u32 v4, v12;
	v10 =	vld [tilespmem:s1+$0x80]  }
0x2b4: {  	s2 =	sadd.s32 $0x206, s0  }
0x2b5: {  	v12 =	vmov s2  }
0x2b6: {  	v12 =	vand.u32 $0x7E, v12  }
0x2b7: {  	v12 =	vbroadcast v12, $0x0  }
0x2b8: {  	[tilespmem:v11+s28+$0x0] =	vst.idx.msk $0xffff, v10  }
0x2b9: {  	v11 =	vor.u32 v4, v12;
	v10 =	vld [tilespmem:s1+$0x100];
	_ =	sdelay $0x4  }
0x2ba: {  	s2 =	sadd.s32 $0x207, s0;
	[tilespmem:v11+s28+$0x0] =	vst.idx.msk $0xffff, v10  }
0x2bb: {  	v11 =	vadd.s32 s2, v0;
	v10 =	vld [tilespmem:s1+$0x180];
	_ =	sdelay $0x4  }
0x2bc: {  	s0 =	simm.s32 $0x0;
	s2 =	simm.s32 $0x300;
	[tilespmem:v11+s28+$0x0] =	vst.idx.msk $0xffff, v10  }
0x2bd: {  	v10 =	vmov s0;
	[tilespmem:s24], [sflag:$0x1] =	stream.indirect.gather [hbm4b:s3+s23], $0x80, s2, s23, $0xb8;
	[tilespmem:$0xD800] =	vst v63  }
0x2be: {  	v10 =	vand.u32 $0x78, v10;
	_ =	swait.ge [sflag:s26], $0x4000  }
0x2bf: {  	v10 =	vbroadcast v10, $0x0;
	[sflag:s26] =	ssyncset.done $0x0  }
0x2c0: {  	s1 =	simm.s32 $0x4B80;
	[sflag:s26] =	ssyncadd.s32 $0xFFFFC000  }
0x2c1: {  	v10 =	vor.u32 v5, v10;
	v11 =	vld [tilespmem:s1+$0xFFFFFC80]  }
0x2c2: {  	s2 =	simm.s32 $0x281  }
0x2c3: {  	v12 =	vmov s2  }
0x2c4: {  	v12 =	vand.u32 $0x79, v12  }
0x2c5: {  	v12 =	vbroadcast v12, $0x0  }
0x2c6: {  	[tilespmem:v10+s28+$0x0] =	vst.idx.msk $0xffff, v11  }
0x2c7: {  	v11 =	vor.u32 v5, v12;
	v10 =	vld [tilespmem:s1+$0xFFFFFD00]  }
0x2c8: {  	s2 =	simm.s32 $0x282  }
0x2c9: {  	v12 =	vmov s2  }
0x2ca: {  	v12 =	vand.u32 $0x7A, v12  }
0x2cb: {  	v12 =	vbroadcast v12, $0x0  }
0x2cc: {  	[tilespmem:v11+s28+$0x0] =	vst.idx.msk $0xffff, v10  }
0x2cd: {  	v11 =	vor.u32 v5, v12;
	v10 =	vld [tilespmem:s1+$0xFFFFFD80]  }
0x2ce: {  	s2 =	simm.s32 $0x283  }
0x2cf: {  	v12 =	vmov s2  }
0x2d0: {  	v12 =	vand.u32 $0x7B, v12  }
0x2d1: {  	v12 =	vbroadcast v12, $0x0  }
0x2d2: {  	[tilespmem:v11+s28+$0x0] =	vst.idx.msk $0xffff, v10  }
0x2d3: {  	v11 =	vor.u32 v5, v12;
	v10 =	vld [tilespmem:s1+$0xFFFFFE00]  }
0x2d4: {  	s2 =	simm.s32 $0x284  }
0x2d5: {  	v12 =	vmov s2  }
0x2d6: {  	v12 =	vand.u32 $0x7C, v12  }
0x2d7: {  	v12 =	vbroadcast v12, $0x0  }
0x2d8: {  	[tilespmem:v11+s28+$0x0] =	vst.idx.msk $0xffff, v10  }
0x2d9: {  	v11 =	vor.u32 v5, v12;
	v10 =	vld [tilespmem:s1+$0xFFFFFE80]  }
0x2da: {  	s2 =	simm.s32 $0x285  }
0x2db: {  	v12 =	vmov s2  }
0x2dc: {  	v12 =	vand.u32 $0x7D, v12  }
0x2dd: {  	v12 =	vbroadcast v12, $0x0  }
0x2de: {  	[tilespmem:v11+s28+$0x0] =	vst.idx.msk $0xffff, v10  }
0x2df: {  	v11 =	vor.u32 v5, v12;
	v10 =	vld [tilespmem:s1+$0xFFFFFF00]  }
0x2e0: {  	s2 =	simm.s32 $0x286  }
0x2e1: {  	v12 =	vmov s2  }
0x2e2: {  	v12 =	vand.u32 $0x7E, v12  }
0x2e3: {  	v12 =	vbroadcast v12, $0x0  }
0x2e4: {  	[tilespmem:v11+s28+$0x0] =	vst.idx.msk $0xffff, v10  }
0x2e5: {  	v11 =	vor.u32 v5, v12;
	v10 =	vld [tilespmem:s1+$0xFFFFFF80];
	_ =	sdelay $0x4  }
0x2e6: {  	s2 =	simm.s32 $0x287;
	[tilespmem:v11+s28+$0x0] =	vst.idx.msk $0xffff, v10  }
0x2e7: {  	v11 =	vadd.s32 s2, v0;
	v10 =	vld [tilespmem:s1+$0x0]  }
0x2e8: {  	s0 =	simm.s32 $0x8  }
0x2e9: {  	s29 =	simm.s32 $0x10;
	v12 =	vmov s0  }
.LBB2_12:
0x2ea: {  	p0 =	sne.s32 s29, $0x78;
	v12 =	vand.u32 $0x78, v12  }
0x2eb: {  	v12 =	vbroadcast v12, $0x0  }
0x2ec: {  	s1 =	sadd.s32 $0x400, s1;
	[tilespmem:v11+s28+$0x0] =	vst.idx.msk $0xffff, v10  }
0x2ed: {  	v10 =	vld [tilespmem:s1+$0xFFFFFC80];
	v11 =	vor.u32 v5, v12  }
0x2ee: {  	s2 =	sadd.s32 $0x281, s0  }
0x2ef: {  	v12 =	vmov s2  }
0x2f0: {  	v12 =	vand.u32 $0x79, v12  }
0x2f1: {  	v12 =	vbroadcast v12, $0x0  }
0x2f2: {  	[tilespmem:v11+s28+$0x0] =	vst.idx.msk $0xffff, v10  }
0x2f3: {  	v11 =	vor.u32 v5, v12;
	v10 =	vld [tilespmem:s1+$0xFFFFFD00]  }
0x2f4: {  	s2 =	sadd.s32 $0x282, s0  }
0x2f5: {  	v12 =	vmov s2  }
0x2f6: {  	v12 =	vand.u32 $0x7A, v12  }
0x2f7: {  	v12 =	vbroadcast v12, $0x0  }
0x2f8: {  	[tilespmem:v11+s28+$0x0] =	vst.idx.msk $0xffff, v10  }
0x2f9: {  	v11 =	vor.u32 v5, v12;
	v10 =	vld [tilespmem:s1+$0xFFFFFD80]  }
0x2fa: {  	s2 =	sadd.s32 $0x283, s0  }
0x2fb: {  	v12 =	vmov s2  }
0x2fc: {  	v12 =	vand.u32 $0x7B, v12  }
0x2fd: {  	v12 =	vbroadcast v12, $0x0  }
0x2fe: {  	[tilespmem:v11+s28+$0x0] =	vst.idx.msk $0xffff, v10  }
0x2ff: {  	v11 =	vor.u32 v5, v12;
	v10 =	vld [tilespmem:s1+$0xFFFFFE00]  }
0x300: {  	s2 =	sadd.s32 $0x284, s0  }
0x301: {  	v12 =	vmov s2  }
0x302: {  	v12 =	vand.u32 $0x7C, v12  }
0x303: {  	v12 =	vbroadcast v12, $0x0  }
0x304: {  	[tilespmem:v11+s28+$0x0] =	vst.idx.msk $0xffff, v10  }
0x305: {  	v11 =	vor.u32 v5, v12;
	v10 =	vld [tilespmem:s1+$0xFFFFFE80]  }
0x306: {  	s2 =	sadd.s32 $0x285, s0  }
0x307: {  	v12 =	vmov s2  }
0x308: {  	v12 =	vand.u32 $0x7D, v12  }
0x309: {  	v12 =	vbroadcast v12, $0x0  }
0x30a: {  	[tilespmem:v11+s28+$0x0] =	vst.idx.msk $0xffff, v10  }
0x30b: {  	v11 =	vor.u32 v5, v12;
	v10 =	vld [tilespmem:s1+$0xFFFFFF00]  }
0x30c: {  	s2 =	sadd.s32 $0x286, s0  }
0x30d: {  	v12 =	vmov s2  }
0x30e: {  	v12 =	vand.u32 $0x7E, v12  }
0x30f: {  	v12 =	vbroadcast v12, $0x0  }
0x310: {  	[tilespmem:v11+s28+$0x0] =	vst.idx.msk $0xffff, v10  }
0x311: {  	v11 =	vor.u32 v5, v12;
	v10 =	vld [tilespmem:s1+$0xFFFFFF80];
	_ =	sdelay $0x3  }
.Ltmp5:
0x312: {  	(pc) =	sbr.rel @p0 .LBB2_12-.Ltmp5, $3  }
0x313: {  	s2 =	sadd.s32 $0x287, s0;
	s0 =	smov.u32 s29;
	[tilespmem:v11+s28+$0x0] =	vst.idx.msk $0xffff, v10  }
0x314: {  	v11 =	vadd.s32 s2, v0;
	v10 =	vld [tilespmem:s1+$0x0];
	_ =	sdelay $0x1  }
0x315: {  	s29 =	sadd.s32 $0x8, s29;
	v12 =	vmov s0  }
0x316: {  	_ =	sdelay $0x1  }
0x317: {  	v12 =	vand.u32 $0x78, v12  }
0x318: {  	v12 =	vbroadcast v12, $0x0  }
0x319: {  	s1 =	sadd.s32 $0x400, s1;
	[tilespmem:v11+s28+$0x0] =	vst.idx.msk $0xffff, v10  }
0x31a: {  	v10 =	vld [tilespmem:s1+$0xFFFFFC80];
	v11 =	vor.u32 v5, v12  }
0x31b: {  	s2 =	sadd.s32 $0x281, s0  }
0x31c: {  	v12 =	vmov s2  }
0x31d: {  	v12 =	vand.u32 $0x79, v12  }
0x31e: {  	v12 =	vbroadcast v12, $0x0  }
0x31f: {  	[tilespmem:v11+s28+$0x0] =	vst.idx.msk $0xffff, v10  }
0x320: {  	v11 =	vor.u32 v5, v12;
	v10 =	vld [tilespmem:s1+$0xFFFFFD00]  }
0x321: {  	s2 =	sadd.s32 $0x282, s0  }
0x322: {  	v12 =	vmov s2  }
0x323: {  	v12 =	vand.u32 $0x7A, v12  }
0x324: {  	v12 =	vbroadcast v12, $0x0  }
0x325: {  	[tilespmem:v11+s28+$0x0] =	vst.idx.msk $0xffff, v10  }
0x326: {  	v11 =	vor.u32 v5, v12;
	v10 =	vld [tilespmem:s1+$0xFFFFFD80]  }
0x327: {  	s2 =	sadd.s32 $0x283, s0  }
0x328: {  	v12 =	vmov s2  }
0x329: {  	v12 =	vand.u32 $0x7B, v12  }
0x32a: {  	v12 =	vbroadcast v12, $0x0  }
0x32b: {  	[tilespmem:v11+s28+$0x0] =	vst.idx.msk $0xffff, v10  }
0x32c: {  	v11 =	vor.u32 v5, v12;
	v10 =	vld [tilespmem:s1+$0xFFFFFE00]  }
0x32d: {  	s2 =	sadd.s32 $0x284, s0  }
0x32e: {  	v12 =	vmov s2  }
0x32f: {  	v12 =	vand.u32 $0x7C, v12  }
0x330: {  	v12 =	vbroadcast v12, $0x0  }
0x331: {  	[tilespmem:v11+s28+$0x0] =	vst.idx.msk $0xffff, v10  }
0x332: {  	v11 =	vor.u32 v5, v12;
	v10 =	vld [tilespmem:s1+$0xFFFFFE80]  }
0x333: {  	s2 =	sadd.s32 $0x285, s0  }
0x334: {  	v12 =	vmov s2  }
0x335: {  	v12 =	vand.u32 $0x7D, v12  }
0x336: {  	v12 =	vbroadcast v12, $0x0  }
0x337: {  	[tilespmem:v11+s28+$0x0] =	vst.idx.msk $0xffff, v10  }
0x338: {  	v11 =	vor.u32 v5, v12;
	v10 =	vld [tilespmem:s1+$0xFFFFFF00]  }
0x339: {  	s2 =	sadd.s32 $0x286, s0  }
0x33a: {  	v12 =	vmov s2  }
0x33b: {  	v12 =	vand.u32 $0x7E, v12  }
0x33c: {  	v12 =	vbroadcast v12, $0x0  }
0x33d: {  	[tilespmem:v11+s28+$0x0] =	vst.idx.msk $0xffff, v10  }
0x33e: {  	v11 =	vor.u32 v5, v12;
	v10 =	vld [tilespmem:s1+$0xFFFFFF80];
	_ =	sdelay $0x4  }
0x33f: {  	s2 =	sadd.s32 $0x287, s0;
	[tilespmem:v11+s28+$0x0] =	vst.idx.msk $0xffff, v10  }
0x340: {  	v11 =	vadd.s32 s2, v0;
	v10 =	vld [tilespmem:s1+$0x0];
	_ =	sdelay $0x4  }
0x341: {  	s0 =	simm.s32 $0x0;
	s2 =	simm.s32 $0x380;
	[tilespmem:v11+s28+$0x0] =	vst.idx.msk $0xffff, v10  }
0x342: {  	v10 =	vmov s0;
	[tilespmem:s25], [sflag:$0x1] =	stream.indirect.gather [hbm4b:s3+s23], $0x80, s2, s23, $0xb8;
	[tilespmem:$0xD800] =	vst v63  }
0x343: {  	v10 =	vand.u32 $0x78, v10;
	_ =	swait.ge [sflag:s26], $0x4000  }
0x344: {  	v10 =	vbroadcast v10, $0x0;
	[sflag:s26] =	ssyncset.done $0x0  }
0x345: {  	s1 =	simm.s32 $0xA00;
	[sflag:s26] =	ssyncadd.s32 $0xFFFFC000  }
0x346: {  	v10 =	vor.u32 v6, v10;
	v11 =	vld [tilespmem:s1+$0xFFFFFE00]  }
0x347: {  	s2 =	simm.s32 $0x301  }
0x348: {  	v12 =	vmov s2  }
0x349: {  	v12 =	vand.u32 $0x79, v12  }
0x34a: {  	v12 =	vbroadcast v12, $0x0  }
0x34b: {  	[tilespmem:v10+s28+$0x0] =	vst.idx.msk $0xffff, v11  }
0x34c: {  	v11 =	vor.u32 v6, v12;
	v10 =	vld [tilespmem:s1+$0xFFFFFE80]  }
0x34d: {  	s2 =	simm.s32 $0x302  }
0x34e: {  	v12 =	vmov s2  }
0x34f: {  	v12 =	vand.u32 $0x7A, v12  }
0x350: {  	v12 =	vbroadcast v12, $0x0  }
0x351: {  	[tilespmem:v11+s28+$0x0] =	vst.idx.msk $0xffff, v10  }
0x352: {  	v11 =	vor.u32 v6, v12;
	v10 =	vld [tilespmem:s1+$0xFFFFFF00]  }
0x353: {  	s2 =	simm.s32 $0x303  }
0x354: {  	v12 =	vmov s2  }
0x355: {  	v12 =	vand.u32 $0x7B, v12  }
0x356: {  	v12 =	vbroadcast v12, $0x0  }
0x357: {  	[tilespmem:v11+s28+$0x0] =	vst.idx.msk $0xffff, v10  }
0x358: {  	v11 =	vor.u32 v6, v12;
	v10 =	vld [tilespmem:s1+$0xFFFFFF80]  }
0x359: {  	s2 =	simm.s32 $0x304  }
0x35a: {  	v12 =	vmov s2  }
0x35b: {  	v12 =	vand.u32 $0x7C, v12  }
0x35c: {  	v12 =	vbroadcast v12, $0x0  }
0x35d: {  	[tilespmem:v11+s28+$0x0] =	vst.idx.msk $0xffff, v10  }
0x35e: {  	v11 =	vor.u32 v6, v12;
	v10 =	vld [tilespmem:s1+$0x0]  }
0x35f: {  	s2 =	simm.s32 $0x305  }
0x360: {  	v12 =	vmov s2  }
0x361: {  	v12 =	vand.u32 $0x7D, v12  }
0x362: {  	v12 =	vbroadcast v12, $0x0  }
0x363: {  	[tilespmem:v11+s28+$0x0] =	vst.idx.msk $0xffff, v10  }
0x364: {  	v11 =	vor.u32 v6, v12;
	v10 =	vld [tilespmem:s1+$0x80]  }
0x365: {  	s2 =	simm.s32 $0x306  }
0x366: {  	v12 =	vmov s2  }
0x367: {  	v12 =	vand.u32 $0x7E, v12  }
0x368: {  	v12 =	vbroadcast v12, $0x0  }
0x369: {  	[tilespmem:v11+s28+$0x0] =	vst.idx.msk $0xffff, v10  }
0x36a: {  	v11 =	vor.u32 v6, v12;
	v10 =	vld [tilespmem:s1+$0x100];
	_ =	sdelay $0x4  }
0x36b: {  	s2 =	simm.s32 $0x307;
	[tilespmem:v11+s28+$0x0] =	vst.idx.msk $0xffff, v10  }
0x36c: {  	v11 =	vadd.s32 s2, v0;
	v10 =	vld [tilespmem:s1+$0x180]  }
0x36d: {  	s0 =	simm.s32 $0x8  }
0x36e: {  	s29 =	simm.s32 $0x10;
	v12 =	vmov s0  }
.LBB2_14:
0x36f: {  	p0 =	sne.s32 s29, $0x78;
	v12 =	vand.u32 $0x78, v12  }
0x370: {  	v12 =	vbroadcast v12, $0x0  }
0x371: {  	s1 =	sadd.s32 $0x400, s1;
	[tilespmem:v11+s28+$0x0] =	vst.idx.msk $0xffff, v10  }
0x372: {  	v10 =	vld [tilespmem:s1+$0xFFFFFE00];
	v11 =	vor.u32 v6, v12  }
0x373: {  	s2 =	sadd.s32 $0x301, s0  }
0x374: {  	v12 =	vmov s2  }
0x375: {  	v12 =	vand.u32 $0x79, v12  }
0x376: {  	v12 =	vbroadcast v12, $0x0  }
0x377: {  	[tilespmem:v11+s28+$0x0] =	vst.idx.msk $0xffff, v10  }
0x378: {  	v11 =	vor.u32 v6, v12;
	v10 =	vld [tilespmem:s1+$0xFFFFFE80]  }
0x379: {  	s2 =	sadd.s32 $0x302, s0  }
0x37a: {  	v12 =	vmov s2  }
0x37b: {  	v12 =	vand.u32 $0x7A, v12  }
0x37c: {  	v12 =	vbroadcast v12, $0x0  }
0x37d: {  	[tilespmem:v11+s28+$0x0] =	vst.idx.msk $0xffff, v10  }
0x37e: {  	v11 =	vor.u32 v6, v12;
	v10 =	vld [tilespmem:s1+$0xFFFFFF00]  }
0x37f: {  	s2 =	sadd.s32 $0x303, s0  }
0x380: {  	v12 =	vmov s2  }
0x381: {  	v12 =	vand.u32 $0x7B, v12  }
0x382: {  	v12 =	vbroadcast v12, $0x0  }
0x383: {  	[tilespmem:v11+s28+$0x0] =	vst.idx.msk $0xffff, v10  }
0x384: {  	v11 =	vor.u32 v6, v12;
	v10 =	vld [tilespmem:s1+$0xFFFFFF80]  }
0x385: {  	s2 =	sadd.s32 $0x304, s0  }
0x386: {  	v12 =	vmov s2  }
0x387: {  	v12 =	vand.u32 $0x7C, v12  }
0x388: {  	v12 =	vbroadcast v12, $0x0  }
0x389: {  	[tilespmem:v11+s28+$0x0] =	vst.idx.msk $0xffff, v10  }
0x38a: {  	v11 =	vor.u32 v6, v12;
	v10 =	vld [tilespmem:s1+$0x0]  }
0x38b: {  	s2 =	sadd.s32 $0x305, s0  }
0x38c: {  	v12 =	vmov s2  }
0x38d: {  	v12 =	vand.u32 $0x7D, v12  }
0x38e: {  	v12 =	vbroadcast v12, $0x0  }
0x38f: {  	[tilespmem:v11+s28+$0x0] =	vst.idx.msk $0xffff, v10  }
0x390: {  	v11 =	vor.u32 v6, v12;
	v10 =	vld [tilespmem:s1+$0x80]  }
0x391: {  	s2 =	sadd.s32 $0x306, s0  }
0x392: {  	v12 =	vmov s2  }
0x393: {  	v12 =	vand.u32 $0x7E, v12  }
0x394: {  	v12 =	vbroadcast v12, $0x0  }
0x395: {  	[tilespmem:v11+s28+$0x0] =	vst.idx.msk $0xffff, v10  }
0x396: {  	v11 =	vor.u32 v6, v12;
	v10 =	vld [tilespmem:s1+$0x100];
	_ =	sdelay $0x3  }
.Ltmp6:
0x397: {  	(pc) =	sbr.rel @p0 .LBB2_14-.Ltmp6, $3  }
0x398: {  	s2 =	sadd.s32 $0x307, s0;
	s0 =	smov.u32 s29;
	[tilespmem:v11+s28+$0x0] =	vst.idx.msk $0xffff, v10  }
0x399: {  	v11 =	vadd.s32 s2, v0;
	v10 =	vld [tilespmem:s1+$0x180];
	_ =	sdelay $0x1  }
0x39a: {  	s29 =	sadd.s32 $0x8, s29;
	v12 =	vmov s0  }
0x39b: {  	_ =	sdelay $0x1  }
0x39c: {  	v12 =	vand.u32 $0x78, v12  }
0x39d: {  	v12 =	vbroadcast v12, $0x0  }
0x39e: {  	s1 =	sadd.s32 $0x400, s1;
	[tilespmem:v11+s28+$0x0] =	vst.idx.msk $0xffff, v10  }
0x39f: {  	v10 =	vld [tilespmem:s1+$0xFFFFFE00];
	v11 =	vor.u32 v6, v12  }
0x3a0: {  	s2 =	sadd.s32 $0x301, s0  }
0x3a1: {  	v12 =	vmov s2  }
0x3a2: {  	v12 =	vand.u32 $0x79, v12  }
0x3a3: {  	v12 =	vbroadcast v12, $0x0  }
0x3a4: {  	[tilespmem:v11+s28+$0x0] =	vst.idx.msk $0xffff, v10  }
0x3a5: {  	v11 =	vor.u32 v6, v12;
	v10 =	vld [tilespmem:s1+$0xFFFFFE80]  }
0x3a6: {  	s2 =	sadd.s32 $0x302, s0  }
0x3a7: {  	v12 =	vmov s2  }
0x3a8: {  	v12 =	vand.u32 $0x7A, v12  }
0x3a9: {  	v12 =	vbroadcast v12, $0x0  }
0x3aa: {  	[tilespmem:v11+s28+$0x0] =	vst.idx.msk $0xffff, v10  }
0x3ab: {  	v11 =	vor.u32 v6, v12;
	v10 =	vld [tilespmem:s1+$0xFFFFFF00]  }
0x3ac: {  	s2 =	sadd.s32 $0x303, s0  }
0x3ad: {  	v12 =	vmov s2  }
0x3ae: {  	v12 =	vand.u32 $0x7B, v12  }
0x3af: {  	v12 =	vbroadcast v12, $0x0  }
0x3b0: {  	[tilespmem:v11+s28+$0x0] =	vst.idx.msk $0xffff, v10  }
0x3b1: {  	v11 =	vor.u32 v6, v12;
	v10 =	vld [tilespmem:s1+$0xFFFFFF80]  }
0x3b2: {  	s2 =	sadd.s32 $0x304, s0  }
0x3b3: {  	v12 =	vmov s2  }
0x3b4: {  	v12 =	vand.u32 $0x7C, v12  }
0x3b5: {  	v12 =	vbroadcast v12, $0x0  }
0x3b6: {  	[tilespmem:v11+s28+$0x0] =	vst.idx.msk $0xffff, v10  }
0x3b7: {  	v11 =	vor.u32 v6, v12;
	v10 =	vld [tilespmem:s1+$0x0]  }
0x3b8: {  	s2 =	sadd.s32 $0x305, s0  }
0x3b9: {  	v12 =	vmov s2  }
0x3ba: {  	v12 =	vand.u32 $0x7D, v12  }
0x3bb: {  	v12 =	vbroadcast v12, $0x0  }
0x3bc: {  	[tilespmem:v11+s28+$0x0] =	vst.idx.msk $0xffff, v10  }
0x3bd: {  	v11 =	vor.u32 v6, v12;
	v10 =	vld [tilespmem:s1+$0x80]  }
0x3be: {  	s2 =	sadd.s32 $0x306, s0  }
0x3bf: {  	v12 =	vmov s2  }
0x3c0: {  	v12 =	vand.u32 $0x7E, v12  }
0x3c1: {  	v12 =	vbroadcast v12, $0x0  }
0x3c2: {  	[tilespmem:v11+s28+$0x0] =	vst.idx.msk $0xffff, v10  }
0x3c3: {  	v11 =	vor.u32 v6, v12;
	v10 =	vld [tilespmem:s1+$0x100];
	_ =	sdelay $0x4  }
0x3c4: {  	s2 =	sadd.s32 $0x307, s0;
	[tilespmem:v11+s28+$0x0] =	vst.idx.msk $0xffff, v10  }
0x3c5: {  	v11 =	vadd.s32 s2, v0;
	v10 =	vld [tilespmem:s1+$0x180];
	_ =	sdelay $0x4  }
0x3c6: {  	s1 =	simm.s32 $0x0;
	[tilespmem:v11+s28+$0x0] =	vst.idx.msk $0xffff, v10  }
0x3c7: {  	v10 =	vmov s1;
	[tilespmem:s24], [sflag:$0x1] =	stream.indirect.gather [hbm4b:s3+s23], $0x80, s30, s23, $0xb8;
	[tilespmem:$0xD800] =	vst v63  }
0x3c8: {  	v10 =	vand.u32 $0x78, v10;
	_ =	swait.ge [sflag:s26], $0x4000  }
0x3c9: {  	v10 =	vbroadcast v10, $0x0;
	[sflag:s26] =	ssyncset.done $0x0  }
0x3ca: {  	s1 =	simm.s32 $0x4B80;
	[sflag:s26] =	ssyncadd.s32 $0xFFFFC000  }
0x3cb: {  	v10 =	vor.u32 v7, v10;
	v11 =	vld [tilespmem:s1+$0xFFFFFC80]  }
0x3cc: {  	s2 =	simm.s32 $0x381  }
0x3cd: {  	v12 =	vmov s2  }
0x3ce: {  	v12 =	vand.u32 $0x79, v12  }
0x3cf: {  	v12 =	vbroadcast v12, $0x0  }
0x3d0: {  	[tilespmem:v10+s28+$0x0] =	vst.idx.msk $0xffff, v11  }
0x3d1: {  	v11 =	vor.u32 v7, v12;
	v10 =	vld [tilespmem:s1+$0xFFFFFD00]  }
0x3d2: {  	s2 =	simm.s32 $0x382  }
0x3d3: {  	v12 =	vmov s2  }
0x3d4: {  	v12 =	vand.u32 $0x7A, v12  }
0x3d5: {  	v12 =	vbroadcast v12, $0x0  }
0x3d6: {  	[tilespmem:v11+s28+$0x0] =	vst.idx.msk $0xffff, v10  }
0x3d7: {  	v11 =	vor.u32 v7, v12;
	v10 =	vld [tilespmem:s1+$0xFFFFFD80]  }
0x3d8: {  	s2 =	simm.s32 $0x383  }
0x3d9: {  	v12 =	vmov s2  }
0x3da: {  	v12 =	vand.u32 $0x7B, v12  }
0x3db: {  	v12 =	vbroadcast v12, $0x0  }
0x3dc: {  	[tilespmem:v11+s28+$0x0] =	vst.idx.msk $0xffff, v10  }
0x3dd: {  	v11 =	vor.u32 v7, v12;
	v10 =	vld [tilespmem:s1+$0xFFFFFE00]  }
0x3de: {  	s2 =	simm.s32 $0x384  }
0x3df: {  	v12 =	vmov s2  }
0x3e0: {  	v12 =	vand.u32 $0x7C, v12  }
0x3e1: {  	v12 =	vbroadcast v12, $0x0  }
0x3e2: {  	[tilespmem:v11+s28+$0x0] =	vst.idx.msk $0xffff, v10  }
0x3e3: {  	v11 =	vor.u32 v7, v12;
	v10 =	vld [tilespmem:s1+$0xFFFFFE80]  }
0x3e4: {  	s2 =	simm.s32 $0x385  }
0x3e5: {  	v12 =	vmov s2  }
0x3e6: {  	v12 =	vand.u32 $0x7D, v12  }
0x3e7: {  	v12 =	vbroadcast v12, $0x0  }
0x3e8: {  	[tilespmem:v11+s28+$0x0] =	vst.idx.msk $0xffff, v10  }
0x3e9: {  	v11 =	vor.u32 v7, v12;
	v10 =	vld [tilespmem:s1+$0xFFFFFF00]  }
0x3ea: {  	s2 =	simm.s32 $0x386  }
0x3eb: {  	v12 =	vmov s2  }
0x3ec: {  	v12 =	vand.u32 $0x7E, v12  }
0x3ed: {  	v12 =	vbroadcast v12, $0x0  }
0x3ee: {  	[tilespmem:v11+s28+$0x0] =	vst.idx.msk $0xffff, v10  }
0x3ef: {  	v11 =	vor.u32 v7, v12;
	v10 =	vld [tilespmem:s1+$0xFFFFFF80];
	_ =	sdelay $0x4  }
0x3f0: {  	s2 =	simm.s32 $0x387;
	[tilespmem:v11+s28+$0x0] =	vst.idx.msk $0xffff, v10  }
0x3f1: {  	v11 =	vadd.s32 s2, v0;
	v10 =	vld [tilespmem:s1+$0x0]  }
0x3f2: {  	s0 =	simm.s32 $0x8  }
0x3f3: {  	s29 =	simm.s32 $0x10;
	v12 =	vmov s0  }
.LBB2_16:
0x3f4: {  	p0 =	sne.s32 s29, $0x78;
	v12 =	vand.u32 $0x78, v12  }
0x3f5: {  	v12 =	vbroadcast v12, $0x0  }
0x3f6: {  	s1 =	sadd.s32 $0x400, s1;
	[tilespmem:v11+s28+$0x0] =	vst.idx.msk $0xffff, v10  }
0x3f7: {  	v10 =	vld [tilespmem:s1+$0xFFFFFC80];
	v11 =	vor.u32 v7, v12  }
0x3f8: {  	s2 =	sadd.s32 $0x381, s0  }
0x3f9: {  	v12 =	vmov s2  }
0x3fa: {  	v12 =	vand.u32 $0x79, v12  }
0x3fb: {  	v12 =	vbroadcast v12, $0x0  }
0x3fc: {  	[tilespmem:v11+s28+$0x0] =	vst.idx.msk $0xffff, v10  }
0x3fd: {  	v11 =	vor.u32 v7, v12;
	v10 =	vld [tilespmem:s1+$0xFFFFFD00]  }
0x3fe: {  	s2 =	sadd.s32 $0x382, s0  }
0x3ff: {  	v12 =	vmov s2  }
0x400: {  	v12 =	vand.u32 $0x7A, v12  }
0x401: {  	v12 =	vbroadcast v12, $0x0  }
0x402: {  	[tilespmem:v11+s28+$0x0] =	vst.idx.msk $0xffff, v10  }
0x403: {  	v11 =	vor.u32 v7, v12;
	v10 =	vld [tilespmem:s1+$0xFFFFFD80]  }
0x404: {  	s2 =	sadd.s32 $0x383, s0  }
0x405: {  	v12 =	vmov s2  }
0x406: {  	v12 =	vand.u32 $0x7B, v12  }
0x407: {  	v12 =	vbroadcast v12, $0x0  }
0x408: {  	[tilespmem:v11+s28+$0x0] =	vst.idx.msk $0xffff, v10  }
0x409: {  	v11 =	vor.u32 v7, v12;
	v10 =	vld [tilespmem:s1+$0xFFFFFE00]  }
0x40a: {  	s2 =	sadd.s32 $0x384, s0  }
0x40b: {  	v12 =	vmov s2  }
0x40c: {  	v12 =	vand.u32 $0x7C, v12  }
0x40d: {  	v12 =	vbroadcast v12, $0x0  }
0x40e: {  	[tilespmem:v11+s28+$0x0] =	vst.idx.msk $0xffff, v10  }
0x40f: {  	v11 =	vor.u32 v7, v12;
	v10 =	vld [tilespmem:s1+$0xFFFFFE80]  }
0x410: {  	s2 =	sadd.s32 $0x385, s0  }
0x411: {  	v12 =	vmov s2  }
0x412: {  	v12 =	vand.u32 $0x7D, v12  }
0x413: {  	v12 =	vbroadcast v12, $0x0  }
0x414: {  	[tilespmem:v11+s28+$0x0] =	vst.idx.msk $0xffff, v10  }
0x415: {  	v11 =	vor.u32 v7, v12;
	v10 =	vld [tilespmem:s1+$0xFFFFFF00]  }
0x416: {  	s2 =	sadd.s32 $0x386, s0  }
0x417: {  	v12 =	vmov s2  }
0x418: {  	v12 =	vand.u32 $0x7E, v12  }
0x419: {  	v12 =	vbroadcast v12, $0x0  }
0x41a: {  	[tilespmem:v11+s28+$0x0] =	vst.idx.msk $0xffff, v10  }
0x41b: {  	v11 =	vor.u32 v7, v12;
	v10 =	vld [tilespmem:s1+$0xFFFFFF80];
	_ =	sdelay $0x3  }
.Ltmp7:
0x41c: {  	(pc) =	sbr.rel @p0 .LBB2_16-.Ltmp7, $3  }
0x41d: {  	s2 =	sadd.s32 $0x387, s0;
	s0 =	smov.u32 s29;
	[tilespmem:v11+s28+$0x0] =	vst.idx.msk $0xffff, v10  }
0x41e: {  	v11 =	vadd.s32 s2, v0;
	v10 =	vld [tilespmem:s1+$0x0];
	_ =	sdelay $0x1  }
0x41f: {  	s29 =	sadd.s32 $0x8, s29;
	v12 =	vmov s0  }
0x420: {  	_ =	sdelay $0x1  }
0x421: {  	v12 =	vand.u32 $0x78, v12  }
0x422: {  	v12 =	vbroadcast v12, $0x0  }
0x423: {  	s1 =	sadd.s32 $0x400, s1;
	[tilespmem:v11+s28+$0x0] =	vst.idx.msk $0xffff, v10  }
0x424: {  	v10 =	vld [tilespmem:s1+$0xFFFFFC80];
	v11 =	vor.u32 v7, v12  }
0x425: {  	s2 =	sadd.s32 $0x381, s0  }
0x426: {  	v12 =	vmov s2  }
0x427: {  	v12 =	vand.u32 $0x79, v12  }
0x428: {  	v12 =	vbroadcast v12, $0x0  }
0x429: {  	[tilespmem:v11+s28+$0x0] =	vst.idx.msk $0xffff, v10  }
0x42a: {  	v11 =	vor.u32 v7, v12;
	v10 =	vld [tilespmem:s1+$0xFFFFFD00]  }
0x42b: {  	s2 =	sadd.s32 $0x382, s0  }
0x42c: {  	v12 =	vmov s2  }
0x42d: {  	v12 =	vand.u32 $0x7A, v12  }
0x42e: {  	v12 =	vbroadcast v12, $0x0  }
0x42f: {  	[tilespmem:v11+s28+$0x0] =	vst.idx.msk $0xffff, v10  }
0x430: {  	v11 =	vor.u32 v7, v12;
	v10 =	vld [tilespmem:s1+$0xFFFFFD80]  }
0x431: {  	s2 =	sadd.s32 $0x383, s0  }
0x432: {  	v12 =	vmov s2  }
0x433: {  	v12 =	vand.u32 $0x7B, v12  }
0x434: {  	v12 =	vbroadcast v12, $0x0  }
0x435: {  	[tilespmem:v11+s28+$0x0] =	vst.idx.msk $0xffff, v10  }
0x436: {  	v11 =	vor.u32 v7, v12;
	v10 =	vld [tilespmem:s1+$0xFFFFFE00]  }
0x437: {  	s2 =	sadd.s32 $0x384, s0  }
0x438: {  	v12 =	vmov s2  }
0x439: {  	v12 =	vand.u32 $0x7C, v12  }
0x43a: {  	v12 =	vbroadcast v12, $0x0  }
0x43b: {  	[tilespmem:v11+s28+$0x0] =	vst.idx.msk $0xffff, v10  }
0x43c: {  	v11 =	vor.u32 v7, v12;
	v10 =	vld [tilespmem:s1+$0xFFFFFE80]  }
0x43d: {  	s2 =	sadd.s32 $0x385, s0  }
0x43e: {  	v12 =	vmov s2  }
0x43f: {  	v12 =	vand.u32 $0x7D, v12  }
0x440: {  	v12 =	vbroadcast v12, $0x0  }
0x441: {  	[tilespmem:v11+s28+$0x0] =	vst.idx.msk $0xffff, v10  }
0x442: {  	v11 =	vor.u32 v7, v12;
	v10 =	vld [tilespmem:s1+$0xFFFFFF00]  }
0x443: {  	s2 =	sadd.s32 $0x386, s0  }
0x444: {  	v12 =	vmov s2  }
0x445: {  	v12 =	vand.u32 $0x7E, v12  }
0x446: {  	v12 =	vbroadcast v12, $0x0  }
0x447: {  	[tilespmem:v11+s28+$0x0] =	vst.idx.msk $0xffff, v10  }
0x448: {  	v11 =	vor.u32 v7, v12;
	v10 =	vld [tilespmem:s1+$0xFFFFFF80];
	_ =	sdelay $0x4  }
0x449: {  	s2 =	sadd.s32 $0x387, s0;
	[tilespmem:v11+s28+$0x0] =	vst.idx.msk $0xffff, v10  }
0x44a: {  	v11 =	vadd.s32 s2, v0;
	v10 =	vld [tilespmem:s1+$0x0];
	_ =	sdelay $0x4  }
0x44b: {  	s0 =	simm.s32 $0x0;
	s2 =	simm.s32 $0x480;
	[tilespmem:v11+s28+$0x0] =	vst.idx.msk $0xffff, v10  }
0x44c: {  	v10 =	vmov s0;
	[tilespmem:s25], [sflag:$0x1] =	stream.indirect.gather [hbm4b:s3+s23], $0x80, s2, s23, $0xb8;
	[tilespmem:$0xD800] =	vst v63  }
0x44d: {  	v10 =	vand.u32 $0x78, v10;
	_ =	swait.ge [sflag:s26], $0x4000  }
0x44e: {  	v10 =	vbroadcast v10, $0x0;
	[sflag:s26] =	ssyncset.done $0x0  }
0x44f: {  	s1 =	simm.s32 $0xA00;
	[sflag:s26] =	ssyncadd.s32 $0xFFFFC000  }
0x450: {  	v10 =	vor.u32 v8, v10;
	v11 =	vld [tilespmem:s1+$0xFFFFFE00]  }
0x451: {  	s2 =	simm.s32 $0x401  }
0x452: {  	v12 =	vmov s2  }
0x453: {  	v12 =	vand.u32 $0x79, v12  }
0x454: {  	v12 =	vbroadcast v12, $0x0  }
0x455: {  	[tilespmem:v10+s28+$0x0] =	vst.idx.msk $0xffff, v11  }
0x456: {  	v11 =	vor.u32 v8, v12;
	v10 =	vld [tilespmem:s1+$0xFFFFFE80]  }
0x457: {  	s2 =	simm.s32 $0x402  }
0x458: {  	v12 =	vmov s2  }
0x459: {  	v12 =	vand.u32 $0x7A, v12  }
0x45a: {  	v12 =	vbroadcast v12, $0x0  }
0x45b: {  	[tilespmem:v11+s28+$0x0] =	vst.idx.msk $0xffff, v10  }
0x45c: {  	v11 =	vor.u32 v8, v12;
	v10 =	vld [tilespmem:s1+$0xFFFFFF00]  }
0x45d: {  	s2 =	simm.s32 $0x403  }
0x45e: {  	v12 =	vmov s2  }
0x45f: {  	v12 =	vand.u32 $0x7B, v12  }
0x460: {  	v12 =	vbroadcast v12, $0x0  }
0x461: {  	[tilespmem:v11+s28+$0x0] =	vst.idx.msk $0xffff, v10  }
0x462: {  	v11 =	vor.u32 v8, v12;
	v10 =	vld [tilespmem:s1+$0xFFFFFF80]  }
0x463: {  	s2 =	simm.s32 $0x404  }
0x464: {  	v12 =	vmov s2  }
0x465: {  	v12 =	vand.u32 $0x7C, v12  }
0x466: {  	v12 =	vbroadcast v12, $0x0  }
0x467: {  	[tilespmem:v11+s28+$0x0] =	vst.idx.msk $0xffff, v10  }
0x468: {  	v11 =	vor.u32 v8, v12;
	v10 =	vld [tilespmem:s1+$0x0]  }
0x469: {  	s2 =	simm.s32 $0x405  }
0x46a: {  	v12 =	vmov s2  }
0x46b: {  	v12 =	vand.u32 $0x7D, v12  }
0x46c: {  	v12 =	vbroadcast v12, $0x0  }
0x46d: {  	[tilespmem:v11+s28+$0x0] =	vst.idx.msk $0xffff, v10  }
0x46e: {  	v11 =	vor.u32 v8, v12;
	v10 =	vld [tilespmem:s1+$0x80]  }
0x46f: {  	s2 =	simm.s32 $0x406  }
0x470: {  	v12 =	vmov s2  }
0x471: {  	v12 =	vand.u32 $0x7E, v12  }
0x472: {  	v12 =	vbroadcast v12, $0x0  }
0x473: {  	[tilespmem:v11+s28+$0x0] =	vst.idx.msk $0xffff, v10  }
0x474: {  	v11 =	vor.u32 v8, v12;
	v10 =	vld [tilespmem:s1+$0x100];
	_ =	sdelay $0x4  }
0x475: {  	s2 =	simm.s32 $0x407;
	[tilespmem:v11+s28+$0x0] =	vst.idx.msk $0xffff, v10  }
0x476: {  	v11 =	vadd.s32 s2, v0;
	v10 =	vld [tilespmem:s1+$0x180]  }
0x477: {  	s0 =	simm.s32 $0x8  }
0x478: {  	s29 =	simm.s32 $0x10;
	v12 =	vmov s0  }
.LBB2_18:
0x479: {  	p0 =	sne.s32 s29, $0x78;
	v12 =	vand.u32 $0x78, v12  }
0x47a: {  	v12 =	vbroadcast v12, $0x0  }
0x47b: {  	s1 =	sadd.s32 $0x400, s1;
	[tilespmem:v11+s28+$0x0] =	vst.idx.msk $0xffff, v10  }
0x47c: {  	v10 =	vld [tilespmem:s1+$0xFFFFFE00];
	v11 =	vor.u32 v8, v12  }
0x47d: {  	s2 =	sadd.s32 $0x401, s0  }
0x47e: {  	v12 =	vmov s2  }
0x47f: {  	v12 =	vand.u32 $0x79, v12  }
0x480: {  	v12 =	vbroadcast v12, $0x0  }
0x481: {  	[tilespmem:v11+s28+$0x0] =	vst.idx.msk $0xffff, v10  }
0x482: {  	v11 =	vor.u32 v8, v12;
	v10 =	vld [tilespmem:s1+$0xFFFFFE80]  }
0x483: {  	s2 =	sadd.s32 $0x402, s0  }
0x484: {  	v12 =	vmov s2  }
0x485: {  	v12 =	vand.u32 $0x7A, v12  }
0x486: {  	v12 =	vbroadcast v12, $0x0  }
0x487: {  	[tilespmem:v11+s28+$0x0] =	vst.idx.msk $0xffff, v10  }
0x488: {  	v11 =	vor.u32 v8, v12;
	v10 =	vld [tilespmem:s1+$0xFFFFFF00]  }
0x489: {  	s2 =	sadd.s32 $0x403, s0  }
0x48a: {  	v12 =	vmov s2  }
0x48b: {  	v12 =	vand.u32 $0x7B, v12  }
0x48c: {  	v12 =	vbroadcast v12, $0x0  }
0x48d: {  	[tilespmem:v11+s28+$0x0] =	vst.idx.msk $0xffff, v10  }
0x48e: {  	v11 =	vor.u32 v8, v12;
	v10 =	vld [tilespmem:s1+$0xFFFFFF80]  }
0x48f: {  	s2 =	sadd.s32 $0x404, s0  }
0x490: {  	v12 =	vmov s2  }
0x491: {  	v12 =	vand.u32 $0x7C, v12  }
0x492: {  	v12 =	vbroadcast v12, $0x0  }
0x493: {  	[tilespmem:v11+s28+$0x0] =	vst.idx.msk $0xffff, v10  }
0x494: {  	v11 =	vor.u32 v8, v12;
	v10 =	vld [tilespmem:s1+$0x0]  }
0x495: {  	s2 =	sadd.s32 $0x405, s0  }
0x496: {  	v12 =	vmov s2  }
0x497: {  	v12 =	vand.u32 $0x7D, v12  }
0x498: {  	v12 =	vbroadcast v12, $0x0  }
0x499: {  	[tilespmem:v11+s28+$0x0] =	vst.idx.msk $0xffff, v10  }
0x49a: {  	v11 =	vor.u32 v8, v12;
	v10 =	vld [tilespmem:s1+$0x80]  }
0x49b: {  	s2 =	sadd.s32 $0x406, s0  }
0x49c: {  	v12 =	vmov s2  }
0x49d: {  	v12 =	vand.u32 $0x7E, v12  }
0x49e: {  	v12 =	vbroadcast v12, $0x0  }
0x49f: {  	[tilespmem:v11+s28+$0x0] =	vst.idx.msk $0xffff, v10  }
0x4a0: {  	v11 =	vor.u32 v8, v12;
	v10 =	vld [tilespmem:s1+$0x100];
	_ =	sdelay $0x3  }
.Ltmp8:
0x4a1: {  	(pc) =	sbr.rel @p0 .LBB2_18-.Ltmp8, $3  }
0x4a2: {  	s2 =	sadd.s32 $0x407, s0;
	s0 =	smov.u32 s29;
	[tilespmem:v11+s28+$0x0] =	vst.idx.msk $0xffff, v10  }
0x4a3: {  	v11 =	vadd.s32 s2, v0;
	v10 =	vld [tilespmem:s1+$0x180];
	_ =	sdelay $0x1  }
0x4a4: {  	s29 =	sadd.s32 $0x8, s29;
	v12 =	vmov s0  }
0x4a5: {  	_ =	sdelay $0x1  }
0x4a6: {  	v12 =	vand.u32 $0x78, v12  }
0x4a7: {  	v12 =	vbroadcast v12, $0x0  }
0x4a8: {  	s1 =	sadd.s32 $0x400, s1;
	[tilespmem:v11+s28+$0x0] =	vst.idx.msk $0xffff, v10  }
0x4a9: {  	v10 =	vld [tilespmem:s1+$0xFFFFFE00];
	v11 =	vor.u32 v8, v12  }
0x4aa: {  	s2 =	sadd.s32 $0x401, s0  }
0x4ab: {  	v12 =	vmov s2  }
0x4ac: {  	v12 =	vand.u32 $0x79, v12  }
0x4ad: {  	v12 =	vbroadcast v12, $0x0  }
0x4ae: {  	[tilespmem:v11+s28+$0x0] =	vst.idx.msk $0xffff, v10  }
0x4af: {  	v11 =	vor.u32 v8, v12;
	v10 =	vld [tilespmem:s1+$0xFFFFFE80]  }
0x4b0: {  	s2 =	sadd.s32 $0x402, s0  }
0x4b1: {  	v12 =	vmov s2  }
0x4b2: {  	v12 =	vand.u32 $0x7A, v12  }
0x4b3: {  	v12 =	vbroadcast v12, $0x0  }
0x4b4: {  	[tilespmem:v11+s28+$0x0] =	vst.idx.msk $0xffff, v10  }
0x4b5: {  	v11 =	vor.u32 v8, v12;
	v10 =	vld [tilespmem:s1+$0xFFFFFF00]  }
0x4b6: {  	s2 =	sadd.s32 $0x403, s0  }
0x4b7: {  	v12 =	vmov s2  }
0x4b8: {  	v12 =	vand.u32 $0x7B, v12  }
0x4b9: {  	v12 =	vbroadcast v12, $0x0  }
0x4ba: {  	[tilespmem:v11+s28+$0x0] =	vst.idx.msk $0xffff, v10  }
0x4bb: {  	v11 =	vor.u32 v8, v12;
	v10 =	vld [tilespmem:s1+$0xFFFFFF80]  }
0x4bc: {  	s2 =	sadd.s32 $0x404, s0  }
0x4bd: {  	v12 =	vmov s2  }
0x4be: {  	v12 =	vand.u32 $0x7C, v12  }
0x4bf: {  	v12 =	vbroadcast v12, $0x0  }
0x4c0: {  	[tilespmem:v11+s28+$0x0] =	vst.idx.msk $0xffff, v10  }
0x4c1: {  	v11 =	vor.u32 v8, v12;
	v10 =	vld [tilespmem:s1+$0x0]  }
0x4c2: {  	s2 =	sadd.s32 $0x405, s0  }
0x4c3: {  	v12 =	vmov s2  }
0x4c4: {  	v12 =	vand.u32 $0x7D, v12  }
0x4c5: {  	v12 =	vbroadcast v12, $0x0  }
0x4c6: {  	[tilespmem:v11+s28+$0x0] =	vst.idx.msk $0xffff, v10  }
0x4c7: {  	v11 =	vor.u32 v8, v12;
	v10 =	vld [tilespmem:s1+$0x80]  }
0x4c8: {  	s2 =	sadd.s32 $0x406, s0  }
0x4c9: {  	v12 =	vmov s2  }
0x4ca: {  	v12 =	vand.u32 $0x7E, v12  }
0x4cb: {  	v12 =	vbroadcast v12, $0x0  }
0x4cc: {  	[tilespmem:v11+s28+$0x0] =	vst.idx.msk $0xffff, v10  }
0x4cd: {  	v11 =	vor.u32 v8, v12;
	v10 =	vld [tilespmem:s1+$0x100];
	_ =	sdelay $0x4  }
0x4ce: {  	s2 =	sadd.s32 $0x407, s0;
	[tilespmem:v11+s28+$0x0] =	vst.idx.msk $0xffff, v10  }
0x4cf: {  	v11 =	vadd.s32 s2, v0;
	v10 =	vld [tilespmem:s1+$0x180];
	_ =	sdelay $0x3  }
0x4d0: {  	s1 =	simm.s32 $0x0  }
0x4d1: {  	[tilespmem:v11+s28+$0x0] =	vst.idx.msk $0xffff, v10;
	v10 =	vmov s1  }
0x4d2: {  	_ =	swait.ge [sflag:s26], $0x4000;
	v10 =	vand.u32 $0x78, v10  }
0x4d3: {  	[sflag:s26] =	ssyncset.done $0x0;
	v10 =	vbroadcast v10, $0x0  }
0x4d4: {  	s1 =	simm.s32 $0x4B80;
	[sflag:s26] =	ssyncadd.s32 $0xFFFFC000  }
0x4d5: {  	v11 =	vld [tilespmem:s1+$0xFFFFFC80];
	v10 =	vor.u32 v9, v10  }
0x4d6: {  	s2 =	simm.s32 $0x481  }
0x4d7: {  	v12 =	vmov s2  }
0x4d8: {  	v12 =	vand.u32 $0x79, v12  }
0x4d9: {  	v12 =	vbroadcast v12, $0x0  }
0x4da: {  	[tilespmem:v10+s28+$0x0] =	vst.idx.msk $0xffff, v11  }
0x4db: {  	v11 =	vor.u32 v9, v12;
	v10 =	vld [tilespmem:s1+$0xFFFFFD00]  }
0x4dc: {  	s2 =	simm.s32 $0x482  }
0x4dd: {  	v12 =	vmov s2  }
0x4de: {  	v12 =	vand.u32 $0x7A, v12  }
0x4df: {  	v12 =	vbroadcast v12, $0x0  }
0x4e0: {  	[tilespmem:v11+s28+$0x0] =	vst.idx.msk $0xffff, v10  }
0x4e1: {  	v11 =	vor.u32 v9, v12;
	v10 =	vld [tilespmem:s1+$0xFFFFFD80]  }
0x4e2: {  	s2 =	simm.s32 $0x483  }
0x4e3: {  	v12 =	vmov s2  }
0x4e4: {  	v12 =	vand.u32 $0x7B, v12  }
0x4e5: {  	v12 =	vbroadcast v12, $0x0  }
0x4e6: {  	[tilespmem:v11+s28+$0x0] =	vst.idx.msk $0xffff, v10  }
0x4e7: {  	v11 =	vor.u32 v9, v12;
	v10 =	vld [tilespmem:s1+$0xFFFFFE00]  }
0x4e8: {  	s2 =	simm.s32 $0x484  }
0x4e9: {  	v12 =	vmov s2  }
0x4ea: {  	v12 =	vand.u32 $0x7C, v12  }
0x4eb: {  	v12 =	vbroadcast v12, $0x0  }
0x4ec: {  	[tilespmem:v11+s28+$0x0] =	vst.idx.msk $0xffff, v10  }
0x4ed: {  	v11 =	vor.u32 v9, v12;
	v10 =	vld [tilespmem:s1+$0xFFFFFE80]  }
0x4ee: {  	s2 =	simm.s32 $0x485  }
0x4ef: {  	v12 =	vmov s2  }
0x4f0: {  	v12 =	vand.u32 $0x7D, v12  }
0x4f1: {  	v12 =	vbroadcast v12, $0x0  }
0x4f2: {  	[tilespmem:v11+s28+$0x0] =	vst.idx.msk $0xffff, v10  }
0x4f3: {  	v11 =	vor.u32 v9, v12;
	v10 =	vld [tilespmem:s1+$0xFFFFFF00]  }
0x4f4: {  	s2 =	simm.s32 $0x486  }
0x4f5: {  	v12 =	vmov s2  }
0x4f6: {  	v12 =	vand.u32 $0x7E, v12  }
0x4f7: {  	v12 =	vbroadcast v12, $0x0  }
0x4f8: {  	[tilespmem:v11+s28+$0x0] =	vst.idx.msk $0xffff, v10  }
0x4f9: {  	v11 =	vor.u32 v9, v12;
	v10 =	vld [tilespmem:s1+$0xFFFFFF80];
	_ =	sdelay $0x4  }
0x4fa: {  	s2 =	simm.s32 $0x487;
	[tilespmem:v11+s28+$0x0] =	vst.idx.msk $0xffff, v10  }
0x4fb: {  	v11 =	vadd.s32 s2, v0;
	v10 =	vld [tilespmem:s1+$0x0]  }
0x4fc: {  	s0 =	simm.s32 $0x8  }
0x4fd: {  	s29 =	simm.s32 $0x10;
	v12 =	vmov s0  }
.LBB2_20:
0x4fe: {  	p0 =	sne.s32 s29, $0x78;
	v12 =	vand.u32 $0x78, v12  }
0x4ff: {  	v12 =	vbroadcast v12, $0x0  }
0x500: {  	s1 =	sadd.s32 $0x400, s1;
	[tilespmem:v11+s28+$0x0] =	vst.idx.msk $0xffff, v10  }
0x501: {  	v10 =	vld [tilespmem:s1+$0xFFFFFC80];
	v11 =	vor.u32 v9, v12  }
0x502: {  	s2 =	sadd.s32 $0x481, s0  }
0x503: {  	v12 =	vmov s2  }
0x504: {  	v12 =	vand.u32 $0x79, v12  }
0x505: {  	v12 =	vbroadcast v12, $0x0  }
0x506: {  	[tilespmem:v11+s28+$0x0] =	vst.idx.msk $0xffff, v10  }
0x507: {  	v11 =	vor.u32 v9, v12;
	v10 =	vld [tilespmem:s1+$0xFFFFFD00]  }
0x508: {  	s2 =	sadd.s32 $0x482, s0  }
0x509: {  	v12 =	vmov s2  }
0x50a: {  	v12 =	vand.u32 $0x7A, v12  }
0x50b: {  	v12 =	vbroadcast v12, $0x0  }
0x50c: {  	[tilespmem:v11+s28+$0x0] =	vst.idx.msk $0xffff, v10  }
0x50d: {  	v11 =	vor.u32 v9, v12;
	v10 =	vld [tilespmem:s1+$0xFFFFFD80]  }
0x50e: {  	s2 =	sadd.s32 $0x483, s0  }
0x50f: {  	v12 =	vmov s2  }
0x510: {  	v12 =	vand.u32 $0x7B, v12  }
0x511: {  	v12 =	vbroadcast v12, $0x0  }
0x512: {  	[tilespmem:v11+s28+$0x0] =	vst.idx.msk $0xffff, v10  }
0x513: {  	v11 =	vor.u32 v9, v12;
	v10 =	vld [tilespmem:s1+$0xFFFFFE00]  }
0x514: {  	s2 =	sadd.s32 $0x484, s0  }
0x515: {  	v12 =	vmov s2  }
0x516: {  	v12 =	vand.u32 $0x7C, v12  }
0x517: {  	v12 =	vbroadcast v12, $0x0  }
0x518: {  	[tilespmem:v11+s28+$0x0] =	vst.idx.msk $0xffff, v10  }
0x519: {  	v11 =	vor.u32 v9, v12;
	v10 =	vld [tilespmem:s1+$0xFFFFFE80]  }
0x51a: {  	s2 =	sadd.s32 $0x485, s0  }
0x51b: {  	v12 =	vmov s2  }
0x51c: {  	v12 =	vand.u32 $0x7D, v12  }
0x51d: {  	v12 =	vbroadcast v12, $0x0  }
0x51e: {  	[tilespmem:v11+s28+$0x0] =	vst.idx.msk $0xffff, v10  }
0x51f: {  	v11 =	vor.u32 v9, v12;
	v10 =	vld [tilespmem:s1+$0xFFFFFF00]  }
0x520: {  	s2 =	sadd.s32 $0x486, s0  }
0x521: {  	v12 =	vmov s2  }
0x522: {  	v12 =	vand.u32 $0x7E, v12  }
0x523: {  	v12 =	vbroadcast v12, $0x0  }
0x524: {  	[tilespmem:v11+s28+$0x0] =	vst.idx.msk $0xffff, v10  }
0x525: {  	v11 =	vor.u32 v9, v12;
	v10 =	vld [tilespmem:s1+$0xFFFFFF80];
	_ =	sdelay $0x3  }
.Ltmp9:
0x526: {  	(pc) =	sbr.rel @p0 .LBB2_20-.Ltmp9, $3  }
0x527: {  	s2 =	sadd.s32 $0x487, s0;
	s0 =	smov.u32 s29;
	[tilespmem:v11+s28+$0x0] =	vst.idx.msk $0xffff, v10  }
0x528: {  	v11 =	vadd.s32 s2, v0;
	v10 =	vld [tilespmem:s1+$0x0];
	_ =	sdelay $0x1  }
0x529: {  	s29 =	sadd.s32 $0x8, s29;
	v12 =	vmov s0  }
0x52a: {  	_ =	sdelay $0x1  }
0x52b: {  	v12 =	vand.u32 $0x78, v12  }
0x52c: {  	v12 =	vbroadcast v12, $0x0  }
0x52d: {  	s1 =	sadd.s32 $0x400, s1;
	[tilespmem:v11+s28+$0x0] =	vst.idx.msk $0xffff, v10  }
0x52e: {  	v10 =	vld [tilespmem:s1+$0xFFFFFC80];
	v11 =	vor.u32 v9, v12  }
0x52f: {  	s2 =	sadd.s32 $0x481, s0  }
0x530: {  	v58 =	vmov s2  }
0x531: {  	v12 =	vand.u32 $0x79, v58  }
0x532: {  	v12 =	vbroadcast v12, $0x0  }
0x533: {  	[tilespmem:v11+s28+$0x0] =	vst.idx.msk $0xffff, v10  }
0x534: {  	v11 =	vor.u32 v9, v12;
	v10 =	vld [tilespmem:s1+$0xFFFFFD00]  }
0x535: {  	s29 =	sadd.s32 $0x482, s0  }
0x536: {  	v59 =	vmov s29  }
0x537: {  	v12 =	vand.u32 $0x7A, v59  }
0x538: {  	v12 =	vbroadcast v12, $0x0  }
0x539: {  	[tilespmem:v11+s28+$0x0] =	vst.idx.msk $0xffff, v10  }
0x53a: {  	v11 =	vor.u32 v9, v12;
	v10 =	vld [tilespmem:s1+$0xFFFFFD80]  }
0x53b: {  	s29 =	sadd.s32 $0x483, s0  }
0x53c: {  	v60 =	vmov s29  }
0x53d: {  	v12 =	vand.u32 $0x7B, v60  }
0x53e: {  	v12 =	vbroadcast v12, $0x0  }
0x53f: {  	[tilespmem:v11+s28+$0x0] =	vst.idx.msk $0xffff, v10  }
0x540: {  	v11 =	vor.u32 v9, v12;
	v10 =	vld [tilespmem:s1+$0xFFFFFE00]  }
0x541: {  	s29 =	sadd.s32 $0x484, s0  }
0x542: {  	v61 =	vmov s29  }
0x543: {  	v12 =	vand.u32 $0x7C, v61  }
0x544: {  	v12 =	vbroadcast v12, $0x0  }
0x545: {  	[tilespmem:v11+s28+$0x0] =	vst.idx.msk $0xffff, v10  }
0x546: {  	v11 =	vor.u32 v9, v12;
	v10 =	vld [tilespmem:s1+$0xFFFFFE80]  }
0x547: {  	s29 =	sadd.s32 $0x485, s0  }
0x548: {  	v62 =	vmov s29  }
0x549: {  	v12 =	vand.u32 $0x7D, v62  }
0x54a: {  	v12 =	vbroadcast v12, $0x0  }
0x54b: {  	[tilespmem:v11+s28+$0x0] =	vst.idx.msk $0xffff, v10  }
0x54c: {  	v11 =	vor.u32 v9, v12;
	v10 =	vld [tilespmem:s1+$0xFFFFFF00]  }
0x54d: {  	s29 =	sadd.s32 $0x486, s0  }
0x54e: {  	v63 =	vmov s29  }
0x54f: {  	v12 =	vand.u32 $0x7E, v63  }
0x550: {  	v12 =	vbroadcast v12, $0x0  }
0x551: {  	[tilespmem:v11+s28+$0x0] =	vst.idx.msk $0xffff, v10  }
0x552: {  	v11 =	vor.u32 v9, v12;
	v10 =	vld [tilespmem:s1+$0xFFFFFF80];
	_ =	sdelay $0x4  }
0x553: {  	s29 =	sadd.s32 $0x487, s0;
	[tilespmem:v11+s28+$0x0] =	vst.idx.msk $0xffff, v10  }
0x554: {  	v11 =	vadd.s32 s29, v0;
	v10 =	vld [tilespmem:s1+$0x0];
	_ =	sdelay $0x4  }
0x555: {  	[tilespmem:v11+s28+$0x0] =	vst.idx.msk $0xffff, v10  }
0x556: {  	[hbm4b:s5+s23] =	stream.strided.scatter [tilespmem:s28], [sflag:$0x2], $0x500, s30, s23, $0x38;
	[tilespmem:$0xD800] =	vst v63  }
0x557: {  	_ =	swait.ge [sflag:s22], $0x500  }
0x558: {  	[sflag:s22] =	ssyncset.done $0x0  }
0x559: {  	s1 =	simm.s32 $0x8D00;
	[sflag:s22] =	ssyncadd.s32 $0xFFFFFB00  }
0x55a: {  	[hbm4b:s6+s23] =	stream.strided.scatter [tilespmem:s1], [sflag:$0x2], $0x500, s30, s23, $0x38;
	[tilespmem:$0xD800] =	vst v63  }
0x55b: {  	_ =	swait.ge [sflag:s22], $0x500  }
0x55c: {  	[sflag:s22] =	ssyncset.done $0x0  }
0x55d: {  	s2 =	simm.s32 $0x9200;
	[sflag:s22] =	ssyncadd.s32 $0xFFFFFB00  }
0x55e: {  	[hbm4b:s7+s23] =	stream.strided.scatter [tilespmem:s2], [sflag:$0x2], $0x500, s30, s23, $0x38;
	[tilespmem:$0xD800] =	vst v63  }
0x55f: {  	_ =	swait.ge [sflag:s22], $0x500  }
0x560: {  	[sflag:s22] =	ssyncset.done $0x0  }
0x561: {  	s29 =	simm.s32 $0x9700;
	[sflag:s22] =	ssyncadd.s32 $0xFFFFFB00  }
0x562: {  	[hbm4b:s8+s23] =	stream.strided.scatter [tilespmem:s29], [sflag:$0x2], $0x500, s30, s23, $0x38;
	[tilespmem:$0xD800] =	vst v63  }
0x563: {  	_ =	swait.ge [sflag:s22], $0x500  }
0x564: {  	[sflag:s22] =	ssyncset.done $0x0  }
0x565: {  	s1 =	simm.s32 $0x9C00;
	[sflag:s22] =	ssyncadd.s32 $0xFFFFFB00  }
0x566: {  	[hbm4b:s9+s23] =	stream.strided.scatter [tilespmem:s1], [sflag:$0x2], $0x500, s30, s23, $0x38;
	[tilespmem:$0xD800] =	vst v63  }
0x567: {  	_ =	swait.ge [sflag:s22], $0x500  }
0x568: {  	[sflag:s22] =	ssyncset.done $0x0  }
0x569: {  	s2 =	simm.s32 $0xA100;
	[sflag:s22] =	ssyncadd.s32 $0xFFFFFB00  }
0x56a: {  	[hbm4b:s10+s23] =	stream.strided.scatter [tilespmem:s2], [sflag:$0x2], $0x500, s30, s23, $0x38;
	[tilespmem:$0xD800] =	vst v63  }
0x56b: {  	_ =	swait.ge [sflag:s22], $0x500  }
0x56c: {  	[sflag:s22] =	ssyncset.done $0x0  }
0x56d: {  	s29 =	simm.s32 $0xA600;
	[sflag:s22] =	ssyncadd.s32 $0xFFFFFB00  }
0x56e: {  	[hbm4b:s11+s23] =	stream.strided.scatter [tilespmem:s29], [sflag:$0x2], $0x500, s30, s23, $0x38;
	[tilespmem:$0xD800] =	vst v63  }
0x56f: {  	_ =	swait.ge [sflag:s22], $0x500  }
0x570: {  	[sflag:s22] =	ssyncset.done $0x0  }
0x571: {  	s1 =	simm.s32 $0xAB00;
	[sflag:s22] =	ssyncadd.s32 $0xFFFFFB00  }
0x572: {  	[hbm4b:s12+s23] =	stream.strided.scatter [tilespmem:s1], [sflag:$0x2], $0x500, s30, s23, $0x38;
	[tilespmem:$0xD800] =	vst v63  }
0x573: {  	_ =	swait.ge [sflag:s22], $0x500  }
0x574: {  	[sflag:s22] =	ssyncset.done $0x0  }
0x575: {  	s2 =	simm.s32 $0xB000;
	[sflag:s22] =	ssyncadd.s32 $0xFFFFFB00  }
0x576: {  	[hbm4b:s13+s23] =	stream.strided.scatter [tilespmem:s2], [sflag:$0x2], $0x500, s30, s23, $0x38;
	[tilespmem:$0xD800] =	vst v63  }
0x577: {  	_ =	swait.ge [sflag:s22], $0x500  }
0x578: {  	[sflag:s22] =	ssyncset.done $0x0  }
0x579: {  	s29 =	simm.s32 $0xB500;
	[sflag:s22] =	ssyncadd.s32 $0xFFFFFB00  }
0x57a: {  	[hbm4b:s14+s23] =	stream.strided.scatter [tilespmem:s29], [sflag:$0x2], $0x500, s30, s23, $0x38;
	[tilespmem:$0xD800] =	vst v63  }
0x57b: {  	_ =	swait.ge [sflag:s22], $0x500  }
0x57c: {  	[sflag:s22] =	ssyncset.done $0x0  }
0x57d: {  	s1 =	simm.s32 $0xBA00;
	[sflag:s22] =	ssyncadd.s32 $0xFFFFFB00  }
0x57e: {  	[hbm4b:s15+s23] =	stream.strided.scatter [tilespmem:s1], [sflag:$0x2], $0x500, s30, s23, $0x38;
	[tilespmem:$0xD800] =	vst v63  }
0x57f: {  	_ =	swait.ge [sflag:s22], $0x500  }
0x580: {  	[sflag:s22] =	ssyncset.done $0x0  }
0x581: {  	s2 =	simm.s32 $0xBF00;
	[sflag:s22] =	ssyncadd.s32 $0xFFFFFB00  }
0x582: {  	[hbm4b:s16+s23] =	stream.strided.scatter [tilespmem:s2], [sflag:$0x2], $0x500, s30, s23, $0x38;
	[tilespmem:$0xD800] =	vst v63  }
0x583: {  	_ =	swait.ge [sflag:s22], $0x500  }
0x584: {  	[sflag:s22] =	ssyncset.done $0x0  }
0x585: {  	s29 =	simm.s32 $0xC400;
	[sflag:s22] =	ssyncadd.s32 $0xFFFFFB00  }
0x586: {  	[hbm4b:s17+s23] =	stream.strided.scatter [tilespmem:s29], [sflag:$0x2], $0x500, s30, s23, $0x38;
	[tilespmem:$0xD800] =	vst v63  }
0x587: {  	_ =	swait.ge [sflag:s22], $0x500  }
0x588: {  	[sflag:s22] =	ssyncset.done $0x0  }
0x589: {  	s1 =	simm.s32 $0xC900;
	[sflag:s22] =	ssyncadd.s32 $0xFFFFFB00  }
0x58a: {  	[hbm4b:s18+s23] =	stream.strided.scatter [tilespmem:s1], [sflag:$0x2], $0x500, s30, s23, $0x38;
	[tilespmem:$0xD800] =	vst v63  }
0x58b: {  	_ =	swait.ge [sflag:s22], $0x500  }
0x58c: {  	[sflag:s22] =	ssyncset.done $0x0  }
0x58d: {  	s2 =	simm.s32 $0xCE00;
	[sflag:s22] =	ssyncadd.s32 $0xFFFFFB00  }
0x58e: {  	[hbm4b:s19+s23] =	stream.strided.scatter [tilespmem:s2], [sflag:$0x2], $0x500, s30, s23, $0x38;
	[tilespmem:$0xD800] =	vst v63  }
0x58f: {  	s31 =	sadd.s32 $0x1, s31;
	_ =	swait.ge [sflag:s22], $0x500  }
0x590: {  	p0 =	sne.s32 s31, s21;
	[sflag:s22] =	ssyncset.done $0x0  }
.Ltmp10:
0x591: {  	s29 =	simm.s32 $0xD300;
	[sflag:s22] =	ssyncadd.s32 $0xFFFFFB00;
	(pc) =	sbr.rel @p0 .LBB2_1-.Ltmp10, $4  }
0x592: {  	[hbm4b:s20+s23] =	stream.strided.scatter [tilespmem:s29], [sflag:$0x2], $0x500, s30, s23, $0x38;
	[tilespmem:$0xD800] =	vst v63  }
0x593: {  	_ =	swait.ge [sflag:s22], $0x500  }
0x594: {  	[sflag:s22] =	ssyncset.done $0x0  }
0x595: {  	[sflag:s22] =	ssyncadd.s32 $0xFFFFFB00  }
0x596: {  	_ =	sfence.sel $0x180000  }
0x597: {  	[bflag:$0x0] =	sbarrier.arrive $0xFFFF  }
0x598: {  	_ =	strace $0x90000047  }
0x599: {  	s0 =	stileid.u32;
	[bflag:$0x2] =	sbarrier.arrive $0xFFFF  }
0x59a: {  	p0 =	sne.s32 s0, $0x0;
	s0 =	rddreg [dreg:$0x3]  }
0x59b: {  	s0 =	sadd.s32 @!p0 $0x100000, s0  }
0x59c: {  	[sflag:s0] =	ssyncadd.tile.s32 @!p0 $0x1;
	_ =	shalt  }
.Lfunc_end2:
_tile_overlayer_lowered:
.L_overlay_start_2:
0x59d: {  	(tag) =	ssettag $0x2  }
0x59e: {  	s0 =	rddreg [dreg:$0x0];
	s2 =	stileid.u32  }
0x59f: {  	s1 =	rddreg [dreg:$0x1];
	p0 =	sne.s32 s2, $0x0  }
0x5a0: {  	s3 =	rddreg [dreg:$0x2];
	[bflag:$0x3] =	sbarrier.arrive $0xFFFF;
	s2 =	simm.s32 @!p0 $0x1C02  }
0x5a1: {  	[timem:s3], [sflag:s2] =	dma.local @!p0 [hbm:s0], s1  }
0x5a2: {  	s0 =	simm.s32 @!p0 $0x2  }
0x5a3: {  	_ =	swait.ge @!p0 [sflag:s0], s1  }
0x5a4: {  	s1 =	ssub.s32 @!p0 $0x0, s1;
	[sflag:s0] =	ssyncset.done @!p0 $0x0  }
0x5a5: {  	[sflag:s0] =	ssyncadd.s32 @!p0 s1  }
0x5a6: {  	[bflag:$0x3] =	sbarrier.arrive $0xFFFF  }
0x5a7: {  	_ =	shalt  }

</sc_bundles>
